<compile_context>
chip_gen: v7x
topology: tpu7x:2x2x1
jax: 0.10.2.dev20260603
libtpu: 0.0.44.dev20260713+nightly
codegen_flags: <defaults>
</compile_context>

<pallas_src>
import functools

import jax
import jax.numpy as jnp
from jax import lax
from jax.experimental import pallas as pl
from jax.experimental.pallas import tpu as pltpu
from jax.experimental.pallas import tpu_sc as plsc

N = 10000
E = 320000
D = 128

NHALF = 2
E2 = E // NHALF
NC = 2
NS = 16
NW = NC * NS
EPW = E2 // NW
CHUNK = 40
NCH = EPW // CHUNK
NBUF = 5
TE = 6400


def _mesh():
    return plsc.VectorSubcoreMesh(core_axis_name="c", subcore_axis_name="s")


def _ring(drain, fire):
    for b in range(NBUF):
        fire(b, b)

    def group(g, carry):
        for b in range(NBUF):
            ch = g * NBUF + b
            drain(ch, b)
            fire(ch + NBUF, b)
        return carry

    lax.fori_loop(0, NCH // NBUF - 1, group, 0)
    g_last = NCH // NBUF - 1
    for b in range(NBUF):
        drain(g_last * NBUF + b, b)


def _gather_call(x, src, h):
    @functools.partial(
        pl.kernel,
        out_type=jax.ShapeDtypeStruct((E2 // CHUNK, CHUNK, D), jnp.float32),
        mesh=_mesh(),
        scratch_types=(
            [pltpu.VMEM((EPW,), jnp.int32)]
            + [pltpu.VMEM((CHUNK, D), jnp.float32) for _ in range(NBUF)]
            + [pltpu.VMEM_SHARED((N, D), jnp.float32)]
            + [pltpu.SemaphoreType.DMA for _ in range(NBUF)]
        ),
    )
    def gather_kernel(x_hbm, src_hbm, xj_hbm, idx_v, b0, b1, b2, b3, b4,
                      xs_sp, s0, s1, s2, s3, s4):
        bufs = (b0, b1, b2, b3, b4)
        sems = (s0, s1, s2, s3, s4)
        s = lax.axis_index("s")
        wid = s * NC + lax.axis_index("c")
        base = wid * EPW

        @pl.when(s == 0)
        def _():
            pltpu.sync_copy(x_hbm, xs_sp)

        pltpu.sync_copy(src_hbm.at[pl.ds(h * E2 + base, EPW)], idx_v)
        plsc.subcore_barrier()

        def fire(ch, b):
            pltpu.async_copy(
                xs_sp.at[idx_v.at[pl.ds(ch * CHUNK, CHUNK)]],
                bufs[b], sems[b])

        def drain(ch, b):
            pltpu.make_async_copy(
                xs_sp.at[idx_v.at[pl.ds(ch * CHUNK, CHUNK)]],
                bufs[b], sems[b]).wait()
            pltpu.sync_copy(bufs[b], xj_hbm.at[wid * NCH + ch])

        _ring(drain, fire)

    return gather_kernel(x, src)





def _msg_body(attr_ref, xj_ref, w_ref, out_ref):
    attr = attr_ref[...].T
    p = jnp.broadcast_to(jnp.clip(attr[:, 0:1], -1.0, 1.0),
                         (TE, D)).astype(jnp.bfloat16)
    q = jnp.broadcast_to(jnp.clip(attr[:, 1:2], -1.0, 1.0),
                         (TE, D)).astype(jnp.bfloat16)
    two = jnp.bfloat16(2.0)
    one = jnp.bfloat16(1.0)
    xj = xj_ref[...].reshape(TE, D).astype(jnp.bfloat16)
    us = (None, p, two * p * p - one)
    vs = (None, q, two * q * q - one)
    acc = None
    for a in range(3):
        xa = xj if us[a] is None else xj * us[a]
        for b in range(3):
            xs = xa if vs[b] is None else xa * vs[b]
            t = jnp.dot(xs, w_ref[3 * a + b],
                        preferred_element_type=jnp.float32)
            acc = t if acc is None else acc + t
    out_ref[...] = acc.reshape(TE // CHUNK, CHUNK, D)


def _msg_call(attr8, x_j, w9, h):
    off = h * (E2 // TE)
    return pl.pallas_call(
        _msg_body,
        grid=(E2 // TE,),
        in_specs=[
            pl.BlockSpec((2, TE), lambda i: (0, i + off)),
            pl.BlockSpec((TE // CHUNK, CHUNK, D), lambda i: (i, 0, 0)),
            pl.BlockSpec((9, D, D), lambda i: (0, 0, 0)),
        ],
        out_specs=pl.BlockSpec((TE // CHUNK, CHUNK, D), lambda i: (i, 0, 0)),
        out_shape=jax.ShapeDtypeStruct((E2 // CHUNK, CHUNK, D), jnp.float32),
    )(attr8, x_j, w9)


def _scatter_call(msg, dst4, zeros, h):
    @functools.partial(
        pl.kernel,
        out_type=jax.ShapeDtypeStruct((NC, N, D), jnp.float32),
        mesh=_mesh(),
        scratch_types=(
            [pltpu.VMEM((NCH, CHUNK), jnp.int32)]
            + [pltpu.VMEM((CHUNK, D), jnp.float32) for _ in range(NBUF)]
            + [pltpu.VMEM_SHARED((N, D), jnp.float32)]
            + [pltpu.SemaphoreType.DMA for _ in range(NBUF)]
        ),
    )
    def scatter_kernel(msg_hbm, dst_hbm, zeros_hbm, part_hbm, idx_v,
                       b0, b1, b2, b3, b4, acc, s0, s1, s2, s3, s4):
        bufs = (b0, b1, b2, b3, b4)
        sems = (s0, s1, s2, s3, s4)
        c = lax.axis_index("c")
        s = lax.axis_index("s")
        wid = s * NC + c
        base = wid * EPW

        @pl.when(s == 0)
        def _():
            pltpu.sync_copy(zeros_hbm, acc)

        pltpu.sync_copy(dst_hbm.at[h, wid], idx_v)
        plsc.subcore_barrier()

        def fire(ch, b):
            pltpu.async_copy(msg_hbm.at[wid * NCH + ch], bufs[b], sems[b])

        def drain(ch, b):
            pltpu.make_async_copy(
                msg_hbm.at[wid * NCH + ch], bufs[b], sems[b]).wait()
            pltpu.sync_copy(bufs[b], acc.at[idx_v.at[ch]], add=True)

        _ring(drain, fire)
        plsc.subcore_barrier()
        @pl.when(s == 0)
        def _():
            pltpu.sync_copy(acc, part_hbm.at[c])

    return scatter_kernel(msg, dst4, zeros)


def _add_body(pa_ref, pb_ref, o_ref):
    o_ref[...] = (pa_ref[0] + pa_ref[1]) + (pb_ref[0] + pb_ref[1])


def _add_call(part_a, part_b):
    spec = pl.BlockSpec((NC, N // 10, D), lambda i: (0, i, 0))
    return pl.pallas_call(
        _add_body,
        grid=(10,),
        in_specs=[spec, spec],
        out_specs=pl.BlockSpec((N // 10, D), lambda i: (i, 0)),
        out_shape=jax.ShapeDtypeStruct((N, D), jnp.float32),
    )(part_a, part_b)


def kernel(x, edge_index, edge_attr, weight):
    w9 = weight.reshape(9, D, D).astype(jnp.bfloat16)
    attr8 = edge_attr.T
    src = edge_index[1]
    dst4 = edge_index[0].reshape(NHALF, NW, NCH, CHUNK)
    zeros = jnp.zeros((N, D), jnp.float32)
    parts = []
    for h in range(NHALF):
        x_j = _gather_call(x, src, h)
        msg = _msg_call(attr8, x_j, w9, h)
        parts.append(_scatter_call(msg, dst4, zeros, h))
    return _add_call(*parts)

# --- scband reference (transcript-rebuilt; emitter-appended) ---
"""Pipeline reference for scband-mesh-layer-22058952032726 (READ-ONLY COPY).

The authoritative reference and input builder live on the scoring server;
editing this copy changes nothing except your own understanding.
"""

import jax, jax.numpy as jnp
import numpy as np

N = 10000
E = 320000
D_IN = 128
D_OUT = 128
SIZE = 3


def cheb_basis(n, x):
    # chebyshev basis T_k(x) = cos(k * arccos(x)), k = 0..n-1
    k = jnp.arange(n, dtype=jnp.float32)
    return jnp.cos(k[None, :] * jnp.arccos(jnp.clip(x, -1.0, 1.0))[:, None])


def setup_inputs(seed: int = 0) -> dict:
    key = jax.random.key(seed)
    k1, k2, k3, k4 = jax.random.split(key, 4)
    x = jax.random.normal(k1, (N, D_IN), dtype=jnp.float32)
    edge_index = jax.random.randint(k2, (2, E), 0, N, dtype=jnp.int32)
    # relative edge positions in [-1, 1]^2 (domain of the chebyshev basis)
    edge_attr = jax.random.uniform(k3, (E, 2), dtype=jnp.float32, minval=-1.0, maxval=1.0)
    # learned filter weights [size, size, in_channels, out_channels] with
    # xavier-like init plus the exp(-i) frequency damping applied in __init__
    # for chebyshev bases
    weight = jax.random.normal(k4, (SIZE, SIZE, D_IN, D_OUT), dtype=jnp.float32)
    weight = weight * np.sqrt(2.0 / (D_IN + D_OUT))
    damp = jnp.exp(-jnp.arange(SIZE, dtype=jnp.float32))
    weight = weight * damp[:, None, None, None] * damp[None, :, None, None]
    return {"x": x, "edge_index": edge_index, "edge_attr": edge_attr, "weight": weight}


def reference(x, edge_index, edge_attr, weight):
    # evaluate separable 2D basis at each edge's relative position
    u = cheb_basis(SIZE, edge_attr[:, 0])   # [E, size]
    v = cheb_basis(SIZE, edge_attr[:, 1])   # [E, size]
    filt = jnp.einsum('nu,nv->nuv', u, v)    # [E, size, size]
    # gather source node features (cutlad forward: index_select on neighborhood[1])
    x_j = jnp.take(x, edge_index[1], axis=0)  # [E, in_channels]
    # continuous convolution message: einsum('ni,nuv,uvio->no')
    msg = jnp.einsum('ni,nuv,uvio->no', x_j, filt, weight)  # [E, out_channels]
    # scatter-add messages into destination nodes (neighborhood[0])
    out = jnp.zeros((x.shape[0], weight.shape[3]), dtype=x.dtype)
    out = out.at[edge_index[0]].add(msg)
    return out

if __name__ == "__main__":
    import jax
    _d = setup_inputs()
    print(jax.jit(kernel)(*tuple(_d.values())))

</pallas_src>

<mosaic_0001>
#map = affine_map<(d0, d1) -> (0, 0)>
#map1 = affine_map<(d0, d1) -> (0)>
#map2 = affine_map<(d0, d1) -> (0, 0, 0)>
module attributes {stable_mosaic.version = 14 : i64} {
  func.func @gather_kernel(%arg0: i32, %arg1: i32, %arg2: memref<10000x128xf32, #tpu.memory_space<hbm>>, %arg3: memref<320000xi32, #tpu.memory_space<hbm>>, %arg4: memref<4000x40x128xf32, #tpu.memory_space<hbm>>, %arg5: memref<5000xi32, #tpu.memory_space<vmem>>, %arg6: memref<40x128xf32, #tpu.memory_space<vmem>>, %arg7: memref<40x128xf32, #tpu.memory_space<vmem>>, %arg8: memref<40x128xf32, #tpu.memory_space<vmem>>, %arg9: memref<40x128xf32, #tpu.memory_space<vmem>>, %arg10: memref<40x128xf32, #tpu.memory_space<vmem>>, %arg11: memref<10000x128xf32, #tpu.memory_space<vmem_shared>>, %arg12: memref<!tpu.dma_semaphore, #tpu.memory_space<semaphore_mem>>, %arg13: memref<!tpu.dma_semaphore, #tpu.memory_space<semaphore_mem>>, %arg14: memref<!tpu.dma_semaphore, #tpu.memory_space<semaphore_mem>>, %arg15: memref<!tpu.dma_semaphore, #tpu.memory_space<semaphore_mem>>, %arg16: memref<!tpu.dma_semaphore, #tpu.memory_space<semaphore_mem>>) attributes {dimension_semantics = [#tpu.dimension_semantics<core_parallel>, #tpu.dimension_semantics<subcore_parallel>], iteration_bounds = array<i64: 2, 16>, scalar_prefetch = 0 : i64, scratch_operands = 12 : i64, tpu.core_type = #tpu.core_type<sc_vector_subcore>, window_params = [{transform_indices = #map}, {transform_indices = #map1}, {transform_indices = #map2}]} {
    %mul3A = arith.constant 2 : i32
    %mul3A_0 = arith.muli %arg1, %mul3A : i32
    %add3A = arith.addi %mul3A_0, %arg0 : i32
    %mul3A_1 = arith.constant 5000 : i32
    %mul3A_2 = arith.muli %add3A, %mul3A_1 : i32
    %eq3A = arith.constant 0 : i32
    %eq3A_3 = arith.cmpi eq, %arg1, %eq3A : i32
    %convert_element_type3A = arith.extui %eq3A_3 : i1 to i32
    %cond3A = arith.constant 0 : i32
    %cond3A_4 = arith.cmpi ne, %convert_element_type3A, %cond3A : i32
    scf.if %cond3A_4 {
      "tpu.region"() ({
        %run_scoped3A = tpu.sem_alloc : memref<!tpu.dma_semaphore, #tpu.memory_space<semaphore_mem>>
        tpu.enqueue_dma source(%arg2 : memref<10000x128xf32, #tpu.memory_space<hbm>>) target(%arg11 : memref<10000x128xf32, #tpu.memory_space<vmem_shared>>) target_semaphore(%run_scoped3A : memref<!tpu.dma_semaphore, #tpu.memory_space<semaphore_mem>>)
        tpu.wait_dma2 semaphore(%run_scoped3A : memref<!tpu.dma_semaphore, #tpu.memory_space<semaphore_mem>>) src(%arg2 : memref<10000x128xf32, #tpu.memory_space<hbm>>) dst(%arg11 : memref<10000x128xf32, #tpu.memory_space<vmem_shared>>)
        tpu.yield
      }) : () -> ()
    } else {
    }
    %add3A_5 = arith.constant 160000 : i32
    %add3A_6 = arith.addi %add3A_5, %mul3A_2 : i32
    "tpu.region"() ({
      %run_scoped3A = tpu.sem_alloc : memref<!tpu.dma_semaphore, #tpu.memory_space<semaphore_mem>>
      %dma_start3A_80 = tpu.memref_slice %arg3[%add3A_6] : memref<320000xi32, #tpu.memory_space<hbm>> -> memref<5000xi32, #tpu.memory_space<hbm>>
      %dma_start3A_81 = tpu.memref_slice %arg3[%add3A_6] : memref<320000xi32, #tpu.memory_space<hbm>> -> memref<5000xi32, #tpu.memory_space<hbm>>
      tpu.enqueue_dma source(%dma_start3A_81 : memref<5000xi32, #tpu.memory_space<hbm>>) target(%arg5 : memref<5000xi32, #tpu.memory_space<vmem>>) target_semaphore(%run_scoped3A : memref<!tpu.dma_semaphore, #tpu.memory_space<semaphore_mem>>)
      %dma_wait3A_82 = tpu.memref_slice %arg3[%add3A_6] : memref<320000xi32, #tpu.memory_space<hbm>> -> memref<5000xi32, #tpu.memory_space<hbm>>
      %dma_wait3A_83 = tpu.memref_slice %arg3[%add3A_6] : memref<320000xi32, #tpu.memory_space<hbm>> -> memref<5000xi32, #tpu.memory_space<hbm>>
      tpu.wait_dma2 semaphore(%run_scoped3A : memref<!tpu.dma_semaphore, #tpu.memory_space<semaphore_mem>>) src(%dma_wait3A_83 : memref<5000xi32, #tpu.memory_space<hbm>>) dst(%arg5 : memref<5000xi32, #tpu.memory_space<vmem>>)
      tpu.yield
    }) : () -> ()
    %barrier3A = arith.constant 0 : index
    tpu.barrier barrier_id(%barrier3A)
    %dma_start3A = arith.constant 0 : i32
    %dma_start3A_7 = tpu.memref_slice %arg5[%dma_start3A] : memref<5000xi32, #tpu.memory_space<vmem>> -> memref<40xi32, #tpu.memory_space<vmem>>
    %dma_start3A_8 = arith.constant 0 : i32
    %dma_start3A_9 = arith.constant 0 : i32
    %dma_start3A_10 = tpu.memref_slice %arg11[%dma_start3A_8, %dma_start3A_9] : memref<10000x128xf32, #tpu.memory_space<vmem_shared>> -> memref<10000x128xf32, #tpu.memory_space<vmem_shared>>
    tpu.enqueue_indirect_dma source(%dma_start3A_10 : memref<10000x128xf32, #tpu.memory_space<vmem_shared>>) target(%arg6 : memref<40x128xf32, #tpu.memory_space<vmem>>) offsets(%dma_start3A_7 : memref<40xi32, #tpu.memory_space<vmem>>) semaphore(%arg12 : memref<!tpu.dma_semaphore, #tpu.memory_space<semaphore_mem>>)
    %dma_start3A_11 = arith.constant 40 : i32
    %dma_start3A_12 = tpu.memref_slice %arg5[%dma_start3A_11] : memref<5000xi32, #tpu.memory_space<vmem>> -> memref<40xi32, #tpu.memory_space<vmem>>
    %dma_start3A_13 = arith.constant 0 : i32
    %dma_start3A_14 = arith.constant 0 : i32
    %dma_start3A_15 = tpu.memref_slice %arg11[%dma_start3A_13, %dma_start3A_14] : memref<10000x128xf32, #tpu.memory_space<vmem_shared>> -> memref<10000x128xf32, #tpu.memory_space<vmem_shared>>
    tpu.enqueue_indirect_dma source(%dma_start3A_15 : memref<10000x128xf32, #tpu.memory_space<vmem_shared>>) target(%arg7 : memref<40x128xf32, #tpu.memory_space<vmem>>) offsets(%dma_start3A_12 : memref<40xi32, #tpu.memory_space<vmem>>) semaphore(%arg13 : memref<!tpu.dma_semaphore, #tpu.memory_space<semaphore_mem>>)
    %dma_start3A_16 = arith.constant 80 : i32
    %dma_start3A_17 = tpu.memref_slice %arg5[%dma_start3A_16] : memref<5000xi32, #tpu.memory_space<vmem>> -> memref<40xi32, #tpu.memory_space<vmem>>
    %dma_start3A_18 = arith.constant 0 : i32
    %dma_start3A_19 = arith.constant 0 : i32
    %dma_start3A_20 = tpu.memref_slice %arg11[%dma_start3A_18, %dma_start3A_19] : memref<10000x128xf32, #tpu.memory_space<vmem_shared>> -> memref<10000x128xf32, #tpu.memory_space<vmem_shared>>
    tpu.enqueue_indirect_dma source(%dma_start3A_20 : memref<10000x128xf32, #tpu.memory_space<vmem_shared>>) target(%arg8 : memref<40x128xf32, #tpu.memory_space<vmem>>) offsets(%dma_start3A_17 : memref<40xi32, #tpu.memory_space<vmem>>) semaphore(%arg14 : memref<!tpu.dma_semaphore, #tpu.memory_space<semaphore_mem>>)
    %dma_start3A_21 = arith.constant 120 : i32
    %dma_start3A_22 = tpu.memref_slice %arg5[%dma_start3A_21] : memref<5000xi32, #tpu.memory_space<vmem>> -> memref<40xi32, #tpu.memory_space<vmem>>
    %dma_start3A_23 = arith.constant 0 : i32
    %dma_start3A_24 = arith.constant 0 : i32
    %dma_start3A_25 = tpu.memref_slice %arg11[%dma_start3A_23, %dma_start3A_24] : memref<10000x128xf32, #tpu.memory_space<vmem_shared>> -> memref<10000x128xf32, #tpu.memory_space<vmem_shared>>
    tpu.enqueue_indirect_dma source(%dma_start3A_25 : memref<10000x128xf32, #tpu.memory_space<vmem_shared>>) target(%arg9 : memref<40x128xf32, #tpu.memory_space<vmem>>) offsets(%dma_start3A_22 : memref<40xi32, #tpu.memory_space<vmem>>) semaphore(%arg15 : memref<!tpu.dma_semaphore, #tpu.memory_space<semaphore_mem>>)
    %dma_start3A_26 = arith.constant 160 : i32
    %dma_start3A_27 = tpu.memref_slice %arg5[%dma_start3A_26] : memref<5000xi32, #tpu.memory_space<vmem>> -> memref<40xi32, #tpu.memory_space<vmem>>
    %dma_start3A_28 = arith.constant 0 : i32
    %dma_start3A_29 = arith.constant 0 : i32
    %dma_start3A_30 = tpu.memref_slice %arg11[%dma_start3A_28, %dma_start3A_29] : memref<10000x128xf32, #tpu.memory_space<vmem_shared>> -> memref<10000x128xf32, #tpu.memory_space<vmem_shared>>
    tpu.enqueue_indirect_dma source(%dma_start3A_30 : memref<10000x128xf32, #tpu.memory_space<vmem_shared>>) target(%arg10 : memref<40x128xf32, #tpu.memory_space<vmem>>) offsets(%dma_start3A_27 : memref<40xi32, #tpu.memory_space<vmem>>) semaphore(%arg16 : memref<!tpu.dma_semaphore, #tpu.memory_space<semaphore_mem>>)
    %scan3A = arith.constant 0 : i32
    %scan3A_31 = arith.constant 0 : i32
    %scan3A_32 = arith.constant 24 : i32
    %scan3A_33 = arith.addi %scan3A_31, %scan3A_32 : i32
    %scan3A_34 = arith.constant 1 : i32
    scf.for %scan3A_80 = %scan3A_31 to %scan3A_33 step %scan3A_34  : i32 {
      %mul3A_81 = arith.constant 5 : i32
      %mul3A_82 = arith.muli %scan3A_80, %mul3A_81 : i32
      %add3A_83 = arith.constant 0 : i32
      %add3A_84 = arith.addi %mul3A_82, %add3A_83 : i32
      %mul3A_85 = arith.constant 40 : i32
      %mul3A_86 = arith.muli %add3A_84, %mul3A_85 : i32
      %dma_wait3A_87 = tpu.memref_slice %arg5[%mul3A_86] : memref<5000xi32, #tpu.memory_space<vmem>> -> memref<40xi32, #tpu.memory_space<vmem>>
      %dma_wait3A_88 = arith.constant 0 : i32
      %dma_wait3A_89 = arith.constant 0 : i32
      %dma_wait3A_90 = tpu.memref_slice %arg11[%dma_wait3A_88, %dma_wait3A_89] : memref<10000x128xf32, #tpu.memory_space<vmem_shared>> -> memref<10000x128xf32, #tpu.memory_space<vmem_shared>>
      tpu.wait_indirect_dma semaphore(%arg12 : memref<!tpu.dma_semaphore, #tpu.memory_space<semaphore_mem>>) src(%dma_wait3A_90 : memref<10000x128xf32, #tpu.memory_space<vmem_shared>>) dst(%arg6 : memref<40x128xf32, #tpu.memory_space<vmem>>)
      %mul3A_91 = arith.constant 125 : i32
      %mul3A_92 = arith.muli %add3A, %mul3A_91 : i32
      %add3A_93 = arith.addi %mul3A_92, %add3A_84 : i32
      "tpu.region"() ({
        %run_scoped3A = tpu.sem_alloc : memref<!tpu.dma_semaphore, #tpu.memory_space<semaphore_mem>>
        %dma_start3A_186 = arith.constant 0 : i32
        %dma_start3A_187 = arith.constant 0 : i32
        %dma_start3A_188 = tpu.memref_slice %arg4[%add3A_93, %dma_start3A_186, %dma_start3A_187] : memref<4000x40x128xf32, #tpu.memory_space<hbm>> -> memref<1x40x128xf32, #tpu.memory_space<hbm>>
        %dma_start3A_189 = tpu.memref_squeeze %dma_start3A_188 : memref<1x40x128xf32, #tpu.memory_space<hbm>> -> memref<40x128xf32, #tpu.memory_space<hbm>>
        %dma_start3A_190 = arith.constant 0 : i32
        %dma_start3A_191 = arith.constant 0 : i32
        %dma_start3A_192 = tpu.memref_slice %arg4[%add3A_93, %dma_start3A_190, %dma_start3A_191] : memref<4000x40x128xf32, #tpu.memory_space<hbm>> -> memref<1x40x128xf32, #tpu.memory_space<hbm>>
        %dma_start3A_193 = tpu.memref_squeeze %dma_start3A_192 : memref<1x40x128xf32, #tpu.memory_space<hbm>> -> memref<40x128xf32, #tpu.memory_space<hbm>>
        tpu.enqueue_dma source(%arg6 : memref<40x128xf32, #tpu.memory_space<vmem>>) target(%dma_start3A_193 : memref<40x128xf32, #tpu.memory_space<hbm>>) target_semaphore(%run_scoped3A : memref<!tpu.dma_semaphore, #tpu.memory_space<semaphore_mem>>)
        %dma_wait3A_194 = arith.constant 0 : i32
        %dma_wait3A_195 = arith.constant 0 : i32
        %dma_wait3A_196 = tpu.memref_slice %arg4[%add3A_93, %dma_wait3A_194, %dma_wait3A_195] : memref<4000x40x128xf32, #tpu.memory_space<hbm>> -> memref<1x40x128xf32, #tpu.memory_space<hbm>>
        %dma_wait3A_197 = tpu.memref_squeeze %dma_wait3A_196 : memref<1x40x128xf32, #tpu.memory_space<hbm>> -> memref<40x128xf32, #tpu.memory_space<hbm>>
        %dma_wait3A_198 = arith.constant 0 : i32
        %dma_wait3A_199 = arith.constant 0 : i32
        %dma_wait3A_200 = tpu.memref_slice %arg4[%add3A_93, %dma_wait3A_198, %dma_wait3A_199] : memref<4000x40x128xf32, #tpu.memory_space<hbm>> -> memref<1x40x128xf32, #tpu.memory_space<hbm>>
        %dma_wait3A_201 = tpu.memref_squeeze %dma_wait3A_200 : memref<1x40x128xf32, #tpu.memory_space<hbm>> -> memref<40x128xf32, #tpu.memory_space<hbm>>
        tpu.wait_dma2 semaphore(%run_scoped3A : memref<!tpu.dma_semaphore, #tpu.memory_space<semaphore_mem>>) src(%arg6 : memref<40x128xf32, #tpu.memory_space<vmem>>) dst(%dma_wait3A_201 : memref<40x128xf32, #tpu.memory_space<hbm>>)
        tpu.yield
      }) : () -> ()
      %add3A_94 = arith.constant 5 : i32
      %add3A_95 = arith.addi %add3A_84, %add3A_94 : i32
      %mul3A_96 = arith.constant 40 : i32
      %mul3A_97 = arith.muli %add3A_95, %mul3A_96 : i32
      %dma_start3A_98 = tpu.memref_slice %arg5[%mul3A_97] : memref<5000xi32, #tpu.memory_space<vmem>> -> memref<40xi32, #tpu.memory_space<vmem>>
      %dma_start3A_99 = arith.constant 0 : i32
      %dma_start3A_100 = arith.constant 0 : i32
      %dma_start3A_101 = tpu.memref_slice %arg11[%dma_start3A_99, %dma_start3A_100] : memref<10000x128xf32, #tpu.memory_space<vmem_shared>> -> memref<10000x128xf32, #tpu.memory_space<vmem_shared>>
      tpu.enqueue_indirect_dma source(%dma_start3A_101 : memref<10000x128xf32, #tpu.memory_space<vmem_shared>>) target(%arg6 : memref<40x128xf32, #tpu.memory_space<vmem>>) offsets(%dma_start3A_98 : memref<40xi32, #tpu.memory_space<vmem>>) semaphore(%arg12 : memref<!tpu.dma_semaphore, #tpu.memory_space<semaphore_mem>>)
      %mul3A_102 = arith.constant 5 : i32
      %mul3A_103 = arith.muli %scan3A_80, %mul3A_102 : i32
      %add3A_104 = arith.constant 1 : i32
      %add3A_105 = arith.addi %mul3A_103, %add3A_104 : i32
      %mul3A_106 = arith.constant 40 : i32
      %mul3A_107 = arith.muli %add3A_105, %mul3A_106 : i32
      %dma_wait3A_108 = tpu.memref_slice %arg5[%mul3A_107] : memref<5000xi32, #tpu.memory_space<vmem>> -> memref<40xi32, #tpu.memory_space<vmem>>
      %dma_wait3A_109 = arith.constant 0 : i32
      %dma_wait3A_110 = arith.constant 0 : i32
      %dma_wait3A_111 = tpu.memref_slice %arg11[%dma_wait3A_109, %dma_wait3A_110] : memref<10000x128xf32, #tpu.memory_space<vmem_shared>> -> memref<10000x128xf32, #tpu.memory_space<vmem_shared>>
      tpu.wait_indirect_dma semaphore(%arg13 : memref<!tpu.dma_semaphore, #tpu.memory_space<semaphore_mem>>) src(%dma_wait3A_111 : memref<10000x128xf32, #tpu.memory_space<vmem_shared>>) dst(%arg7 : memref<40x128xf32, #tpu.memory_space<vmem>>)
      %mul3A_112 = arith.constant 125 : i32
      %mul3A_113 = arith.muli %add3A, %mul3A_112 : i32
      %add3A_114 = arith.addi %mul3A_113, %add3A_105 : i32
      "tpu.region"() ({
        %run_scoped3A = tpu.sem_alloc : memref<!tpu.dma_semaphore, #tpu.memory_space<semaphore_mem>>
        %dma_start3A_186 = arith.constant 0 : i32
        %dma_start3A_187 = arith.constant 0 : i32
        %dma_start3A_188 = tpu.memref_slice %arg4[%add3A_114, %dma_start3A_186, %dma_start3A_187] : memref<4000x40x128xf32, #tpu.memory_space<hbm>> -> memref<1x40x128xf32, #tpu.memory_space<hbm>>
        %dma_start3A_189 = tpu.memref_squeeze %dma_start3A_188 : memref<1x40x128xf32, #tpu.memory_space<hbm>> -> memref<40x128xf32, #tpu.memory_space<hbm>>
        %dma_start3A_190 = arith.constant 0 : i32
        %dma_start3A_191 = arith.constant 0 : i32
        %dma_start3A_192 = tpu.memref_slice %arg4[%add3A_114, %dma_start3A_190, %dma_start3A_191] : memref<4000x40x128xf32, #tpu.memory_space<hbm>> -> memref<1x40x128xf32, #tpu.memory_space<hbm>>
        %dma_start3A_193 = tpu.memref_squeeze %dma_start3A_192 : memref<1x40x128xf32, #tpu.memory_space<hbm>> -> memref<40x128xf32, #tpu.memory_space<hbm>>
        tpu.enqueue_dma source(%arg7 : memref<40x128xf32, #tpu.memory_space<vmem>>) target(%dma_start3A_193 : memref<40x128xf32, #tpu.memory_space<hbm>>) target_semaphore(%run_scoped3A : memref<!tpu.dma_semaphore, #tpu.memory_space<semaphore_mem>>)
        %dma_wait3A_194 = arith.constant 0 : i32
        %dma_wait3A_195 = arith.constant 0 : i32
        %dma_wait3A_196 = tpu.memref_slice %arg4[%add3A_114, %dma_wait3A_194, %dma_wait3A_195] : memref<4000x40x128xf32, #tpu.memory_space<hbm>> -> memref<1x40x128xf32, #tpu.memory_space<hbm>>
        %dma_wait3A_197 = tpu.memref_squeeze %dma_wait3A_196 : memref<1x40x128xf32, #tpu.memory_space<hbm>> -> memref<40x128xf32, #tpu.memory_space<hbm>>
        %dma_wait3A_198 = arith.constant 0 : i32
        %dma_wait3A_199 = arith.constant 0 : i32
        %dma_wait3A_200 = tpu.memref_slice %arg4[%add3A_114, %dma_wait3A_198, %dma_wait3A_199] : memref<4000x40x128xf32, #tpu.memory_space<hbm>> -> memref<1x40x128xf32, #tpu.memory_space<hbm>>
        %dma_wait3A_201 = tpu.memref_squeeze %dma_wait3A_200 : memref<1x40x128xf32, #tpu.memory_space<hbm>> -> memref<40x128xf32, #tpu.memory_space<hbm>>
        tpu.wait_dma2 semaphore(%run_scoped3A : memref<!tpu.dma_semaphore, #tpu.memory_space<semaphore_mem>>) src(%arg7 : memref<40x128xf32, #tpu.memory_space<vmem>>) dst(%dma_wait3A_201 : memref<40x128xf32, #tpu.memory_space<hbm>>)
        tpu.yield
      }) : () -> ()
      %add3A_115 = arith.constant 5 : i32
      %add3A_116 = arith.addi %add3A_105, %add3A_115 : i32
      %mul3A_117 = arith.constant 40 : i32
      %mul3A_118 = arith.muli %add3A_116, %mul3A_117 : i32
      %dma_start3A_119 = tpu.memref_slice %arg5[%mul3A_118] : memref<5000xi32, #tpu.memory_space<vmem>> -> memref<40xi32, #tpu.memory_space<vmem>>
      %dma_start3A_120 = arith.constant 0 : i32
      %dma_start3A_121 = arith.constant 0 : i32
      %dma_start3A_122 = tpu.memref_slice %arg11[%dma_start3A_120, %dma_start3A_121] : memref<10000x128xf32, #tpu.memory_space<vmem_shared>> -> memref<10000x128xf32, #tpu.memory_space<vmem_shared>>
      tpu.enqueue_indirect_dma source(%dma_start3A_122 : memref<10000x128xf32, #tpu.memory_space<vmem_shared>>) target(%arg7 : memref<40x128xf32, #tpu.memory_space<vmem>>) offsets(%dma_start3A_119 : memref<40xi32, #tpu.memory_space<vmem>>) semaphore(%arg13 : memref<!tpu.dma_semaphore, #tpu.memory_space<semaphore_mem>>)
      %mul3A_123 = arith.constant 5 : i32
      %mul3A_124 = arith.muli %scan3A_80, %mul3A_123 : i32
      %add3A_125 = arith.constant 2 : i32
      %add3A_126 = arith.addi %mul3A_124, %add3A_125 : i32
      %mul3A_127 = arith.constant 40 : i32
      %mul3A_128 = arith.muli %add3A_126, %mul3A_127 : i32
      %dma_wait3A_129 = tpu.memref_slice %arg5[%mul3A_128] : memref<5000xi32, #tpu.memory_space<vmem>> -> memref<40xi32, #tpu.memory_space<vmem>>
      %dma_wait3A_130 = arith.constant 0 : i32
      %dma_wait3A_131 = arith.constant 0 : i32
      %dma_wait3A_132 = tpu.memref_slice %arg11[%dma_wait3A_130, %dma_wait3A_131] : memref<10000x128xf32, #tpu.memory_space<vmem_shared>> -> memref<10000x128xf32, #tpu.memory_space<vmem_shared>>
      tpu.wait_indirect_dma semaphore(%arg14 : memref<!tpu.dma_semaphore, #tpu.memory_space<semaphore_mem>>) src(%dma_wait3A_132 : memref<10000x128xf32, #tpu.memory_space<vmem_shared>>) dst(%arg8 : memref<40x128xf32, #tpu.memory_space<vmem>>)
      %mul3A_133 = arith.constant 125 : i32
      %mul3A_134 = arith.muli %add3A, %mul3A_133 : i32
      %add3A_135 = arith.addi %mul3A_134, %add3A_126 : i32
      "tpu.region"() ({
        %run_scoped3A = tpu.sem_alloc : memref<!tpu.dma_semaphore, #tpu.memory_space<semaphore_mem>>
        %dma_start3A_186 = arith.constant 0 : i32
        %dma_start3A_187 = arith.constant 0 : i32
        %dma_start3A_188 = tpu.memref_slice %arg4[%add3A_135, %dma_start3A_186, %dma_start3A_187] : memref<4000x40x128xf32, #tpu.memory_space<hbm>> -> memref<1x40x128xf32, #tpu.memory_space<hbm>>
        %dma_start3A_189 = tpu.memref_squeeze %dma_start3A_188 : memref<1x40x128xf32, #tpu.memory_space<hbm>> -> memref<40x128xf32, #tpu.memory_space<hbm>>
        %dma_start3A_190 = arith.constant 0 : i32
        %dma_start3A_191 = arith.constant 0 : i32
        %dma_start3A_192 = tpu.memref_slice %arg4[%add3A_135, %dma_start3A_190, %dma_start3A_191] : memref<4000x40x128xf32, #tpu.memory_space<hbm>> -> memref<1x40x128xf32, #tpu.memory_space<hbm>>
        %dma_start3A_193 = tpu.memref_squeeze %dma_start3A_192 : memref<1x40x128xf32, #tpu.memory_space<hbm>> -> memref<40x128xf32, #tpu.memory_space<hbm>>
        tpu.enqueue_dma source(%arg8 : memref<40x128xf32, #tpu.memory_space<vmem>>) target(%dma_start3A_193 : memref<40x128xf32, #tpu.memory_space<hbm>>) target_semaphore(%run_scoped3A : memref<!tpu.dma_semaphore, #tpu.memory_space<semaphore_mem>>)
        %dma_wait3A_194 = arith.constant 0 : i32
        %dma_wait3A_195 = arith.constant 0 : i32
        %dma_wait3A_196 = tpu.memref_slice %arg4[%add3A_135, %dma_wait3A_194, %dma_wait3A_195] : memref<4000x40x128xf32, #tpu.memory_space<hbm>> -> memref<1x40x128xf32, #tpu.memory_space<hbm>>
        %dma_wait3A_197 = tpu.memref_squeeze %dma_wait3A_196 : memref<1x40x128xf32, #tpu.memory_space<hbm>> -> memref<40x128xf32, #tpu.memory_space<hbm>>
        %dma_wait3A_198 = arith.constant 0 : i32
        %dma_wait3A_199 = arith.constant 0 : i32
        %dma_wait3A_200 = tpu.memref_slice %arg4[%add3A_135, %dma_wait3A_198, %dma_wait3A_199] : memref<4000x40x128xf32, #tpu.memory_space<hbm>> -> memref<1x40x128xf32, #tpu.memory_space<hbm>>
        %dma_wait3A_201 = tpu.memref_squeeze %dma_wait3A_200 : memref<1x40x128xf32, #tpu.memory_space<hbm>> -> memref<40x128xf32, #tpu.memory_space<hbm>>
        tpu.wait_dma2 semaphore(%run_scoped3A : memref<!tpu.dma_semaphore, #tpu.memory_space<semaphore_mem>>) src(%arg8 : memref<40x128xf32, #tpu.memory_space<vmem>>) dst(%dma_wait3A_201 : memref<40x128xf32, #tpu.memory_space<hbm>>)
        tpu.yield
      }) : () -> ()
      %add3A_136 = arith.constant 5 : i32
      %add3A_137 = arith.addi %add3A_126, %add3A_136 : i32
      %mul3A_138 = arith.constant 40 : i32
      %mul3A_139 = arith.muli %add3A_137, %mul3A_138 : i32
      %dma_start3A_140 = tpu.memref_slice %arg5[%mul3A_139] : memref<5000xi32, #tpu.memory_space<vmem>> -> memref<40xi32, #tpu.memory_space<vmem>>
      %dma_start3A_141 = arith.constant 0 : i32
      %dma_start3A_142 = arith.constant 0 : i32
      %dma_start3A_143 = tpu.memref_slice %arg11[%dma_start3A_141, %dma_start3A_142] : memref<10000x128xf32, #tpu.memory_space<vmem_shared>> -> memref<10000x128xf32, #tpu.memory_space<vmem_shared>>
      tpu.enqueue_indirect_dma source(%dma_start3A_143 : memref<10000x128xf32, #tpu.memory_space<vmem_shared>>) target(%arg8 : memref<40x128xf32, #tpu.memory_space<vmem>>) offsets(%dma_start3A_140 : memref<40xi32, #tpu.memory_space<vmem>>) semaphore(%arg14 : memref<!tpu.dma_semaphore, #tpu.memory_space<semaphore_mem>>)
      %mul3A_144 = arith.constant 5 : i32
      %mul3A_145 = arith.muli %scan3A_80, %mul3A_144 : i32
      %add3A_146 = arith.constant 3 : i32
      %add3A_147 = arith.addi %mul3A_145, %add3A_146 : i32
      %mul3A_148 = arith.constant 40 : i32
      %mul3A_149 = arith.muli %add3A_147, %mul3A_148 : i32
      %dma_wait3A_150 = tpu.memref_slice %arg5[%mul3A_149] : memref<5000xi32, #tpu.memory_space<vmem>> -> memref<40xi32, #tpu.memory_space<vmem>>
      %dma_wait3A_151 = arith.constant 0 : i32
      %dma_wait3A_152 = arith.constant 0 : i32
      %dma_wait3A_153 = tpu.memref_slice %arg11[%dma_wait3A_151, %dma_wait3A_152] : memref<10000x128xf32, #tpu.memory_space<vmem_shared>> -> memref<10000x128xf32, #tpu.memory_space<vmem_shared>>
      tpu.wait_indirect_dma semaphore(%arg15 : memref<!tpu.dma_semaphore, #tpu.memory_space<semaphore_mem>>) src(%dma_wait3A_153 : memref<10000x128xf32, #tpu.memory_space<vmem_shared>>) dst(%arg9 : memref<40x128xf32, #tpu.memory_space<vmem>>)
      %mul3A_154 = arith.constant 125 : i32
      %mul3A_155 = arith.muli %add3A, %mul3A_154 : i32
      %add3A_156 = arith.addi %mul3A_155, %add3A_147 : i32
      "tpu.region"() ({
        %run_scoped3A = tpu.sem_alloc : memref<!tpu.dma_semaphore, #tpu.memory_space<semaphore_mem>>
        %dma_start3A_186 = arith.constant 0 : i32
        %dma_start3A_187 = arith.constant 0 : i32
        %dma_start3A_188 = tpu.memref_slice %arg4[%add3A_156, %dma_start3A_186, %dma_start3A_187] : memref<4000x40x128xf32, #tpu.memory_space<hbm>> -> memref<1x40x128xf32, #tpu.memory_space<hbm>>
        %dma_start3A_189 = tpu.memref_squeeze %dma_start3A_188 : memref<1x40x128xf32, #tpu.memory_space<hbm>> -> memref<40x128xf32, #tpu.memory_space<hbm>>
        %dma_start3A_190 = arith.constant 0 : i32
        %dma_start3A_191 = arith.constant 0 : i32
        %dma_start3A_192 = tpu.memref_slice %arg4[%add3A_156, %dma_start3A_190, %dma_start3A_191] : memref<4000x40x128xf32, #tpu.memory_space<hbm>> -> memref<1x40x128xf32, #tpu.memory_space<hbm>>
        %dma_start3A_193 = tpu.memref_squeeze %dma_start3A_192 : memref<1x40x128xf32, #tpu.memory_space<hbm>> -> memref<40x128xf32, #tpu.memory_space<hbm>>
        tpu.enqueue_dma source(%arg9 : memref<40x128xf32, #tpu.memory_space<vmem>>) target(%dma_start3A_193 : memref<40x128xf32, #tpu.memory_space<hbm>>) target_semaphore(%run_scoped3A : memref<!tpu.dma_semaphore, #tpu.memory_space<semaphore_mem>>)
        %dma_wait3A_194 = arith.constant 0 : i32
        %dma_wait3A_195 = arith.constant 0 : i32
        %dma_wait3A_196 = tpu.memref_slice %arg4[%add3A_156, %dma_wait3A_194, %dma_wait3A_195] : memref<4000x40x128xf32, #tpu.memory_space<hbm>> -> memref<1x40x128xf32, #tpu.memory_space<hbm>>
        %dma_wait3A_197 = tpu.memref_squeeze %dma_wait3A_196 : memref<1x40x128xf32, #tpu.memory_space<hbm>> -> memref<40x128xf32, #tpu.memory_space<hbm>>
        %dma_wait3A_198 = arith.constant 0 : i32
        %dma_wait3A_199 = arith.constant 0 : i32
        %dma_wait3A_200 = tpu.memref_slice %arg4[%add3A_156, %dma_wait3A_198, %dma_wait3A_199] : memref<4000x40x128xf32, #tpu.memory_space<hbm>> -> memref<1x40x128xf32, #tpu.memory_space<hbm>>
        %dma_wait3A_201 = tpu.memref_squeeze %dma_wait3A_200 : memref<1x40x128xf32, #tpu.memory_space<hbm>> -> memref<40x128xf32, #tpu.memory_space<hbm>>
        tpu.wait_dma2 semaphore(%run_scoped3A : memref<!tpu.dma_semaphore, #tpu.memory_space<semaphore_mem>>) src(%arg9 : memref<40x128xf32, #tpu.memory_space<vmem>>) dst(%dma_wait3A_201 : memref<40x128xf32, #tpu.memory_space<hbm>>)
        tpu.yield
      }) : () -> ()
      %add3A_157 = arith.constant 5 : i32
      %add3A_158 = arith.addi %add3A_147, %add3A_157 : i32
      %mul3A_159 = arith.constant 40 : i32
      %mul3A_160 = arith.muli %add3A_158, %mul3A_159 : i32
      %dma_start3A_161 = tpu.memref_slice %arg5[%mul3A_160] : memref<5000xi32, #tpu.memory_space<vmem>> -> memref<40xi32, #tpu.memory_space<vmem>>
      %dma_start3A_162 = arith.constant 0 : i32
      %dma_start3A_163 = arith.constant 0 : i32
      %dma_start3A_164 = tpu.memref_slice %arg11[%dma_start3A_162, %dma_start3A_163] : memref<10000x128xf32, #tpu.memory_space<vmem_shared>> -> memref<10000x128xf32, #tpu.memory_space<vmem_shared>>
      tpu.enqueue_indirect_dma source(%dma_start3A_164 : memref<10000x128xf32, #tpu.memory_space<vmem_shared>>) target(%arg9 : memref<40x128xf32, #tpu.memory_space<vmem>>) offsets(%dma_start3A_161 : memref<40xi32, #tpu.memory_space<vmem>>) semaphore(%arg15 : memref<!tpu.dma_semaphore, #tpu.memory_space<semaphore_mem>>)
      %mul3A_165 = arith.constant 5 : i32
      %mul3A_166 = arith.muli %scan3A_80, %mul3A_165 : i32
      %add3A_167 = arith.constant 4 : i32
      %add3A_168 = arith.addi %mul3A_166, %add3A_167 : i32
      %mul3A_169 = arith.constant 40 : i32
      %mul3A_170 = arith.muli %add3A_168, %mul3A_169 : i32
      %dma_wait3A_171 = tpu.memref_slice %arg5[%mul3A_170] : memref<5000xi32, #tpu.memory_space<vmem>> -> memref<40xi32, #tpu.memory_space<vmem>>
      %dma_wait3A_172 = arith.constant 0 : i32
      %dma_wait3A_173 = arith.constant 0 : i32
      %dma_wait3A_174 = tpu.memref_slice %arg11[%dma_wait3A_172, %dma_wait3A_173] : memref<10000x128xf32, #tpu.memory_space<vmem_shared>> -> memref<10000x128xf32, #tpu.memory_space<vmem_shared>>
      tpu.wait_indirect_dma semaphore(%arg16 : memref<!tpu.dma_semaphore, #tpu.memory_space<semaphore_mem>>) src(%dma_wait3A_174 : memref<10000x128xf32, #tpu.memory_space<vmem_shared>>) dst(%arg10 : memref<40x128xf32, #tpu.memory_space<vmem>>)
      %mul3A_175 = arith.constant 125 : i32
      %mul3A_176 = arith.muli %add3A, %mul3A_175 : i32
      %add3A_177 = arith.addi %mul3A_176, %add3A_168 : i32
      "tpu.region"() ({
        %run_scoped3A = tpu.sem_alloc : memref<!tpu.dma_semaphore, #tpu.memory_space<semaphore_mem>>
        %dma_start3A_186 = arith.constant 0 : i32
        %dma_start3A_187 = arith.constant 0 : i32
        %dma_start3A_188 = tpu.memref_slice %arg4[%add3A_177, %dma_start3A_186, %dma_start3A_187] : memref<4000x40x128xf32, #tpu.memory_space<hbm>> -> memref<1x40x128xf32, #tpu.memory_space<hbm>>
        %dma_start3A_189 = tpu.memref_squeeze %dma_start3A_188 : memref<1x40x128xf32, #tpu.memory_space<hbm>> -> memref<40x128xf32, #tpu.memory_space<hbm>>
        %dma_start3A_190 = arith.constant 0 : i32
        %dma_start3A_191 = arith.constant 0 : i32
        %dma_start3A_192 = tpu.memref_slice %arg4[%add3A_177, %dma_start3A_190, %dma_start3A_191] : memref<4000x40x128xf32, #tpu.memory_space<hbm>> -> memref<1x40x128xf32, #tpu.memory_space<hbm>>
        %dma_start3A_193 = tpu.memref_squeeze %dma_start3A_192 : memref<1x40x128xf32, #tpu.memory_space<hbm>> -> memref<40x128xf32, #tpu.memory_space<hbm>>
        tpu.enqueue_dma source(%arg10 : memref<40x128xf32, #tpu.memory_space<vmem>>) target(%dma_start3A_193 : memref<40x128xf32, #tpu.memory_space<hbm>>) target_semaphore(%run_scoped3A : memref<!tpu.dma_semaphore, #tpu.memory_space<semaphore_mem>>)
        %dma_wait3A_194 = arith.constant 0 : i32
        %dma_wait3A_195 = arith.constant 0 : i32
        %dma_wait3A_196 = tpu.memref_slice %arg4[%add3A_177, %dma_wait3A_194, %dma_wait3A_195] : memref<4000x40x128xf32, #tpu.memory_space<hbm>> -> memref<1x40x128xf32, #tpu.memory_space<hbm>>
        %dma_wait3A_197 = tpu.memref_squeeze %dma_wait3A_196 : memref<1x40x128xf32, #tpu.memory_space<hbm>> -> memref<40x128xf32, #tpu.memory_space<hbm>>
        %dma_wait3A_198 = arith.constant 0 : i32
        %dma_wait3A_199 = arith.constant 0 : i32
        %dma_wait3A_200 = tpu.memref_slice %arg4[%add3A_177, %dma_wait3A_198, %dma_wait3A_199] : memref<4000x40x128xf32, #tpu.memory_space<hbm>> -> memref<1x40x128xf32, #tpu.memory_space<hbm>>
        %dma_wait3A_201 = tpu.memref_squeeze %dma_wait3A_200 : memref<1x40x128xf32, #tpu.memory_space<hbm>> -> memref<40x128xf32, #tpu.memory_space<hbm>>
        tpu.wait_dma2 semaphore(%run_scoped3A : memref<!tpu.dma_semaphore, #tpu.memory_space<semaphore_mem>>) src(%arg10 : memref<40x128xf32, #tpu.memory_space<vmem>>) dst(%dma_wait3A_201 : memref<40x128xf32, #tpu.memory_space<hbm>>)
        tpu.yield
      }) : () -> ()
      %add3A_178 = arith.constant 5 : i32
      %add3A_179 = arith.addi %add3A_168, %add3A_178 : i32
      %mul3A_180 = arith.constant 40 : i32
      %mul3A_181 = arith.muli %add3A_179, %mul3A_180 : i32
      %dma_start3A_182 = tpu.memref_slice %arg5[%mul3A_181] : memref<5000xi32, #tpu.memory_space<vmem>> -> memref<40xi32, #tpu.memory_space<vmem>>
      %dma_start3A_183 = arith.constant 0 : i32
      %dma_start3A_184 = arith.constant 0 : i32
      %dma_start3A_185 = tpu.memref_slice %arg11[%dma_start3A_183, %dma_start3A_184] : memref<10000x128xf32, #tpu.memory_space<vmem_shared>> -> memref<10000x128xf32, #tpu.memory_space<vmem_shared>>
      tpu.enqueue_indirect_dma source(%dma_start3A_185 : memref<10000x128xf32, #tpu.memory_space<vmem_shared>>) target(%arg10 : memref<40x128xf32, #tpu.memory_space<vmem>>) offsets(%dma_start3A_182 : memref<40xi32, #tpu.memory_space<vmem>>) semaphore(%arg16 : memref<!tpu.dma_semaphore, #tpu.memory_space<semaphore_mem>>)
    }
    %scan3A_35 = arith.constant 24 : i32
    %dma_wait3A = arith.constant 4800 : i32
    %dma_wait3A_36 = tpu.memref_slice %arg5[%dma_wait3A] : memref<5000xi32, #tpu.memory_space<vmem>> -> memref<40xi32, #tpu.memory_space<vmem>>
    %dma_wait3A_37 = arith.constant 0 : i32
    %dma_wait3A_38 = arith.constant 0 : i32
    %dma_wait3A_39 = tpu.memref_slice %arg11[%dma_wait3A_37, %dma_wait3A_38] : memref<10000x128xf32, #tpu.memory_space<vmem_shared>> -> memref<10000x128xf32, #tpu.memory_space<vmem_shared>>
    tpu.wait_indirect_dma semaphore(%arg12 : memref<!tpu.dma_semaphore, #tpu.memory_space<semaphore_mem>>) src(%dma_wait3A_39 : memref<10000x128xf32, #tpu.memory_space<vmem_shared>>) dst(%arg6 : memref<40x128xf32, #tpu.memory_space<vmem>>)
    %mul3A_40 = arith.constant 125 : i32
    %mul3A_41 = arith.muli %add3A, %mul3A_40 : i32
    %add3A_42 = arith.constant 120 : i32
    %add3A_43 = arith.addi %mul3A_41, %add3A_42 : i32
    "tpu.region"() ({
      %run_scoped3A = tpu.sem_alloc : memref<!tpu.dma_semaphore, #tpu.memory_space<semaphore_mem>>
      %dma_start3A_80 = arith.constant 0 : i32
      %dma_start3A_81 = arith.constant 0 : i32
      %dma_start3A_82 = tpu.memref_slice %arg4[%add3A_43, %dma_start3A_80, %dma_start3A_81] : memref<4000x40x128xf32, #tpu.memory_space<hbm>> -> memref<1x40x128xf32, #tpu.memory_space<hbm>>
      %dma_start3A_83 = tpu.memref_squeeze %dma_start3A_82 : memref<1x40x128xf32, #tpu.memory_space<hbm>> -> memref<40x128xf32, #tpu.memory_space<hbm>>
      %dma_start3A_84 = arith.constant 0 : i32
      %dma_start3A_85 = arith.constant 0 : i32
      %dma_start3A_86 = tpu.memref_slice %arg4[%add3A_43, %dma_start3A_84, %dma_start3A_85] : memref<4000x40x128xf32, #tpu.memory_space<hbm>> -> memref<1x40x128xf32, #tpu.memory_space<hbm>>
      %dma_start3A_87 = tpu.memref_squeeze %dma_start3A_86 : memref<1x40x128xf32, #tpu.memory_space<hbm>> -> memref<40x128xf32, #tpu.memory_space<hbm>>
      tpu.enqueue_dma source(%arg6 : memref<40x128xf32, #tpu.memory_space<vmem>>) target(%dma_start3A_87 : memref<40x128xf32, #tpu.memory_space<hbm>>) target_semaphore(%run_scoped3A : memref<!tpu.dma_semaphore, #tpu.memory_space<semaphore_mem>>)
      %dma_wait3A_88 = arith.constant 0 : i32
      %dma_wait3A_89 = arith.constant 0 : i32
      %dma_wait3A_90 = tpu.memref_slice %arg4[%add3A_43, %dma_wait3A_88, %dma_wait3A_89] : memref<4000x40x128xf32, #tpu.memory_space<hbm>> -> memref<1x40x128xf32, #tpu.memory_space<hbm>>
      %dma_wait3A_91 = tpu.memref_squeeze %dma_wait3A_90 : memref<1x40x128xf32, #tpu.memory_space<hbm>> -> memref<40x128xf32, #tpu.memory_space<hbm>>
      %dma_wait3A_92 = arith.constant 0 : i32
      %dma_wait3A_93 = arith.constant 0 : i32
      %dma_wait3A_94 = tpu.memref_slice %arg4[%add3A_43, %dma_wait3A_92, %dma_wait3A_93] : memref<4000x40x128xf32, #tpu.memory_space<hbm>> -> memref<1x40x128xf32, #tpu.memory_space<hbm>>
      %dma_wait3A_95 = tpu.memref_squeeze %dma_wait3A_94 : memref<1x40x128xf32, #tpu.memory_space<hbm>> -> memref<40x128xf32, #tpu.memory_space<hbm>>
      tpu.wait_dma2 semaphore(%run_scoped3A : memref<!tpu.dma_semaphore, #tpu.memory_space<semaphore_mem>>) src(%arg6 : memref<40x128xf32, #tpu.memory_space<vmem>>) dst(%dma_wait3A_95 : memref<40x128xf32, #tpu.memory_space<hbm>>)
      tpu.yield
    }) : () -> ()
    %dma_wait3A_44 = arith.constant 4840 : i32
    %dma_wait3A_45 = tpu.memref_slice %arg5[%dma_wait3A_44] : memref<5000xi32, #tpu.memory_space<vmem>> -> memref<40xi32, #tpu.memory_space<vmem>>
    %dma_wait3A_46 = arith.constant 0 : i32
    %dma_wait3A_47 = arith.constant 0 : i32
    %dma_wait3A_48 = tpu.memref_slice %arg11[%dma_wait3A_46, %dma_wait3A_47] : memref<10000x128xf32, #tpu.memory_space<vmem_shared>> -> memref<10000x128xf32, #tpu.memory_space<vmem_shared>>
    tpu.wait_indirect_dma semaphore(%arg13 : memref<!tpu.dma_semaphore, #tpu.memory_space<semaphore_mem>>) src(%dma_wait3A_48 : memref<10000x128xf32, #tpu.memory_space<vmem_shared>>) dst(%arg7 : memref<40x128xf32, #tpu.memory_space<vmem>>)
    %mul3A_49 = arith.constant 125 : i32
    %mul3A_50 = arith.muli %add3A, %mul3A_49 : i32
    %add3A_51 = arith.constant 121 : i32
    %add3A_52 = arith.addi %mul3A_50, %add3A_51 : i32
    "tpu.region"() ({
      %run_scoped3A = tpu.sem_alloc : memref<!tpu.dma_semaphore, #tpu.memory_space<semaphore_mem>>
      %dma_start3A_80 = arith.constant 0 : i32
      %dma_start3A_81 = arith.constant 0 : i32
      %dma_start3A_82 = tpu.memref_slice %arg4[%add3A_52, %dma_start3A_80, %dma_start3A_81] : memref<4000x40x128xf32, #tpu.memory_space<hbm>> -> memref<1x40x128xf32, #tpu.memory_space<hbm>>
      %dma_start3A_83 = tpu.memref_squeeze %dma_start3A_82 : memref<1x40x128xf32, #tpu.memory_space<hbm>> -> memref<40x128xf32, #tpu.memory_space<hbm>>
      %dma_start3A_84 = arith.constant 0 : i32
      %dma_start3A_85 = arith.constant 0 : i32
      %dma_start3A_86 = tpu.memref_slice %arg4[%add3A_52, %dma_start3A_84, %dma_start3A_85] : memref<4000x40x128xf32, #tpu.memory_space<hbm>> -> memref<1x40x128xf32, #tpu.memory_space<hbm>>
      %dma_start3A_87 = tpu.memref_squeeze %dma_start3A_86 : memref<1x40x128xf32, #tpu.memory_space<hbm>> -> memref<40x128xf32, #tpu.memory_space<hbm>>
      tpu.enqueue_dma source(%arg7 : memref<40x128xf32, #tpu.memory_space<vmem>>) target(%dma_start3A_87 : memref<40x128xf32, #tpu.memory_space<hbm>>) target_semaphore(%run_scoped3A : memref<!tpu.dma_semaphore, #tpu.memory_space<semaphore_mem>>)
      %dma_wait3A_88 = arith.constant 0 : i32
      %dma_wait3A_89 = arith.constant 0 : i32
      %dma_wait3A_90 = tpu.memref_slice %arg4[%add3A_52, %dma_wait3A_88, %dma_wait3A_89] : memref<4000x40x128xf32, #tpu.memory_space<hbm>> -> memref<1x40x128xf32, #tpu.memory_space<hbm>>
      %dma_wait3A_91 = tpu.memref_squeeze %dma_wait3A_90 : memref<1x40x128xf32, #tpu.memory_space<hbm>> -> memref<40x128xf32, #tpu.memory_space<hbm>>
      %dma_wait3A_92 = arith.constant 0 : i32
      %dma_wait3A_93 = arith.constant 0 : i32
      %dma_wait3A_94 = tpu.memref_slice %arg4[%add3A_52, %dma_wait3A_92, %dma_wait3A_93] : memref<4000x40x128xf32, #tpu.memory_space<hbm>> -> memref<1x40x128xf32, #tpu.memory_space<hbm>>
      %dma_wait3A_95 = tpu.memref_squeeze %dma_wait3A_94 : memref<1x40x128xf32, #tpu.memory_space<hbm>> -> memref<40x128xf32, #tpu.memory_space<hbm>>
      tpu.wait_dma2 semaphore(%run_scoped3A : memref<!tpu.dma_semaphore, #tpu.memory_space<semaphore_mem>>) src(%arg7 : memref<40x128xf32, #tpu.memory_space<vmem>>) dst(%dma_wait3A_95 : memref<40x128xf32, #tpu.memory_space<hbm>>)
      tpu.yield
    }) : () -> ()
    %dma_wait3A_53 = arith.constant 4880 : i32
    %dma_wait3A_54 = tpu.memref_slice %arg5[%dma_wait3A_53] : memref<5000xi32, #tpu.memory_space<vmem>> -> memref<40xi32, #tpu.memory_space<vmem>>
    %dma_wait3A_55 = arith.constant 0 : i32
    %dma_wait3A_56 = arith.constant 0 : i32
    %dma_wait3A_57 = tpu.memref_slice %arg11[%dma_wait3A_55, %dma_wait3A_56] : memref<10000x128xf32, #tpu.memory_space<vmem_shared>> -> memref<10000x128xf32, #tpu.memory_space<vmem_shared>>
    tpu.wait_indirect_dma semaphore(%arg14 : memref<!tpu.dma_semaphore, #tpu.memory_space<semaphore_mem>>) src(%dma_wait3A_57 : memref<10000x128xf32, #tpu.memory_space<vmem_shared>>) dst(%arg8 : memref<40x128xf32, #tpu.memory_space<vmem>>)
    %mul3A_58 = arith.constant 125 : i32
    %mul3A_59 = arith.muli %add3A, %mul3A_58 : i32
    %add3A_60 = arith.constant 122 : i32
    %add3A_61 = arith.addi %mul3A_59, %add3A_60 : i32
    "tpu.region"() ({
      %run_scoped3A = tpu.sem_alloc : memref<!tpu.dma_semaphore, #tpu.memory_space<semaphore_mem>>
      %dma_start3A_80 = arith.constant 0 : i32
      %dma_start3A_81 = arith.constant 0 : i32
      %dma_start3A_82 = tpu.memref_slice %arg4[%add3A_61, %dma_start3A_80, %dma_start3A_81] : memref<4000x40x128xf32, #tpu.memory_space<hbm>> -> memref<1x40x128xf32, #tpu.memory_space<hbm>>
      %dma_start3A_83 = tpu.memref_squeeze %dma_start3A_82 : memref<1x40x128xf32, #tpu.memory_space<hbm>> -> memref<40x128xf32, #tpu.memory_space<hbm>>
      %dma_start3A_84 = arith.constant 0 : i32
      %dma_start3A_85 = arith.constant 0 : i32
      %dma_start3A_86 = tpu.memref_slice %arg4[%add3A_61, %dma_start3A_84, %dma_start3A_85] : memref<4000x40x128xf32, #tpu.memory_space<hbm>> -> memref<1x40x128xf32, #tpu.memory_space<hbm>>
      %dma_start3A_87 = tpu.memref_squeeze %dma_start3A_86 : memref<1x40x128xf32, #tpu.memory_space<hbm>> -> memref<40x128xf32, #tpu.memory_space<hbm>>
      tpu.enqueue_dma source(%arg8 : memref<40x128xf32, #tpu.memory_space<vmem>>) target(%dma_start3A_87 : memref<40x128xf32, #tpu.memory_space<hbm>>) target_semaphore(%run_scoped3A : memref<!tpu.dma_semaphore, #tpu.memory_space<semaphore_mem>>)
      %dma_wait3A_88 = arith.constant 0 : i32
      %dma_wait3A_89 = arith.constant 0 : i32
      %dma_wait3A_90 = tpu.memref_slice %arg4[%add3A_61, %dma_wait3A_88, %dma_wait3A_89] : memref<4000x40x128xf32, #tpu.memory_space<hbm>> -> memref<1x40x128xf32, #tpu.memory_space<hbm>>
      %dma_wait3A_91 = tpu.memref_squeeze %dma_wait3A_90 : memref<1x40x128xf32, #tpu.memory_space<hbm>> -> memref<40x128xf32, #tpu.memory_space<hbm>>
      %dma_wait3A_92 = arith.constant 0 : i32
      %dma_wait3A_93 = arith.constant 0 : i32
      %dma_wait3A_94 = tpu.memref_slice %arg4[%add3A_61, %dma_wait3A_92, %dma_wait3A_93] : memref<4000x40x128xf32, #tpu.memory_space<hbm>> -> memref<1x40x128xf32, #tpu.memory_space<hbm>>
      %dma_wait3A_95 = tpu.memref_squeeze %dma_wait3A_94 : memref<1x40x128xf32, #tpu.memory_space<hbm>> -> memref<40x128xf32, #tpu.memory_space<hbm>>
      tpu.wait_dma2 semaphore(%run_scoped3A : memref<!tpu.dma_semaphore, #tpu.memory_space<semaphore_mem>>) src(%arg8 : memref<40x128xf32, #tpu.memory_space<vmem>>) dst(%dma_wait3A_95 : memref<40x128xf32, #tpu.memory_space<hbm>>)
      tpu.yield
    }) : () -> ()
    %dma_wait3A_62 = arith.constant 4920 : i32
    %dma_wait3A_63 = tpu.memref_slice %arg5[%dma_wait3A_62] : memref<5000xi32, #tpu.memory_space<vmem>> -> memref<40xi32, #tpu.memory_space<vmem>>
    %dma_wait3A_64 = arith.constant 0 : i32
    %dma_wait3A_65 = arith.constant 0 : i32
    %dma_wait3A_66 = tpu.memref_slice %arg11[%dma_wait3A_64, %dma_wait3A_65] : memref<10000x128xf32, #tpu.memory_space<vmem_shared>> -> memref<10000x128xf32, #tpu.memory_space<vmem_shared>>
    tpu.wait_indirect_dma semaphore(%arg15 : memref<!tpu.dma_semaphore, #tpu.memory_space<semaphore_mem>>) src(%dma_wait3A_66 : memref<10000x128xf32, #tpu.memory_space<vmem_shared>>) dst(%arg9 : memref<40x128xf32, #tpu.memory_space<vmem>>)
    %mul3A_67 = arith.constant 125 : i32
    %mul3A_68 = arith.muli %add3A, %mul3A_67 : i32
    %add3A_69 = arith.constant 123 : i32
    %add3A_70 = arith.addi %mul3A_68, %add3A_69 : i32
    "tpu.region"() ({
      %run_scoped3A = tpu.sem_alloc : memref<!tpu.dma_semaphore, #tpu.memory_space<semaphore_mem>>
      %dma_start3A_80 = arith.constant 0 : i32
      %dma_start3A_81 = arith.constant 0 : i32
      %dma_start3A_82 = tpu.memref_slice %arg4[%add3A_70, %dma_start3A_80, %dma_start3A_81] : memref<4000x40x128xf32, #tpu.memory_space<hbm>> -> memref<1x40x128xf32, #tpu.memory_space<hbm>>
      %dma_start3A_83 = tpu.memref_squeeze %dma_start3A_82 : memref<1x40x128xf32, #tpu.memory_space<hbm>> -> memref<40x128xf32, #tpu.memory_space<hbm>>
      %dma_start3A_84 = arith.constant 0 : i32
      %dma_start3A_85 = arith.constant 0 : i32
      %dma_start3A_86 = tpu.memref_slice %arg4[%add3A_70, %dma_start3A_84, %dma_start3A_85] : memref<4000x40x128xf32, #tpu.memory_space<hbm>> -> memref<1x40x128xf32, #tpu.memory_space<hbm>>
      %dma_start3A_87 = tpu.memref_squeeze %dma_start3A_86 : memref<1x40x128xf32, #tpu.memory_space<hbm>> -> memref<40x128xf32, #tpu.memory_space<hbm>>
      tpu.enqueue_dma source(%arg9 : memref<40x128xf32, #tpu.memory_space<vmem>>) target(%dma_start3A_87 : memref<40x128xf32, #tpu.memory_space<hbm>>) target_semaphore(%run_scoped3A : memref<!tpu.dma_semaphore, #tpu.memory_space<semaphore_mem>>)
      %dma_wait3A_88 = arith.constant 0 : i32
      %dma_wait3A_89 = arith.constant 0 : i32
      %dma_wait3A_90 = tpu.memref_slice %arg4[%add3A_70, %dma_wait3A_88, %dma_wait3A_89] : memref<4000x40x128xf32, #tpu.memory_space<hbm>> -> memref<1x40x128xf32, #tpu.memory_space<hbm>>
      %dma_wait3A_91 = tpu.memref_squeeze %dma_wait3A_90 : memref<1x40x128xf32, #tpu.memory_space<hbm>> -> memref<40x128xf32, #tpu.memory_space<hbm>>
      %dma_wait3A_92 = arith.constant 0 : i32
      %dma_wait3A_93 = arith.constant 0 : i32
      %dma_wait3A_94 = tpu.memref_slice %arg4[%add3A_70, %dma_wait3A_92, %dma_wait3A_93] : memref<4000x40x128xf32, #tpu.memory_space<hbm>> -> memref<1x40x128xf32, #tpu.memory_space<hbm>>
      %dma_wait3A_95 = tpu.memref_squeeze %dma_wait3A_94 : memref<1x40x128xf32, #tpu.memory_space<hbm>> -> memref<40x128xf32, #tpu.memory_space<hbm>>
      tpu.wait_dma2 semaphore(%run_scoped3A : memref<!tpu.dma_semaphore, #tpu.memory_space<semaphore_mem>>) src(%arg9 : memref<40x128xf32, #tpu.memory_space<vmem>>) dst(%dma_wait3A_95 : memref<40x128xf32, #tpu.memory_space<hbm>>)
      tpu.yield
    }) : () -> ()
    %dma_wait3A_71 = arith.constant 4960 : i32
    %dma_wait3A_72 = tpu.memref_slice %arg5[%dma_wait3A_71] : memref<5000xi32, #tpu.memory_space<vmem>> -> memref<40xi32, #tpu.memory_space<vmem>>
    %dma_wait3A_73 = arith.constant 0 : i32
    %dma_wait3A_74 = arith.constant 0 : i32
    %dma_wait3A_75 = tpu.memref_slice %arg11[%dma_wait3A_73, %dma_wait3A_74] : memref<10000x128xf32, #tpu.memory_space<vmem_shared>> -> memref<10000x128xf32, #tpu.memory_space<vmem_shared>>
    tpu.wait_indirect_dma semaphore(%arg16 : memref<!tpu.dma_semaphore, #tpu.memory_space<semaphore_mem>>) src(%dma_wait3A_75 : memref<10000x128xf32, #tpu.memory_space<vmem_shared>>) dst(%arg10 : memref<40x128xf32, #tpu.memory_space<vmem>>)
    %mul3A_76 = arith.constant 125 : i32
    %mul3A_77 = arith.muli %add3A, %mul3A_76 : i32
    %add3A_78 = arith.constant 124 : i32
    %add3A_79 = arith.addi %mul3A_77, %add3A_78 : i32
    "tpu.region"() ({
      %run_scoped3A = tpu.sem_alloc : memref<!tpu.dma_semaphore, #tpu.memory_space<semaphore_mem>>
      %dma_start3A_80 = arith.constant 0 : i32
      %dma_start3A_81 = arith.constant 0 : i32
      %dma_start3A_82 = tpu.memref_slice %arg4[%add3A_79, %dma_start3A_80, %dma_start3A_81] : memref<4000x40x128xf32, #tpu.memory_space<hbm>> -> memref<1x40x128xf32, #tpu.memory_space<hbm>>
      %dma_start3A_83 = tpu.memref_squeeze %dma_start3A_82 : memref<1x40x128xf32, #tpu.memory_space<hbm>> -> memref<40x128xf32, #tpu.memory_space<hbm>>
      %dma_start3A_84 = arith.constant 0 : i32
      %dma_start3A_85 = arith.constant 0 : i32
      %dma_start3A_86 = tpu.memref_slice %arg4[%add3A_79, %dma_start3A_84, %dma_start3A_85] : memref<4000x40x128xf32, #tpu.memory_space<hbm>> -> memref<1x40x128xf32, #tpu.memory_space<hbm>>
      %dma_start3A_87 = tpu.memref_squeeze %dma_start3A_86 : memref<1x40x128xf32, #tpu.memory_space<hbm>> -> memref<40x128xf32, #tpu.memory_space<hbm>>
      tpu.enqueue_dma source(%arg10 : memref<40x128xf32, #tpu.memory_space<vmem>>) target(%dma_start3A_87 : memref<40x128xf32, #tpu.memory_space<hbm>>) target_semaphore(%run_scoped3A : memref<!tpu.dma_semaphore, #tpu.memory_space<semaphore_mem>>)
      %dma_wait3A_88 = arith.constant 0 : i32
      %dma_wait3A_89 = arith.constant 0 : i32
      %dma_wait3A_90 = tpu.memref_slice %arg4[%add3A_79, %dma_wait3A_88, %dma_wait3A_89] : memref<4000x40x128xf32, #tpu.memory_space<hbm>> -> memref<1x40x128xf32, #tpu.memory_space<hbm>>
      %dma_wait3A_91 = tpu.memref_squeeze %dma_wait3A_90 : memref<1x40x128xf32, #tpu.memory_space<hbm>> -> memref<40x128xf32, #tpu.memory_space<hbm>>
      %dma_wait3A_92 = arith.constant 0 : i32
      %dma_wait3A_93 = arith.constant 0 : i32
      %dma_wait3A_94 = tpu.memref_slice %arg4[%add3A_79, %dma_wait3A_92, %dma_wait3A_93] : memref<4000x40x128xf32, #tpu.memory_space<hbm>> -> memref<1x40x128xf32, #tpu.memory_space<hbm>>
      %dma_wait3A_95 = tpu.memref_squeeze %dma_wait3A_94 : memref<1x40x128xf32, #tpu.memory_space<hbm>> -> memref<40x128xf32, #tpu.memory_space<hbm>>
      tpu.wait_dma2 semaphore(%run_scoped3A : memref<!tpu.dma_semaphore, #tpu.memory_space<semaphore_mem>>) src(%arg10 : memref<40x128xf32, #tpu.memory_space<vmem>>) dst(%dma_wait3A_95 : memref<40x128xf32, #tpu.memory_space<hbm>>)
      tpu.yield
    }) : () -> ()
    return
  }
}

#map = affine_map<(d0, d1) -> (0, 0, 0)>
#map1 = affine_map<(d0, d1) -> (0, 0, 0, 0)>
#map2 = affine_map<(d0, d1) -> (0, 0)>
module attributes {stable_mosaic.version = 14 : i64} {
  func.func @scatter_kernel(%arg0: i32, %arg1: i32, %arg2: memref<4000x40x128xf32, #tpu.memory_space<hbm>>, %arg3: memref<2x32x125x40xi32, #tpu.memory_space<hbm>>, %arg4: memref<10000x128xf32, #tpu.memory_space<hbm>>, %arg5: memref<2x10000x128xf32, #tpu.memory_space<hbm>>, %arg6: memref<125x40xi32, #tpu.memory_space<vmem>>, %arg7: memref<40x128xf32, #tpu.memory_space<vmem>>, %arg8: memref<40x128xf32, #tpu.memory_space<vmem>>, %arg9: memref<40x128xf32, #tpu.memory_space<vmem>>, %arg10: memref<40x128xf32, #tpu.memory_space<vmem>>, %arg11: memref<40x128xf32, #tpu.memory_space<vmem>>, %arg12: memref<10000x128xf32, #tpu.memory_space<vmem_shared>>, %arg13: memref<!tpu.dma_semaphore, #tpu.memory_space<semaphore_mem>>, %arg14: memref<!tpu.dma_semaphore, #tpu.memory_space<semaphore_mem>>, %arg15: memref<!tpu.dma_semaphore, #tpu.memory_space<semaphore_mem>>, %arg16: memref<!tpu.dma_semaphore, #tpu.memory_space<semaphore_mem>>, %arg17: memref<!tpu.dma_semaphore, #tpu.memory_space<semaphore_mem>>) attributes {dimension_semantics = [#tpu.dimension_semantics<core_parallel>, #tpu.dimension_semantics<subcore_parallel>], iteration_bounds = array<i64: 2, 16>, scalar_prefetch = 0 : i64, scratch_operands = 12 : i64, tpu.core_type = #tpu.core_type<sc_vector_subcore>, window_params = [{transform_indices = #map}, {transform_indices = #map1}, {transform_indices = #map2}, {transform_indices = #map}]} {
    %mul3A = arith.constant 2 : i32
    %mul3A_0 = arith.muli %arg1, %mul3A : i32
    %add3A = arith.addi %mul3A_0, %arg0 : i32
    %mul3A_1 = arith.constant 5000 : i32
    %mul3A_2 = arith.muli %add3A, %mul3A_1 : i32
    %eq3A = arith.constant 0 : i32
    %eq3A_3 = arith.cmpi eq, %arg1, %eq3A : i32
    %convert_element_type3A = arith.extui %eq3A_3 : i1 to i32
    %cond3A = arith.constant 0 : i32
    %cond3A_4 = arith.cmpi ne, %convert_element_type3A, %cond3A : i32
    scf.if %cond3A_4 {
      "tpu.region"() ({
        %run_scoped3A_139 = tpu.sem_alloc : memref<!tpu.dma_semaphore, #tpu.memory_space<semaphore_mem>>
        tpu.enqueue_dma source(%arg4 : memref<10000x128xf32, #tpu.memory_space<hbm>>) target(%arg12 : memref<10000x128xf32, #tpu.memory_space<vmem_shared>>) target_semaphore(%run_scoped3A_139 : memref<!tpu.dma_semaphore, #tpu.memory_space<semaphore_mem>>)
        tpu.wait_dma2 semaphore(%run_scoped3A_139 : memref<!tpu.dma_semaphore, #tpu.memory_space<semaphore_mem>>) src(%arg4 : memref<10000x128xf32, #tpu.memory_space<hbm>>) dst(%arg12 : memref<10000x128xf32, #tpu.memory_space<vmem_shared>>)
        tpu.yield
      }) : () -> ()
    } else {
    }
    %run_scoped3A = arith.constant 1 : i32
    "tpu.region"() ({
      %run_scoped3A_139 = tpu.sem_alloc : memref<!tpu.dma_semaphore, #tpu.memory_space<semaphore_mem>>
      %dma_start3A_140 = arith.constant 0 : i32
      %dma_start3A_141 = arith.constant 0 : i32
      %dma_start3A_142 = tpu.memref_slice %arg3[%run_scoped3A, %add3A, %dma_start3A_140, %dma_start3A_141] : memref<2x32x125x40xi32, #tpu.memory_space<hbm>> -> memref<1x1x125x40xi32, #tpu.memory_space<hbm>>
      %dma_start3A_143 = tpu.memref_squeeze %dma_start3A_142 : memref<1x1x125x40xi32, #tpu.memory_space<hbm>> -> memref<125x40xi32, #tpu.memory_space<hbm>>
      %dma_start3A_144 = arith.constant 0 : i32
      %dma_start3A_145 = arith.constant 0 : i32
      %dma_start3A_146 = tpu.memref_slice %arg3[%run_scoped3A, %add3A, %dma_start3A_144, %dma_start3A_145] : memref<2x32x125x40xi32, #tpu.memory_space<hbm>> -> memref<1x1x125x40xi32, #tpu.memory_space<hbm>>
      %dma_start3A_147 = tpu.memref_squeeze %dma_start3A_146 : memref<1x1x125x40xi32, #tpu.memory_space<hbm>> -> memref<125x40xi32, #tpu.memory_space<hbm>>
      tpu.enqueue_dma source(%dma_start3A_147 : memref<125x40xi32, #tpu.memory_space<hbm>>) target(%arg6 : memref<125x40xi32, #tpu.memory_space<vmem>>) target_semaphore(%run_scoped3A_139 : memref<!tpu.dma_semaphore, #tpu.memory_space<semaphore_mem>>)
      %dma_wait3A_148 = arith.constant 0 : i32
      %dma_wait3A_149 = arith.constant 0 : i32
      %dma_wait3A_150 = tpu.memref_slice %arg3[%run_scoped3A, %add3A, %dma_wait3A_148, %dma_wait3A_149] : memref<2x32x125x40xi32, #tpu.memory_space<hbm>> -> memref<1x1x125x40xi32, #tpu.memory_space<hbm>>
      %dma_wait3A_151 = tpu.memref_squeeze %dma_wait3A_150 : memref<1x1x125x40xi32, #tpu.memory_space<hbm>> -> memref<125x40xi32, #tpu.memory_space<hbm>>
      %dma_wait3A_152 = arith.constant 0 : i32
      %dma_wait3A_153 = arith.constant 0 : i32
      %dma_wait3A_154 = tpu.memref_slice %arg3[%run_scoped3A, %add3A, %dma_wait3A_152, %dma_wait3A_153] : memref<2x32x125x40xi32, #tpu.memory_space<hbm>> -> memref<1x1x125x40xi32, #tpu.memory_space<hbm>>
      %dma_wait3A_155 = tpu.memref_squeeze %dma_wait3A_154 : memref<1x1x125x40xi32, #tpu.memory_space<hbm>> -> memref<125x40xi32, #tpu.memory_space<hbm>>
      tpu.wait_dma2 semaphore(%run_scoped3A_139 : memref<!tpu.dma_semaphore, #tpu.memory_space<semaphore_mem>>) src(%dma_wait3A_155 : memref<125x40xi32, #tpu.memory_space<hbm>>) dst(%arg6 : memref<125x40xi32, #tpu.memory_space<vmem>>)
      tpu.yield
    }) : () -> ()
    %barrier3A = arith.constant 0 : index
    tpu.barrier barrier_id(%barrier3A)
    %mul3A_5 = arith.constant 125 : i32
    %mul3A_6 = arith.muli %add3A, %mul3A_5 : i32
    %add3A_7 = arith.constant 0 : i32
    %add3A_8 = arith.addi %mul3A_6, %add3A_7 : i32
    %dma_start3A = arith.constant 0 : i32
    %dma_start3A_9 = arith.constant 0 : i32
    %dma_start3A_10 = tpu.memref_slice %arg2[%add3A_8, %dma_start3A, %dma_start3A_9] : memref<4000x40x128xf32, #tpu.memory_space<hbm>> -> memref<1x40x128xf32, #tpu.memory_space<hbm>>
    %dma_start3A_11 = tpu.memref_squeeze %dma_start3A_10 : memref<1x40x128xf32, #tpu.memory_space<hbm>> -> memref<40x128xf32, #tpu.memory_space<hbm>>
    %dma_start3A_12 = arith.constant 0 : i32
    %dma_start3A_13 = arith.constant 0 : i32
    %dma_start3A_14 = tpu.memref_slice %arg2[%add3A_8, %dma_start3A_12, %dma_start3A_13] : memref<4000x40x128xf32, #tpu.memory_space<hbm>> -> memref<1x40x128xf32, #tpu.memory_space<hbm>>
    %dma_start3A_15 = tpu.memref_squeeze %dma_start3A_14 : memref<1x40x128xf32, #tpu.memory_space<hbm>> -> memref<40x128xf32, #tpu.memory_space<hbm>>
    tpu.enqueue_dma source(%dma_start3A_15 : memref<40x128xf32, #tpu.memory_space<hbm>>) target(%arg7 : memref<40x128xf32, #tpu.memory_space<vmem>>) target_semaphore(%arg13 : memref<!tpu.dma_semaphore, #tpu.memory_space<semaphore_mem>>)
    %mul3A_16 = arith.constant 125 : i32
    %mul3A_17 = arith.muli %add3A, %mul3A_16 : i32
    %add3A_18 = arith.constant 1 : i32
    %add3A_19 = arith.addi %mul3A_17, %add3A_18 : i32
    %dma_start3A_20 = arith.constant 0 : i32
    %dma_start3A_21 = arith.constant 0 : i32
    %dma_start3A_22 = tpu.memref_slice %arg2[%add3A_19, %dma_start3A_20, %dma_start3A_21] : memref<4000x40x128xf32, #tpu.memory_space<hbm>> -> memref<1x40x128xf32, #tpu.memory_space<hbm>>
    %dma_start3A_23 = tpu.memref_squeeze %dma_start3A_22 : memref<1x40x128xf32, #tpu.memory_space<hbm>> -> memref<40x128xf32, #tpu.memory_space<hbm>>
    %dma_start3A_24 = arith.constant 0 : i32
    %dma_start3A_25 = arith.constant 0 : i32
    %dma_start3A_26 = tpu.memref_slice %arg2[%add3A_19, %dma_start3A_24, %dma_start3A_25] : memref<4000x40x128xf32, #tpu.memory_space<hbm>> -> memref<1x40x128xf32, #tpu.memory_space<hbm>>
    %dma_start3A_27 = tpu.memref_squeeze %dma_start3A_26 : memref<1x40x128xf32, #tpu.memory_space<hbm>> -> memref<40x128xf32, #tpu.memory_space<hbm>>
    tpu.enqueue_dma source(%dma_start3A_27 : memref<40x128xf32, #tpu.memory_space<hbm>>) target(%arg8 : memref<40x128xf32, #tpu.memory_space<vmem>>) target_semaphore(%arg14 : memref<!tpu.dma_semaphore, #tpu.memory_space<semaphore_mem>>)
    %mul3A_28 = arith.constant 125 : i32
    %mul3A_29 = arith.muli %add3A, %mul3A_28 : i32
    %add3A_30 = arith.constant 2 : i32
    %add3A_31 = arith.addi %mul3A_29, %add3A_30 : i32
    %dma_start3A_32 = arith.constant 0 : i32
    %dma_start3A_33 = arith.constant 0 : i32
    %dma_start3A_34 = tpu.memref_slice %arg2[%add3A_31, %dma_start3A_32, %dma_start3A_33] : memref<4000x40x128xf32, #tpu.memory_space<hbm>> -> memref<1x40x128xf32, #tpu.memory_space<hbm>>
    %dma_start3A_35 = tpu.memref_squeeze %dma_start3A_34 : memref<1x40x128xf32, #tpu.memory_space<hbm>> -> memref<40x128xf32, #tpu.memory_space<hbm>>
    %dma_start3A_36 = arith.constant 0 : i32
    %dma_start3A_37 = arith.constant 0 : i32
    %dma_start3A_38 = tpu.memref_slice %arg2[%add3A_31, %dma_start3A_36, %dma_start3A_37] : memref<4000x40x128xf32, #tpu.memory_space<hbm>> -> memref<1x40x128xf32, #tpu.memory_space<hbm>>
    %dma_start3A_39 = tpu.memref_squeeze %dma_start3A_38 : memref<1x40x128xf32, #tpu.memory_space<hbm>> -> memref<40x128xf32, #tpu.memory_space<hbm>>
    tpu.enqueue_dma source(%dma_start3A_39 : memref<40x128xf32, #tpu.memory_space<hbm>>) target(%arg9 : memref<40x128xf32, #tpu.memory_space<vmem>>) target_semaphore(%arg15 : memref<!tpu.dma_semaphore, #tpu.memory_space<semaphore_mem>>)
    %mul3A_40 = arith.constant 125 : i32
    %mul3A_41 = arith.muli %add3A, %mul3A_40 : i32
    %add3A_42 = arith.constant 3 : i32
    %add3A_43 = arith.addi %mul3A_41, %add3A_42 : i32
    %dma_start3A_44 = arith.constant 0 : i32
    %dma_start3A_45 = arith.constant 0 : i32
    %dma_start3A_46 = tpu.memref_slice %arg2[%add3A_43, %dma_start3A_44, %dma_start3A_45] : memref<4000x40x128xf32, #tpu.memory_space<hbm>> -> memref<1x40x128xf32, #tpu.memory_space<hbm>>
    %dma_start3A_47 = tpu.memref_squeeze %dma_start3A_46 : memref<1x40x128xf32, #tpu.memory_space<hbm>> -> memref<40x128xf32, #tpu.memory_space<hbm>>
    %dma_start3A_48 = arith.constant 0 : i32
    %dma_start3A_49 = arith.constant 0 : i32
    %dma_start3A_50 = tpu.memref_slice %arg2[%add3A_43, %dma_start3A_48, %dma_start3A_49] : memref<4000x40x128xf32, #tpu.memory_space<hbm>> -> memref<1x40x128xf32, #tpu.memory_space<hbm>>
    %dma_start3A_51 = tpu.memref_squeeze %dma_start3A_50 : memref<1x40x128xf32, #tpu.memory_space<hbm>> -> memref<40x128xf32, #tpu.memory_space<hbm>>
    tpu.enqueue_dma source(%dma_start3A_51 : memref<40x128xf32, #tpu.memory_space<hbm>>) target(%arg10 : memref<40x128xf32, #tpu.memory_space<vmem>>) target_semaphore(%arg16 : memref<!tpu.dma_semaphore, #tpu.memory_space<semaphore_mem>>)
    %mul3A_52 = arith.constant 125 : i32
    %mul3A_53 = arith.muli %add3A, %mul3A_52 : i32
    %add3A_54 = arith.constant 4 : i32
    %add3A_55 = arith.addi %mul3A_53, %add3A_54 : i32
    %dma_start3A_56 = arith.constant 0 : i32
    %dma_start3A_57 = arith.constant 0 : i32
    %dma_start3A_58 = tpu.memref_slice %arg2[%add3A_55, %dma_start3A_56, %dma_start3A_57] : memref<4000x40x128xf32, #tpu.memory_space<hbm>> -> memref<1x40x128xf32, #tpu.memory_space<hbm>>
    %dma_start3A_59 = tpu.memref_squeeze %dma_start3A_58 : memref<1x40x128xf32, #tpu.memory_space<hbm>> -> memref<40x128xf32, #tpu.memory_space<hbm>>
    %dma_start3A_60 = arith.constant 0 : i32
    %dma_start3A_61 = arith.constant 0 : i32
    %dma_start3A_62 = tpu.memref_slice %arg2[%add3A_55, %dma_start3A_60, %dma_start3A_61] : memref<4000x40x128xf32, #tpu.memory_space<hbm>> -> memref<1x40x128xf32, #tpu.memory_space<hbm>>
    %dma_start3A_63 = tpu.memref_squeeze %dma_start3A_62 : memref<1x40x128xf32, #tpu.memory_space<hbm>> -> memref<40x128xf32, #tpu.memory_space<hbm>>
    tpu.enqueue_dma source(%dma_start3A_63 : memref<40x128xf32, #tpu.memory_space<hbm>>) target(%arg11 : memref<40x128xf32, #tpu.memory_space<vmem>>) target_semaphore(%arg17 : memref<!tpu.dma_semaphore, #tpu.memory_space<semaphore_mem>>)
    %scan3A = arith.constant 0 : i32
    %scan3A_64 = arith.constant 0 : i32
    %scan3A_65 = arith.constant 24 : i32
    %scan3A_66 = arith.addi %scan3A_64, %scan3A_65 : i32
    %scan3A_67 = arith.constant 1 : i32
    scf.for %scan3A_139 = %scan3A_64 to %scan3A_66 step %scan3A_67  : i32 {
      %mul3A_140 = arith.constant 5 : i32
      %mul3A_141 = arith.muli %scan3A_139, %mul3A_140 : i32
      %add3A_142 = arith.constant 0 : i32
      %add3A_143 = arith.addi %mul3A_141, %add3A_142 : i32
      %mul3A_144 = arith.constant 125 : i32
      %mul3A_145 = arith.muli %add3A, %mul3A_144 : i32
      %add3A_146 = arith.addi %mul3A_145, %add3A_143 : i32
      %dma_wait3A_147 = arith.constant 0 : i32
      %dma_wait3A_148 = arith.constant 0 : i32
      %dma_wait3A_149 = tpu.memref_slice %arg2[%add3A_146, %dma_wait3A_147, %dma_wait3A_148] : memref<4000x40x128xf32, #tpu.memory_space<hbm>> -> memref<1x40x128xf32, #tpu.memory_space<hbm>>
      %dma_wait3A_150 = tpu.memref_squeeze %dma_wait3A_149 : memref<1x40x128xf32, #tpu.memory_space<hbm>> -> memref<40x128xf32, #tpu.memory_space<hbm>>
      %dma_wait3A_151 = arith.constant 0 : i32
      %dma_wait3A_152 = arith.constant 0 : i32
      %dma_wait3A_153 = tpu.memref_slice %arg2[%add3A_146, %dma_wait3A_151, %dma_wait3A_152] : memref<4000x40x128xf32, #tpu.memory_space<hbm>> -> memref<1x40x128xf32, #tpu.memory_space<hbm>>
      %dma_wait3A_154 = tpu.memref_squeeze %dma_wait3A_153 : memref<1x40x128xf32, #tpu.memory_space<hbm>> -> memref<40x128xf32, #tpu.memory_space<hbm>>
      tpu.wait_dma2 semaphore(%arg13 : memref<!tpu.dma_semaphore, #tpu.memory_space<semaphore_mem>>) src(%dma_wait3A_154 : memref<40x128xf32, #tpu.memory_space<hbm>>) dst(%arg7 : memref<40x128xf32, #tpu.memory_space<vmem>>)
      "tpu.region"() ({
        %run_scoped3A_280 = tpu.sem_alloc : memref<!tpu.dma_semaphore, #tpu.memory_space<semaphore_mem>>
        %dma_start3A_281 = arith.constant 0 : i32
        %dma_start3A_282 = tpu.memref_slice %arg6[%add3A_143, %dma_start3A_281] : memref<125x40xi32, #tpu.memory_space<vmem>> -> memref<1x40xi32, #tpu.memory_space<vmem>>
        %dma_start3A_283 = tpu.memref_squeeze %dma_start3A_282 : memref<1x40xi32, #tpu.memory_space<vmem>> -> memref<40xi32, #tpu.memory_space<vmem>>
        %dma_start3A_284 = arith.constant 0 : i32
        %dma_start3A_285 = arith.constant 0 : i32
        %dma_start3A_286 = tpu.memref_slice %arg12[%dma_start3A_284, %dma_start3A_285] : memref<10000x128xf32, #tpu.memory_space<vmem_shared>> -> memref<10000x128xf32, #tpu.memory_space<vmem_shared>>
        tpu.enqueue_indirect_dma source(%arg7 : memref<40x128xf32, #tpu.memory_space<vmem>>) target(%dma_start3A_286 : memref<10000x128xf32, #tpu.memory_space<vmem_shared>>) offsets(%dma_start3A_283 : memref<40xi32, #tpu.memory_space<vmem>>) semaphore(%run_scoped3A_280 : memref<!tpu.dma_semaphore, #tpu.memory_space<semaphore_mem>>) {add = true}
        %dma_wait3A_287 = arith.constant 0 : i32
        %dma_wait3A_288 = tpu.memref_slice %arg6[%add3A_143, %dma_wait3A_287] : memref<125x40xi32, #tpu.memory_space<vmem>> -> memref<1x40xi32, #tpu.memory_space<vmem>>
        %dma_wait3A_289 = tpu.memref_squeeze %dma_wait3A_288 : memref<1x40xi32, #tpu.memory_space<vmem>> -> memref<40xi32, #tpu.memory_space<vmem>>
        %dma_wait3A_290 = arith.constant 0 : i32
        %dma_wait3A_291 = arith.constant 0 : i32
        %dma_wait3A_292 = tpu.memref_slice %arg12[%dma_wait3A_290, %dma_wait3A_291] : memref<10000x128xf32, #tpu.memory_space<vmem_shared>> -> memref<10000x128xf32, #tpu.memory_space<vmem_shared>>
        tpu.wait_indirect_dma semaphore(%run_scoped3A_280 : memref<!tpu.dma_semaphore, #tpu.memory_space<semaphore_mem>>) src(%arg7 : memref<40x128xf32, #tpu.memory_space<vmem>>) dst(%dma_wait3A_292 : memref<10000x128xf32, #tpu.memory_space<vmem_shared>>)
        tpu.yield
      }) : () -> ()
      %add3A_155 = arith.constant 5 : i32
      %add3A_156 = arith.addi %add3A_143, %add3A_155 : i32
      %mul3A_157 = arith.constant 125 : i32
      %mul3A_158 = arith.muli %add3A, %mul3A_157 : i32
      %add3A_159 = arith.addi %mul3A_158, %add3A_156 : i32
      %dma_start3A_160 = arith.constant 0 : i32
      %dma_start3A_161 = arith.constant 0 : i32
      %dma_start3A_162 = tpu.memref_slice %arg2[%add3A_159, %dma_start3A_160, %dma_start3A_161] : memref<4000x40x128xf32, #tpu.memory_space<hbm>> -> memref<1x40x128xf32, #tpu.memory_space<hbm>>
      %dma_start3A_163 = tpu.memref_squeeze %dma_start3A_162 : memref<1x40x128xf32, #tpu.memory_space<hbm>> -> memref<40x128xf32, #tpu.memory_space<hbm>>
      %dma_start3A_164 = arith.constant 0 : i32
      %dma_start3A_165 = arith.constant 0 : i32
      %dma_start3A_166 = tpu.memref_slice %arg2[%add3A_159, %dma_start3A_164, %dma_start3A_165] : memref<4000x40x128xf32, #tpu.memory_space<hbm>> -> memref<1x40x128xf32, #tpu.memory_space<hbm>>
      %dma_start3A_167 = tpu.memref_squeeze %dma_start3A_166 : memref<1x40x128xf32, #tpu.memory_space<hbm>> -> memref<40x128xf32, #tpu.memory_space<hbm>>
      tpu.enqueue_dma source(%dma_start3A_167 : memref<40x128xf32, #tpu.memory_space<hbm>>) target(%arg7 : memref<40x128xf32, #tpu.memory_space<vmem>>) target_semaphore(%arg13 : memref<!tpu.dma_semaphore, #tpu.memory_space<semaphore_mem>>)
      %mul3A_168 = arith.constant 5 : i32
      %mul3A_169 = arith.muli %scan3A_139, %mul3A_168 : i32
      %add3A_170 = arith.constant 1 : i32
      %add3A_171 = arith.addi %mul3A_169, %add3A_170 : i32
      %mul3A_172 = arith.constant 125 : i32
      %mul3A_173 = arith.muli %add3A, %mul3A_172 : i32
      %add3A_174 = arith.addi %mul3A_173, %add3A_171 : i32
      %dma_wait3A_175 = arith.constant 0 : i32
      %dma_wait3A_176 = arith.constant 0 : i32
      %dma_wait3A_177 = tpu.memref_slice %arg2[%add3A_174, %dma_wait3A_175, %dma_wait3A_176] : memref<4000x40x128xf32, #tpu.memory_space<hbm>> -> memref<1x40x128xf32, #tpu.memory_space<hbm>>
      %dma_wait3A_178 = tpu.memref_squeeze %dma_wait3A_177 : memref<1x40x128xf32, #tpu.memory_space<hbm>> -> memref<40x128xf32, #tpu.memory_space<hbm>>
      %dma_wait3A_179 = arith.constant 0 : i32
      %dma_wait3A_180 = arith.constant 0 : i32
      %dma_wait3A_181 = tpu.memref_slice %arg2[%add3A_174, %dma_wait3A_179, %dma_wait3A_180] : memref<4000x40x128xf32, #tpu.memory_space<hbm>> -> memref<1x40x128xf32, #tpu.memory_space<hbm>>
      %dma_wait3A_182 = tpu.memref_squeeze %dma_wait3A_181 : memref<1x40x128xf32, #tpu.memory_space<hbm>> -> memref<40x128xf32, #tpu.memory_space<hbm>>
      tpu.wait_dma2 semaphore(%arg14 : memref<!tpu.dma_semaphore, #tpu.memory_space<semaphore_mem>>) src(%dma_wait3A_182 : memref<40x128xf32, #tpu.memory_space<hbm>>) dst(%arg8 : memref<40x128xf32, #tpu.memory_space<vmem>>)
      "tpu.region"() ({
        %run_scoped3A_280 = tpu.sem_alloc : memref<!tpu.dma_semaphore, #tpu.memory_space<semaphore_mem>>
        %dma_start3A_281 = arith.constant 0 : i32
        %dma_start3A_282 = tpu.memref_slice %arg6[%add3A_171, %dma_start3A_281] : memref<125x40xi32, #tpu.memory_space<vmem>> -> memref<1x40xi32, #tpu.memory_space<vmem>>
        %dma_start3A_283 = tpu.memref_squeeze %dma_start3A_282 : memref<1x40xi32, #tpu.memory_space<vmem>> -> memref<40xi32, #tpu.memory_space<vmem>>
        %dma_start3A_284 = arith.constant 0 : i32
        %dma_start3A_285 = arith.constant 0 : i32
        %dma_start3A_286 = tpu.memref_slice %arg12[%dma_start3A_284, %dma_start3A_285] : memref<10000x128xf32, #tpu.memory_space<vmem_shared>> -> memref<10000x128xf32, #tpu.memory_space<vmem_shared>>
        tpu.enqueue_indirect_dma source(%arg8 : memref<40x128xf32, #tpu.memory_space<vmem>>) target(%dma_start3A_286 : memref<10000x128xf32, #tpu.memory_space<vmem_shared>>) offsets(%dma_start3A_283 : memref<40xi32, #tpu.memory_space<vmem>>) semaphore(%run_scoped3A_280 : memref<!tpu.dma_semaphore, #tpu.memory_space<semaphore_mem>>) {add = true}
        %dma_wait3A_287 = arith.constant 0 : i32
        %dma_wait3A_288 = tpu.memref_slice %arg6[%add3A_171, %dma_wait3A_287] : memref<125x40xi32, #tpu.memory_space<vmem>> -> memref<1x40xi32, #tpu.memory_space<vmem>>
        %dma_wait3A_289 = tpu.memref_squeeze %dma_wait3A_288 : memref<1x40xi32, #tpu.memory_space<vmem>> -> memref<40xi32, #tpu.memory_space<vmem>>
        %dma_wait3A_290 = arith.constant 0 : i32
        %dma_wait3A_291 = arith.constant 0 : i32
        %dma_wait3A_292 = tpu.memref_slice %arg12[%dma_wait3A_290, %dma_wait3A_291] : memref<10000x128xf32, #tpu.memory_space<vmem_shared>> -> memref<10000x128xf32, #tpu.memory_space<vmem_shared>>
        tpu.wait_indirect_dma semaphore(%run_scoped3A_280 : memref<!tpu.dma_semaphore, #tpu.memory_space<semaphore_mem>>) src(%arg8 : memref<40x128xf32, #tpu.memory_space<vmem>>) dst(%dma_wait3A_292 : memref<10000x128xf32, #tpu.memory_space<vmem_shared>>)
        tpu.yield
      }) : () -> ()
      %add3A_183 = arith.constant 5 : i32
      %add3A_184 = arith.addi %add3A_171, %add3A_183 : i32
      %mul3A_185 = arith.constant 125 : i32
      %mul3A_186 = arith.muli %add3A, %mul3A_185 : i32
      %add3A_187 = arith.addi %mul3A_186, %add3A_184 : i32
      %dma_start3A_188 = arith.constant 0 : i32
      %dma_start3A_189 = arith.constant 0 : i32
      %dma_start3A_190 = tpu.memref_slice %arg2[%add3A_187, %dma_start3A_188, %dma_start3A_189] : memref<4000x40x128xf32, #tpu.memory_space<hbm>> -> memref<1x40x128xf32, #tpu.memory_space<hbm>>
      %dma_start3A_191 = tpu.memref_squeeze %dma_start3A_190 : memref<1x40x128xf32, #tpu.memory_space<hbm>> -> memref<40x128xf32, #tpu.memory_space<hbm>>
      %dma_start3A_192 = arith.constant 0 : i32
      %dma_start3A_193 = arith.constant 0 : i32
      %dma_start3A_194 = tpu.memref_slice %arg2[%add3A_187, %dma_start3A_192, %dma_start3A_193] : memref<4000x40x128xf32, #tpu.memory_space<hbm>> -> memref<1x40x128xf32, #tpu.memory_space<hbm>>
      %dma_start3A_195 = tpu.memref_squeeze %dma_start3A_194 : memref<1x40x128xf32, #tpu.memory_space<hbm>> -> memref<40x128xf32, #tpu.memory_space<hbm>>
      tpu.enqueue_dma source(%dma_start3A_195 : memref<40x128xf32, #tpu.memory_space<hbm>>) target(%arg8 : memref<40x128xf32, #tpu.memory_space<vmem>>) target_semaphore(%arg14 : memref<!tpu.dma_semaphore, #tpu.memory_space<semaphore_mem>>)
      %mul3A_196 = arith.constant 5 : i32
      %mul3A_197 = arith.muli %scan3A_139, %mul3A_196 : i32
      %add3A_198 = arith.constant 2 : i32
      %add3A_199 = arith.addi %mul3A_197, %add3A_198 : i32
      %mul3A_200 = arith.constant 125 : i32
      %mul3A_201 = arith.muli %add3A, %mul3A_200 : i32
      %add3A_202 = arith.addi %mul3A_201, %add3A_199 : i32
      %dma_wait3A_203 = arith.constant 0 : i32
      %dma_wait3A_204 = arith.constant 0 : i32
      %dma_wait3A_205 = tpu.memref_slice %arg2[%add3A_202, %dma_wait3A_203, %dma_wait3A_204] : memref<4000x40x128xf32, #tpu.memory_space<hbm>> -> memref<1x40x128xf32, #tpu.memory_space<hbm>>
      %dma_wait3A_206 = tpu.memref_squeeze %dma_wait3A_205 : memref<1x40x128xf32, #tpu.memory_space<hbm>> -> memref<40x128xf32, #tpu.memory_space<hbm>>
      %dma_wait3A_207 = arith.constant 0 : i32
      %dma_wait3A_208 = arith.constant 0 : i32
      %dma_wait3A_209 = tpu.memref_slice %arg2[%add3A_202, %dma_wait3A_207, %dma_wait3A_208] : memref<4000x40x128xf32, #tpu.memory_space<hbm>> -> memref<1x40x128xf32, #tpu.memory_space<hbm>>
      %dma_wait3A_210 = tpu.memref_squeeze %dma_wait3A_209 : memref<1x40x128xf32, #tpu.memory_space<hbm>> -> memref<40x128xf32, #tpu.memory_space<hbm>>
      tpu.wait_dma2 semaphore(%arg15 : memref<!tpu.dma_semaphore, #tpu.memory_space<semaphore_mem>>) src(%dma_wait3A_210 : memref<40x128xf32, #tpu.memory_space<hbm>>) dst(%arg9 : memref<40x128xf32, #tpu.memory_space<vmem>>)
      "tpu.region"() ({
        %run_scoped3A_280 = tpu.sem_alloc : memref<!tpu.dma_semaphore, #tpu.memory_space<semaphore_mem>>
        %dma_start3A_281 = arith.constant 0 : i32
        %dma_start3A_282 = tpu.memref_slice %arg6[%add3A_199, %dma_start3A_281] : memref<125x40xi32, #tpu.memory_space<vmem>> -> memref<1x40xi32, #tpu.memory_space<vmem>>
        %dma_start3A_283 = tpu.memref_squeeze %dma_start3A_282 : memref<1x40xi32, #tpu.memory_space<vmem>> -> memref<40xi32, #tpu.memory_space<vmem>>
        %dma_start3A_284 = arith.constant 0 : i32
        %dma_start3A_285 = arith.constant 0 : i32
        %dma_start3A_286 = tpu.memref_slice %arg12[%dma_start3A_284, %dma_start3A_285] : memref<10000x128xf32, #tpu.memory_space<vmem_shared>> -> memref<10000x128xf32, #tpu.memory_space<vmem_shared>>
        tpu.enqueue_indirect_dma source(%arg9 : memref<40x128xf32, #tpu.memory_space<vmem>>) target(%dma_start3A_286 : memref<10000x128xf32, #tpu.memory_space<vmem_shared>>) offsets(%dma_start3A_283 : memref<40xi32, #tpu.memory_space<vmem>>) semaphore(%run_scoped3A_280 : memref<!tpu.dma_semaphore, #tpu.memory_space<semaphore_mem>>) {add = true}
        %dma_wait3A_287 = arith.constant 0 : i32
        %dma_wait3A_288 = tpu.memref_slice %arg6[%add3A_199, %dma_wait3A_287] : memref<125x40xi32, #tpu.memory_space<vmem>> -> memref<1x40xi32, #tpu.memory_space<vmem>>
        %dma_wait3A_289 = tpu.memref_squeeze %dma_wait3A_288 : memref<1x40xi32, #tpu.memory_space<vmem>> -> memref<40xi32, #tpu.memory_space<vmem>>
        %dma_wait3A_290 = arith.constant 0 : i32
        %dma_wait3A_291 = arith.constant 0 : i32
        %dma_wait3A_292 = tpu.memref_slice %arg12[%dma_wait3A_290, %dma_wait3A_291] : memref<10000x128xf32, #tpu.memory_space<vmem_shared>> -> memref<10000x128xf32, #tpu.memory_space<vmem_shared>>
        tpu.wait_indirect_dma semaphore(%run_scoped3A_280 : memref<!tpu.dma_semaphore, #tpu.memory_space<semaphore_mem>>) src(%arg9 : memref<40x128xf32, #tpu.memory_space<vmem>>) dst(%dma_wait3A_292 : memref<10000x128xf32, #tpu.memory_space<vmem_shared>>)
        tpu.yield
      }) : () -> ()
      %add3A_211 = arith.constant 5 : i32
      %add3A_212 = arith.addi %add3A_199, %add3A_211 : i32
      %mul3A_213 = arith.constant 125 : i32
      %mul3A_214 = arith.muli %add3A, %mul3A_213 : i32
      %add3A_215 = arith.addi %mul3A_214, %add3A_212 : i32
      %dma_start3A_216 = arith.constant 0 : i32
      %dma_start3A_217 = arith.constant 0 : i32
      %dma_start3A_218 = tpu.memref_slice %arg2[%add3A_215, %dma_start3A_216, %dma_start3A_217] : memref<4000x40x128xf32, #tpu.memory_space<hbm>> -> memref<1x40x128xf32, #tpu.memory_space<hbm>>
      %dma_start3A_219 = tpu.memref_squeeze %dma_start3A_218 : memref<1x40x128xf32, #tpu.memory_space<hbm>> -> memref<40x128xf32, #tpu.memory_space<hbm>>
      %dma_start3A_220 = arith.constant 0 : i32
      %dma_start3A_221 = arith.constant 0 : i32
      %dma_start3A_222 = tpu.memref_slice %arg2[%add3A_215, %dma_start3A_220, %dma_start3A_221] : memref<4000x40x128xf32, #tpu.memory_space<hbm>> -> memref<1x40x128xf32, #tpu.memory_space<hbm>>
      %dma_start3A_223 = tpu.memref_squeeze %dma_start3A_222 : memref<1x40x128xf32, #tpu.memory_space<hbm>> -> memref<40x128xf32, #tpu.memory_space<hbm>>
      tpu.enqueue_dma source(%dma_start3A_223 : memref<40x128xf32, #tpu.memory_space<hbm>>) target(%arg9 : memref<40x128xf32, #tpu.memory_space<vmem>>) target_semaphore(%arg15 : memref<!tpu.dma_semaphore, #tpu.memory_space<semaphore_mem>>)
      %mul3A_224 = arith.constant 5 : i32
      %mul3A_225 = arith.muli %scan3A_139, %mul3A_224 : i32
      %add3A_226 = arith.constant 3 : i32
      %add3A_227 = arith.addi %mul3A_225, %add3A_226 : i32
      %mul3A_228 = arith.constant 125 : i32
      %mul3A_229 = arith.muli %add3A, %mul3A_228 : i32
      %add3A_230 = arith.addi %mul3A_229, %add3A_227 : i32
      %dma_wait3A_231 = arith.constant 0 : i32
      %dma_wait3A_232 = arith.constant 0 : i32
      %dma_wait3A_233 = tpu.memref_slice %arg2[%add3A_230, %dma_wait3A_231, %dma_wait3A_232] : memref<4000x40x128xf32, #tpu.memory_space<hbm>> -> memref<1x40x128xf32, #tpu.memory_space<hbm>>
      %dma_wait3A_234 = tpu.memref_squeeze %dma_wait3A_233 : memref<1x40x128xf32, #tpu.memory_space<hbm>> -> memref<40x128xf32, #tpu.memory_space<hbm>>
      %dma_wait3A_235 = arith.constant 0 : i32
      %dma_wait3A_236 = arith.constant 0 : i32
      %dma_wait3A_237 = tpu.memref_slice %arg2[%add3A_230, %dma_wait3A_235, %dma_wait3A_236] : memref<4000x40x128xf32, #tpu.memory_space<hbm>> -> memref<1x40x128xf32, #tpu.memory_space<hbm>>
      %dma_wait3A_238 = tpu.memref_squeeze %dma_wait3A_237 : memref<1x40x128xf32, #tpu.memory_space<hbm>> -> memref<40x128xf32, #tpu.memory_space<hbm>>
      tpu.wait_dma2 semaphore(%arg16 : memref<!tpu.dma_semaphore, #tpu.memory_space<semaphore_mem>>) src(%dma_wait3A_238 : memref<40x128xf32, #tpu.memory_space<hbm>>) dst(%arg10 : memref<40x128xf32, #tpu.memory_space<vmem>>)
      "tpu.region"() ({
        %run_scoped3A_280 = tpu.sem_alloc : memref<!tpu.dma_semaphore, #tpu.memory_space<semaphore_mem>>
        %dma_start3A_281 = arith.constant 0 : i32
        %dma_start3A_282 = tpu.memref_slice %arg6[%add3A_227, %dma_start3A_281] : memref<125x40xi32, #tpu.memory_space<vmem>> -> memref<1x40xi32, #tpu.memory_space<vmem>>
        %dma_start3A_283 = tpu.memref_squeeze %dma_start3A_282 : memref<1x40xi32, #tpu.memory_space<vmem>> -> memref<40xi32, #tpu.memory_space<vmem>>
        %dma_start3A_284 = arith.constant 0 : i32
        %dma_start3A_285 = arith.constant 0 : i32
        %dma_start3A_286 = tpu.memref_slice %arg12[%dma_start3A_284, %dma_start3A_285] : memref<10000x128xf32, #tpu.memory_space<vmem_shared>> -> memref<10000x128xf32, #tpu.memory_space<vmem_shared>>
        tpu.enqueue_indirect_dma source(%arg10 : memref<40x128xf32, #tpu.memory_space<vmem>>) target(%dma_start3A_286 : memref<10000x128xf32, #tpu.memory_space<vmem_shared>>) offsets(%dma_start3A_283 : memref<40xi32, #tpu.memory_space<vmem>>) semaphore(%run_scoped3A_280 : memref<!tpu.dma_semaphore, #tpu.memory_space<semaphore_mem>>) {add = true}
        %dma_wait3A_287 = arith.constant 0 : i32
        %dma_wait3A_288 = tpu.memref_slice %arg6[%add3A_227, %dma_wait3A_287] : memref<125x40xi32, #tpu.memory_space<vmem>> -> memref<1x40xi32, #tpu.memory_space<vmem>>
        %dma_wait3A_289 = tpu.memref_squeeze %dma_wait3A_288 : memref<1x40xi32, #tpu.memory_space<vmem>> -> memref<40xi32, #tpu.memory_space<vmem>>
        %dma_wait3A_290 = arith.constant 0 : i32
        %dma_wait3A_291 = arith.constant 0 : i32
        %dma_wait3A_292 = tpu.memref_slice %arg12[%dma_wait3A_290, %dma_wait3A_291] : memref<10000x128xf32, #tpu.memory_space<vmem_shared>> -> memref<10000x128xf32, #tpu.memory_space<vmem_shared>>
        tpu.wait_indirect_dma semaphore(%run_scoped3A_280 : memref<!tpu.dma_semaphore, #tpu.memory_space<semaphore_mem>>) src(%arg10 : memref<40x128xf32, #tpu.memory_space<vmem>>) dst(%dma_wait3A_292 : memref<10000x128xf32, #tpu.memory_space<vmem_shared>>)
        tpu.yield
      }) : () -> ()
      %add3A_239 = arith.constant 5 : i32
      %add3A_240 = arith.addi %add3A_227, %add3A_239 : i32
      %mul3A_241 = arith.constant 125 : i32
      %mul3A_242 = arith.muli %add3A, %mul3A_241 : i32
      %add3A_243 = arith.addi %mul3A_242, %add3A_240 : i32
      %dma_start3A_244 = arith.constant 0 : i32
      %dma_start3A_245 = arith.constant 0 : i32
      %dma_start3A_246 = tpu.memref_slice %arg2[%add3A_243, %dma_start3A_244, %dma_start3A_245] : memref<4000x40x128xf32, #tpu.memory_space<hbm>> -> memref<1x40x128xf32, #tpu.memory_space<hbm>>
      %dma_start3A_247 = tpu.memref_squeeze %dma_start3A_246 : memref<1x40x128xf32, #tpu.memory_space<hbm>> -> memref<40x128xf32, #tpu.memory_space<hbm>>
      %dma_start3A_248 = arith.constant 0 : i32
      %dma_start3A_249 = arith.constant 0 : i32
      %dma_start3A_250 = tpu.memref_slice %arg2[%add3A_243, %dma_start3A_248, %dma_start3A_249] : memref<4000x40x128xf32, #tpu.memory_space<hbm>> -> memref<1x40x128xf32, #tpu.memory_space<hbm>>
      %dma_start3A_251 = tpu.memref_squeeze %dma_start3A_250 : memref<1x40x128xf32, #tpu.memory_space<hbm>> -> memref<40x128xf32, #tpu.memory_space<hbm>>
      tpu.enqueue_dma source(%dma_start3A_251 : memref<40x128xf32, #tpu.memory_space<hbm>>) target(%arg10 : memref<40x128xf32, #tpu.memory_space<vmem>>) target_semaphore(%arg16 : memref<!tpu.dma_semaphore, #tpu.memory_space<semaphore_mem>>)
      %mul3A_252 = arith.constant 5 : i32
      %mul3A_253 = arith.muli %scan3A_139, %mul3A_252 : i32
      %add3A_254 = arith.constant 4 : i32
      %add3A_255 = arith.addi %mul3A_253, %add3A_254 : i32
      %mul3A_256 = arith.constant 125 : i32
      %mul3A_257 = arith.muli %add3A, %mul3A_256 : i32
      %add3A_258 = arith.addi %mul3A_257, %add3A_255 : i32
      %dma_wait3A_259 = arith.constant 0 : i32
      %dma_wait3A_260 = arith.constant 0 : i32
      %dma_wait3A_261 = tpu.memref_slice %arg2[%add3A_258, %dma_wait3A_259, %dma_wait3A_260] : memref<4000x40x128xf32, #tpu.memory_space<hbm>> -> memref<1x40x128xf32, #tpu.memory_space<hbm>>
      %dma_wait3A_262 = tpu.memref_squeeze %dma_wait3A_261 : memref<1x40x128xf32, #tpu.memory_space<hbm>> -> memref<40x128xf32, #tpu.memory_space<hbm>>
      %dma_wait3A_263 = arith.constant 0 : i32
      %dma_wait3A_264 = arith.constant 0 : i32
      %dma_wait3A_265 = tpu.memref_slice %arg2[%add3A_258, %dma_wait3A_263, %dma_wait3A_264] : memref<4000x40x128xf32, #tpu.memory_space<hbm>> -> memref<1x40x128xf32, #tpu.memory_space<hbm>>
      %dma_wait3A_266 = tpu.memref_squeeze %dma_wait3A_265 : memref<1x40x128xf32, #tpu.memory_space<hbm>> -> memref<40x128xf32, #tpu.memory_space<hbm>>
      tpu.wait_dma2 semaphore(%arg17 : memref<!tpu.dma_semaphore, #tpu.memory_space<semaphore_mem>>) src(%dma_wait3A_266 : memref<40x128xf32, #tpu.memory_space<hbm>>) dst(%arg11 : memref<40x128xf32, #tpu.memory_space<vmem>>)
      "tpu.region"() ({
        %run_scoped3A_280 = tpu.sem_alloc : memref<!tpu.dma_semaphore, #tpu.memory_space<semaphore_mem>>
        %dma_start3A_281 = arith.constant 0 : i32
        %dma_start3A_282 = tpu.memref_slice %arg6[%add3A_255, %dma_start3A_281] : memref<125x40xi32, #tpu.memory_space<vmem>> -> memref<1x40xi32, #tpu.memory_space<vmem>>
        %dma_start3A_283 = tpu.memref_squeeze %dma_start3A_282 : memref<1x40xi32, #tpu.memory_space<vmem>> -> memref<40xi32, #tpu.memory_space<vmem>>
        %dma_start3A_284 = arith.constant 0 : i32
        %dma_start3A_285 = arith.constant 0 : i32
        %dma_start3A_286 = tpu.memref_slice %arg12[%dma_start3A_284, %dma_start3A_285] : memref<10000x128xf32, #tpu.memory_space<vmem_shared>> -> memref<10000x128xf32, #tpu.memory_space<vmem_shared>>
        tpu.enqueue_indirect_dma source(%arg11 : memref<40x128xf32, #tpu.memory_space<vmem>>) target(%dma_start3A_286 : memref<10000x128xf32, #tpu.memory_space<vmem_shared>>) offsets(%dma_start3A_283 : memref<40xi32, #tpu.memory_space<vmem>>) semaphore(%run_scoped3A_280 : memref<!tpu.dma_semaphore, #tpu.memory_space<semaphore_mem>>) {add = true}
        %dma_wait3A_287 = arith.constant 0 : i32
        %dma_wait3A_288 = tpu.memref_slice %arg6[%add3A_255, %dma_wait3A_287] : memref<125x40xi32, #tpu.memory_space<vmem>> -> memref<1x40xi32, #tpu.memory_space<vmem>>
        %dma_wait3A_289 = tpu.memref_squeeze %dma_wait3A_288 : memref<1x40xi32, #tpu.memory_space<vmem>> -> memref<40xi32, #tpu.memory_space<vmem>>
        %dma_wait3A_290 = arith.constant 0 : i32
        %dma_wait3A_291 = arith.constant 0 : i32
        %dma_wait3A_292 = tpu.memref_slice %arg12[%dma_wait3A_290, %dma_wait3A_291] : memref<10000x128xf32, #tpu.memory_space<vmem_shared>> -> memref<10000x128xf32, #tpu.memory_space<vmem_shared>>
        tpu.wait_indirect_dma semaphore(%run_scoped3A_280 : memref<!tpu.dma_semaphore, #tpu.memory_space<semaphore_mem>>) src(%arg11 : memref<40x128xf32, #tpu.memory_space<vmem>>) dst(%dma_wait3A_292 : memref<10000x128xf32, #tpu.memory_space<vmem_shared>>)
        tpu.yield
      }) : () -> ()
      %add3A_267 = arith.constant 5 : i32
      %add3A_268 = arith.addi %add3A_255, %add3A_267 : i32
      %mul3A_269 = arith.constant 125 : i32
      %mul3A_270 = arith.muli %add3A, %mul3A_269 : i32
      %add3A_271 = arith.addi %mul3A_270, %add3A_268 : i32
      %dma_start3A_272 = arith.constant 0 : i32
      %dma_start3A_273 = arith.constant 0 : i32
      %dma_start3A_274 = tpu.memref_slice %arg2[%add3A_271, %dma_start3A_272, %dma_start3A_273] : memref<4000x40x128xf32, #tpu.memory_space<hbm>> -> memref<1x40x128xf32, #tpu.memory_space<hbm>>
      %dma_start3A_275 = tpu.memref_squeeze %dma_start3A_274 : memref<1x40x128xf32, #tpu.memory_space<hbm>> -> memref<40x128xf32, #tpu.memory_space<hbm>>
      %dma_start3A_276 = arith.constant 0 : i32
      %dma_start3A_277 = arith.constant 0 : i32
      %dma_start3A_278 = tpu.memref_slice %arg2[%add3A_271, %dma_start3A_276, %dma_start3A_277] : memref<4000x40x128xf32, #tpu.memory_space<hbm>> -> memref<1x40x128xf32, #tpu.memory_space<hbm>>
      %dma_start3A_279 = tpu.memref_squeeze %dma_start3A_278 : memref<1x40x128xf32, #tpu.memory_space<hbm>> -> memref<40x128xf32, #tpu.memory_space<hbm>>
      tpu.enqueue_dma source(%dma_start3A_279 : memref<40x128xf32, #tpu.memory_space<hbm>>) target(%arg11 : memref<40x128xf32, #tpu.memory_space<vmem>>) target_semaphore(%arg17 : memref<!tpu.dma_semaphore, #tpu.memory_space<semaphore_mem>>)
    }
    %scan3A_68 = arith.constant 24 : i32
    %mul3A_69 = arith.constant 125 : i32
    %mul3A_70 = arith.muli %add3A, %mul3A_69 : i32
    %add3A_71 = arith.constant 120 : i32
    %add3A_72 = arith.addi %mul3A_70, %add3A_71 : i32
    %dma_wait3A = arith.constant 0 : i32
    %dma_wait3A_73 = arith.constant 0 : i32
    %dma_wait3A_74 = tpu.memref_slice %arg2[%add3A_72, %dma_wait3A, %dma_wait3A_73] : memref<4000x40x128xf32, #tpu.memory_space<hbm>> -> memref<1x40x128xf32, #tpu.memory_space<hbm>>
    %dma_wait3A_75 = tpu.memref_squeeze %dma_wait3A_74 : memref<1x40x128xf32, #tpu.memory_space<hbm>> -> memref<40x128xf32, #tpu.memory_space<hbm>>
    %dma_wait3A_76 = arith.constant 0 : i32
    %dma_wait3A_77 = arith.constant 0 : i32
    %dma_wait3A_78 = tpu.memref_slice %arg2[%add3A_72, %dma_wait3A_76, %dma_wait3A_77] : memref<4000x40x128xf32, #tpu.memory_space<hbm>> -> memref<1x40x128xf32, #tpu.memory_space<hbm>>
    %dma_wait3A_79 = tpu.memref_squeeze %dma_wait3A_78 : memref<1x40x128xf32, #tpu.memory_space<hbm>> -> memref<40x128xf32, #tpu.memory_space<hbm>>
    tpu.wait_dma2 semaphore(%arg13 : memref<!tpu.dma_semaphore, #tpu.memory_space<semaphore_mem>>) src(%dma_wait3A_79 : memref<40x128xf32, #tpu.memory_space<hbm>>) dst(%arg7 : memref<40x128xf32, #tpu.memory_space<vmem>>)
    %run_scoped3A_80 = arith.constant 120 : i32
    "tpu.region"() ({
      %run_scoped3A_139 = tpu.sem_alloc : memref<!tpu.dma_semaphore, #tpu.memory_space<semaphore_mem>>
      %dma_start3A_140 = arith.constant 0 : i32
      %dma_start3A_141 = tpu.memref_slice %arg6[%run_scoped3A_80, %dma_start3A_140] : memref<125x40xi32, #tpu.memory_space<vmem>> -> memref<1x40xi32, #tpu.memory_space<vmem>>
      %dma_start3A_142 = tpu.memref_squeeze %dma_start3A_141 : memref<1x40xi32, #tpu.memory_space<vmem>> -> memref<40xi32, #tpu.memory_space<vmem>>
      %dma_start3A_143 = arith.constant 0 : i32
      %dma_start3A_144 = arith.constant 0 : i32
      %dma_start3A_145 = tpu.memref_slice %arg12[%dma_start3A_143, %dma_start3A_144] : memref<10000x128xf32, #tpu.memory_space<vmem_shared>> -> memref<10000x128xf32, #tpu.memory_space<vmem_shared>>
      tpu.enqueue_indirect_dma source(%arg7 : memref<40x128xf32, #tpu.memory_space<vmem>>) target(%dma_start3A_145 : memref<10000x128xf32, #tpu.memory_space<vmem_shared>>) offsets(%dma_start3A_142 : memref<40xi32, #tpu.memory_space<vmem>>) semaphore(%run_scoped3A_139 : memref<!tpu.dma_semaphore, #tpu.memory_space<semaphore_mem>>) {add = true}
      %dma_wait3A_146 = arith.constant 0 : i32
      %dma_wait3A_147 = tpu.memref_slice %arg6[%run_scoped3A_80, %dma_wait3A_146] : memref<125x40xi32, #tpu.memory_space<vmem>> -> memref<1x40xi32, #tpu.memory_space<vmem>>
      %dma_wait3A_148 = tpu.memref_squeeze %dma_wait3A_147 : memref<1x40xi32, #tpu.memory_space<vmem>> -> memref<40xi32, #tpu.memory_space<vmem>>
      %dma_wait3A_149 = arith.constant 0 : i32
      %dma_wait3A_150 = arith.constant 0 : i32
      %dma_wait3A_151 = tpu.memref_slice %arg12[%dma_wait3A_149, %dma_wait3A_150] : memref<10000x128xf32, #tpu.memory_space<vmem_shared>> -> memref<10000x128xf32, #tpu.memory_space<vmem_shared>>
      tpu.wait_indirect_dma semaphore(%run_scoped3A_139 : memref<!tpu.dma_semaphore, #tpu.memory_space<semaphore_mem>>) src(%arg7 : memref<40x128xf32, #tpu.memory_space<vmem>>) dst(%dma_wait3A_151 : memref<10000x128xf32, #tpu.memory_space<vmem_shared>>)
      tpu.yield
    }) : () -> ()
    %mul3A_81 = arith.constant 125 : i32
    %mul3A_82 = arith.muli %add3A, %mul3A_81 : i32
    %add3A_83 = arith.constant 121 : i32
    %add3A_84 = arith.addi %mul3A_82, %add3A_83 : i32
    %dma_wait3A_85 = arith.constant 0 : i32
    %dma_wait3A_86 = arith.constant 0 : i32
    %dma_wait3A_87 = tpu.memref_slice %arg2[%add3A_84, %dma_wait3A_85, %dma_wait3A_86] : memref<4000x40x128xf32, #tpu.memory_space<hbm>> -> memref<1x40x128xf32, #tpu.memory_space<hbm>>
    %dma_wait3A_88 = tpu.memref_squeeze %dma_wait3A_87 : memref<1x40x128xf32, #tpu.memory_space<hbm>> -> memref<40x128xf32, #tpu.memory_space<hbm>>
    %dma_wait3A_89 = arith.constant 0 : i32
    %dma_wait3A_90 = arith.constant 0 : i32
    %dma_wait3A_91 = tpu.memref_slice %arg2[%add3A_84, %dma_wait3A_89, %dma_wait3A_90] : memref<4000x40x128xf32, #tpu.memory_space<hbm>> -> memref<1x40x128xf32, #tpu.memory_space<hbm>>
    %dma_wait3A_92 = tpu.memref_squeeze %dma_wait3A_91 : memref<1x40x128xf32, #tpu.memory_space<hbm>> -> memref<40x128xf32, #tpu.memory_space<hbm>>
    tpu.wait_dma2 semaphore(%arg14 : memref<!tpu.dma_semaphore, #tpu.memory_space<semaphore_mem>>) src(%dma_wait3A_92 : memref<40x128xf32, #tpu.memory_space<hbm>>) dst(%arg8 : memref<40x128xf32, #tpu.memory_space<vmem>>)
    %run_scoped3A_93 = arith.constant 121 : i32
    "tpu.region"() ({
      %run_scoped3A_139 = tpu.sem_alloc : memref<!tpu.dma_semaphore, #tpu.memory_space<semaphore_mem>>
      %dma_start3A_140 = arith.constant 0 : i32
      %dma_start3A_141 = tpu.memref_slice %arg6[%run_scoped3A_93, %dma_start3A_140] : memref<125x40xi32, #tpu.memory_space<vmem>> -> memref<1x40xi32, #tpu.memory_space<vmem>>
      %dma_start3A_142 = tpu.memref_squeeze %dma_start3A_141 : memref<1x40xi32, #tpu.memory_space<vmem>> -> memref<40xi32, #tpu.memory_space<vmem>>
      %dma_start3A_143 = arith.constant 0 : i32
      %dma_start3A_144 = arith.constant 0 : i32
      %dma_start3A_145 = tpu.memref_slice %arg12[%dma_start3A_143, %dma_start3A_144] : memref<10000x128xf32, #tpu.memory_space<vmem_shared>> -> memref<10000x128xf32, #tpu.memory_space<vmem_shared>>
      tpu.enqueue_indirect_dma source(%arg8 : memref<40x128xf32, #tpu.memory_space<vmem>>) target(%dma_start3A_145 : memref<10000x128xf32, #tpu.memory_space<vmem_shared>>) offsets(%dma_start3A_142 : memref<40xi32, #tpu.memory_space<vmem>>) semaphore(%run_scoped3A_139 : memref<!tpu.dma_semaphore, #tpu.memory_space<semaphore_mem>>) {add = true}
      %dma_wait3A_146 = arith.constant 0 : i32
      %dma_wait3A_147 = tpu.memref_slice %arg6[%run_scoped3A_93, %dma_wait3A_146] : memref<125x40xi32, #tpu.memory_space<vmem>> -> memref<1x40xi32, #tpu.memory_space<vmem>>
      %dma_wait3A_148 = tpu.memref_squeeze %dma_wait3A_147 : memref<1x40xi32, #tpu.memory_space<vmem>> -> memref<40xi32, #tpu.memory_space<vmem>>
      %dma_wait3A_149 = arith.constant 0 : i32
      %dma_wait3A_150 = arith.constant 0 : i32
      %dma_wait3A_151 = tpu.memref_slice %arg12[%dma_wait3A_149, %dma_wait3A_150] : memref<10000x128xf32, #tpu.memory_space<vmem_shared>> -> memref<10000x128xf32, #tpu.memory_space<vmem_shared>>
      tpu.wait_indirect_dma semaphore(%run_scoped3A_139 : memref<!tpu.dma_semaphore, #tpu.memory_space<semaphore_mem>>) src(%arg8 : memref<40x128xf32, #tpu.memory_space<vmem>>) dst(%dma_wait3A_151 : memref<10000x128xf32, #tpu.memory_space<vmem_shared>>)
      tpu.yield
    }) : () -> ()
    %mul3A_94 = arith.constant 125 : i32
    %mul3A_95 = arith.muli %add3A, %mul3A_94 : i32
    %add3A_96 = arith.constant 122 : i32
    %add3A_97 = arith.addi %mul3A_95, %add3A_96 : i32
    %dma_wait3A_98 = arith.constant 0 : i32
    %dma_wait3A_99 = arith.constant 0 : i32
    %dma_wait3A_100 = tpu.memref_slice %arg2[%add3A_97, %dma_wait3A_98, %dma_wait3A_99] : memref<4000x40x128xf32, #tpu.memory_space<hbm>> -> memref<1x40x128xf32, #tpu.memory_space<hbm>>
    %dma_wait3A_101 = tpu.memref_squeeze %dma_wait3A_100 : memref<1x40x128xf32, #tpu.memory_space<hbm>> -> memref<40x128xf32, #tpu.memory_space<hbm>>
    %dma_wait3A_102 = arith.constant 0 : i32
    %dma_wait3A_103 = arith.constant 0 : i32
    %dma_wait3A_104 = tpu.memref_slice %arg2[%add3A_97, %dma_wait3A_102, %dma_wait3A_103] : memref<4000x40x128xf32, #tpu.memory_space<hbm>> -> memref<1x40x128xf32, #tpu.memory_space<hbm>>
    %dma_wait3A_105 = tpu.memref_squeeze %dma_wait3A_104 : memref<1x40x128xf32, #tpu.memory_space<hbm>> -> memref<40x128xf32, #tpu.memory_space<hbm>>
    tpu.wait_dma2 semaphore(%arg15 : memref<!tpu.dma_semaphore, #tpu.memory_space<semaphore_mem>>) src(%dma_wait3A_105 : memref<40x128xf32, #tpu.memory_space<hbm>>) dst(%arg9 : memref<40x128xf32, #tpu.memory_space<vmem>>)
    %run_scoped3A_106 = arith.constant 122 : i32
    "tpu.region"() ({
      %run_scoped3A_139 = tpu.sem_alloc : memref<!tpu.dma_semaphore, #tpu.memory_space<semaphore_mem>>
      %dma_start3A_140 = arith.constant 0 : i32
      %dma_start3A_141 = tpu.memref_slice %arg6[%run_scoped3A_106, %dma_start3A_140] : memref<125x40xi32, #tpu.memory_space<vmem>> -> memref<1x40xi32, #tpu.memory_space<vmem>>
      %dma_start3A_142 = tpu.memref_squeeze %dma_start3A_141 : memref<1x40xi32, #tpu.memory_space<vmem>> -> memref<40xi32, #tpu.memory_space<vmem>>
      %dma_start3A_143 = arith.constant 0 : i32
      %dma_start3A_144 = arith.constant 0 : i32
      %dma_start3A_145 = tpu.memref_slice %arg12[%dma_start3A_143, %dma_start3A_144] : memref<10000x128xf32, #tpu.memory_space<vmem_shared>> -> memref<10000x128xf32, #tpu.memory_space<vmem_shared>>
      tpu.enqueue_indirect_dma source(%arg9 : memref<40x128xf32, #tpu.memory_space<vmem>>) target(%dma_start3A_145 : memref<10000x128xf32, #tpu.memory_space<vmem_shared>>) offsets(%dma_start3A_142 : memref<40xi32, #tpu.memory_space<vmem>>) semaphore(%run_scoped3A_139 : memref<!tpu.dma_semaphore, #tpu.memory_space<semaphore_mem>>) {add = true}
      %dma_wait3A_146 = arith.constant 0 : i32
      %dma_wait3A_147 = tpu.memref_slice %arg6[%run_scoped3A_106, %dma_wait3A_146] : memref<125x40xi32, #tpu.memory_space<vmem>> -> memref<1x40xi32, #tpu.memory_space<vmem>>
      %dma_wait3A_148 = tpu.memref_squeeze %dma_wait3A_147 : memref<1x40xi32, #tpu.memory_space<vmem>> -> memref<40xi32, #tpu.memory_space<vmem>>
      %dma_wait3A_149 = arith.constant 0 : i32
      %dma_wait3A_150 = arith.constant 0 : i32
      %dma_wait3A_151 = tpu.memref_slice %arg12[%dma_wait3A_149, %dma_wait3A_150] : memref<10000x128xf32, #tpu.memory_space<vmem_shared>> -> memref<10000x128xf32, #tpu.memory_space<vmem_shared>>
      tpu.wait_indirect_dma semaphore(%run_scoped3A_139 : memref<!tpu.dma_semaphore, #tpu.memory_space<semaphore_mem>>) src(%arg9 : memref<40x128xf32, #tpu.memory_space<vmem>>) dst(%dma_wait3A_151 : memref<10000x128xf32, #tpu.memory_space<vmem_shared>>)
      tpu.yield
    }) : () -> ()
    %mul3A_107 = arith.constant 125 : i32
    %mul3A_108 = arith.muli %add3A, %mul3A_107 : i32
    %add3A_109 = arith.constant 123 : i32
    %add3A_110 = arith.addi %mul3A_108, %add3A_109 : i32
    %dma_wait3A_111 = arith.constant 0 : i32
    %dma_wait3A_112 = arith.constant 0 : i32
    %dma_wait3A_113 = tpu.memref_slice %arg2[%add3A_110, %dma_wait3A_111, %dma_wait3A_112] : memref<4000x40x128xf32, #tpu.memory_space<hbm>> -> memref<1x40x128xf32, #tpu.memory_space<hbm>>
    %dma_wait3A_114 = tpu.memref_squeeze %dma_wait3A_113 : memref<1x40x128xf32, #tpu.memory_space<hbm>> -> memref<40x128xf32, #tpu.memory_space<hbm>>
    %dma_wait3A_115 = arith.constant 0 : i32
    %dma_wait3A_116 = arith.constant 0 : i32
    %dma_wait3A_117 = tpu.memref_slice %arg2[%add3A_110, %dma_wait3A_115, %dma_wait3A_116] : memref<4000x40x128xf32, #tpu.memory_space<hbm>> -> memref<1x40x128xf32, #tpu.memory_space<hbm>>
    %dma_wait3A_118 = tpu.memref_squeeze %dma_wait3A_117 : memref<1x40x128xf32, #tpu.memory_space<hbm>> -> memref<40x128xf32, #tpu.memory_space<hbm>>
    tpu.wait_dma2 semaphore(%arg16 : memref<!tpu.dma_semaphore, #tpu.memory_space<semaphore_mem>>) src(%dma_wait3A_118 : memref<40x128xf32, #tpu.memory_space<hbm>>) dst(%arg10 : memref<40x128xf32, #tpu.memory_space<vmem>>)
    %run_scoped3A_119 = arith.constant 123 : i32
    "tpu.region"() ({
      %run_scoped3A_139 = tpu.sem_alloc : memref<!tpu.dma_semaphore, #tpu.memory_space<semaphore_mem>>
      %dma_start3A_140 = arith.constant 0 : i32
      %dma_start3A_141 = tpu.memref_slice %arg6[%run_scoped3A_119, %dma_start3A_140] : memref<125x40xi32, #tpu.memory_space<vmem>> -> memref<1x40xi32, #tpu.memory_space<vmem>>
      %dma_start3A_142 = tpu.memref_squeeze %dma_start3A_141 : memref<1x40xi32, #tpu.memory_space<vmem>> -> memref<40xi32, #tpu.memory_space<vmem>>
      %dma_start3A_143 = arith.constant 0 : i32
      %dma_start3A_144 = arith.constant 0 : i32
      %dma_start3A_145 = tpu.memref_slice %arg12[%dma_start3A_143, %dma_start3A_144] : memref<10000x128xf32, #tpu.memory_space<vmem_shared>> -> memref<10000x128xf32, #tpu.memory_space<vmem_shared>>
      tpu.enqueue_indirect_dma source(%arg10 : memref<40x128xf32, #tpu.memory_space<vmem>>) target(%dma_start3A_145 : memref<10000x128xf32, #tpu.memory_space<vmem_shared>>) offsets(%dma_start3A_142 : memref<40xi32, #tpu.memory_space<vmem>>) semaphore(%run_scoped3A_139 : memref<!tpu.dma_semaphore, #tpu.memory_space<semaphore_mem>>) {add = true}
      %dma_wait3A_146 = arith.constant 0 : i32
      %dma_wait3A_147 = tpu.memref_slice %arg6[%run_scoped3A_119, %dma_wait3A_146] : memref<125x40xi32, #tpu.memory_space<vmem>> -> memref<1x40xi32, #tpu.memory_space<vmem>>
      %dma_wait3A_148 = tpu.memref_squeeze %dma_wait3A_147 : memref<1x40xi32, #tpu.memory_space<vmem>> -> memref<40xi32, #tpu.memory_space<vmem>>
      %dma_wait3A_149 = arith.constant 0 : i32
      %dma_wait3A_150 = arith.constant 0 : i32
      %dma_wait3A_151 = tpu.memref_slice %arg12[%dma_wait3A_149, %dma_wait3A_150] : memref<10000x128xf32, #tpu.memory_space<vmem_shared>> -> memref<10000x128xf32, #tpu.memory_space<vmem_shared>>
      tpu.wait_indirect_dma semaphore(%run_scoped3A_139 : memref<!tpu.dma_semaphore, #tpu.memory_space<semaphore_mem>>) src(%arg10 : memref<40x128xf32, #tpu.memory_space<vmem>>) dst(%dma_wait3A_151 : memref<10000x128xf32, #tpu.memory_space<vmem_shared>>)
      tpu.yield
    }) : () -> ()
    %mul3A_120 = arith.constant 125 : i32
    %mul3A_121 = arith.muli %add3A, %mul3A_120 : i32
    %add3A_122 = arith.constant 124 : i32
    %add3A_123 = arith.addi %mul3A_121, %add3A_122 : i32
    %dma_wait3A_124 = arith.constant 0 : i32
    %dma_wait3A_125 = arith.constant 0 : i32
    %dma_wait3A_126 = tpu.memref_slice %arg2[%add3A_123, %dma_wait3A_124, %dma_wait3A_125] : memref<4000x40x128xf32, #tpu.memory_space<hbm>> -> memref<1x40x128xf32, #tpu.memory_space<hbm>>
    %dma_wait3A_127 = tpu.memref_squeeze %dma_wait3A_126 : memref<1x40x128xf32, #tpu.memory_space<hbm>> -> memref<40x128xf32, #tpu.memory_space<hbm>>
    %dma_wait3A_128 = arith.constant 0 : i32
    %dma_wait3A_129 = arith.constant 0 : i32
    %dma_wait3A_130 = tpu.memref_slice %arg2[%add3A_123, %dma_wait3A_128, %dma_wait3A_129] : memref<4000x40x128xf32, #tpu.memory_space<hbm>> -> memref<1x40x128xf32, #tpu.memory_space<hbm>>
    %dma_wait3A_131 = tpu.memref_squeeze %dma_wait3A_130 : memref<1x40x128xf32, #tpu.memory_space<hbm>> -> memref<40x128xf32, #tpu.memory_space<hbm>>
    tpu.wait_dma2 semaphore(%arg17 : memref<!tpu.dma_semaphore, #tpu.memory_space<semaphore_mem>>) src(%dma_wait3A_131 : memref<40x128xf32, #tpu.memory_space<hbm>>) dst(%arg11 : memref<40x128xf32, #tpu.memory_space<vmem>>)
    %run_scoped3A_132 = arith.constant 124 : i32
    "tpu.region"() ({
      %run_scoped3A_139 = tpu.sem_alloc : memref<!tpu.dma_semaphore, #tpu.memory_space<semaphore_mem>>
      %dma_start3A_140 = arith.constant 0 : i32
      %dma_start3A_141 = tpu.memref_slice %arg6[%run_scoped3A_132, %dma_start3A_140] : memref<125x40xi32, #tpu.memory_space<vmem>> -> memref<1x40xi32, #tpu.memory_space<vmem>>
      %dma_start3A_142 = tpu.memref_squeeze %dma_start3A_141 : memref<1x40xi32, #tpu.memory_space<vmem>> -> memref<40xi32, #tpu.memory_space<vmem>>
      %dma_start3A_143 = arith.constant 0 : i32
      %dma_start3A_144 = arith.constant 0 : i32
      %dma_start3A_145 = tpu.memref_slice %arg12[%dma_start3A_143, %dma_start3A_144] : memref<10000x128xf32, #tpu.memory_space<vmem_shared>> -> memref<10000x128xf32, #tpu.memory_space<vmem_shared>>
      tpu.enqueue_indirect_dma source(%arg11 : memref<40x128xf32, #tpu.memory_space<vmem>>) target(%dma_start3A_145 : memref<10000x128xf32, #tpu.memory_space<vmem_shared>>) offsets(%dma_start3A_142 : memref<40xi32, #tpu.memory_space<vmem>>) semaphore(%run_scoped3A_139 : memref<!tpu.dma_semaphore, #tpu.memory_space<semaphore_mem>>) {add = true}
      %dma_wait3A_146 = arith.constant 0 : i32
      %dma_wait3A_147 = tpu.memref_slice %arg6[%run_scoped3A_132, %dma_wait3A_146] : memref<125x40xi32, #tpu.memory_space<vmem>> -> memref<1x40xi32, #tpu.memory_space<vmem>>
      %dma_wait3A_148 = tpu.memref_squeeze %dma_wait3A_147 : memref<1x40xi32, #tpu.memory_space<vmem>> -> memref<40xi32, #tpu.memory_space<vmem>>
      %dma_wait3A_149 = arith.constant 0 : i32
      %dma_wait3A_150 = arith.constant 0 : i32
      %dma_wait3A_151 = tpu.memref_slice %arg12[%dma_wait3A_149, %dma_wait3A_150] : memref<10000x128xf32, #tpu.memory_space<vmem_shared>> -> memref<10000x128xf32, #tpu.memory_space<vmem_shared>>
      tpu.wait_indirect_dma semaphore(%run_scoped3A_139 : memref<!tpu.dma_semaphore, #tpu.memory_space<semaphore_mem>>) src(%arg11 : memref<40x128xf32, #tpu.memory_space<vmem>>) dst(%dma_wait3A_151 : memref<10000x128xf32, #tpu.memory_space<vmem_shared>>)
      tpu.yield
    }) : () -> ()
    %barrier3A_133 = arith.constant 0 : index
    tpu.barrier barrier_id(%barrier3A_133)
    %eq3A_134 = arith.constant 0 : i32
    %eq3A_135 = arith.cmpi eq, %arg1, %eq3A_134 : i32
    %convert_element_type3A_136 = arith.extui %eq3A_135 : i1 to i32
    %cond3A_137 = arith.constant 0 : i32
    %cond3A_138 = arith.cmpi ne, %convert_element_type3A_136, %cond3A_137 : i32
    scf.if %cond3A_138 {
      "tpu.region"() ({
        %run_scoped3A_139 = tpu.sem_alloc : memref<!tpu.dma_semaphore, #tpu.memory_space<semaphore_mem>>
        %dma_start3A_140 = arith.constant 0 : i32
        %dma_start3A_141 = arith.constant 0 : i32
        %dma_start3A_142 = tpu.memref_slice %arg5[%arg0, %dma_start3A_140, %dma_start3A_141] : memref<2x10000x128xf32, #tpu.memory_space<hbm>> -> memref<1x10000x128xf32, #tpu.memory_space<hbm>>
        %dma_start3A_143 = tpu.memref_squeeze %dma_start3A_142 : memref<1x10000x128xf32, #tpu.memory_space<hbm>> -> memref<10000x128xf32, #tpu.memory_space<hbm>>
        tpu.enqueue_dma source(%arg12 : memref<10000x128xf32, #tpu.memory_space<vmem_shared>>) target(%dma_start3A_143 : memref<10000x128xf32, #tpu.memory_space<hbm>>) target_semaphore(%run_scoped3A_139 : memref<!tpu.dma_semaphore, #tpu.memory_space<semaphore_mem>>)
        %dma_wait3A_144 = arith.constant 0 : i32
        %dma_wait3A_145 = arith.constant 0 : i32
        %dma_wait3A_146 = tpu.memref_slice %arg5[%arg0, %dma_wait3A_144, %dma_wait3A_145] : memref<2x10000x128xf32, #tpu.memory_space<hbm>> -> memref<1x10000x128xf32, #tpu.memory_space<hbm>>
        %dma_wait3A_147 = tpu.memref_squeeze %dma_wait3A_146 : memref<1x10000x128xf32, #tpu.memory_space<hbm>> -> memref<10000x128xf32, #tpu.memory_space<hbm>>
        tpu.wait_dma2 semaphore(%run_scoped3A_139 : memref<!tpu.dma_semaphore, #tpu.memory_space<semaphore_mem>>) src(%arg12 : memref<10000x128xf32, #tpu.memory_space<vmem_shared>>) dst(%dma_wait3A_147 : memref<10000x128xf32, #tpu.memory_space<hbm>>)
        tpu.yield
      }) : () -> ()
    } else {
    }
    return
  }
}

#map = affine_map<(d0, d1) -> (0, 0, 0)>
#map1 = affine_map<(d0, d1) -> (0, 0, 0, 0)>
#map2 = affine_map<(d0, d1) -> (0, 0)>
module attributes {stable_mosaic.version = 14 : i64} {
  func.func @scatter_kernel(%arg0: i32, %arg1: i32, %arg2: memref<4000x40x128xf32, #tpu.memory_space<hbm>>, %arg3: memref<2x32x125x40xi32, #tpu.memory_space<hbm>>, %arg4: memref<10000x128xf32, #tpu.memory_space<hbm>>, %arg5: memref<2x10000x128xf32, #tpu.memory_space<hbm>>, %arg6: memref<125x40xi32, #tpu.memory_space<vmem>>, %arg7: memref<40x128xf32, #tpu.memory_space<vmem>>, %arg8: memref<40x128xf32, #tpu.memory_space<vmem>>, %arg9: memref<40x128xf32, #tpu.memory_space<vmem>>, %arg10: memref<40x128xf32, #tpu.memory_space<vmem>>, %arg11: memref<40x128xf32, #tpu.memory_space<vmem>>, %arg12: memref<10000x128xf32, #tpu.memory_space<vmem_shared>>, %arg13: memref<!tpu.dma_semaphore, #tpu.memory_space<semaphore_mem>>, %arg14: memref<!tpu.dma_semaphore, #tpu.memory_space<semaphore_mem>>, %arg15: memref<!tpu.dma_semaphore, #tpu.memory_space<semaphore_mem>>, %arg16: memref<!tpu.dma_semaphore, #tpu.memory_space<semaphore_mem>>, %arg17: memref<!tpu.dma_semaphore, #tpu.memory_space<semaphore_mem>>) attributes {dimension_semantics = [#tpu.dimension_semantics<core_parallel>, #tpu.dimension_semantics<subcore_parallel>], iteration_bounds = array<i64: 2, 16>, scalar_prefetch = 0 : i64, scratch_operands = 12 : i64, tpu.core_type = #tpu.core_type<sc_vector_subcore>, window_params = [{transform_indices = #map}, {transform_indices = #map1}, {transform_indices = #map2}, {transform_indices = #map}]} {
    %mul3A = arith.constant 2 : i32
    %mul3A_0 = arith.muli %arg1, %mul3A : i32
    %add3A = arith.addi %mul3A_0, %arg0 : i32
    %mul3A_1 = arith.constant 5000 : i32
    %mul3A_2 = arith.muli %add3A, %mul3A_1 : i32
    %eq3A = arith.constant 0 : i32
    %eq3A_3 = arith.cmpi eq, %arg1, %eq3A : i32
    %convert_element_type3A = arith.extui %eq3A_3 : i1 to i32
    %cond3A = arith.constant 0 : i32
    %cond3A_4 = arith.cmpi ne, %convert_element_type3A, %cond3A : i32
    scf.if %cond3A_4 {
      "tpu.region"() ({
        %run_scoped3A_139 = tpu.sem_alloc : memref<!tpu.dma_semaphore, #tpu.memory_space<semaphore_mem>>
        tpu.enqueue_dma source(%arg4 : memref<10000x128xf32, #tpu.memory_space<hbm>>) target(%arg12 : memref<10000x128xf32, #tpu.memory_space<vmem_shared>>) target_semaphore(%run_scoped3A_139 : memref<!tpu.dma_semaphore, #tpu.memory_space<semaphore_mem>>)
        tpu.wait_dma2 semaphore(%run_scoped3A_139 : memref<!tpu.dma_semaphore, #tpu.memory_space<semaphore_mem>>) src(%arg4 : memref<10000x128xf32, #tpu.memory_space<hbm>>) dst(%arg12 : memref<10000x128xf32, #tpu.memory_space<vmem_shared>>)
        tpu.yield
      }) : () -> ()
    } else {
    }
    %run_scoped3A = arith.constant 0 : i32
    "tpu.region"() ({
      %run_scoped3A_139 = tpu.sem_alloc : memref<!tpu.dma_semaphore, #tpu.memory_space<semaphore_mem>>
      %dma_start3A_140 = arith.constant 0 : i32
      %dma_start3A_141 = arith.constant 0 : i32
      %dma_start3A_142 = tpu.memref_slice %arg3[%run_scoped3A, %add3A, %dma_start3A_140, %dma_start3A_141] : memref<2x32x125x40xi32, #tpu.memory_space<hbm>> -> memref<1x1x125x40xi32, #tpu.memory_space<hbm>>
      %dma_start3A_143 = tpu.memref_squeeze %dma_start3A_142 : memref<1x1x125x40xi32, #tpu.memory_space<hbm>> -> memref<125x40xi32, #tpu.memory_space<hbm>>
      %dma_start3A_144 = arith.constant 0 : i32
      %dma_start3A_145 = arith.constant 0 : i32
      %dma_start3A_146 = tpu.memref_slice %arg3[%run_scoped3A, %add3A, %dma_start3A_144, %dma_start3A_145] : memref<2x32x125x40xi32, #tpu.memory_space<hbm>> -> memref<1x1x125x40xi32, #tpu.memory_space<hbm>>
      %dma_start3A_147 = tpu.memref_squeeze %dma_start3A_146 : memref<1x1x125x40xi32, #tpu.memory_space<hbm>> -> memref<125x40xi32, #tpu.memory_space<hbm>>
      tpu.enqueue_dma source(%dma_start3A_147 : memref<125x40xi32, #tpu.memory_space<hbm>>) target(%arg6 : memref<125x40xi32, #tpu.memory_space<vmem>>) target_semaphore(%run_scoped3A_139 : memref<!tpu.dma_semaphore, #tpu.memory_space<semaphore_mem>>)
      %dma_wait3A_148 = arith.constant 0 : i32
      %dma_wait3A_149 = arith.constant 0 : i32
      %dma_wait3A_150 = tpu.memref_slice %arg3[%run_scoped3A, %add3A, %dma_wait3A_148, %dma_wait3A_149] : memref<2x32x125x40xi32, #tpu.memory_space<hbm>> -> memref<1x1x125x40xi32, #tpu.memory_space<hbm>>
      %dma_wait3A_151 = tpu.memref_squeeze %dma_wait3A_150 : memref<1x1x125x40xi32, #tpu.memory_space<hbm>> -> memref<125x40xi32, #tpu.memory_space<hbm>>
      %dma_wait3A_152 = arith.constant 0 : i32
      %dma_wait3A_153 = arith.constant 0 : i32
      %dma_wait3A_154 = tpu.memref_slice %arg3[%run_scoped3A, %add3A, %dma_wait3A_152, %dma_wait3A_153] : memref<2x32x125x40xi32, #tpu.memory_space<hbm>> -> memref<1x1x125x40xi32, #tpu.memory_space<hbm>>
      %dma_wait3A_155 = tpu.memref_squeeze %dma_wait3A_154 : memref<1x1x125x40xi32, #tpu.memory_space<hbm>> -> memref<125x40xi32, #tpu.memory_space<hbm>>
      tpu.wait_dma2 semaphore(%run_scoped3A_139 : memref<!tpu.dma_semaphore, #tpu.memory_space<semaphore_mem>>) src(%dma_wait3A_155 : memref<125x40xi32, #tpu.memory_space<hbm>>) dst(%arg6 : memref<125x40xi32, #tpu.memory_space<vmem>>)
      tpu.yield
    }) : () -> ()
    %barrier3A = arith.constant 0 : index
    tpu.barrier barrier_id(%barrier3A)
    %mul3A_5 = arith.constant 125 : i32
    %mul3A_6 = arith.muli %add3A, %mul3A_5 : i32
    %add3A_7 = arith.constant 0 : i32
    %add3A_8 = arith.addi %mul3A_6, %add3A_7 : i32
    %dma_start3A = arith.constant 0 : i32
    %dma_start3A_9 = arith.constant 0 : i32
    %dma_start3A_10 = tpu.memref_slice %arg2[%add3A_8, %dma_start3A, %dma_start3A_9] : memref<4000x40x128xf32, #tpu.memory_space<hbm>> -> memref<1x40x128xf32, #tpu.memory_space<hbm>>
    %dma_start3A_11 = tpu.memref_squeeze %dma_start3A_10 : memref<1x40x128xf32, #tpu.memory_space<hbm>> -> memref<40x128xf32, #tpu.memory_space<hbm>>
    %dma_start3A_12 = arith.constant 0 : i32
    %dma_start3A_13 = arith.constant 0 : i32
    %dma_start3A_14 = tpu.memref_slice %arg2[%add3A_8, %dma_start3A_12, %dma_start3A_13] : memref<4000x40x128xf32, #tpu.memory_space<hbm>> -> memref<1x40x128xf32, #tpu.memory_space<hbm>>
    %dma_start3A_15 = tpu.memref_squeeze %dma_start3A_14 : memref<1x40x128xf32, #tpu.memory_space<hbm>> -> memref<40x128xf32, #tpu.memory_space<hbm>>
    tpu.enqueue_dma source(%dma_start3A_15 : memref<40x128xf32, #tpu.memory_space<hbm>>) target(%arg7 : memref<40x128xf32, #tpu.memory_space<vmem>>) target_semaphore(%arg13 : memref<!tpu.dma_semaphore, #tpu.memory_space<semaphore_mem>>)
    %mul3A_16 = arith.constant 125 : i32
    %mul3A_17 = arith.muli %add3A, %mul3A_16 : i32
    %add3A_18 = arith.constant 1 : i32
    %add3A_19 = arith.addi %mul3A_17, %add3A_18 : i32
    %dma_start3A_20 = arith.constant 0 : i32
    %dma_start3A_21 = arith.constant 0 : i32
    %dma_start3A_22 = tpu.memref_slice %arg2[%add3A_19, %dma_start3A_20, %dma_start3A_21] : memref<4000x40x128xf32, #tpu.memory_space<hbm>> -> memref<1x40x128xf32, #tpu.memory_space<hbm>>
    %dma_start3A_23 = tpu.memref_squeeze %dma_start3A_22 : memref<1x40x128xf32, #tpu.memory_space<hbm>> -> memref<40x128xf32, #tpu.memory_space<hbm>>
    %dma_start3A_24 = arith.constant 0 : i32
    %dma_start3A_25 = arith.constant 0 : i32
    %dma_start3A_26 = tpu.memref_slice %arg2[%add3A_19, %dma_start3A_24, %dma_start3A_25] : memref<4000x40x128xf32, #tpu.memory_space<hbm>> -> memref<1x40x128xf32, #tpu.memory_space<hbm>>
    %dma_start3A_27 = tpu.memref_squeeze %dma_start3A_26 : memref<1x40x128xf32, #tpu.memory_space<hbm>> -> memref<40x128xf32, #tpu.memory_space<hbm>>
    tpu.enqueue_dma source(%dma_start3A_27 : memref<40x128xf32, #tpu.memory_space<hbm>>) target(%arg8 : memref<40x128xf32, #tpu.memory_space<vmem>>) target_semaphore(%arg14 : memref<!tpu.dma_semaphore, #tpu.memory_space<semaphore_mem>>)
    %mul3A_28 = arith.constant 125 : i32
    %mul3A_29 = arith.muli %add3A, %mul3A_28 : i32
    %add3A_30 = arith.constant 2 : i32
    %add3A_31 = arith.addi %mul3A_29, %add3A_30 : i32
    %dma_start3A_32 = arith.constant 0 : i32
    %dma_start3A_33 = arith.constant 0 : i32
    %dma_start3A_34 = tpu.memref_slice %arg2[%add3A_31, %dma_start3A_32, %dma_start3A_33] : memref<4000x40x128xf32, #tpu.memory_space<hbm>> -> memref<1x40x128xf32, #tpu.memory_space<hbm>>
    %dma_start3A_35 = tpu.memref_squeeze %dma_start3A_34 : memref<1x40x128xf32, #tpu.memory_space<hbm>> -> memref<40x128xf32, #tpu.memory_space<hbm>>
    %dma_start3A_36 = arith.constant 0 : i32
    %dma_start3A_37 = arith.constant 0 : i32
    %dma_start3A_38 = tpu.memref_slice %arg2[%add3A_31, %dma_start3A_36, %dma_start3A_37] : memref<4000x40x128xf32, #tpu.memory_space<hbm>> -> memref<1x40x128xf32, #tpu.memory_space<hbm>>
    %dma_start3A_39 = tpu.memref_squeeze %dma_start3A_38 : memref<1x40x128xf32, #tpu.memory_space<hbm>> -> memref<40x128xf32, #tpu.memory_space<hbm>>
    tpu.enqueue_dma source(%dma_start3A_39 : memref<40x128xf32, #tpu.memory_space<hbm>>) target(%arg9 : memref<40x128xf32, #tpu.memory_space<vmem>>) target_semaphore(%arg15 : memref<!tpu.dma_semaphore, #tpu.memory_space<semaphore_mem>>)
    %mul3A_40 = arith.constant 125 : i32
    %mul3A_41 = arith.muli %add3A, %mul3A_40 : i32
    %add3A_42 = arith.constant 3 : i32
    %add3A_43 = arith.addi %mul3A_41, %add3A_42 : i32
    %dma_start3A_44 = arith.constant 0 : i32
    %dma_start3A_45 = arith.constant 0 : i32
    %dma_start3A_46 = tpu.memref_slice %arg2[%add3A_43, %dma_start3A_44, %dma_start3A_45] : memref<4000x40x128xf32, #tpu.memory_space<hbm>> -> memref<1x40x128xf32, #tpu.memory_space<hbm>>
    %dma_start3A_47 = tpu.memref_squeeze %dma_start3A_46 : memref<1x40x128xf32, #tpu.memory_space<hbm>> -> memref<40x128xf32, #tpu.memory_space<hbm>>
    %dma_start3A_48 = arith.constant 0 : i32
    %dma_start3A_49 = arith.constant 0 : i32
    %dma_start3A_50 = tpu.memref_slice %arg2[%add3A_43, %dma_start3A_48, %dma_start3A_49] : memref<4000x40x128xf32, #tpu.memory_space<hbm>> -> memref<1x40x128xf32, #tpu.memory_space<hbm>>
    %dma_start3A_51 = tpu.memref_squeeze %dma_start3A_50 : memref<1x40x128xf32, #tpu.memory_space<hbm>> -> memref<40x128xf32, #tpu.memory_space<hbm>>
    tpu.enqueue_dma source(%dma_start3A_51 : memref<40x128xf32, #tpu.memory_space<hbm>>) target(%arg10 : memref<40x128xf32, #tpu.memory_space<vmem>>) target_semaphore(%arg16 : memref<!tpu.dma_semaphore, #tpu.memory_space<semaphore_mem>>)
    %mul3A_52 = arith.constant 125 : i32
    %mul3A_53 = arith.muli %add3A, %mul3A_52 : i32
    %add3A_54 = arith.constant 4 : i32
    %add3A_55 = arith.addi %mul3A_53, %add3A_54 : i32
    %dma_start3A_56 = arith.constant 0 : i32
    %dma_start3A_57 = arith.constant 0 : i32
    %dma_start3A_58 = tpu.memref_slice %arg2[%add3A_55, %dma_start3A_56, %dma_start3A_57] : memref<4000x40x128xf32, #tpu.memory_space<hbm>> -> memref<1x40x128xf32, #tpu.memory_space<hbm>>
    %dma_start3A_59 = tpu.memref_squeeze %dma_start3A_58 : memref<1x40x128xf32, #tpu.memory_space<hbm>> -> memref<40x128xf32, #tpu.memory_space<hbm>>
    %dma_start3A_60 = arith.constant 0 : i32
    %dma_start3A_61 = arith.constant 0 : i32
    %dma_start3A_62 = tpu.memref_slice %arg2[%add3A_55, %dma_start3A_60, %dma_start3A_61] : memref<4000x40x128xf32, #tpu.memory_space<hbm>> -> memref<1x40x128xf32, #tpu.memory_space<hbm>>
    %dma_start3A_63 = tpu.memref_squeeze %dma_start3A_62 : memref<1x40x128xf32, #tpu.memory_space<hbm>> -> memref<40x128xf32, #tpu.memory_space<hbm>>
    tpu.enqueue_dma source(%dma_start3A_63 : memref<40x128xf32, #tpu.memory_space<hbm>>) target(%arg11 : memref<40x128xf32, #tpu.memory_space<vmem>>) target_semaphore(%arg17 : memref<!tpu.dma_semaphore, #tpu.memory_space<semaphore_mem>>)
    %scan3A = arith.constant 0 : i32
    %scan3A_64 = arith.constant 0 : i32
    %scan3A_65 = arith.constant 24 : i32
    %scan3A_66 = arith.addi %scan3A_64, %scan3A_65 : i32
    %scan3A_67 = arith.constant 1 : i32
    scf.for %scan3A_139 = %scan3A_64 to %scan3A_66 step %scan3A_67  : i32 {
      %mul3A_140 = arith.constant 5 : i32
      %mul3A_141 = arith.muli %scan3A_139, %mul3A_140 : i32
      %add3A_142 = arith.constant 0 : i32
      %add3A_143 = arith.addi %mul3A_141, %add3A_142 : i32
      %mul3A_144 = arith.constant 125 : i32
      %mul3A_145 = arith.muli %add3A, %mul3A_144 : i32
      %add3A_146 = arith.addi %mul3A_145, %add3A_143 : i32
      %dma_wait3A_147 = arith.constant 0 : i32
      %dma_wait3A_148 = arith.constant 0 : i32
      %dma_wait3A_149 = tpu.memref_slice %arg2[%add3A_146, %dma_wait3A_147, %dma_wait3A_148] : memref<4000x40x128xf32, #tpu.memory_space<hbm>> -> memref<1x40x128xf32, #tpu.memory_space<hbm>>
      %dma_wait3A_150 = tpu.memref_squeeze %dma_wait3A_149 : memref<1x40x128xf32, #tpu.memory_space<hbm>> -> memref<40x128xf32, #tpu.memory_space<hbm>>
      %dma_wait3A_151 = arith.constant 0 : i32
      %dma_wait3A_152 = arith.constant 0 : i32
      %dma_wait3A_153 = tpu.memref_slice %arg2[%add3A_146, %dma_wait3A_151, %dma_wait3A_152] : memref<4000x40x128xf32, #tpu.memory_space<hbm>> -> memref<1x40x128xf32, #tpu.memory_space<hbm>>
      %dma_wait3A_154 = tpu.memref_squeeze %dma_wait3A_153 : memref<1x40x128xf32, #tpu.memory_space<hbm>> -> memref<40x128xf32, #tpu.memory_space<hbm>>
      tpu.wait_dma2 semaphore(%arg13 : memref<!tpu.dma_semaphore, #tpu.memory_space<semaphore_mem>>) src(%dma_wait3A_154 : memref<40x128xf32, #tpu.memory_space<hbm>>) dst(%arg7 : memref<40x128xf32, #tpu.memory_space<vmem>>)
      "tpu.region"() ({
        %run_scoped3A_280 = tpu.sem_alloc : memref<!tpu.dma_semaphore, #tpu.memory_space<semaphore_mem>>
        %dma_start3A_281 = arith.constant 0 : i32
        %dma_start3A_282 = tpu.memref_slice %arg6[%add3A_143, %dma_start3A_281] : memref<125x40xi32, #tpu.memory_space<vmem>> -> memref<1x40xi32, #tpu.memory_space<vmem>>
        %dma_start3A_283 = tpu.memref_squeeze %dma_start3A_282 : memref<1x40xi32, #tpu.memory_space<vmem>> -> memref<40xi32, #tpu.memory_space<vmem>>
        %dma_start3A_284 = arith.constant 0 : i32
        %dma_start3A_285 = arith.constant 0 : i32
        %dma_start3A_286 = tpu.memref_slice %arg12[%dma_start3A_284, %dma_start3A_285] : memref<10000x128xf32, #tpu.memory_space<vmem_shared>> -> memref<10000x128xf32, #tpu.memory_space<vmem_shared>>
        tpu.enqueue_indirect_dma source(%arg7 : memref<40x128xf32, #tpu.memory_space<vmem>>) target(%dma_start3A_286 : memref<10000x128xf32, #tpu.memory_space<vmem_shared>>) offsets(%dma_start3A_283 : memref<40xi32, #tpu.memory_space<vmem>>) semaphore(%run_scoped3A_280 : memref<!tpu.dma_semaphore, #tpu.memory_space<semaphore_mem>>) {add = true}
        %dma_wait3A_287 = arith.constant 0 : i32
        %dma_wait3A_288 = tpu.memref_slice %arg6[%add3A_143, %dma_wait3A_287] : memref<125x40xi32, #tpu.memory_space<vmem>> -> memref<1x40xi32, #tpu.memory_space<vmem>>
        %dma_wait3A_289 = tpu.memref_squeeze %dma_wait3A_288 : memref<1x40xi32, #tpu.memory_space<vmem>> -> memref<40xi32, #tpu.memory_space<vmem>>
        %dma_wait3A_290 = arith.constant 0 : i32
        %dma_wait3A_291 = arith.constant 0 : i32
        %dma_wait3A_292 = tpu.memref_slice %arg12[%dma_wait3A_290, %dma_wait3A_291] : memref<10000x128xf32, #tpu.memory_space<vmem_shared>> -> memref<10000x128xf32, #tpu.memory_space<vmem_shared>>
        tpu.wait_indirect_dma semaphore(%run_scoped3A_280 : memref<!tpu.dma_semaphore, #tpu.memory_space<semaphore_mem>>) src(%arg7 : memref<40x128xf32, #tpu.memory_space<vmem>>) dst(%dma_wait3A_292 : memref<10000x128xf32, #tpu.memory_space<vmem_shared>>)
        tpu.yield
      }) : () -> ()
      %add3A_155 = arith.constant 5 : i32
      %add3A_156 = arith.addi %add3A_143, %add3A_155 : i32
      %mul3A_157 = arith.constant 125 : i32
      %mul3A_158 = arith.muli %add3A, %mul3A_157 : i32
      %add3A_159 = arith.addi %mul3A_158, %add3A_156 : i32
      %dma_start3A_160 = arith.constant 0 : i32
      %dma_start3A_161 = arith.constant 0 : i32
      %dma_start3A_162 = tpu.memref_slice %arg2[%add3A_159, %dma_start3A_160, %dma_start3A_161] : memref<4000x40x128xf32, #tpu.memory_space<hbm>> -> memref<1x40x128xf32, #tpu.memory_space<hbm>>
      %dma_start3A_163 = tpu.memref_squeeze %dma_start3A_162 : memref<1x40x128xf32, #tpu.memory_space<hbm>> -> memref<40x128xf32, #tpu.memory_space<hbm>>
      %dma_start3A_164 = arith.constant 0 : i32
      %dma_start3A_165 = arith.constant 0 : i32
      %dma_start3A_166 = tpu.memref_slice %arg2[%add3A_159, %dma_start3A_164, %dma_start3A_165] : memref<4000x40x128xf32, #tpu.memory_space<hbm>> -> memref<1x40x128xf32, #tpu.memory_space<hbm>>
      %dma_start3A_167 = tpu.memref_squeeze %dma_start3A_166 : memref<1x40x128xf32, #tpu.memory_space<hbm>> -> memref<40x128xf32, #tpu.memory_space<hbm>>
      tpu.enqueue_dma source(%dma_start3A_167 : memref<40x128xf32, #tpu.memory_space<hbm>>) target(%arg7 : memref<40x128xf32, #tpu.memory_space<vmem>>) target_semaphore(%arg13 : memref<!tpu.dma_semaphore, #tpu.memory_space<semaphore_mem>>)
      %mul3A_168 = arith.constant 5 : i32
      %mul3A_169 = arith.muli %scan3A_139, %mul3A_168 : i32
      %add3A_170 = arith.constant 1 : i32
      %add3A_171 = arith.addi %mul3A_169, %add3A_170 : i32
      %mul3A_172 = arith.constant 125 : i32
      %mul3A_173 = arith.muli %add3A, %mul3A_172 : i32
      %add3A_174 = arith.addi %mul3A_173, %add3A_171 : i32
      %dma_wait3A_175 = arith.constant 0 : i32
      %dma_wait3A_176 = arith.constant 0 : i32
      %dma_wait3A_177 = tpu.memref_slice %arg2[%add3A_174, %dma_wait3A_175, %dma_wait3A_176] : memref<4000x40x128xf32, #tpu.memory_space<hbm>> -> memref<1x40x128xf32, #tpu.memory_space<hbm>>
      %dma_wait3A_178 = tpu.memref_squeeze %dma_wait3A_177 : memref<1x40x128xf32, #tpu.memory_space<hbm>> -> memref<40x128xf32, #tpu.memory_space<hbm>>
      %dma_wait3A_179 = arith.constant 0 : i32
      %dma_wait3A_180 = arith.constant 0 : i32
      %dma_wait3A_181 = tpu.memref_slice %arg2[%add3A_174, %dma_wait3A_179, %dma_wait3A_180] : memref<4000x40x128xf32, #tpu.memory_space<hbm>> -> memref<1x40x128xf32, #tpu.memory_space<hbm>>
      %dma_wait3A_182 = tpu.memref_squeeze %dma_wait3A_181 : memref<1x40x128xf32, #tpu.memory_space<hbm>> -> memref<40x128xf32, #tpu.memory_space<hbm>>
      tpu.wait_dma2 semaphore(%arg14 : memref<!tpu.dma_semaphore, #tpu.memory_space<semaphore_mem>>) src(%dma_wait3A_182 : memref<40x128xf32, #tpu.memory_space<hbm>>) dst(%arg8 : memref<40x128xf32, #tpu.memory_space<vmem>>)
      "tpu.region"() ({
        %run_scoped3A_280 = tpu.sem_alloc : memref<!tpu.dma_semaphore, #tpu.memory_space<semaphore_mem>>
        %dma_start3A_281 = arith.constant 0 : i32
        %dma_start3A_282 = tpu.memref_slice %arg6[%add3A_171, %dma_start3A_281] : memref<125x40xi32, #tpu.memory_space<vmem>> -> memref<1x40xi32, #tpu.memory_space<vmem>>
        %dma_start3A_283 = tpu.memref_squeeze %dma_start3A_282 : memref<1x40xi32, #tpu.memory_space<vmem>> -> memref<40xi32, #tpu.memory_space<vmem>>
        %dma_start3A_284 = arith.constant 0 : i32
        %dma_start3A_285 = arith.constant 0 : i32
        %dma_start3A_286 = tpu.memref_slice %arg12[%dma_start3A_284, %dma_start3A_285] : memref<10000x128xf32, #tpu.memory_space<vmem_shared>> -> memref<10000x128xf32, #tpu.memory_space<vmem_shared>>
        tpu.enqueue_indirect_dma source(%arg8 : memref<40x128xf32, #tpu.memory_space<vmem>>) target(%dma_start3A_286 : memref<10000x128xf32, #tpu.memory_space<vmem_shared>>) offsets(%dma_start3A_283 : memref<40xi32, #tpu.memory_space<vmem>>) semaphore(%run_scoped3A_280 : memref<!tpu.dma_semaphore, #tpu.memory_space<semaphore_mem>>) {add = true}
        %dma_wait3A_287 = arith.constant 0 : i32
        %dma_wait3A_288 = tpu.memref_slice %arg6[%add3A_171, %dma_wait3A_287] : memref<125x40xi32, #tpu.memory_space<vmem>> -> memref<1x40xi32, #tpu.memory_space<vmem>>
        %dma_wait3A_289 = tpu.memref_squeeze %dma_wait3A_288 : memref<1x40xi32, #tpu.memory_space<vmem>> -> memref<40xi32, #tpu.memory_space<vmem>>
        %dma_wait3A_290 = arith.constant 0 : i32
        %dma_wait3A_291 = arith.constant 0 : i32
        %dma_wait3A_292 = tpu.memref_slice %arg12[%dma_wait3A_290, %dma_wait3A_291] : memref<10000x128xf32, #tpu.memory_space<vmem_shared>> -> memref<10000x128xf32, #tpu.memory_space<vmem_shared>>
        tpu.wait_indirect_dma semaphore(%run_scoped3A_280 : memref<!tpu.dma_semaphore, #tpu.memory_space<semaphore_mem>>) src(%arg8 : memref<40x128xf32, #tpu.memory_space<vmem>>) dst(%dma_wait3A_292 : memref<10000x128xf32, #tpu.memory_space<vmem_shared>>)
        tpu.yield
      }) : () -> ()
      %add3A_183 = arith.constant 5 : i32
      %add3A_184 = arith.addi %add3A_171, %add3A_183 : i32
      %mul3A_185 = arith.constant 125 : i32
      %mul3A_186 = arith.muli %add3A, %mul3A_185 : i32
      %add3A_187 = arith.addi %mul3A_186, %add3A_184 : i32
      %dma_start3A_188 = arith.constant 0 : i32
      %dma_start3A_189 = arith.constant 0 : i32
      %dma_start3A_190 = tpu.memref_slice %arg2[%add3A_187, %dma_start3A_188, %dma_start3A_189] : memref<4000x40x128xf32, #tpu.memory_space<hbm>> -> memref<1x40x128xf32, #tpu.memory_space<hbm>>
      %dma_start3A_191 = tpu.memref_squeeze %dma_start3A_190 : memref<1x40x128xf32, #tpu.memory_space<hbm>> -> memref<40x128xf32, #tpu.memory_space<hbm>>
      %dma_start3A_192 = arith.constant 0 : i32
      %dma_start3A_193 = arith.constant 0 : i32
      %dma_start3A_194 = tpu.memref_slice %arg2[%add3A_187, %dma_start3A_192, %dma_start3A_193] : memref<4000x40x128xf32, #tpu.memory_space<hbm>> -> memref<1x40x128xf32, #tpu.memory_space<hbm>>
      %dma_start3A_195 = tpu.memref_squeeze %dma_start3A_194 : memref<1x40x128xf32, #tpu.memory_space<hbm>> -> memref<40x128xf32, #tpu.memory_space<hbm>>
      tpu.enqueue_dma source(%dma_start3A_195 : memref<40x128xf32, #tpu.memory_space<hbm>>) target(%arg8 : memref<40x128xf32, #tpu.memory_space<vmem>>) target_semaphore(%arg14 : memref<!tpu.dma_semaphore, #tpu.memory_space<semaphore_mem>>)
      %mul3A_196 = arith.constant 5 : i32
      %mul3A_197 = arith.muli %scan3A_139, %mul3A_196 : i32
      %add3A_198 = arith.constant 2 : i32
      %add3A_199 = arith.addi %mul3A_197, %add3A_198 : i32
      %mul3A_200 = arith.constant 125 : i32
      %mul3A_201 = arith.muli %add3A, %mul3A_200 : i32
      %add3A_202 = arith.addi %mul3A_201, %add3A_199 : i32
      %dma_wait3A_203 = arith.constant 0 : i32
      %dma_wait3A_204 = arith.constant 0 : i32
      %dma_wait3A_205 = tpu.memref_slice %arg2[%add3A_202, %dma_wait3A_203, %dma_wait3A_204] : memref<4000x40x128xf32, #tpu.memory_space<hbm>> -> memref<1x40x128xf32, #tpu.memory_space<hbm>>
      %dma_wait3A_206 = tpu.memref_squeeze %dma_wait3A_205 : memref<1x40x128xf32, #tpu.memory_space<hbm>> -> memref<40x128xf32, #tpu.memory_space<hbm>>
      %dma_wait3A_207 = arith.constant 0 : i32
      %dma_wait3A_208 = arith.constant 0 : i32
      %dma_wait3A_209 = tpu.memref_slice %arg2[%add3A_202, %dma_wait3A_207, %dma_wait3A_208] : memref<4000x40x128xf32, #tpu.memory_space<hbm>> -> memref<1x40x128xf32, #tpu.memory_space<hbm>>
      %dma_wait3A_210 = tpu.memref_squeeze %dma_wait3A_209 : memref<1x40x128xf32, #tpu.memory_space<hbm>> -> memref<40x128xf32, #tpu.memory_space<hbm>>
      tpu.wait_dma2 semaphore(%arg15 : memref<!tpu.dma_semaphore, #tpu.memory_space<semaphore_mem>>) src(%dma_wait3A_210 : memref<40x128xf32, #tpu.memory_space<hbm>>) dst(%arg9 : memref<40x128xf32, #tpu.memory_space<vmem>>)
      "tpu.region"() ({
        %run_scoped3A_280 = tpu.sem_alloc : memref<!tpu.dma_semaphore, #tpu.memory_space<semaphore_mem>>
        %dma_start3A_281 = arith.constant 0 : i32
        %dma_start3A_282 = tpu.memref_slice %arg6[%add3A_199, %dma_start3A_281] : memref<125x40xi32, #tpu.memory_space<vmem>> -> memref<1x40xi32, #tpu.memory_space<vmem>>
        %dma_start3A_283 = tpu.memref_squeeze %dma_start3A_282 : memref<1x40xi32, #tpu.memory_space<vmem>> -> memref<40xi32, #tpu.memory_space<vmem>>
        %dma_start3A_284 = arith.constant 0 : i32
        %dma_start3A_285 = arith.constant 0 : i32
        %dma_start3A_286 = tpu.memref_slice %arg12[%dma_start3A_284, %dma_start3A_285] : memref<10000x128xf32, #tpu.memory_space<vmem_shared>> -> memref<10000x128xf32, #tpu.memory_space<vmem_shared>>
        tpu.enqueue_indirect_dma source(%arg9 : memref<40x128xf32, #tpu.memory_space<vmem>>) target(%dma_start3A_286 : memref<10000x128xf32, #tpu.memory_space<vmem_shared>>) offsets(%dma_start3A_283 : memref<40xi32, #tpu.memory_space<vmem>>) semaphore(%run_scoped3A_280 : memref<!tpu.dma_semaphore, #tpu.memory_space<semaphore_mem>>) {add = true}
        %dma_wait3A_287 = arith.constant 0 : i32
        %dma_wait3A_288 = tpu.memref_slice %arg6[%add3A_199, %dma_wait3A_287] : memref<125x40xi32, #tpu.memory_space<vmem>> -> memref<1x40xi32, #tpu.memory_space<vmem>>
        %dma_wait3A_289 = tpu.memref_squeeze %dma_wait3A_288 : memref<1x40xi32, #tpu.memory_space<vmem>> -> memref<40xi32, #tpu.memory_space<vmem>>
        %dma_wait3A_290 = arith.constant 0 : i32
        %dma_wait3A_291 = arith.constant 0 : i32
        %dma_wait3A_292 = tpu.memref_slice %arg12[%dma_wait3A_290, %dma_wait3A_291] : memref<10000x128xf32, #tpu.memory_space<vmem_shared>> -> memref<10000x128xf32, #tpu.memory_space<vmem_shared>>
        tpu.wait_indirect_dma semaphore(%run_scoped3A_280 : memref<!tpu.dma_semaphore, #tpu.memory_space<semaphore_mem>>) src(%arg9 : memref<40x128xf32, #tpu.memory_space<vmem>>) dst(%dma_wait3A_292 : memref<10000x128xf32, #tpu.memory_space<vmem_shared>>)
        tpu.yield
      }) : () -> ()
      %add3A_211 = arith.constant 5 : i32
      %add3A_212 = arith.addi %add3A_199, %add3A_211 : i32
      %mul3A_213 = arith.constant 125 : i32
      %mul3A_214 = arith.muli %add3A, %mul3A_213 : i32
      %add3A_215 = arith.addi %mul3A_214, %add3A_212 : i32
      %dma_start3A_216 = arith.constant 0 : i32
      %dma_start3A_217 = arith.constant 0 : i32
      %dma_start3A_218 = tpu.memref_slice %arg2[%add3A_215, %dma_start3A_216, %dma_start3A_217] : memref<4000x40x128xf32, #tpu.memory_space<hbm>> -> memref<1x40x128xf32, #tpu.memory_space<hbm>>
      %dma_start3A_219 = tpu.memref_squeeze %dma_start3A_218 : memref<1x40x128xf32, #tpu.memory_space<hbm>> -> memref<40x128xf32, #tpu.memory_space<hbm>>
      %dma_start3A_220 = arith.constant 0 : i32
      %dma_start3A_221 = arith.constant 0 : i32
      %dma_start3A_222 = tpu.memref_slice %arg2[%add3A_215, %dma_start3A_220, %dma_start3A_221] : memref<4000x40x128xf32, #tpu.memory_space<hbm>> -> memref<1x40x128xf32, #tpu.memory_space<hbm>>
      %dma_start3A_223 = tpu.memref_squeeze %dma_start3A_222 : memref<1x40x128xf32, #tpu.memory_space<hbm>> -> memref<40x128xf32, #tpu.memory_space<hbm>>
      tpu.enqueue_dma source(%dma_start3A_223 : memref<40x128xf32, #tpu.memory_space<hbm>>) target(%arg9 : memref<40x128xf32, #tpu.memory_space<vmem>>) target_semaphore(%arg15 : memref<!tpu.dma_semaphore, #tpu.memory_space<semaphore_mem>>)
      %mul3A_224 = arith.constant 5 : i32
      %mul3A_225 = arith.muli %scan3A_139, %mul3A_224 : i32
      %add3A_226 = arith.constant 3 : i32
      %add3A_227 = arith.addi %mul3A_225, %add3A_226 : i32
      %mul3A_228 = arith.constant 125 : i32
      %mul3A_229 = arith.muli %add3A, %mul3A_228 : i32
      %add3A_230 = arith.addi %mul3A_229, %add3A_227 : i32
      %dma_wait3A_231 = arith.constant 0 : i32
      %dma_wait3A_232 = arith.constant 0 : i32
      %dma_wait3A_233 = tpu.memref_slice %arg2[%add3A_230, %dma_wait3A_231, %dma_wait3A_232] : memref<4000x40x128xf32, #tpu.memory_space<hbm>> -> memref<1x40x128xf32, #tpu.memory_space<hbm>>
      %dma_wait3A_234 = tpu.memref_squeeze %dma_wait3A_233 : memref<1x40x128xf32, #tpu.memory_space<hbm>> -> memref<40x128xf32, #tpu.memory_space<hbm>>
      %dma_wait3A_235 = arith.constant 0 : i32
      %dma_wait3A_236 = arith.constant 0 : i32
      %dma_wait3A_237 = tpu.memref_slice %arg2[%add3A_230, %dma_wait3A_235, %dma_wait3A_236] : memref<4000x40x128xf32, #tpu.memory_space<hbm>> -> memref<1x40x128xf32, #tpu.memory_space<hbm>>
      %dma_wait3A_238 = tpu.memref_squeeze %dma_wait3A_237 : memref<1x40x128xf32, #tpu.memory_space<hbm>> -> memref<40x128xf32, #tpu.memory_space<hbm>>
      tpu.wait_dma2 semaphore(%arg16 : memref<!tpu.dma_semaphore, #tpu.memory_space<semaphore_mem>>) src(%dma_wait3A_238 : memref<40x128xf32, #tpu.memory_space<hbm>>) dst(%arg10 : memref<40x128xf32, #tpu.memory_space<vmem>>)
      "tpu.region"() ({
        %run_scoped3A_280 = tpu.sem_alloc : memref<!tpu.dma_semaphore, #tpu.memory_space<semaphore_mem>>
        %dma_start3A_281 = arith.constant 0 : i32
        %dma_start3A_282 = tpu.memref_slice %arg6[%add3A_227, %dma_start3A_281] : memref<125x40xi32, #tpu.memory_space<vmem>> -> memref<1x40xi32, #tpu.memory_space<vmem>>
        %dma_start3A_283 = tpu.memref_squeeze %dma_start3A_282 : memref<1x40xi32, #tpu.memory_space<vmem>> -> memref<40xi32, #tpu.memory_space<vmem>>
        %dma_start3A_284 = arith.constant 0 : i32
        %dma_start3A_285 = arith.constant 0 : i32
        %dma_start3A_286 = tpu.memref_slice %arg12[%dma_start3A_284, %dma_start3A_285] : memref<10000x128xf32, #tpu.memory_space<vmem_shared>> -> memref<10000x128xf32, #tpu.memory_space<vmem_shared>>
        tpu.enqueue_indirect_dma source(%arg10 : memref<40x128xf32, #tpu.memory_space<vmem>>) target(%dma_start3A_286 : memref<10000x128xf32, #tpu.memory_space<vmem_shared>>) offsets(%dma_start3A_283 : memref<40xi32, #tpu.memory_space<vmem>>) semaphore(%run_scoped3A_280 : memref<!tpu.dma_semaphore, #tpu.memory_space<semaphore_mem>>) {add = true}
        %dma_wait3A_287 = arith.constant 0 : i32
        %dma_wait3A_288 = tpu.memref_slice %arg6[%add3A_227, %dma_wait3A_287] : memref<125x40xi32, #tpu.memory_space<vmem>> -> memref<1x40xi32, #tpu.memory_space<vmem>>
        %dma_wait3A_289 = tpu.memref_squeeze %dma_wait3A_288 : memref<1x40xi32, #tpu.memory_space<vmem>> -> memref<40xi32, #tpu.memory_space<vmem>>
        %dma_wait3A_290 = arith.constant 0 : i32
        %dma_wait3A_291 = arith.constant 0 : i32
        %dma_wait3A_292 = tpu.memref_slice %arg12[%dma_wait3A_290, %dma_wait3A_291] : memref<10000x128xf32, #tpu.memory_space<vmem_shared>> -> memref<10000x128xf32, #tpu.memory_space<vmem_shared>>
        tpu.wait_indirect_dma semaphore(%run_scoped3A_280 : memref<!tpu.dma_semaphore, #tpu.memory_space<semaphore_mem>>) src(%arg10 : memref<40x128xf32, #tpu.memory_space<vmem>>) dst(%dma_wait3A_292 : memref<10000x128xf32, #tpu.memory_space<vmem_shared>>)
        tpu.yield
      }) : () -> ()
      %add3A_239 = arith.constant 5 : i32
      %add3A_240 = arith.addi %add3A_227, %add3A_239 : i32
      %mul3A_241 = arith.constant 125 : i32
      %mul3A_242 = arith.muli %add3A, %mul3A_241 : i32
      %add3A_243 = arith.addi %mul3A_242, %add3A_240 : i32
      %dma_start3A_244 = arith.constant 0 : i32
      %dma_start3A_245 = arith.constant 0 : i32
      %dma_start3A_246 = tpu.memref_slice %arg2[%add3A_243, %dma_start3A_244, %dma_start3A_245] : memref<4000x40x128xf32, #tpu.memory_space<hbm>> -> memref<1x40x128xf32, #tpu.memory_space<hbm>>
      %dma_start3A_247 = tpu.memref_squeeze %dma_start3A_246 : memref<1x40x128xf32, #tpu.memory_space<hbm>> -> memref<40x128xf32, #tpu.memory_space<hbm>>
      %dma_start3A_248 = arith.constant 0 : i32
      %dma_start3A_249 = arith.constant 0 : i32
      %dma_start3A_250 = tpu.memref_slice %arg2[%add3A_243, %dma_start3A_248, %dma_start3A_249] : memref<4000x40x128xf32, #tpu.memory_space<hbm>> -> memref<1x40x128xf32, #tpu.memory_space<hbm>>
      %dma_start3A_251 = tpu.memref_squeeze %dma_start3A_250 : memref<1x40x128xf32, #tpu.memory_space<hbm>> -> memref<40x128xf32, #tpu.memory_space<hbm>>
      tpu.enqueue_dma source(%dma_start3A_251 : memref<40x128xf32, #tpu.memory_space<hbm>>) target(%arg10 : memref<40x128xf32, #tpu.memory_space<vmem>>) target_semaphore(%arg16 : memref<!tpu.dma_semaphore, #tpu.memory_space<semaphore_mem>>)
      %mul3A_252 = arith.constant 5 : i32
      %mul3A_253 = arith.muli %scan3A_139, %mul3A_252 : i32
      %add3A_254 = arith.constant 4 : i32
      %add3A_255 = arith.addi %mul3A_253, %add3A_254 : i32
      %mul3A_256 = arith.constant 125 : i32
      %mul3A_257 = arith.muli %add3A, %mul3A_256 : i32
      %add3A_258 = arith.addi %mul3A_257, %add3A_255 : i32
      %dma_wait3A_259 = arith.constant 0 : i32
      %dma_wait3A_260 = arith.constant 0 : i32
      %dma_wait3A_261 = tpu.memref_slice %arg2[%add3A_258, %dma_wait3A_259, %dma_wait3A_260] : memref<4000x40x128xf32, #tpu.memory_space<hbm>> -> memref<1x40x128xf32, #tpu.memory_space<hbm>>
      %dma_wait3A_262 = tpu.memref_squeeze %dma_wait3A_261 : memref<1x40x128xf32, #tpu.memory_space<hbm>> -> memref<40x128xf32, #tpu.memory_space<hbm>>
      %dma_wait3A_263 = arith.constant 0 : i32
      %dma_wait3A_264 = arith.constant 0 : i32
      %dma_wait3A_265 = tpu.memref_slice %arg2[%add3A_258, %dma_wait3A_263, %dma_wait3A_264] : memref<4000x40x128xf32, #tpu.memory_space<hbm>> -> memref<1x40x128xf32, #tpu.memory_space<hbm>>
      %dma_wait3A_266 = tpu.memref_squeeze %dma_wait3A_265 : memref<1x40x128xf32, #tpu.memory_space<hbm>> -> memref<40x128xf32, #tpu.memory_space<hbm>>
      tpu.wait_dma2 semaphore(%arg17 : memref<!tpu.dma_semaphore, #tpu.memory_space<semaphore_mem>>) src(%dma_wait3A_266 : memref<40x128xf32, #tpu.memory_space<hbm>>) dst(%arg11 : memref<40x128xf32, #tpu.memory_space<vmem>>)
      "tpu.region"() ({
        %run_scoped3A_280 = tpu.sem_alloc : memref<!tpu.dma_semaphore, #tpu.memory_space<semaphore_mem>>
        %dma_start3A_281 = arith.constant 0 : i32
        %dma_start3A_282 = tpu.memref_slice %arg6[%add3A_255, %dma_start3A_281] : memref<125x40xi32, #tpu.memory_space<vmem>> -> memref<1x40xi32, #tpu.memory_space<vmem>>
        %dma_start3A_283 = tpu.memref_squeeze %dma_start3A_282 : memref<1x40xi32, #tpu.memory_space<vmem>> -> memref<40xi32, #tpu.memory_space<vmem>>
        %dma_start3A_284 = arith.constant 0 : i32
        %dma_start3A_285 = arith.constant 0 : i32
        %dma_start3A_286 = tpu.memref_slice %arg12[%dma_start3A_284, %dma_start3A_285] : memref<10000x128xf32, #tpu.memory_space<vmem_shared>> -> memref<10000x128xf32, #tpu.memory_space<vmem_shared>>
        tpu.enqueue_indirect_dma source(%arg11 : memref<40x128xf32, #tpu.memory_space<vmem>>) target(%dma_start3A_286 : memref<10000x128xf32, #tpu.memory_space<vmem_shared>>) offsets(%dma_start3A_283 : memref<40xi32, #tpu.memory_space<vmem>>) semaphore(%run_scoped3A_280 : memref<!tpu.dma_semaphore, #tpu.memory_space<semaphore_mem>>) {add = true}
        %dma_wait3A_287 = arith.constant 0 : i32
        %dma_wait3A_288 = tpu.memref_slice %arg6[%add3A_255, %dma_wait3A_287] : memref<125x40xi32, #tpu.memory_space<vmem>> -> memref<1x40xi32, #tpu.memory_space<vmem>>
        %dma_wait3A_289 = tpu.memref_squeeze %dma_wait3A_288 : memref<1x40xi32, #tpu.memory_space<vmem>> -> memref<40xi32, #tpu.memory_space<vmem>>
        %dma_wait3A_290 = arith.constant 0 : i32
        %dma_wait3A_291 = arith.constant 0 : i32
        %dma_wait3A_292 = tpu.memref_slice %arg12[%dma_wait3A_290, %dma_wait3A_291] : memref<10000x128xf32, #tpu.memory_space<vmem_shared>> -> memref<10000x128xf32, #tpu.memory_space<vmem_shared>>
        tpu.wait_indirect_dma semaphore(%run_scoped3A_280 : memref<!tpu.dma_semaphore, #tpu.memory_space<semaphore_mem>>) src(%arg11 : memref<40x128xf32, #tpu.memory_space<vmem>>) dst(%dma_wait3A_292 : memref<10000x128xf32, #tpu.memory_space<vmem_shared>>)
        tpu.yield
      }) : () -> ()
      %add3A_267 = arith.constant 5 : i32
      %add3A_268 = arith.addi %add3A_255, %add3A_267 : i32
      %mul3A_269 = arith.constant 125 : i32
      %mul3A_270 = arith.muli %add3A, %mul3A_269 : i32
      %add3A_271 = arith.addi %mul3A_270, %add3A_268 : i32
      %dma_start3A_272 = arith.constant 0 : i32
      %dma_start3A_273 = arith.constant 0 : i32
      %dma_start3A_274 = tpu.memref_slice %arg2[%add3A_271, %dma_start3A_272, %dma_start3A_273] : memref<4000x40x128xf32, #tpu.memory_space<hbm>> -> memref<1x40x128xf32, #tpu.memory_space<hbm>>
      %dma_start3A_275 = tpu.memref_squeeze %dma_start3A_274 : memref<1x40x128xf32, #tpu.memory_space<hbm>> -> memref<40x128xf32, #tpu.memory_space<hbm>>
      %dma_start3A_276 = arith.constant 0 : i32
      %dma_start3A_277 = arith.constant 0 : i32
      %dma_start3A_278 = tpu.memref_slice %arg2[%add3A_271, %dma_start3A_276, %dma_start3A_277] : memref<4000x40x128xf32, #tpu.memory_space<hbm>> -> memref<1x40x128xf32, #tpu.memory_space<hbm>>
      %dma_start3A_279 = tpu.memref_squeeze %dma_start3A_278 : memref<1x40x128xf32, #tpu.memory_space<hbm>> -> memref<40x128xf32, #tpu.memory_space<hbm>>
      tpu.enqueue_dma source(%dma_start3A_279 : memref<40x128xf32, #tpu.memory_space<hbm>>) target(%arg11 : memref<40x128xf32, #tpu.memory_space<vmem>>) target_semaphore(%arg17 : memref<!tpu.dma_semaphore, #tpu.memory_space<semaphore_mem>>)
    }
    %scan3A_68 = arith.constant 24 : i32
    %mul3A_69 = arith.constant 125 : i32
    %mul3A_70 = arith.muli %add3A, %mul3A_69 : i32
    %add3A_71 = arith.constant 120 : i32
    %add3A_72 = arith.addi %mul3A_70, %add3A_71 : i32
    %dma_wait3A = arith.constant 0 : i32
    %dma_wait3A_73 = arith.constant 0 : i32
    %dma_wait3A_74 = tpu.memref_slice %arg2[%add3A_72, %dma_wait3A, %dma_wait3A_73] : memref<4000x40x128xf32, #tpu.memory_space<hbm>> -> memref<1x40x128xf32, #tpu.memory_space<hbm>>
    %dma_wait3A_75 = tpu.memref_squeeze %dma_wait3A_74 : memref<1x40x128xf32, #tpu.memory_space<hbm>> -> memref<40x128xf32, #tpu.memory_space<hbm>>
    %dma_wait3A_76 = arith.constant 0 : i32
    %dma_wait3A_77 = arith.constant 0 : i32
    %dma_wait3A_78 = tpu.memref_slice %arg2[%add3A_72, %dma_wait3A_76, %dma_wait3A_77] : memref<4000x40x128xf32, #tpu.memory_space<hbm>> -> memref<1x40x128xf32, #tpu.memory_space<hbm>>
    %dma_wait3A_79 = tpu.memref_squeeze %dma_wait3A_78 : memref<1x40x128xf32, #tpu.memory_space<hbm>> -> memref<40x128xf32, #tpu.memory_space<hbm>>
    tpu.wait_dma2 semaphore(%arg13 : memref<!tpu.dma_semaphore, #tpu.memory_space<semaphore_mem>>) src(%dma_wait3A_79 : memref<40x128xf32, #tpu.memory_space<hbm>>) dst(%arg7 : memref<40x128xf32, #tpu.memory_space<vmem>>)
    %run_scoped3A_80 = arith.constant 120 : i32
    "tpu.region"() ({
      %run_scoped3A_139 = tpu.sem_alloc : memref<!tpu.dma_semaphore, #tpu.memory_space<semaphore_mem>>
      %dma_start3A_140 = arith.constant 0 : i32
      %dma_start3A_141 = tpu.memref_slice %arg6[%run_scoped3A_80, %dma_start3A_140] : memref<125x40xi32, #tpu.memory_space<vmem>> -> memref<1x40xi32, #tpu.memory_space<vmem>>
      %dma_start3A_142 = tpu.memref_squeeze %dma_start3A_141 : memref<1x40xi32, #tpu.memory_space<vmem>> -> memref<40xi32, #tpu.memory_space<vmem>>
      %dma_start3A_143 = arith.constant 0 : i32
      %dma_start3A_144 = arith.constant 0 : i32
      %dma_start3A_145 = tpu.memref_slice %arg12[%dma_start3A_143, %dma_start3A_144] : memref<10000x128xf32, #tpu.memory_space<vmem_shared>> -> memref<10000x128xf32, #tpu.memory_space<vmem_shared>>
      tpu.enqueue_indirect_dma source(%arg7 : memref<40x128xf32, #tpu.memory_space<vmem>>) target(%dma_start3A_145 : memref<10000x128xf32, #tpu.memory_space<vmem_shared>>) offsets(%dma_start3A_142 : memref<40xi32, #tpu.memory_space<vmem>>) semaphore(%run_scoped3A_139 : memref<!tpu.dma_semaphore, #tpu.memory_space<semaphore_mem>>) {add = true}
      %dma_wait3A_146 = arith.constant 0 : i32
      %dma_wait3A_147 = tpu.memref_slice %arg6[%run_scoped3A_80, %dma_wait3A_146] : memref<125x40xi32, #tpu.memory_space<vmem>> -> memref<1x40xi32, #tpu.memory_space<vmem>>
      %dma_wait3A_148 = tpu.memref_squeeze %dma_wait3A_147 : memref<1x40xi32, #tpu.memory_space<vmem>> -> memref<40xi32, #tpu.memory_space<vmem>>
      %dma_wait3A_149 = arith.constant 0 : i32
      %dma_wait3A_150 = arith.constant 0 : i32
      %dma_wait3A_151 = tpu.memref_slice %arg12[%dma_wait3A_149, %dma_wait3A_150] : memref<10000x128xf32, #tpu.memory_space<vmem_shared>> -> memref<10000x128xf32, #tpu.memory_space<vmem_shared>>
      tpu.wait_indirect_dma semaphore(%run_scoped3A_139 : memref<!tpu.dma_semaphore, #tpu.memory_space<semaphore_mem>>) src(%arg7 : memref<40x128xf32, #tpu.memory_space<vmem>>) dst(%dma_wait3A_151 : memref<10000x128xf32, #tpu.memory_space<vmem_shared>>)
      tpu.yield
    }) : () -> ()
    %mul3A_81 = arith.constant 125 : i32
    %mul3A_82 = arith.muli %add3A, %mul3A_81 : i32
    %add3A_83 = arith.constant 121 : i32
    %add3A_84 = arith.addi %mul3A_82, %add3A_83 : i32
    %dma_wait3A_85 = arith.constant 0 : i32
    %dma_wait3A_86 = arith.constant 0 : i32
    %dma_wait3A_87 = tpu.memref_slice %arg2[%add3A_84, %dma_wait3A_85, %dma_wait3A_86] : memref<4000x40x128xf32, #tpu.memory_space<hbm>> -> memref<1x40x128xf32, #tpu.memory_space<hbm>>
    %dma_wait3A_88 = tpu.memref_squeeze %dma_wait3A_87 : memref<1x40x128xf32, #tpu.memory_space<hbm>> -> memref<40x128xf32, #tpu.memory_space<hbm>>
    %dma_wait3A_89 = arith.constant 0 : i32
    %dma_wait3A_90 = arith.constant 0 : i32
    %dma_wait3A_91 = tpu.memref_slice %arg2[%add3A_84, %dma_wait3A_89, %dma_wait3A_90] : memref<4000x40x128xf32, #tpu.memory_space<hbm>> -> memref<1x40x128xf32, #tpu.memory_space<hbm>>
    %dma_wait3A_92 = tpu.memref_squeeze %dma_wait3A_91 : memref<1x40x128xf32, #tpu.memory_space<hbm>> -> memref<40x128xf32, #tpu.memory_space<hbm>>
    tpu.wait_dma2 semaphore(%arg14 : memref<!tpu.dma_semaphore, #tpu.memory_space<semaphore_mem>>) src(%dma_wait3A_92 : memref<40x128xf32, #tpu.memory_space<hbm>>) dst(%arg8 : memref<40x128xf32, #tpu.memory_space<vmem>>)
    %run_scoped3A_93 = arith.constant 121 : i32
    "tpu.region"() ({
      %run_scoped3A_139 = tpu.sem_alloc : memref<!tpu.dma_semaphore, #tpu.memory_space<semaphore_mem>>
      %dma_start3A_140 = arith.constant 0 : i32
      %dma_start3A_141 = tpu.memref_slice %arg6[%run_scoped3A_93, %dma_start3A_140] : memref<125x40xi32, #tpu.memory_space<vmem>> -> memref<1x40xi32, #tpu.memory_space<vmem>>
      %dma_start3A_142 = tpu.memref_squeeze %dma_start3A_141 : memref<1x40xi32, #tpu.memory_space<vmem>> -> memref<40xi32, #tpu.memory_space<vmem>>
      %dma_start3A_143 = arith.constant 0 : i32
      %dma_start3A_144 = arith.constant 0 : i32
      %dma_start3A_145 = tpu.memref_slice %arg12[%dma_start3A_143, %dma_start3A_144] : memref<10000x128xf32, #tpu.memory_space<vmem_shared>> -> memref<10000x128xf32, #tpu.memory_space<vmem_shared>>
      tpu.enqueue_indirect_dma source(%arg8 : memref<40x128xf32, #tpu.memory_space<vmem>>) target(%dma_start3A_145 : memref<10000x128xf32, #tpu.memory_space<vmem_shared>>) offsets(%dma_start3A_142 : memref<40xi32, #tpu.memory_space<vmem>>) semaphore(%run_scoped3A_139 : memref<!tpu.dma_semaphore, #tpu.memory_space<semaphore_mem>>) {add = true}
      %dma_wait3A_146 = arith.constant 0 : i32
      %dma_wait3A_147 = tpu.memref_slice %arg6[%run_scoped3A_93, %dma_wait3A_146] : memref<125x40xi32, #tpu.memory_space<vmem>> -> memref<1x40xi32, #tpu.memory_space<vmem>>
      %dma_wait3A_148 = tpu.memref_squeeze %dma_wait3A_147 : memref<1x40xi32, #tpu.memory_space<vmem>> -> memref<40xi32, #tpu.memory_space<vmem>>
      %dma_wait3A_149 = arith.constant 0 : i32
      %dma_wait3A_150 = arith.constant 0 : i32
      %dma_wait3A_151 = tpu.memref_slice %arg12[%dma_wait3A_149, %dma_wait3A_150] : memref<10000x128xf32, #tpu.memory_space<vmem_shared>> -> memref<10000x128xf32, #tpu.memory_space<vmem_shared>>
      tpu.wait_indirect_dma semaphore(%run_scoped3A_139 : memref<!tpu.dma_semaphore, #tpu.memory_space<semaphore_mem>>) src(%arg8 : memref<40x128xf32, #tpu.memory_space<vmem>>) dst(%dma_wait3A_151 : memref<10000x128xf32, #tpu.memory_space<vmem_shared>>)
      tpu.yield
    }) : () -> ()
    %mul3A_94 = arith.constant 125 : i32
    %mul3A_95 = arith.muli %add3A, %mul3A_94 : i32
    %add3A_96 = arith.constant 122 : i32
    %add3A_97 = arith.addi %mul3A_95, %add3A_96 : i32
    %dma_wait3A_98 = arith.constant 0 : i32
    %dma_wait3A_99 = arith.constant 0 : i32
    %dma_wait3A_100 = tpu.memref_slice %arg2[%add3A_97, %dma_wait3A_98, %dma_wait3A_99] : memref<4000x40x128xf32, #tpu.memory_space<hbm>> -> memref<1x40x128xf32, #tpu.memory_space<hbm>>
    %dma_wait3A_101 = tpu.memref_squeeze %dma_wait3A_100 : memref<1x40x128xf32, #tpu.memory_space<hbm>> -> memref<40x128xf32, #tpu.memory_space<hbm>>
    %dma_wait3A_102 = arith.constant 0 : i32
    %dma_wait3A_103 = arith.constant 0 : i32
    %dma_wait3A_104 = tpu.memref_slice %arg2[%add3A_97, %dma_wait3A_102, %dma_wait3A_103] : memref<4000x40x128xf32, #tpu.memory_space<hbm>> -> memref<1x40x128xf32, #tpu.memory_space<hbm>>
    %dma_wait3A_105 = tpu.memref_squeeze %dma_wait3A_104 : memref<1x40x128xf32, #tpu.memory_space<hbm>> -> memref<40x128xf32, #tpu.memory_space<hbm>>
    tpu.wait_dma2 semaphore(%arg15 : memref<!tpu.dma_semaphore, #tpu.memory_space<semaphore_mem>>) src(%dma_wait3A_105 : memref<40x128xf32, #tpu.memory_space<hbm>>) dst(%arg9 : memref<40x128xf32, #tpu.memory_space<vmem>>)
    %run_scoped3A_106 = arith.constant 122 : i32
    "tpu.region"() ({
      %run_scoped3A_139 = tpu.sem_alloc : memref<!tpu.dma_semaphore, #tpu.memory_space<semaphore_mem>>
      %dma_start3A_140 = arith.constant 0 : i32
      %dma_start3A_141 = tpu.memref_slice %arg6[%run_scoped3A_106, %dma_start3A_140] : memref<125x40xi32, #tpu.memory_space<vmem>> -> memref<1x40xi32, #tpu.memory_space<vmem>>
      %dma_start3A_142 = tpu.memref_squeeze %dma_start3A_141 : memref<1x40xi32, #tpu.memory_space<vmem>> -> memref<40xi32, #tpu.memory_space<vmem>>
      %dma_start3A_143 = arith.constant 0 : i32
      %dma_start3A_144 = arith.constant 0 : i32
      %dma_start3A_145 = tpu.memref_slice %arg12[%dma_start3A_143, %dma_start3A_144] : memref<10000x128xf32, #tpu.memory_space<vmem_shared>> -> memref<10000x128xf32, #tpu.memory_space<vmem_shared>>
      tpu.enqueue_indirect_dma source(%arg9 : memref<40x128xf32, #tpu.memory_space<vmem>>) target(%dma_start3A_145 : memref<10000x128xf32, #tpu.memory_space<vmem_shared>>) offsets(%dma_start3A_142 : memref<40xi32, #tpu.memory_space<vmem>>) semaphore(%run_scoped3A_139 : memref<!tpu.dma_semaphore, #tpu.memory_space<semaphore_mem>>) {add = true}
      %dma_wait3A_146 = arith.constant 0 : i32
      %dma_wait3A_147 = tpu.memref_slice %arg6[%run_scoped3A_106, %dma_wait3A_146] : memref<125x40xi32, #tpu.memory_space<vmem>> -> memref<1x40xi32, #tpu.memory_space<vmem>>
      %dma_wait3A_148 = tpu.memref_squeeze %dma_wait3A_147 : memref<1x40xi32, #tpu.memory_space<vmem>> -> memref<40xi32, #tpu.memory_space<vmem>>
      %dma_wait3A_149 = arith.constant 0 : i32
      %dma_wait3A_150 = arith.constant 0 : i32
      %dma_wait3A_151 = tpu.memref_slice %arg12[%dma_wait3A_149, %dma_wait3A_150] : memref<10000x128xf32, #tpu.memory_space<vmem_shared>> -> memref<10000x128xf32, #tpu.memory_space<vmem_shared>>
      tpu.wait_indirect_dma semaphore(%run_scoped3A_139 : memref<!tpu.dma_semaphore, #tpu.memory_space<semaphore_mem>>) src(%arg9 : memref<40x128xf32, #tpu.memory_space<vmem>>) dst(%dma_wait3A_151 : memref<10000x128xf32, #tpu.memory_space<vmem_shared>>)
      tpu.yield
    }) : () -> ()
    %mul3A_107 = arith.constant 125 : i32
    %mul3A_108 = arith.muli %add3A, %mul3A_107 : i32
    %add3A_109 = arith.constant 123 : i32
    %add3A_110 = arith.addi %mul3A_108, %add3A_109 : i32
    %dma_wait3A_111 = arith.constant 0 : i32
    %dma_wait3A_112 = arith.constant 0 : i32
    %dma_wait3A_113 = tpu.memref_slice %arg2[%add3A_110, %dma_wait3A_111, %dma_wait3A_112] : memref<4000x40x128xf32, #tpu.memory_space<hbm>> -> memref<1x40x128xf32, #tpu.memory_space<hbm>>
    %dma_wait3A_114 = tpu.memref_squeeze %dma_wait3A_113 : memref<1x40x128xf32, #tpu.memory_space<hbm>> -> memref<40x128xf32, #tpu.memory_space<hbm>>
    %dma_wait3A_115 = arith.constant 0 : i32
    %dma_wait3A_116 = arith.constant 0 : i32
    %dma_wait3A_117 = tpu.memref_slice %arg2[%add3A_110, %dma_wait3A_115, %dma_wait3A_116] : memref<4000x40x128xf32, #tpu.memory_space<hbm>> -> memref<1x40x128xf32, #tpu.memory_space<hbm>>
    %dma_wait3A_118 = tpu.memref_squeeze %dma_wait3A_117 : memref<1x40x128xf32, #tpu.memory_space<hbm>> -> memref<40x128xf32, #tpu.memory_space<hbm>>
    tpu.wait_dma2 semaphore(%arg16 : memref<!tpu.dma_semaphore, #tpu.memory_space<semaphore_mem>>) src(%dma_wait3A_118 : memref<40x128xf32, #tpu.memory_space<hbm>>) dst(%arg10 : memref<40x128xf32, #tpu.memory_space<vmem>>)
    %run_scoped3A_119 = arith.constant 123 : i32
    "tpu.region"() ({
      %run_scoped3A_139 = tpu.sem_alloc : memref<!tpu.dma_semaphore, #tpu.memory_space<semaphore_mem>>
      %dma_start3A_140 = arith.constant 0 : i32
      %dma_start3A_141 = tpu.memref_slice %arg6[%run_scoped3A_119, %dma_start3A_140] : memref<125x40xi32, #tpu.memory_space<vmem>> -> memref<1x40xi32, #tpu.memory_space<vmem>>
      %dma_start3A_142 = tpu.memref_squeeze %dma_start3A_141 : memref<1x40xi32, #tpu.memory_space<vmem>> -> memref<40xi32, #tpu.memory_space<vmem>>
      %dma_start3A_143 = arith.constant 0 : i32
      %dma_start3A_144 = arith.constant 0 : i32
      %dma_start3A_145 = tpu.memref_slice %arg12[%dma_start3A_143, %dma_start3A_144] : memref<10000x128xf32, #tpu.memory_space<vmem_shared>> -> memref<10000x128xf32, #tpu.memory_space<vmem_shared>>
      tpu.enqueue_indirect_dma source(%arg10 : memref<40x128xf32, #tpu.memory_space<vmem>>) target(%dma_start3A_145 : memref<10000x128xf32, #tpu.memory_space<vmem_shared>>) offsets(%dma_start3A_142 : memref<40xi32, #tpu.memory_space<vmem>>) semaphore(%run_scoped3A_139 : memref<!tpu.dma_semaphore, #tpu.memory_space<semaphore_mem>>) {add = true}
      %dma_wait3A_146 = arith.constant 0 : i32
      %dma_wait3A_147 = tpu.memref_slice %arg6[%run_scoped3A_119, %dma_wait3A_146] : memref<125x40xi32, #tpu.memory_space<vmem>> -> memref<1x40xi32, #tpu.memory_space<vmem>>
      %dma_wait3A_148 = tpu.memref_squeeze %dma_wait3A_147 : memref<1x40xi32, #tpu.memory_space<vmem>> -> memref<40xi32, #tpu.memory_space<vmem>>
      %dma_wait3A_149 = arith.constant 0 : i32
      %dma_wait3A_150 = arith.constant 0 : i32
      %dma_wait3A_151 = tpu.memref_slice %arg12[%dma_wait3A_149, %dma_wait3A_150] : memref<10000x128xf32, #tpu.memory_space<vmem_shared>> -> memref<10000x128xf32, #tpu.memory_space<vmem_shared>>
      tpu.wait_indirect_dma semaphore(%run_scoped3A_139 : memref<!tpu.dma_semaphore, #tpu.memory_space<semaphore_mem>>) src(%arg10 : memref<40x128xf32, #tpu.memory_space<vmem>>) dst(%dma_wait3A_151 : memref<10000x128xf32, #tpu.memory_space<vmem_shared>>)
      tpu.yield
    }) : () -> ()
    %mul3A_120 = arith.constant 125 : i32
    %mul3A_121 = arith.muli %add3A, %mul3A_120 : i32
    %add3A_122 = arith.constant 124 : i32
    %add3A_123 = arith.addi %mul3A_121, %add3A_122 : i32
    %dma_wait3A_124 = arith.constant 0 : i32
    %dma_wait3A_125 = arith.constant 0 : i32
    %dma_wait3A_126 = tpu.memref_slice %arg2[%add3A_123, %dma_wait3A_124, %dma_wait3A_125] : memref<4000x40x128xf32, #tpu.memory_space<hbm>> -> memref<1x40x128xf32, #tpu.memory_space<hbm>>
    %dma_wait3A_127 = tpu.memref_squeeze %dma_wait3A_126 : memref<1x40x128xf32, #tpu.memory_space<hbm>> -> memref<40x128xf32, #tpu.memory_space<hbm>>
    %dma_wait3A_128 = arith.constant 0 : i32
    %dma_wait3A_129 = arith.constant 0 : i32
    %dma_wait3A_130 = tpu.memref_slice %arg2[%add3A_123, %dma_wait3A_128, %dma_wait3A_129] : memref<4000x40x128xf32, #tpu.memory_space<hbm>> -> memref<1x40x128xf32, #tpu.memory_space<hbm>>
    %dma_wait3A_131 = tpu.memref_squeeze %dma_wait3A_130 : memref<1x40x128xf32, #tpu.memory_space<hbm>> -> memref<40x128xf32, #tpu.memory_space<hbm>>
    tpu.wait_dma2 semaphore(%arg17 : memref<!tpu.dma_semaphore, #tpu.memory_space<semaphore_mem>>) src(%dma_wait3A_131 : memref<40x128xf32, #tpu.memory_space<hbm>>) dst(%arg11 : memref<40x128xf32, #tpu.memory_space<vmem>>)
    %run_scoped3A_132 = arith.constant 124 : i32
    "tpu.region"() ({
      %run_scoped3A_139 = tpu.sem_alloc : memref<!tpu.dma_semaphore, #tpu.memory_space<semaphore_mem>>
      %dma_start3A_140 = arith.constant 0 : i32
      %dma_start3A_141 = tpu.memref_slice %arg6[%run_scoped3A_132, %dma_start3A_140] : memref<125x40xi32, #tpu.memory_space<vmem>> -> memref<1x40xi32, #tpu.memory_space<vmem>>
      %dma_start3A_142 = tpu.memref_squeeze %dma_start3A_141 : memref<1x40xi32, #tpu.memory_space<vmem>> -> memref<40xi32, #tpu.memory_space<vmem>>
      %dma_start3A_143 = arith.constant 0 : i32
      %dma_start3A_144 = arith.constant 0 : i32
      %dma_start3A_145 = tpu.memref_slice %arg12[%dma_start3A_143, %dma_start3A_144] : memref<10000x128xf32, #tpu.memory_space<vmem_shared>> -> memref<10000x128xf32, #tpu.memory_space<vmem_shared>>
      tpu.enqueue_indirect_dma source(%arg11 : memref<40x128xf32, #tpu.memory_space<vmem>>) target(%dma_start3A_145 : memref<10000x128xf32, #tpu.memory_space<vmem_shared>>) offsets(%dma_start3A_142 : memref<40xi32, #tpu.memory_space<vmem>>) semaphore(%run_scoped3A_139 : memref<!tpu.dma_semaphore, #tpu.memory_space<semaphore_mem>>) {add = true}
      %dma_wait3A_146 = arith.constant 0 : i32
      %dma_wait3A_147 = tpu.memref_slice %arg6[%run_scoped3A_132, %dma_wait3A_146] : memref<125x40xi32, #tpu.memory_space<vmem>> -> memref<1x40xi32, #tpu.memory_space<vmem>>
      %dma_wait3A_148 = tpu.memref_squeeze %dma_wait3A_147 : memref<1x40xi32, #tpu.memory_space<vmem>> -> memref<40xi32, #tpu.memory_space<vmem>>
      %dma_wait3A_149 = arith.constant 0 : i32
      %dma_wait3A_150 = arith.constant 0 : i32
      %dma_wait3A_151 = tpu.memref_slice %arg12[%dma_wait3A_149, %dma_wait3A_150] : memref<10000x128xf32, #tpu.memory_space<vmem_shared>> -> memref<10000x128xf32, #tpu.memory_space<vmem_shared>>
      tpu.wait_indirect_dma semaphore(%run_scoped3A_139 : memref<!tpu.dma_semaphore, #tpu.memory_space<semaphore_mem>>) src(%arg11 : memref<40x128xf32, #tpu.memory_space<vmem>>) dst(%dma_wait3A_151 : memref<10000x128xf32, #tpu.memory_space<vmem_shared>>)
      tpu.yield
    }) : () -> ()
    %barrier3A_133 = arith.constant 0 : index
    tpu.barrier barrier_id(%barrier3A_133)
    %eq3A_134 = arith.constant 0 : i32
    %eq3A_135 = arith.cmpi eq, %arg1, %eq3A_134 : i32
    %convert_element_type3A_136 = arith.extui %eq3A_135 : i1 to i32
    %cond3A_137 = arith.constant 0 : i32
    %cond3A_138 = arith.cmpi ne, %convert_element_type3A_136, %cond3A_137 : i32
    scf.if %cond3A_138 {
      "tpu.region"() ({
        %run_scoped3A_139 = tpu.sem_alloc : memref<!tpu.dma_semaphore, #tpu.memory_space<semaphore_mem>>
        %dma_start3A_140 = arith.constant 0 : i32
        %dma_start3A_141 = arith.constant 0 : i32
        %dma_start3A_142 = tpu.memref_slice %arg5[%arg0, %dma_start3A_140, %dma_start3A_141] : memref<2x10000x128xf32, #tpu.memory_space<hbm>> -> memref<1x10000x128xf32, #tpu.memory_space<hbm>>
        %dma_start3A_143 = tpu.memref_squeeze %dma_start3A_142 : memref<1x10000x128xf32, #tpu.memory_space<hbm>> -> memref<10000x128xf32, #tpu.memory_space<hbm>>
        tpu.enqueue_dma source(%arg12 : memref<10000x128xf32, #tpu.memory_space<vmem_shared>>) target(%dma_start3A_143 : memref<10000x128xf32, #tpu.memory_space<hbm>>) target_semaphore(%run_scoped3A_139 : memref<!tpu.dma_semaphore, #tpu.memory_space<semaphore_mem>>)
        %dma_wait3A_144 = arith.constant 0 : i32
        %dma_wait3A_145 = arith.constant 0 : i32
        %dma_wait3A_146 = tpu.memref_slice %arg5[%arg0, %dma_wait3A_144, %dma_wait3A_145] : memref<2x10000x128xf32, #tpu.memory_space<hbm>> -> memref<1x10000x128xf32, #tpu.memory_space<hbm>>
        %dma_wait3A_147 = tpu.memref_squeeze %dma_wait3A_146 : memref<1x10000x128xf32, #tpu.memory_space<hbm>> -> memref<10000x128xf32, #tpu.memory_space<hbm>>
        tpu.wait_dma2 semaphore(%run_scoped3A_139 : memref<!tpu.dma_semaphore, #tpu.memory_space<semaphore_mem>>) src(%arg12 : memref<10000x128xf32, #tpu.memory_space<vmem_shared>>) dst(%dma_wait3A_147 : memref<10000x128xf32, #tpu.memory_space<hbm>>)
        tpu.yield
      }) : () -> ()
    } else {
    }
    return
  }
}

#map = affine_map<(d0, d1) -> (0, 0)>
#map1 = affine_map<(d0, d1) -> (0)>
#map2 = affine_map<(d0, d1) -> (0, 0, 0)>
module attributes {stable_mosaic.version = 14 : i64} {
  func.func @gather_kernel(%arg0: i32, %arg1: i32, %arg2: memref<10000x128xf32, #tpu.memory_space<hbm>>, %arg3: memref<320000xi32, #tpu.memory_space<hbm>>, %arg4: memref<4000x40x128xf32, #tpu.memory_space<hbm>>, %arg5: memref<5000xi32, #tpu.memory_space<vmem>>, %arg6: memref<40x128xf32, #tpu.memory_space<vmem>>, %arg7: memref<40x128xf32, #tpu.memory_space<vmem>>, %arg8: memref<40x128xf32, #tpu.memory_space<vmem>>, %arg9: memref<40x128xf32, #tpu.memory_space<vmem>>, %arg10: memref<40x128xf32, #tpu.memory_space<vmem>>, %arg11: memref<10000x128xf32, #tpu.memory_space<vmem_shared>>, %arg12: memref<!tpu.dma_semaphore, #tpu.memory_space<semaphore_mem>>, %arg13: memref<!tpu.dma_semaphore, #tpu.memory_space<semaphore_mem>>, %arg14: memref<!tpu.dma_semaphore, #tpu.memory_space<semaphore_mem>>, %arg15: memref<!tpu.dma_semaphore, #tpu.memory_space<semaphore_mem>>, %arg16: memref<!tpu.dma_semaphore, #tpu.memory_space<semaphore_mem>>) attributes {dimension_semantics = [#tpu.dimension_semantics<core_parallel>, #tpu.dimension_semantics<subcore_parallel>], iteration_bounds = array<i64: 2, 16>, scalar_prefetch = 0 : i64, scratch_operands = 12 : i64, tpu.core_type = #tpu.core_type<sc_vector_subcore>, window_params = [{transform_indices = #map}, {transform_indices = #map1}, {transform_indices = #map2}]} {
    %mul3A = arith.constant 2 : i32
    %mul3A_0 = arith.muli %arg1, %mul3A : i32
    %add3A = arith.addi %mul3A_0, %arg0 : i32
    %mul3A_1 = arith.constant 5000 : i32
    %mul3A_2 = arith.muli %add3A, %mul3A_1 : i32
    %eq3A = arith.constant 0 : i32
    %eq3A_3 = arith.cmpi eq, %arg1, %eq3A : i32
    %convert_element_type3A = arith.extui %eq3A_3 : i1 to i32
    %cond3A = arith.constant 0 : i32
    %cond3A_4 = arith.cmpi ne, %convert_element_type3A, %cond3A : i32
    scf.if %cond3A_4 {
      "tpu.region"() ({
        %run_scoped3A = tpu.sem_alloc : memref<!tpu.dma_semaphore, #tpu.memory_space<semaphore_mem>>
        tpu.enqueue_dma source(%arg2 : memref<10000x128xf32, #tpu.memory_space<hbm>>) target(%arg11 : memref<10000x128xf32, #tpu.memory_space<vmem_shared>>) target_semaphore(%run_scoped3A : memref<!tpu.dma_semaphore, #tpu.memory_space<semaphore_mem>>)
        tpu.wait_dma2 semaphore(%run_scoped3A : memref<!tpu.dma_semaphore, #tpu.memory_space<semaphore_mem>>) src(%arg2 : memref<10000x128xf32, #tpu.memory_space<hbm>>) dst(%arg11 : memref<10000x128xf32, #tpu.memory_space<vmem_shared>>)
        tpu.yield
      }) : () -> ()
    } else {
    }
    %add3A_5 = arith.constant 0 : i32
    %add3A_6 = arith.addi %add3A_5, %mul3A_2 : i32
    "tpu.region"() ({
      %run_scoped3A = tpu.sem_alloc : memref<!tpu.dma_semaphore, #tpu.memory_space<semaphore_mem>>
      %dma_start3A_80 = tpu.memref_slice %arg3[%add3A_6] : memref<320000xi32, #tpu.memory_space<hbm>> -> memref<5000xi32, #tpu.memory_space<hbm>>
      %dma_start3A_81 = tpu.memref_slice %arg3[%add3A_6] : memref<320000xi32, #tpu.memory_space<hbm>> -> memref<5000xi32, #tpu.memory_space<hbm>>
      tpu.enqueue_dma source(%dma_start3A_81 : memref<5000xi32, #tpu.memory_space<hbm>>) target(%arg5 : memref<5000xi32, #tpu.memory_space<vmem>>) target_semaphore(%run_scoped3A : memref<!tpu.dma_semaphore, #tpu.memory_space<semaphore_mem>>)
      %dma_wait3A_82 = tpu.memref_slice %arg3[%add3A_6] : memref<320000xi32, #tpu.memory_space<hbm>> -> memref<5000xi32, #tpu.memory_space<hbm>>
      %dma_wait3A_83 = tpu.memref_slice %arg3[%add3A_6] : memref<320000xi32, #tpu.memory_space<hbm>> -> memref<5000xi32, #tpu.memory_space<hbm>>
      tpu.wait_dma2 semaphore(%run_scoped3A : memref<!tpu.dma_semaphore, #tpu.memory_space<semaphore_mem>>) src(%dma_wait3A_83 : memref<5000xi32, #tpu.memory_space<hbm>>) dst(%arg5 : memref<5000xi32, #tpu.memory_space<vmem>>)
      tpu.yield
    }) : () -> ()
    %barrier3A = arith.constant 0 : index
    tpu.barrier barrier_id(%barrier3A)
    %dma_start3A = arith.constant 0 : i32
    %dma_start3A_7 = tpu.memref_slice %arg5[%dma_start3A] : memref<5000xi32, #tpu.memory_space<vmem>> -> memref<40xi32, #tpu.memory_space<vmem>>
    %dma_start3A_8 = arith.constant 0 : i32
    %dma_start3A_9 = arith.constant 0 : i32
    %dma_start3A_10 = tpu.memref_slice %arg11[%dma_start3A_8, %dma_start3A_9] : memref<10000x128xf32, #tpu.memory_space<vmem_shared>> -> memref<10000x128xf32, #tpu.memory_space<vmem_shared>>
    tpu.enqueue_indirect_dma source(%dma_start3A_10 : memref<10000x128xf32, #tpu.memory_space<vmem_shared>>) target(%arg6 : memref<40x128xf32, #tpu.memory_space<vmem>>) offsets(%dma_start3A_7 : memref<40xi32, #tpu.memory_space<vmem>>) semaphore(%arg12 : memref<!tpu.dma_semaphore, #tpu.memory_space<semaphore_mem>>)
    %dma_start3A_11 = arith.constant 40 : i32
    %dma_start3A_12 = tpu.memref_slice %arg5[%dma_start3A_11] : memref<5000xi32, #tpu.memory_space<vmem>> -> memref<40xi32, #tpu.memory_space<vmem>>
    %dma_start3A_13 = arith.constant 0 : i32
    %dma_start3A_14 = arith.constant 0 : i32
    %dma_start3A_15 = tpu.memref_slice %arg11[%dma_start3A_13, %dma_start3A_14] : memref<10000x128xf32, #tpu.memory_space<vmem_shared>> -> memref<10000x128xf32, #tpu.memory_space<vmem_shared>>
    tpu.enqueue_indirect_dma source(%dma_start3A_15 : memref<10000x128xf32, #tpu.memory_space<vmem_shared>>) target(%arg7 : memref<40x128xf32, #tpu.memory_space<vmem>>) offsets(%dma_start3A_12 : memref<40xi32, #tpu.memory_space<vmem>>) semaphore(%arg13 : memref<!tpu.dma_semaphore, #tpu.memory_space<semaphore_mem>>)
    %dma_start3A_16 = arith.constant 80 : i32
    %dma_start3A_17 = tpu.memref_slice %arg5[%dma_start3A_16] : memref<5000xi32, #tpu.memory_space<vmem>> -> memref<40xi32, #tpu.memory_space<vmem>>
    %dma_start3A_18 = arith.constant 0 : i32
    %dma_start3A_19 = arith.constant 0 : i32
    %dma_start3A_20 = tpu.memref_slice %arg11[%dma_start3A_18, %dma_start3A_19] : memref<10000x128xf32, #tpu.memory_space<vmem_shared>> -> memref<10000x128xf32, #tpu.memory_space<vmem_shared>>
    tpu.enqueue_indirect_dma source(%dma_start3A_20 : memref<10000x128xf32, #tpu.memory_space<vmem_shared>>) target(%arg8 : memref<40x128xf32, #tpu.memory_space<vmem>>) offsets(%dma_start3A_17 : memref<40xi32, #tpu.memory_space<vmem>>) semaphore(%arg14 : memref<!tpu.dma_semaphore, #tpu.memory_space<semaphore_mem>>)
    %dma_start3A_21 = arith.constant 120 : i32
    %dma_start3A_22 = tpu.memref_slice %arg5[%dma_start3A_21] : memref<5000xi32, #tpu.memory_space<vmem>> -> memref<40xi32, #tpu.memory_space<vmem>>
    %dma_start3A_23 = arith.constant 0 : i32
    %dma_start3A_24 = arith.constant 0 : i32
    %dma_start3A_25 = tpu.memref_slice %arg11[%dma_start3A_23, %dma_start3A_24] : memref<10000x128xf32, #tpu.memory_space<vmem_shared>> -> memref<10000x128xf32, #tpu.memory_space<vmem_shared>>
    tpu.enqueue_indirect_dma source(%dma_start3A_25 : memref<10000x128xf32, #tpu.memory_space<vmem_shared>>) target(%arg9 : memref<40x128xf32, #tpu.memory_space<vmem>>) offsets(%dma_start3A_22 : memref<40xi32, #tpu.memory_space<vmem>>) semaphore(%arg15 : memref<!tpu.dma_semaphore, #tpu.memory_space<semaphore_mem>>)
    %dma_start3A_26 = arith.constant 160 : i32
    %dma_start3A_27 = tpu.memref_slice %arg5[%dma_start3A_26] : memref<5000xi32, #tpu.memory_space<vmem>> -> memref<40xi32, #tpu.memory_space<vmem>>
    %dma_start3A_28 = arith.constant 0 : i32
    %dma_start3A_29 = arith.constant 0 : i32
    %dma_start3A_30 = tpu.memref_slice %arg11[%dma_start3A_28, %dma_start3A_29] : memref<10000x128xf32, #tpu.memory_space<vmem_shared>> -> memref<10000x128xf32, #tpu.memory_space<vmem_shared>>
    tpu.enqueue_indirect_dma source(%dma_start3A_30 : memref<10000x128xf32, #tpu.memory_space<vmem_shared>>) target(%arg10 : memref<40x128xf32, #tpu.memory_space<vmem>>) offsets(%dma_start3A_27 : memref<40xi32, #tpu.memory_space<vmem>>) semaphore(%arg16 : memref<!tpu.dma_semaphore, #tpu.memory_space<semaphore_mem>>)
    %scan3A = arith.constant 0 : i32
    %scan3A_31 = arith.constant 0 : i32
    %scan3A_32 = arith.constant 24 : i32
    %scan3A_33 = arith.addi %scan3A_31, %scan3A_32 : i32
    %scan3A_34 = arith.constant 1 : i32
    scf.for %scan3A_80 = %scan3A_31 to %scan3A_33 step %scan3A_34  : i32 {
      %mul3A_81 = arith.constant 5 : i32
      %mul3A_82 = arith.muli %scan3A_80, %mul3A_81 : i32
      %add3A_83 = arith.constant 0 : i32
      %add3A_84 = arith.addi %mul3A_82, %add3A_83 : i32
      %mul3A_85 = arith.constant 40 : i32
      %mul3A_86 = arith.muli %add3A_84, %mul3A_85 : i32
      %dma_wait3A_87 = tpu.memref_slice %arg5[%mul3A_86] : memref<5000xi32, #tpu.memory_space<vmem>> -> memref<40xi32, #tpu.memory_space<vmem>>
      %dma_wait3A_88 = arith.constant 0 : i32
      %dma_wait3A_89 = arith.constant 0 : i32
      %dma_wait3A_90 = tpu.memref_slice %arg11[%dma_wait3A_88, %dma_wait3A_89] : memref<10000x128xf32, #tpu.memory_space<vmem_shared>> -> memref<10000x128xf32, #tpu.memory_space<vmem_shared>>
      tpu.wait_indirect_dma semaphore(%arg12 : memref<!tpu.dma_semaphore, #tpu.memory_space<semaphore_mem>>) src(%dma_wait3A_90 : memref<10000x128xf32, #tpu.memory_space<vmem_shared>>) dst(%arg6 : memref<40x128xf32, #tpu.memory_space<vmem>>)
      %mul3A_91 = arith.constant 125 : i32
      %mul3A_92 = arith.muli %add3A, %mul3A_91 : i32
      %add3A_93 = arith.addi %mul3A_92, %add3A_84 : i32
      "tpu.region"() ({
        %run_scoped3A = tpu.sem_alloc : memref<!tpu.dma_semaphore, #tpu.memory_space<semaphore_mem>>
        %dma_start3A_186 = arith.constant 0 : i32
        %dma_start3A_187 = arith.constant 0 : i32
        %dma_start3A_188 = tpu.memref_slice %arg4[%add3A_93, %dma_start3A_186, %dma_start3A_187] : memref<4000x40x128xf32, #tpu.memory_space<hbm>> -> memref<1x40x128xf32, #tpu.memory_space<hbm>>
        %dma_start3A_189 = tpu.memref_squeeze %dma_start3A_188 : memref<1x40x128xf32, #tpu.memory_space<hbm>> -> memref<40x128xf32, #tpu.memory_space<hbm>>
        %dma_start3A_190 = arith.constant 0 : i32
        %dma_start3A_191 = arith.constant 0 : i32
        %dma_start3A_192 = tpu.memref_slice %arg4[%add3A_93, %dma_start3A_190, %dma_start3A_191] : memref<4000x40x128xf32, #tpu.memory_space<hbm>> -> memref<1x40x128xf32, #tpu.memory_space<hbm>>
        %dma_start3A_193 = tpu.memref_squeeze %dma_start3A_192 : memref<1x40x128xf32, #tpu.memory_space<hbm>> -> memref<40x128xf32, #tpu.memory_space<hbm>>
        tpu.enqueue_dma source(%arg6 : memref<40x128xf32, #tpu.memory_space<vmem>>) target(%dma_start3A_193 : memref<40x128xf32, #tpu.memory_space<hbm>>) target_semaphore(%run_scoped3A : memref<!tpu.dma_semaphore, #tpu.memory_space<semaphore_mem>>)
        %dma_wait3A_194 = arith.constant 0 : i32
        %dma_wait3A_195 = arith.constant 0 : i32
        %dma_wait3A_196 = tpu.memref_slice %arg4[%add3A_93, %dma_wait3A_194, %dma_wait3A_195] : memref<4000x40x128xf32, #tpu.memory_space<hbm>> -> memref<1x40x128xf32, #tpu.memory_space<hbm>>
        %dma_wait3A_197 = tpu.memref_squeeze %dma_wait3A_196 : memref<1x40x128xf32, #tpu.memory_space<hbm>> -> memref<40x128xf32, #tpu.memory_space<hbm>>
        %dma_wait3A_198 = arith.constant 0 : i32
        %dma_wait3A_199 = arith.constant 0 : i32
        %dma_wait3A_200 = tpu.memref_slice %arg4[%add3A_93, %dma_wait3A_198, %dma_wait3A_199] : memref<4000x40x128xf32, #tpu.memory_space<hbm>> -> memref<1x40x128xf32, #tpu.memory_space<hbm>>
        %dma_wait3A_201 = tpu.memref_squeeze %dma_wait3A_200 : memref<1x40x128xf32, #tpu.memory_space<hbm>> -> memref<40x128xf32, #tpu.memory_space<hbm>>
        tpu.wait_dma2 semaphore(%run_scoped3A : memref<!tpu.dma_semaphore, #tpu.memory_space<semaphore_mem>>) src(%arg6 : memref<40x128xf32, #tpu.memory_space<vmem>>) dst(%dma_wait3A_201 : memref<40x128xf32, #tpu.memory_space<hbm>>)
        tpu.yield
      }) : () -> ()
      %add3A_94 = arith.constant 5 : i32
      %add3A_95 = arith.addi %add3A_84, %add3A_94 : i32
      %mul3A_96 = arith.constant 40 : i32
      %mul3A_97 = arith.muli %add3A_95, %mul3A_96 : i32
      %dma_start3A_98 = tpu.memref_slice %arg5[%mul3A_97] : memref<5000xi32, #tpu.memory_space<vmem>> -> memref<40xi32, #tpu.memory_space<vmem>>
      %dma_start3A_99 = arith.constant 0 : i32
      %dma_start3A_100 = arith.constant 0 : i32
      %dma_start3A_101 = tpu.memref_slice %arg11[%dma_start3A_99, %dma_start3A_100] : memref<10000x128xf32, #tpu.memory_space<vmem_shared>> -> memref<10000x128xf32, #tpu.memory_space<vmem_shared>>
      tpu.enqueue_indirect_dma source(%dma_start3A_101 : memref<10000x128xf32, #tpu.memory_space<vmem_shared>>) target(%arg6 : memref<40x128xf32, #tpu.memory_space<vmem>>) offsets(%dma_start3A_98 : memref<40xi32, #tpu.memory_space<vmem>>) semaphore(%arg12 : memref<!tpu.dma_semaphore, #tpu.memory_space<semaphore_mem>>)
      %mul3A_102 = arith.constant 5 : i32
      %mul3A_103 = arith.muli %scan3A_80, %mul3A_102 : i32
      %add3A_104 = arith.constant 1 : i32
      %add3A_105 = arith.addi %mul3A_103, %add3A_104 : i32
      %mul3A_106 = arith.constant 40 : i32
      %mul3A_107 = arith.muli %add3A_105, %mul3A_106 : i32
      %dma_wait3A_108 = tpu.memref_slice %arg5[%mul3A_107] : memref<5000xi32, #tpu.memory_space<vmem>> -> memref<40xi32, #tpu.memory_space<vmem>>
      %dma_wait3A_109 = arith.constant 0 : i32
      %dma_wait3A_110 = arith.constant 0 : i32
      %dma_wait3A_111 = tpu.memref_slice %arg11[%dma_wait3A_109, %dma_wait3A_110] : memref<10000x128xf32, #tpu.memory_space<vmem_shared>> -> memref<10000x128xf32, #tpu.memory_space<vmem_shared>>
      tpu.wait_indirect_dma semaphore(%arg13 : memref<!tpu.dma_semaphore, #tpu.memory_space<semaphore_mem>>) src(%dma_wait3A_111 : memref<10000x128xf32, #tpu.memory_space<vmem_shared>>) dst(%arg7 : memref<40x128xf32, #tpu.memory_space<vmem>>)
      %mul3A_112 = arith.constant 125 : i32
      %mul3A_113 = arith.muli %add3A, %mul3A_112 : i32
      %add3A_114 = arith.addi %mul3A_113, %add3A_105 : i32
      "tpu.region"() ({
        %run_scoped3A = tpu.sem_alloc : memref<!tpu.dma_semaphore, #tpu.memory_space<semaphore_mem>>
        %dma_start3A_186 = arith.constant 0 : i32
        %dma_start3A_187 = arith.constant 0 : i32
        %dma_start3A_188 = tpu.memref_slice %arg4[%add3A_114, %dma_start3A_186, %dma_start3A_187] : memref<4000x40x128xf32, #tpu.memory_space<hbm>> -> memref<1x40x128xf32, #tpu.memory_space<hbm>>
        %dma_start3A_189 = tpu.memref_squeeze %dma_start3A_188 : memref<1x40x128xf32, #tpu.memory_space<hbm>> -> memref<40x128xf32, #tpu.memory_space<hbm>>
        %dma_start3A_190 = arith.constant 0 : i32
        %dma_start3A_191 = arith.constant 0 : i32
        %dma_start3A_192 = tpu.memref_slice %arg4[%add3A_114, %dma_start3A_190, %dma_start3A_191] : memref<4000x40x128xf32, #tpu.memory_space<hbm>> -> memref<1x40x128xf32, #tpu.memory_space<hbm>>
        %dma_start3A_193 = tpu.memref_squeeze %dma_start3A_192 : memref<1x40x128xf32, #tpu.memory_space<hbm>> -> memref<40x128xf32, #tpu.memory_space<hbm>>
        tpu.enqueue_dma source(%arg7 : memref<40x128xf32, #tpu.memory_space<vmem>>) target(%dma_start3A_193 : memref<40x128xf32, #tpu.memory_space<hbm>>) target_semaphore(%run_scoped3A : memref<!tpu.dma_semaphore, #tpu.memory_space<semaphore_mem>>)
        %dma_wait3A_194 = arith.constant 0 : i32
        %dma_wait3A_195 = arith.constant 0 : i32
        %dma_wait3A_196 = tpu.memref_slice %arg4[%add3A_114, %dma_wait3A_194, %dma_wait3A_195] : memref<4000x40x128xf32, #tpu.memory_space<hbm>> -> memref<1x40x128xf32, #tpu.memory_space<hbm>>
        %dma_wait3A_197 = tpu.memref_squeeze %dma_wait3A_196 : memref<1x40x128xf32, #tpu.memory_space<hbm>> -> memref<40x128xf32, #tpu.memory_space<hbm>>
        %dma_wait3A_198 = arith.constant 0 : i32
        %dma_wait3A_199 = arith.constant 0 : i32
        %dma_wait3A_200 = tpu.memref_slice %arg4[%add3A_114, %dma_wait3A_198, %dma_wait3A_199] : memref<4000x40x128xf32, #tpu.memory_space<hbm>> -> memref<1x40x128xf32, #tpu.memory_space<hbm>>
        %dma_wait3A_201 = tpu.memref_squeeze %dma_wait3A_200 : memref<1x40x128xf32, #tpu.memory_space<hbm>> -> memref<40x128xf32, #tpu.memory_space<hbm>>
        tpu.wait_dma2 semaphore(%run_scoped3A : memref<!tpu.dma_semaphore, #tpu.memory_space<semaphore_mem>>) src(%arg7 : memref<40x128xf32, #tpu.memory_space<vmem>>) dst(%dma_wait3A_201 : memref<40x128xf32, #tpu.memory_space<hbm>>)
        tpu.yield
      }) : () -> ()
      %add3A_115 = arith.constant 5 : i32
      %add3A_116 = arith.addi %add3A_105, %add3A_115 : i32
      %mul3A_117 = arith.constant 40 : i32
      %mul3A_118 = arith.muli %add3A_116, %mul3A_117 : i32
      %dma_start3A_119 = tpu.memref_slice %arg5[%mul3A_118] : memref<5000xi32, #tpu.memory_space<vmem>> -> memref<40xi32, #tpu.memory_space<vmem>>
      %dma_start3A_120 = arith.constant 0 : i32
      %dma_start3A_121 = arith.constant 0 : i32
      %dma_start3A_122 = tpu.memref_slice %arg11[%dma_start3A_120, %dma_start3A_121] : memref<10000x128xf32, #tpu.memory_space<vmem_shared>> -> memref<10000x128xf32, #tpu.memory_space<vmem_shared>>
      tpu.enqueue_indirect_dma source(%dma_start3A_122 : memref<10000x128xf32, #tpu.memory_space<vmem_shared>>) target(%arg7 : memref<40x128xf32, #tpu.memory_space<vmem>>) offsets(%dma_start3A_119 : memref<40xi32, #tpu.memory_space<vmem>>) semaphore(%arg13 : memref<!tpu.dma_semaphore, #tpu.memory_space<semaphore_mem>>)
      %mul3A_123 = arith.constant 5 : i32
      %mul3A_124 = arith.muli %scan3A_80, %mul3A_123 : i32
      %add3A_125 = arith.constant 2 : i32
      %add3A_126 = arith.addi %mul3A_124, %add3A_125 : i32
      %mul3A_127 = arith.constant 40 : i32
      %mul3A_128 = arith.muli %add3A_126, %mul3A_127 : i32
      %dma_wait3A_129 = tpu.memref_slice %arg5[%mul3A_128] : memref<5000xi32, #tpu.memory_space<vmem>> -> memref<40xi32, #tpu.memory_space<vmem>>
      %dma_wait3A_130 = arith.constant 0 : i32
      %dma_wait3A_131 = arith.constant 0 : i32
      %dma_wait3A_132 = tpu.memref_slice %arg11[%dma_wait3A_130, %dma_wait3A_131] : memref<10000x128xf32, #tpu.memory_space<vmem_shared>> -> memref<10000x128xf32, #tpu.memory_space<vmem_shared>>
      tpu.wait_indirect_dma semaphore(%arg14 : memref<!tpu.dma_semaphore, #tpu.memory_space<semaphore_mem>>) src(%dma_wait3A_132 : memref<10000x128xf32, #tpu.memory_space<vmem_shared>>) dst(%arg8 : memref<40x128xf32, #tpu.memory_space<vmem>>)
      %mul3A_133 = arith.constant 125 : i32
      %mul3A_134 = arith.muli %add3A, %mul3A_133 : i32
      %add3A_135 = arith.addi %mul3A_134, %add3A_126 : i32
      "tpu.region"() ({
        %run_scoped3A = tpu.sem_alloc : memref<!tpu.dma_semaphore, #tpu.memory_space<semaphore_mem>>
        %dma_start3A_186 = arith.constant 0 : i32
        %dma_start3A_187 = arith.constant 0 : i32
        %dma_start3A_188 = tpu.memref_slice %arg4[%add3A_135, %dma_start3A_186, %dma_start3A_187] : memref<4000x40x128xf32, #tpu.memory_space<hbm>> -> memref<1x40x128xf32, #tpu.memory_space<hbm>>
        %dma_start3A_189 = tpu.memref_squeeze %dma_start3A_188 : memref<1x40x128xf32, #tpu.memory_space<hbm>> -> memref<40x128xf32, #tpu.memory_space<hbm>>
        %dma_start3A_190 = arith.constant 0 : i32
        %dma_start3A_191 = arith.constant 0 : i32
        %dma_start3A_192 = tpu.memref_slice %arg4[%add3A_135, %dma_start3A_190, %dma_start3A_191] : memref<4000x40x128xf32, #tpu.memory_space<hbm>> -> memref<1x40x128xf32, #tpu.memory_space<hbm>>
        %dma_start3A_193 = tpu.memref_squeeze %dma_start3A_192 : memref<1x40x128xf32, #tpu.memory_space<hbm>> -> memref<40x128xf32, #tpu.memory_space<hbm>>
        tpu.enqueue_dma source(%arg8 : memref<40x128xf32, #tpu.memory_space<vmem>>) target(%dma_start3A_193 : memref<40x128xf32, #tpu.memory_space<hbm>>) target_semaphore(%run_scoped3A : memref<!tpu.dma_semaphore, #tpu.memory_space<semaphore_mem>>)
        %dma_wait3A_194 = arith.constant 0 : i32
        %dma_wait3A_195 = arith.constant 0 : i32
        %dma_wait3A_196 = tpu.memref_slice %arg4[%add3A_135, %dma_wait3A_194, %dma_wait3A_195] : memref<4000x40x128xf32, #tpu.memory_space<hbm>> -> memref<1x40x128xf32, #tpu.memory_space<hbm>>
        %dma_wait3A_197 = tpu.memref_squeeze %dma_wait3A_196 : memref<1x40x128xf32, #tpu.memory_space<hbm>> -> memref<40x128xf32, #tpu.memory_space<hbm>>
        %dma_wait3A_198 = arith.constant 0 : i32
        %dma_wait3A_199 = arith.constant 0 : i32
        %dma_wait3A_200 = tpu.memref_slice %arg4[%add3A_135, %dma_wait3A_198, %dma_wait3A_199] : memref<4000x40x128xf32, #tpu.memory_space<hbm>> -> memref<1x40x128xf32, #tpu.memory_space<hbm>>
        %dma_wait3A_201 = tpu.memref_squeeze %dma_wait3A_200 : memref<1x40x128xf32, #tpu.memory_space<hbm>> -> memref<40x128xf32, #tpu.memory_space<hbm>>
        tpu.wait_dma2 semaphore(%run_scoped3A : memref<!tpu.dma_semaphore, #tpu.memory_space<semaphore_mem>>) src(%arg8 : memref<40x128xf32, #tpu.memory_space<vmem>>) dst(%dma_wait3A_201 : memref<40x128xf32, #tpu.memory_space<hbm>>)
        tpu.yield
      }) : () -> ()
      %add3A_136 = arith.constant 5 : i32
      %add3A_137 = arith.addi %add3A_126, %add3A_136 : i32
      %mul3A_138 = arith.constant 40 : i32
      %mul3A_139 = arith.muli %add3A_137, %mul3A_138 : i32
      %dma_start3A_140 = tpu.memref_slice %arg5[%mul3A_139] : memref<5000xi32, #tpu.memory_space<vmem>> -> memref<40xi32, #tpu.memory_space<vmem>>
      %dma_start3A_141 = arith.constant 0 : i32
      %dma_start3A_142 = arith.constant 0 : i32
      %dma_start3A_143 = tpu.memref_slice %arg11[%dma_start3A_141, %dma_start3A_142] : memref<10000x128xf32, #tpu.memory_space<vmem_shared>> -> memref<10000x128xf32, #tpu.memory_space<vmem_shared>>
      tpu.enqueue_indirect_dma source(%dma_start3A_143 : memref<10000x128xf32, #tpu.memory_space<vmem_shared>>) target(%arg8 : memref<40x128xf32, #tpu.memory_space<vmem>>) offsets(%dma_start3A_140 : memref<40xi32, #tpu.memory_space<vmem>>) semaphore(%arg14 : memref<!tpu.dma_semaphore, #tpu.memory_space<semaphore_mem>>)
      %mul3A_144 = arith.constant 5 : i32
      %mul3A_145 = arith.muli %scan3A_80, %mul3A_144 : i32
      %add3A_146 = arith.constant 3 : i32
      %add3A_147 = arith.addi %mul3A_145, %add3A_146 : i32
      %mul3A_148 = arith.constant 40 : i32
      %mul3A_149 = arith.muli %add3A_147, %mul3A_148 : i32
      %dma_wait3A_150 = tpu.memref_slice %arg5[%mul3A_149] : memref<5000xi32, #tpu.memory_space<vmem>> -> memref<40xi32, #tpu.memory_space<vmem>>
      %dma_wait3A_151 = arith.constant 0 : i32
      %dma_wait3A_152 = arith.constant 0 : i32
      %dma_wait3A_153 = tpu.memref_slice %arg11[%dma_wait3A_151, %dma_wait3A_152] : memref<10000x128xf32, #tpu.memory_space<vmem_shared>> -> memref<10000x128xf32, #tpu.memory_space<vmem_shared>>
      tpu.wait_indirect_dma semaphore(%arg15 : memref<!tpu.dma_semaphore, #tpu.memory_space<semaphore_mem>>) src(%dma_wait3A_153 : memref<10000x128xf32, #tpu.memory_space<vmem_shared>>) dst(%arg9 : memref<40x128xf32, #tpu.memory_space<vmem>>)
      %mul3A_154 = arith.constant 125 : i32
      %mul3A_155 = arith.muli %add3A, %mul3A_154 : i32
      %add3A_156 = arith.addi %mul3A_155, %add3A_147 : i32
      "tpu.region"() ({
        %run_scoped3A = tpu.sem_alloc : memref<!tpu.dma_semaphore, #tpu.memory_space<semaphore_mem>>
        %dma_start3A_186 = arith.constant 0 : i32
        %dma_start3A_187 = arith.constant 0 : i32
        %dma_start3A_188 = tpu.memref_slice %arg4[%add3A_156, %dma_start3A_186, %dma_start3A_187] : memref<4000x40x128xf32, #tpu.memory_space<hbm>> -> memref<1x40x128xf32, #tpu.memory_space<hbm>>
        %dma_start3A_189 = tpu.memref_squeeze %dma_start3A_188 : memref<1x40x128xf32, #tpu.memory_space<hbm>> -> memref<40x128xf32, #tpu.memory_space<hbm>>
        %dma_start3A_190 = arith.constant 0 : i32
        %dma_start3A_191 = arith.constant 0 : i32
        %dma_start3A_192 = tpu.memref_slice %arg4[%add3A_156, %dma_start3A_190, %dma_start3A_191] : memref<4000x40x128xf32, #tpu.memory_space<hbm>> -> memref<1x40x128xf32, #tpu.memory_space<hbm>>
        %dma_start3A_193 = tpu.memref_squeeze %dma_start3A_192 : memref<1x40x128xf32, #tpu.memory_space<hbm>> -> memref<40x128xf32, #tpu.memory_space<hbm>>
        tpu.enqueue_dma source(%arg9 : memref<40x128xf32, #tpu.memory_space<vmem>>) target(%dma_start3A_193 : memref<40x128xf32, #tpu.memory_space<hbm>>) target_semaphore(%run_scoped3A : memref<!tpu.dma_semaphore, #tpu.memory_space<semaphore_mem>>)
        %dma_wait3A_194 = arith.constant 0 : i32
        %dma_wait3A_195 = arith.constant 0 : i32
        %dma_wait3A_196 = tpu.memref_slice %arg4[%add3A_156, %dma_wait3A_194, %dma_wait3A_195] : memref<4000x40x128xf32, #tpu.memory_space<hbm>> -> memref<1x40x128xf32, #tpu.memory_space<hbm>>
        %dma_wait3A_197 = tpu.memref_squeeze %dma_wait3A_196 : memref<1x40x128xf32, #tpu.memory_space<hbm>> -> memref<40x128xf32, #tpu.memory_space<hbm>>
        %dma_wait3A_198 = arith.constant 0 : i32
        %dma_wait3A_199 = arith.constant 0 : i32
        %dma_wait3A_200 = tpu.memref_slice %arg4[%add3A_156, %dma_wait3A_198, %dma_wait3A_199] : memref<4000x40x128xf32, #tpu.memory_space<hbm>> -> memref<1x40x128xf32, #tpu.memory_space<hbm>>
        %dma_wait3A_201 = tpu.memref_squeeze %dma_wait3A_200 : memref<1x40x128xf32, #tpu.memory_space<hbm>> -> memref<40x128xf32, #tpu.memory_space<hbm>>
        tpu.wait_dma2 semaphore(%run_scoped3A : memref<!tpu.dma_semaphore, #tpu.memory_space<semaphore_mem>>) src(%arg9 : memref<40x128xf32, #tpu.memory_space<vmem>>) dst(%dma_wait3A_201 : memref<40x128xf32, #tpu.memory_space<hbm>>)
        tpu.yield
      }) : () -> ()
      %add3A_157 = arith.constant 5 : i32
      %add3A_158 = arith.addi %add3A_147, %add3A_157 : i32
      %mul3A_159 = arith.constant 40 : i32
      %mul3A_160 = arith.muli %add3A_158, %mul3A_159 : i32
      %dma_start3A_161 = tpu.memref_slice %arg5[%mul3A_160] : memref<5000xi32, #tpu.memory_space<vmem>> -> memref<40xi32, #tpu.memory_space<vmem>>
      %dma_start3A_162 = arith.constant 0 : i32
      %dma_start3A_163 = arith.constant 0 : i32
      %dma_start3A_164 = tpu.memref_slice %arg11[%dma_start3A_162, %dma_start3A_163] : memref<10000x128xf32, #tpu.memory_space<vmem_shared>> -> memref<10000x128xf32, #tpu.memory_space<vmem_shared>>
      tpu.enqueue_indirect_dma source(%dma_start3A_164 : memref<10000x128xf32, #tpu.memory_space<vmem_shared>>) target(%arg9 : memref<40x128xf32, #tpu.memory_space<vmem>>) offsets(%dma_start3A_161 : memref<40xi32, #tpu.memory_space<vmem>>) semaphore(%arg15 : memref<!tpu.dma_semaphore, #tpu.memory_space<semaphore_mem>>)
      %mul3A_165 = arith.constant 5 : i32
      %mul3A_166 = arith.muli %scan3A_80, %mul3A_165 : i32
      %add3A_167 = arith.constant 4 : i32
      %add3A_168 = arith.addi %mul3A_166, %add3A_167 : i32
      %mul3A_169 = arith.constant 40 : i32
      %mul3A_170 = arith.muli %add3A_168, %mul3A_169 : i32
      %dma_wait3A_171 = tpu.memref_slice %arg5[%mul3A_170] : memref<5000xi32, #tpu.memory_space<vmem>> -> memref<40xi32, #tpu.memory_space<vmem>>
      %dma_wait3A_172 = arith.constant 0 : i32
      %dma_wait3A_173 = arith.constant 0 : i32
      %dma_wait3A_174 = tpu.memref_slice %arg11[%dma_wait3A_172, %dma_wait3A_173] : memref<10000x128xf32, #tpu.memory_space<vmem_shared>> -> memref<10000x128xf32, #tpu.memory_space<vmem_shared>>
      tpu.wait_indirect_dma semaphore(%arg16 : memref<!tpu.dma_semaphore, #tpu.memory_space<semaphore_mem>>) src(%dma_wait3A_174 : memref<10000x128xf32, #tpu.memory_space<vmem_shared>>) dst(%arg10 : memref<40x128xf32, #tpu.memory_space<vmem>>)
      %mul3A_175 = arith.constant 125 : i32
      %mul3A_176 = arith.muli %add3A, %mul3A_175 : i32
      %add3A_177 = arith.addi %mul3A_176, %add3A_168 : i32
      "tpu.region"() ({
        %run_scoped3A = tpu.sem_alloc : memref<!tpu.dma_semaphore, #tpu.memory_space<semaphore_mem>>
        %dma_start3A_186 = arith.constant 0 : i32
        %dma_start3A_187 = arith.constant 0 : i32
        %dma_start3A_188 = tpu.memref_slice %arg4[%add3A_177, %dma_start3A_186, %dma_start3A_187] : memref<4000x40x128xf32, #tpu.memory_space<hbm>> -> memref<1x40x128xf32, #tpu.memory_space<hbm>>
        %dma_start3A_189 = tpu.memref_squeeze %dma_start3A_188 : memref<1x40x128xf32, #tpu.memory_space<hbm>> -> memref<40x128xf32, #tpu.memory_space<hbm>>
        %dma_start3A_190 = arith.constant 0 : i32
        %dma_start3A_191 = arith.constant 0 : i32
        %dma_start3A_192 = tpu.memref_slice %arg4[%add3A_177, %dma_start3A_190, %dma_start3A_191] : memref<4000x40x128xf32, #tpu.memory_space<hbm>> -> memref<1x40x128xf32, #tpu.memory_space<hbm>>
        %dma_start3A_193 = tpu.memref_squeeze %dma_start3A_192 : memref<1x40x128xf32, #tpu.memory_space<hbm>> -> memref<40x128xf32, #tpu.memory_space<hbm>>
        tpu.enqueue_dma source(%arg10 : memref<40x128xf32, #tpu.memory_space<vmem>>) target(%dma_start3A_193 : memref<40x128xf32, #tpu.memory_space<hbm>>) target_semaphore(%run_scoped3A : memref<!tpu.dma_semaphore, #tpu.memory_space<semaphore_mem>>)
        %dma_wait3A_194 = arith.constant 0 : i32
        %dma_wait3A_195 = arith.constant 0 : i32
        %dma_wait3A_196 = tpu.memref_slice %arg4[%add3A_177, %dma_wait3A_194, %dma_wait3A_195] : memref<4000x40x128xf32, #tpu.memory_space<hbm>> -> memref<1x40x128xf32, #tpu.memory_space<hbm>>
        %dma_wait3A_197 = tpu.memref_squeeze %dma_wait3A_196 : memref<1x40x128xf32, #tpu.memory_space<hbm>> -> memref<40x128xf32, #tpu.memory_space<hbm>>
        %dma_wait3A_198 = arith.constant 0 : i32
        %dma_wait3A_199 = arith.constant 0 : i32
        %dma_wait3A_200 = tpu.memref_slice %arg4[%add3A_177, %dma_wait3A_198, %dma_wait3A_199] : memref<4000x40x128xf32, #tpu.memory_space<hbm>> -> memref<1x40x128xf32, #tpu.memory_space<hbm>>
        %dma_wait3A_201 = tpu.memref_squeeze %dma_wait3A_200 : memref<1x40x128xf32, #tpu.memory_space<hbm>> -> memref<40x128xf32, #tpu.memory_space<hbm>>
        tpu.wait_dma2 semaphore(%run_scoped3A : memref<!tpu.dma_semaphore, #tpu.memory_space<semaphore_mem>>) src(%arg10 : memref<40x128xf32, #tpu.memory_space<vmem>>) dst(%dma_wait3A_201 : memref<40x128xf32, #tpu.memory_space<hbm>>)
        tpu.yield
      }) : () -> ()
      %add3A_178 = arith.constant 5 : i32
      %add3A_179 = arith.addi %add3A_168, %add3A_178 : i32
      %mul3A_180 = arith.constant 40 : i32
      %mul3A_181 = arith.muli %add3A_179, %mul3A_180 : i32
      %dma_start3A_182 = tpu.memref_slice %arg5[%mul3A_181] : memref<5000xi32, #tpu.memory_space<vmem>> -> memref<40xi32, #tpu.memory_space<vmem>>
      %dma_start3A_183 = arith.constant 0 : i32
      %dma_start3A_184 = arith.constant 0 : i32
      %dma_start3A_185 = tpu.memref_slice %arg11[%dma_start3A_183, %dma_start3A_184] : memref<10000x128xf32, #tpu.memory_space<vmem_shared>> -> memref<10000x128xf32, #tpu.memory_space<vmem_shared>>
      tpu.enqueue_indirect_dma source(%dma_start3A_185 : memref<10000x128xf32, #tpu.memory_space<vmem_shared>>) target(%arg10 : memref<40x128xf32, #tpu.memory_space<vmem>>) offsets(%dma_start3A_182 : memref<40xi32, #tpu.memory_space<vmem>>) semaphore(%arg16 : memref<!tpu.dma_semaphore, #tpu.memory_space<semaphore_mem>>)
    }
    %scan3A_35 = arith.constant 24 : i32
    %dma_wait3A = arith.constant 4800 : i32
    %dma_wait3A_36 = tpu.memref_slice %arg5[%dma_wait3A] : memref<5000xi32, #tpu.memory_space<vmem>> -> memref<40xi32, #tpu.memory_space<vmem>>
    %dma_wait3A_37 = arith.constant 0 : i32
    %dma_wait3A_38 = arith.constant 0 : i32
    %dma_wait3A_39 = tpu.memref_slice %arg11[%dma_wait3A_37, %dma_wait3A_38] : memref<10000x128xf32, #tpu.memory_space<vmem_shared>> -> memref<10000x128xf32, #tpu.memory_space<vmem_shared>>
    tpu.wait_indirect_dma semaphore(%arg12 : memref<!tpu.dma_semaphore, #tpu.memory_space<semaphore_mem>>) src(%dma_wait3A_39 : memref<10000x128xf32, #tpu.memory_space<vmem_shared>>) dst(%arg6 : memref<40x128xf32, #tpu.memory_space<vmem>>)
    %mul3A_40 = arith.constant 125 : i32
    %mul3A_41 = arith.muli %add3A, %mul3A_40 : i32
    %add3A_42 = arith.constant 120 : i32
    %add3A_43 = arith.addi %mul3A_41, %add3A_42 : i32
    "tpu.region"() ({
      %run_scoped3A = tpu.sem_alloc : memref<!tpu.dma_semaphore, #tpu.memory_space<semaphore_mem>>
      %dma_start3A_80 = arith.constant 0 : i32
      %dma_start3A_81 = arith.constant 0 : i32
      %dma_start3A_82 = tpu.memref_slice %arg4[%add3A_43, %dma_start3A_80, %dma_start3A_81] : memref<4000x40x128xf32, #tpu.memory_space<hbm>> -> memref<1x40x128xf32, #tpu.memory_space<hbm>>
      %dma_start3A_83 = tpu.memref_squeeze %dma_start3A_82 : memref<1x40x128xf32, #tpu.memory_space<hbm>> -> memref<40x128xf32, #tpu.memory_space<hbm>>
      %dma_start3A_84 = arith.constant 0 : i32
      %dma_start3A_85 = arith.constant 0 : i32
      %dma_start3A_86 = tpu.memref_slice %arg4[%add3A_43, %dma_start3A_84, %dma_start3A_85] : memref<4000x40x128xf32, #tpu.memory_space<hbm>> -> memref<1x40x128xf32, #tpu.memory_space<hbm>>
      %dma_start3A_87 = tpu.memref_squeeze %dma_start3A_86 : memref<1x40x128xf32, #tpu.memory_space<hbm>> -> memref<40x128xf32, #tpu.memory_space<hbm>>
      tpu.enqueue_dma source(%arg6 : memref<40x128xf32, #tpu.memory_space<vmem>>) target(%dma_start3A_87 : memref<40x128xf32, #tpu.memory_space<hbm>>) target_semaphore(%run_scoped3A : memref<!tpu.dma_semaphore, #tpu.memory_space<semaphore_mem>>)
      %dma_wait3A_88 = arith.constant 0 : i32
      %dma_wait3A_89 = arith.constant 0 : i32
      %dma_wait3A_90 = tpu.memref_slice %arg4[%add3A_43, %dma_wait3A_88, %dma_wait3A_89] : memref<4000x40x128xf32, #tpu.memory_space<hbm>> -> memref<1x40x128xf32, #tpu.memory_space<hbm>>
      %dma_wait3A_91 = tpu.memref_squeeze %dma_wait3A_90 : memref<1x40x128xf32, #tpu.memory_space<hbm>> -> memref<40x128xf32, #tpu.memory_space<hbm>>
      %dma_wait3A_92 = arith.constant 0 : i32
      %dma_wait3A_93 = arith.constant 0 : i32
      %dma_wait3A_94 = tpu.memref_slice %arg4[%add3A_43, %dma_wait3A_92, %dma_wait3A_93] : memref<4000x40x128xf32, #tpu.memory_space<hbm>> -> memref<1x40x128xf32, #tpu.memory_space<hbm>>
      %dma_wait3A_95 = tpu.memref_squeeze %dma_wait3A_94 : memref<1x40x128xf32, #tpu.memory_space<hbm>> -> memref<40x128xf32, #tpu.memory_space<hbm>>
      tpu.wait_dma2 semaphore(%run_scoped3A : memref<!tpu.dma_semaphore, #tpu.memory_space<semaphore_mem>>) src(%arg6 : memref<40x128xf32, #tpu.memory_space<vmem>>) dst(%dma_wait3A_95 : memref<40x128xf32, #tpu.memory_space<hbm>>)
      tpu.yield
    }) : () -> ()
    %dma_wait3A_44 = arith.constant 4840 : i32
    %dma_wait3A_45 = tpu.memref_slice %arg5[%dma_wait3A_44] : memref<5000xi32, #tpu.memory_space<vmem>> -> memref<40xi32, #tpu.memory_space<vmem>>
    %dma_wait3A_46 = arith.constant 0 : i32
    %dma_wait3A_47 = arith.constant 0 : i32
    %dma_wait3A_48 = tpu.memref_slice %arg11[%dma_wait3A_46, %dma_wait3A_47] : memref<10000x128xf32, #tpu.memory_space<vmem_shared>> -> memref<10000x128xf32, #tpu.memory_space<vmem_shared>>
    tpu.wait_indirect_dma semaphore(%arg13 : memref<!tpu.dma_semaphore, #tpu.memory_space<semaphore_mem>>) src(%dma_wait3A_48 : memref<10000x128xf32, #tpu.memory_space<vmem_shared>>) dst(%arg7 : memref<40x128xf32, #tpu.memory_space<vmem>>)
    %mul3A_49 = arith.constant 125 : i32
    %mul3A_50 = arith.muli %add3A, %mul3A_49 : i32
    %add3A_51 = arith.constant 121 : i32
    %add3A_52 = arith.addi %mul3A_50, %add3A_51 : i32
    "tpu.region"() ({
      %run_scoped3A = tpu.sem_alloc : memref<!tpu.dma_semaphore, #tpu.memory_space<semaphore_mem>>
      %dma_start3A_80 = arith.constant 0 : i32
      %dma_start3A_81 = arith.constant 0 : i32
      %dma_start3A_82 = tpu.memref_slice %arg4[%add3A_52, %dma_start3A_80, %dma_start3A_81] : memref<4000x40x128xf32, #tpu.memory_space<hbm>> -> memref<1x40x128xf32, #tpu.memory_space<hbm>>
      %dma_start3A_83 = tpu.memref_squeeze %dma_start3A_82 : memref<1x40x128xf32, #tpu.memory_space<hbm>> -> memref<40x128xf32, #tpu.memory_space<hbm>>
      %dma_start3A_84 = arith.constant 0 : i32
      %dma_start3A_85 = arith.constant 0 : i32
      %dma_start3A_86 = tpu.memref_slice %arg4[%add3A_52, %dma_start3A_84, %dma_start3A_85] : memref<4000x40x128xf32, #tpu.memory_space<hbm>> -> memref<1x40x128xf32, #tpu.memory_space<hbm>>
      %dma_start3A_87 = tpu.memref_squeeze %dma_start3A_86 : memref<1x40x128xf32, #tpu.memory_space<hbm>> -> memref<40x128xf32, #tpu.memory_space<hbm>>
      tpu.enqueue_dma source(%arg7 : memref<40x128xf32, #tpu.memory_space<vmem>>) target(%dma_start3A_87 : memref<40x128xf32, #tpu.memory_space<hbm>>) target_semaphore(%run_scoped3A : memref<!tpu.dma_semaphore, #tpu.memory_space<semaphore_mem>>)
      %dma_wait3A_88 = arith.constant 0 : i32
      %dma_wait3A_89 = arith.constant 0 : i32
      %dma_wait3A_90 = tpu.memref_slice %arg4[%add3A_52, %dma_wait3A_88, %dma_wait3A_89] : memref<4000x40x128xf32, #tpu.memory_space<hbm>> -> memref<1x40x128xf32, #tpu.memory_space<hbm>>
      %dma_wait3A_91 = tpu.memref_squeeze %dma_wait3A_90 : memref<1x40x128xf32, #tpu.memory_space<hbm>> -> memref<40x128xf32, #tpu.memory_space<hbm>>
      %dma_wait3A_92 = arith.constant 0 : i32
      %dma_wait3A_93 = arith.constant 0 : i32
      %dma_wait3A_94 = tpu.memref_slice %arg4[%add3A_52, %dma_wait3A_92, %dma_wait3A_93] : memref<4000x40x128xf32, #tpu.memory_space<hbm>> -> memref<1x40x128xf32, #tpu.memory_space<hbm>>
      %dma_wait3A_95 = tpu.memref_squeeze %dma_wait3A_94 : memref<1x40x128xf32, #tpu.memory_space<hbm>> -> memref<40x128xf32, #tpu.memory_space<hbm>>
      tpu.wait_dma2 semaphore(%run_scoped3A : memref<!tpu.dma_semaphore, #tpu.memory_space<semaphore_mem>>) src(%arg7 : memref<40x128xf32, #tpu.memory_space<vmem>>) dst(%dma_wait3A_95 : memref<40x128xf32, #tpu.memory_space<hbm>>)
      tpu.yield
    }) : () -> ()
    %dma_wait3A_53 = arith.constant 4880 : i32
    %dma_wait3A_54 = tpu.memref_slice %arg5[%dma_wait3A_53] : memref<5000xi32, #tpu.memory_space<vmem>> -> memref<40xi32, #tpu.memory_space<vmem>>
    %dma_wait3A_55 = arith.constant 0 : i32
    %dma_wait3A_56 = arith.constant 0 : i32
    %dma_wait3A_57 = tpu.memref_slice %arg11[%dma_wait3A_55, %dma_wait3A_56] : memref<10000x128xf32, #tpu.memory_space<vmem_shared>> -> memref<10000x128xf32, #tpu.memory_space<vmem_shared>>
    tpu.wait_indirect_dma semaphore(%arg14 : memref<!tpu.dma_semaphore, #tpu.memory_space<semaphore_mem>>) src(%dma_wait3A_57 : memref<10000x128xf32, #tpu.memory_space<vmem_shared>>) dst(%arg8 : memref<40x128xf32, #tpu.memory_space<vmem>>)
    %mul3A_58 = arith.constant 125 : i32
    %mul3A_59 = arith.muli %add3A, %mul3A_58 : i32
    %add3A_60 = arith.constant 122 : i32
    %add3A_61 = arith.addi %mul3A_59, %add3A_60 : i32
    "tpu.region"() ({
      %run_scoped3A = tpu.sem_alloc : memref<!tpu.dma_semaphore, #tpu.memory_space<semaphore_mem>>
      %dma_start3A_80 = arith.constant 0 : i32
      %dma_start3A_81 = arith.constant 0 : i32
      %dma_start3A_82 = tpu.memref_slice %arg4[%add3A_61, %dma_start3A_80, %dma_start3A_81] : memref<4000x40x128xf32, #tpu.memory_space<hbm>> -> memref<1x40x128xf32, #tpu.memory_space<hbm>>
      %dma_start3A_83 = tpu.memref_squeeze %dma_start3A_82 : memref<1x40x128xf32, #tpu.memory_space<hbm>> -> memref<40x128xf32, #tpu.memory_space<hbm>>
      %dma_start3A_84 = arith.constant 0 : i32
      %dma_start3A_85 = arith.constant 0 : i32
      %dma_start3A_86 = tpu.memref_slice %arg4[%add3A_61, %dma_start3A_84, %dma_start3A_85] : memref<4000x40x128xf32, #tpu.memory_space<hbm>> -> memref<1x40x128xf32, #tpu.memory_space<hbm>>
      %dma_start3A_87 = tpu.memref_squeeze %dma_start3A_86 : memref<1x40x128xf32, #tpu.memory_space<hbm>> -> memref<40x128xf32, #tpu.memory_space<hbm>>
      tpu.enqueue_dma source(%arg8 : memref<40x128xf32, #tpu.memory_space<vmem>>) target(%dma_start3A_87 : memref<40x128xf32, #tpu.memory_space<hbm>>) target_semaphore(%run_scoped3A : memref<!tpu.dma_semaphore, #tpu.memory_space<semaphore_mem>>)
      %dma_wait3A_88 = arith.constant 0 : i32
      %dma_wait3A_89 = arith.constant 0 : i32
      %dma_wait3A_90 = tpu.memref_slice %arg4[%add3A_61, %dma_wait3A_88, %dma_wait3A_89] : memref<4000x40x128xf32, #tpu.memory_space<hbm>> -> memref<1x40x128xf32, #tpu.memory_space<hbm>>
      %dma_wait3A_91 = tpu.memref_squeeze %dma_wait3A_90 : memref<1x40x128xf32, #tpu.memory_space<hbm>> -> memref<40x128xf32, #tpu.memory_space<hbm>>
      %dma_wait3A_92 = arith.constant 0 : i32
      %dma_wait3A_93 = arith.constant 0 : i32
      %dma_wait3A_94 = tpu.memref_slice %arg4[%add3A_61, %dma_wait3A_92, %dma_wait3A_93] : memref<4000x40x128xf32, #tpu.memory_space<hbm>> -> memref<1x40x128xf32, #tpu.memory_space<hbm>>
      %dma_wait3A_95 = tpu.memref_squeeze %dma_wait3A_94 : memref<1x40x128xf32, #tpu.memory_space<hbm>> -> memref<40x128xf32, #tpu.memory_space<hbm>>
      tpu.wait_dma2 semaphore(%run_scoped3A : memref<!tpu.dma_semaphore, #tpu.memory_space<semaphore_mem>>) src(%arg8 : memref<40x128xf32, #tpu.memory_space<vmem>>) dst(%dma_wait3A_95 : memref<40x128xf32, #tpu.memory_space<hbm>>)
      tpu.yield
    }) : () -> ()
    %dma_wait3A_62 = arith.constant 4920 : i32
    %dma_wait3A_63 = tpu.memref_slice %arg5[%dma_wait3A_62] : memref<5000xi32, #tpu.memory_space<vmem>> -> memref<40xi32, #tpu.memory_space<vmem>>
    %dma_wait3A_64 = arith.constant 0 : i32
    %dma_wait3A_65 = arith.constant 0 : i32
    %dma_wait3A_66 = tpu.memref_slice %arg11[%dma_wait3A_64, %dma_wait3A_65] : memref<10000x128xf32, #tpu.memory_space<vmem_shared>> -> memref<10000x128xf32, #tpu.memory_space<vmem_shared>>
    tpu.wait_indirect_dma semaphore(%arg15 : memref<!tpu.dma_semaphore, #tpu.memory_space<semaphore_mem>>) src(%dma_wait3A_66 : memref<10000x128xf32, #tpu.memory_space<vmem_shared>>) dst(%arg9 : memref<40x128xf32, #tpu.memory_space<vmem>>)
    %mul3A_67 = arith.constant 125 : i32
    %mul3A_68 = arith.muli %add3A, %mul3A_67 : i32
    %add3A_69 = arith.constant 123 : i32
    %add3A_70 = arith.addi %mul3A_68, %add3A_69 : i32
    "tpu.region"() ({
      %run_scoped3A = tpu.sem_alloc : memref<!tpu.dma_semaphore, #tpu.memory_space<semaphore_mem>>
      %dma_start3A_80 = arith.constant 0 : i32
      %dma_start3A_81 = arith.constant 0 : i32
      %dma_start3A_82 = tpu.memref_slice %arg4[%add3A_70, %dma_start3A_80, %dma_start3A_81] : memref<4000x40x128xf32, #tpu.memory_space<hbm>> -> memref<1x40x128xf32, #tpu.memory_space<hbm>>
      %dma_start3A_83 = tpu.memref_squeeze %dma_start3A_82 : memref<1x40x128xf32, #tpu.memory_space<hbm>> -> memref<40x128xf32, #tpu.memory_space<hbm>>
      %dma_start3A_84 = arith.constant 0 : i32
      %dma_start3A_85 = arith.constant 0 : i32
      %dma_start3A_86 = tpu.memref_slice %arg4[%add3A_70, %dma_start3A_84, %dma_start3A_85] : memref<4000x40x128xf32, #tpu.memory_space<hbm>> -> memref<1x40x128xf32, #tpu.memory_space<hbm>>
      %dma_start3A_87 = tpu.memref_squeeze %dma_start3A_86 : memref<1x40x128xf32, #tpu.memory_space<hbm>> -> memref<40x128xf32, #tpu.memory_space<hbm>>
      tpu.enqueue_dma source(%arg9 : memref<40x128xf32, #tpu.memory_space<vmem>>) target(%dma_start3A_87 : memref<40x128xf32, #tpu.memory_space<hbm>>) target_semaphore(%run_scoped3A : memref<!tpu.dma_semaphore, #tpu.memory_space<semaphore_mem>>)
      %dma_wait3A_88 = arith.constant 0 : i32
      %dma_wait3A_89 = arith.constant 0 : i32
      %dma_wait3A_90 = tpu.memref_slice %arg4[%add3A_70, %dma_wait3A_88, %dma_wait3A_89] : memref<4000x40x128xf32, #tpu.memory_space<hbm>> -> memref<1x40x128xf32, #tpu.memory_space<hbm>>
      %dma_wait3A_91 = tpu.memref_squeeze %dma_wait3A_90 : memref<1x40x128xf32, #tpu.memory_space<hbm>> -> memref<40x128xf32, #tpu.memory_space<hbm>>
      %dma_wait3A_92 = arith.constant 0 : i32
      %dma_wait3A_93 = arith.constant 0 : i32
      %dma_wait3A_94 = tpu.memref_slice %arg4[%add3A_70, %dma_wait3A_92, %dma_wait3A_93] : memref<4000x40x128xf32, #tpu.memory_space<hbm>> -> memref<1x40x128xf32, #tpu.memory_space<hbm>>
      %dma_wait3A_95 = tpu.memref_squeeze %dma_wait3A_94 : memref<1x40x128xf32, #tpu.memory_space<hbm>> -> memref<40x128xf32, #tpu.memory_space<hbm>>
      tpu.wait_dma2 semaphore(%run_scoped3A : memref<!tpu.dma_semaphore, #tpu.memory_space<semaphore_mem>>) src(%arg9 : memref<40x128xf32, #tpu.memory_space<vmem>>) dst(%dma_wait3A_95 : memref<40x128xf32, #tpu.memory_space<hbm>>)
      tpu.yield
    }) : () -> ()
    %dma_wait3A_71 = arith.constant 4960 : i32
    %dma_wait3A_72 = tpu.memref_slice %arg5[%dma_wait3A_71] : memref<5000xi32, #tpu.memory_space<vmem>> -> memref<40xi32, #tpu.memory_space<vmem>>
    %dma_wait3A_73 = arith.constant 0 : i32
    %dma_wait3A_74 = arith.constant 0 : i32
    %dma_wait3A_75 = tpu.memref_slice %arg11[%dma_wait3A_73, %dma_wait3A_74] : memref<10000x128xf32, #tpu.memory_space<vmem_shared>> -> memref<10000x128xf32, #tpu.memory_space<vmem_shared>>
    tpu.wait_indirect_dma semaphore(%arg16 : memref<!tpu.dma_semaphore, #tpu.memory_space<semaphore_mem>>) src(%dma_wait3A_75 : memref<10000x128xf32, #tpu.memory_space<vmem_shared>>) dst(%arg10 : memref<40x128xf32, #tpu.memory_space<vmem>>)
    %mul3A_76 = arith.constant 125 : i32
    %mul3A_77 = arith.muli %add3A, %mul3A_76 : i32
    %add3A_78 = arith.constant 124 : i32
    %add3A_79 = arith.addi %mul3A_77, %add3A_78 : i32
    "tpu.region"() ({
      %run_scoped3A = tpu.sem_alloc : memref<!tpu.dma_semaphore, #tpu.memory_space<semaphore_mem>>
      %dma_start3A_80 = arith.constant 0 : i32
      %dma_start3A_81 = arith.constant 0 : i32
      %dma_start3A_82 = tpu.memref_slice %arg4[%add3A_79, %dma_start3A_80, %dma_start3A_81] : memref<4000x40x128xf32, #tpu.memory_space<hbm>> -> memref<1x40x128xf32, #tpu.memory_space<hbm>>
      %dma_start3A_83 = tpu.memref_squeeze %dma_start3A_82 : memref<1x40x128xf32, #tpu.memory_space<hbm>> -> memref<40x128xf32, #tpu.memory_space<hbm>>
      %dma_start3A_84 = arith.constant 0 : i32
      %dma_start3A_85 = arith.constant 0 : i32
      %dma_start3A_86 = tpu.memref_slice %arg4[%add3A_79, %dma_start3A_84, %dma_start3A_85] : memref<4000x40x128xf32, #tpu.memory_space<hbm>> -> memref<1x40x128xf32, #tpu.memory_space<hbm>>
      %dma_start3A_87 = tpu.memref_squeeze %dma_start3A_86 : memref<1x40x128xf32, #tpu.memory_space<hbm>> -> memref<40x128xf32, #tpu.memory_space<hbm>>
      tpu.enqueue_dma source(%arg10 : memref<40x128xf32, #tpu.memory_space<vmem>>) target(%dma_start3A_87 : memref<40x128xf32, #tpu.memory_space<hbm>>) target_semaphore(%run_scoped3A : memref<!tpu.dma_semaphore, #tpu.memory_space<semaphore_mem>>)
      %dma_wait3A_88 = arith.constant 0 : i32
      %dma_wait3A_89 = arith.constant 0 : i32
      %dma_wait3A_90 = tpu.memref_slice %arg4[%add3A_79, %dma_wait3A_88, %dma_wait3A_89] : memref<4000x40x128xf32, #tpu.memory_space<hbm>> -> memref<1x40x128xf32, #tpu.memory_space<hbm>>
      %dma_wait3A_91 = tpu.memref_squeeze %dma_wait3A_90 : memref<1x40x128xf32, #tpu.memory_space<hbm>> -> memref<40x128xf32, #tpu.memory_space<hbm>>
      %dma_wait3A_92 = arith.constant 0 : i32
      %dma_wait3A_93 = arith.constant 0 : i32
      %dma_wait3A_94 = tpu.memref_slice %arg4[%add3A_79, %dma_wait3A_92, %dma_wait3A_93] : memref<4000x40x128xf32, #tpu.memory_space<hbm>> -> memref<1x40x128xf32, #tpu.memory_space<hbm>>
      %dma_wait3A_95 = tpu.memref_squeeze %dma_wait3A_94 : memref<1x40x128xf32, #tpu.memory_space<hbm>> -> memref<40x128xf32, #tpu.memory_space<hbm>>
      tpu.wait_dma2 semaphore(%run_scoped3A : memref<!tpu.dma_semaphore, #tpu.memory_space<semaphore_mem>>) src(%arg10 : memref<40x128xf32, #tpu.memory_space<vmem>>) dst(%dma_wait3A_95 : memref<40x128xf32, #tpu.memory_space<hbm>>)
      tpu.yield
    }) : () -> ()
    return
  }
}

module attributes {stable_mosaic.version = 14 : i64} {
  func.func @_msg_body(%arg0: i32, %arg1: memref<2x6400xf32, #tpu.memory_space<vmem>>, %arg2: memref<160x40x128xf32, #tpu.memory_space<vmem>>, %arg3: memref<9x128x128xbf16, #tpu.memory_space<vmem>>, %arg4: memref<160x40x128xf32, #tpu.memory_space<vmem>>) attributes {dimension_semantics = [#tpu.dimension_semantics<arbitrary>], iteration_bounds = array<i64: 25>, scalar_prefetch = 0 : i64, scratch_operands = 0 : i64, tpu.core_type = #tpu.core_type<tc>, window_params = [{transform_indices = @transform_0, window_bounds = array<i64: 2, 6400>}, {transform_indices = @transform_1, window_bounds = array<i64: 160, 40, 128>}, {pipeline_mode = #tpu.pipeline_mode<synchronous>, transform_indices = @transform_2, window_bounds = array<i64: 9, 128, 128>}, {transform_indices = @transform_3, window_bounds = array<i64: 160, 40, 128>}]} {
    %get3A = arith.constant 0 : index
    %get3A_0 = arith.constant 0 : index
    %get3A_1 = vector.load %arg1[%get3A, %get3A_0] : memref<2x6400xf32, #tpu.memory_space<vmem>>, vector<2x6400xf32>
    %transpose3A = tpu.transpose %get3A_1, [1, 0] : vector<2x6400xf32> -> vector<6400x2xf32>
    %slice3A = vector.extract_strided_slice %transpose3A {offsets = [0, 0], sizes = [6400, 1], strides = [1, 1]} : vector<6400x2xf32> to vector<6400x1xf32>
    %jit3A = arith.constant -1.000000e+00 : f32
    %jit3A_2 = arith.constant 1.000000e+00 : f32
    %max3A = vector.broadcast %jit3A : f32 to vector<6400x1xf32>
    %max3A_3 = arith.maximumf %max3A, %slice3A : vector<6400x1xf32>
    %min3A = vector.broadcast %jit3A_2 : f32 to vector<6400x1xf32>
    %min3A_4 = arith.minimumf %min3A, %max3A_3 : vector<6400x1xf32>
    %broadcast_in_dim3A = vector.shape_cast %min3A_4 : vector<6400x1xf32> to vector<6400x1xf32>
    %broadcast_in_dim3A_5 = vector.broadcast %broadcast_in_dim3A : vector<6400x1xf32> to vector<6400x128xf32>
    %convert_element_type3A = arith.truncf %broadcast_in_dim3A_5 : vector<6400x128xf32> to vector<6400x128xbf16>
    %slice3A_6 = vector.extract_strided_slice %transpose3A {offsets = [0, 1], sizes = [6400, 1], strides = [1, 1]} : vector<6400x2xf32> to vector<6400x1xf32>
    %jit3A_7 = arith.constant -1.000000e+00 : f32
    %jit3A_8 = arith.constant 1.000000e+00 : f32
    %max3A_9 = vector.broadcast %jit3A_7 : f32 to vector<6400x1xf32>
    %max3A_10 = arith.maximumf %max3A_9, %slice3A_6 : vector<6400x1xf32>
    %min3A_11 = vector.broadcast %jit3A_8 : f32 to vector<6400x1xf32>
    %min3A_12 = arith.minimumf %min3A_11, %max3A_10 : vector<6400x1xf32>
    %broadcast_in_dim3A_13 = vector.shape_cast %min3A_12 : vector<6400x1xf32> to vector<6400x1xf32>
    %broadcast_in_dim3A_14 = vector.broadcast %broadcast_in_dim3A_13 : vector<6400x1xf32> to vector<6400x128xf32>
    %convert_element_type3A_15 = arith.truncf %broadcast_in_dim3A_14 : vector<6400x128xf32> to vector<6400x128xbf16>
    %get3A_16 = arith.constant 0 : index
    %get3A_17 = arith.constant 0 : index
    %get3A_18 = arith.constant 0 : index
    %get3A_19 = vector.load %arg2[%get3A_16, %get3A_17, %get3A_18] : memref<160x40x128xf32, #tpu.memory_space<vmem>>, vector<160x40x128xf32>
    %reshape3A = vector.shape_cast %get3A_19 : vector<160x40x128xf32> to vector<6400x128xf32>
    %convert_element_type3A_20 = arith.truncf %reshape3A : vector<6400x128xf32> to vector<6400x128xbf16>
    %mul3A = arith.constant 2.000000e+00 : bf16
    %mul3A_21 = vector.broadcast %mul3A : bf16 to vector<6400x128xbf16>
    %mul3A_22 = arith.mulf %mul3A_21, %convert_element_type3A : vector<6400x128xbf16>
    %mul3A_23 = arith.mulf %mul3A_22, %convert_element_type3A : vector<6400x128xbf16>
    %sub3A = arith.constant 1.000000e+00 : bf16
    %sub3A_24 = vector.broadcast %sub3A : bf16 to vector<6400x128xbf16>
    %sub3A_25 = arith.subf %mul3A_23, %sub3A_24 : vector<6400x128xbf16>
    %mul3A_26 = arith.constant 2.000000e+00 : bf16
    %mul3A_27 = vector.broadcast %mul3A_26 : bf16 to vector<6400x128xbf16>
    %mul3A_28 = arith.mulf %mul3A_27, %convert_element_type3A_15 : vector<6400x128xbf16>
    %mul3A_29 = arith.mulf %mul3A_28, %convert_element_type3A_15 : vector<6400x128xbf16>
    %sub3A_30 = arith.constant 1.000000e+00 : bf16
    %sub3A_31 = vector.broadcast %sub3A_30 : bf16 to vector<6400x128xbf16>
    %sub3A_32 = arith.subf %mul3A_29, %sub3A_31 : vector<6400x128xbf16>
    %get3A_33 = arith.constant 0 : index
    %get3A_34 = arith.constant 0 : index
    %get3A_35 = arith.constant 0 : index
    %get3A_36 = vector.load %arg3[%get3A_33, %get3A_34, %get3A_35] : memref<9x128x128xbf16, #tpu.memory_space<vmem>>, vector<1x128x128xbf16>
    %get3A_37 = vector.shape_cast %get3A_36 : vector<1x128x128xbf16> to vector<128x128xbf16>
    %dot_general3A = arith.constant dense<0.000000e+00> : vector<6400x128xf32>
    %dot_general3A_38 = tpu.matmul %convert_element_type3A_20, %get3A_37, %dot_general3A {dimension_numbers = #tpu.dot_dimension_numbers<[1], [0], [0], [1], [0, 0, 1, 1], [], []>, transpose_lhs_hint = false} : vector<6400x128xbf16>, vector<128x128xbf16>, vector<6400x128xf32> -> vector<6400x128xf32>
    %mul3A_39 = arith.mulf %convert_element_type3A_20, %convert_element_type3A_15 : vector<6400x128xbf16>
    %get3A_40 = arith.constant 1 : index
    %get3A_41 = arith.constant 0 : index
    %get3A_42 = arith.constant 0 : index
    %get3A_43 = vector.load %arg3[%get3A_40, %get3A_41, %get3A_42] : memref<9x128x128xbf16, #tpu.memory_space<vmem>>, vector<1x128x128xbf16>
    %get3A_44 = vector.shape_cast %get3A_43 : vector<1x128x128xbf16> to vector<128x128xbf16>
    %dot_general3A_45 = arith.constant dense<0.000000e+00> : vector<6400x128xf32>
    %dot_general3A_46 = tpu.matmul %mul3A_39, %get3A_44, %dot_general3A_45 {dimension_numbers = #tpu.dot_dimension_numbers<[1], [0], [0], [1], [0, 0, 1, 1], [], []>, transpose_lhs_hint = false} : vector<6400x128xbf16>, vector<128x128xbf16>, vector<6400x128xf32> -> vector<6400x128xf32>
    %add3A = arith.addf %dot_general3A_38, %dot_general3A_46 : vector<6400x128xf32>
    %mul3A_47 = arith.mulf %convert_element_type3A_20, %sub3A_32 : vector<6400x128xbf16>
    %get3A_48 = arith.constant 2 : index
    %get3A_49 = arith.constant 0 : index
    %get3A_50 = arith.constant 0 : index
    %get3A_51 = vector.load %arg3[%get3A_48, %get3A_49, %get3A_50] : memref<9x128x128xbf16, #tpu.memory_space<vmem>>, vector<1x128x128xbf16>
    %get3A_52 = vector.shape_cast %get3A_51 : vector<1x128x128xbf16> to vector<128x128xbf16>
    %dot_general3A_53 = arith.constant dense<0.000000e+00> : vector<6400x128xf32>
    %dot_general3A_54 = tpu.matmul %mul3A_47, %get3A_52, %dot_general3A_53 {dimension_numbers = #tpu.dot_dimension_numbers<[1], [0], [0], [1], [0, 0, 1, 1], [], []>, transpose_lhs_hint = false} : vector<6400x128xbf16>, vector<128x128xbf16>, vector<6400x128xf32> -> vector<6400x128xf32>
    %add3A_55 = arith.addf %add3A, %dot_general3A_54 : vector<6400x128xf32>
    %mul3A_56 = arith.mulf %convert_element_type3A_20, %convert_element_type3A : vector<6400x128xbf16>
    %get3A_57 = arith.constant 3 : index
    %get3A_58 = arith.constant 0 : index
    %get3A_59 = arith.constant 0 : index
    %get3A_60 = vector.load %arg3[%get3A_57, %get3A_58, %get3A_59] : memref<9x128x128xbf16, #tpu.memory_space<vmem>>, vector<1x128x128xbf16>
    %get3A_61 = vector.shape_cast %get3A_60 : vector<1x128x128xbf16> to vector<128x128xbf16>
    %dot_general3A_62 = arith.constant dense<0.000000e+00> : vector<6400x128xf32>
    %dot_general3A_63 = tpu.matmul %mul3A_56, %get3A_61, %dot_general3A_62 {dimension_numbers = #tpu.dot_dimension_numbers<[1], [0], [0], [1], [0, 0, 1, 1], [], []>, transpose_lhs_hint = false} : vector<6400x128xbf16>, vector<128x128xbf16>, vector<6400x128xf32> -> vector<6400x128xf32>
    %add3A_64 = arith.addf %add3A_55, %dot_general3A_63 : vector<6400x128xf32>
    %mul3A_65 = arith.mulf %mul3A_56, %convert_element_type3A_15 : vector<6400x128xbf16>
    %get3A_66 = arith.constant 4 : index
    %get3A_67 = arith.constant 0 : index
    %get3A_68 = arith.constant 0 : index
    %get3A_69 = vector.load %arg3[%get3A_66, %get3A_67, %get3A_68] : memref<9x128x128xbf16, #tpu.memory_space<vmem>>, vector<1x128x128xbf16>
    %get3A_70 = vector.shape_cast %get3A_69 : vector<1x128x128xbf16> to vector<128x128xbf16>
    %dot_general3A_71 = arith.constant dense<0.000000e+00> : vector<6400x128xf32>
    %dot_general3A_72 = tpu.matmul %mul3A_65, %get3A_70, %dot_general3A_71 {dimension_numbers = #tpu.dot_dimension_numbers<[1], [0], [0], [1], [0, 0, 1, 1], [], []>, transpose_lhs_hint = false} : vector<6400x128xbf16>, vector<128x128xbf16>, vector<6400x128xf32> -> vector<6400x128xf32>
    %add3A_73 = arith.addf %add3A_64, %dot_general3A_72 : vector<6400x128xf32>
    %mul3A_74 = arith.mulf %mul3A_56, %sub3A_32 : vector<6400x128xbf16>
    %get3A_75 = arith.constant 5 : index
    %get3A_76 = arith.constant 0 : index
    %get3A_77 = arith.constant 0 : index
    %get3A_78 = vector.load %arg3[%get3A_75, %get3A_76, %get3A_77] : memref<9x128x128xbf16, #tpu.memory_space<vmem>>, vector<1x128x128xbf16>
    %get3A_79 = vector.shape_cast %get3A_78 : vector<1x128x128xbf16> to vector<128x128xbf16>
    %dot_general3A_80 = arith.constant dense<0.000000e+00> : vector<6400x128xf32>
    %dot_general3A_81 = tpu.matmul %mul3A_74, %get3A_79, %dot_general3A_80 {dimension_numbers = #tpu.dot_dimension_numbers<[1], [0], [0], [1], [0, 0, 1, 1], [], []>, transpose_lhs_hint = false} : vector<6400x128xbf16>, vector<128x128xbf16>, vector<6400x128xf32> -> vector<6400x128xf32>
    %add3A_82 = arith.addf %add3A_73, %dot_general3A_81 : vector<6400x128xf32>
    %mul3A_83 = arith.mulf %convert_element_type3A_20, %sub3A_25 : vector<6400x128xbf16>
    %get3A_84 = arith.constant 6 : index
    %get3A_85 = arith.constant 0 : index
    %get3A_86 = arith.constant 0 : index
    %get3A_87 = vector.load %arg3[%get3A_84, %get3A_85, %get3A_86] : memref<9x128x128xbf16, #tpu.memory_space<vmem>>, vector<1x128x128xbf16>
    %get3A_88 = vector.shape_cast %get3A_87 : vector<1x128x128xbf16> to vector<128x128xbf16>
    %dot_general3A_89 = arith.constant dense<0.000000e+00> : vector<6400x128xf32>
    %dot_general3A_90 = tpu.matmul %mul3A_83, %get3A_88, %dot_general3A_89 {dimension_numbers = #tpu.dot_dimension_numbers<[1], [0], [0], [1], [0, 0, 1, 1], [], []>, transpose_lhs_hint = false} : vector<6400x128xbf16>, vector<128x128xbf16>, vector<6400x128xf32> -> vector<6400x128xf32>
    %add3A_91 = arith.addf %add3A_82, %dot_general3A_90 : vector<6400x128xf32>
    %mul3A_92 = arith.mulf %mul3A_83, %convert_element_type3A_15 : vector<6400x128xbf16>
    %get3A_93 = arith.constant 7 : index
    %get3A_94 = arith.constant 0 : index
    %get3A_95 = arith.constant 0 : index
    %get3A_96 = vector.load %arg3[%get3A_93, %get3A_94, %get3A_95] : memref<9x128x128xbf16, #tpu.memory_space<vmem>>, vector<1x128x128xbf16>
    %get3A_97 = vector.shape_cast %get3A_96 : vector<1x128x128xbf16> to vector<128x128xbf16>
    %dot_general3A_98 = arith.constant dense<0.000000e+00> : vector<6400x128xf32>
    %dot_general3A_99 = tpu.matmul %mul3A_92, %get3A_97, %dot_general3A_98 {dimension_numbers = #tpu.dot_dimension_numbers<[1], [0], [0], [1], [0, 0, 1, 1], [], []>, transpose_lhs_hint = false} : vector<6400x128xbf16>, vector<128x128xbf16>, vector<6400x128xf32> -> vector<6400x128xf32>
    %add3A_100 = arith.addf %add3A_91, %dot_general3A_99 : vector<6400x128xf32>
    %mul3A_101 = arith.mulf %mul3A_83, %sub3A_32 : vector<6400x128xbf16>
    %get3A_102 = arith.constant 8 : index
    %get3A_103 = arith.constant 0 : index
    %get3A_104 = arith.constant 0 : index
    %get3A_105 = vector.load %arg3[%get3A_102, %get3A_103, %get3A_104] : memref<9x128x128xbf16, #tpu.memory_space<vmem>>, vector<1x128x128xbf16>
    %get3A_106 = vector.shape_cast %get3A_105 : vector<1x128x128xbf16> to vector<128x128xbf16>
    %dot_general3A_107 = arith.constant dense<0.000000e+00> : vector<6400x128xf32>
    %dot_general3A_108 = tpu.matmul %mul3A_101, %get3A_106, %dot_general3A_107 {dimension_numbers = #tpu.dot_dimension_numbers<[1], [0], [0], [1], [0, 0, 1, 1], [], []>, transpose_lhs_hint = false} : vector<6400x128xbf16>, vector<128x128xbf16>, vector<6400x128xf32> -> vector<6400x128xf32>
    %add3A_109 = arith.addf %add3A_100, %dot_general3A_108 : vector<6400x128xf32>
    %reshape3A_110 = vector.shape_cast %add3A_109 : vector<6400x128xf32> to vector<160x40x128xf32>
    %swap3A = arith.constant 0 : index
    %swap3A_111 = arith.constant 0 : index
    %swap3A_112 = arith.constant 0 : index
    %swap3A_113 = vector.load %arg4[%swap3A, %swap3A_111, %swap3A_112] : memref<160x40x128xf32, #tpu.memory_space<vmem>>, vector<160x40x128xf32>
    tpu.vector_store %arg4[%swap3A, %swap3A_111, %swap3A_112], %reshape3A_110 {strides = array<i32>} : memref<160x40x128xf32, #tpu.memory_space<vmem>>, vector<160x40x128xf32>,
    return
  }
  func.func @transform_0(%arg0: i32) -> (i32, i32) {
    %add3A = arith.constant 25 : i32
    %add3A_0 = arith.addi %arg0, %add3A : i32
    %c0_i32 = arith.constant 0 : i32
    %c0_i32_1 = arith.constant 0 : i32
    return %c0_i32, %add3A_0 : i32, i32
  }
  func.func @transform_1(%arg0: i32) -> (i32, i32, i32) {
    %c0_i32 = arith.constant 0 : i32
    %c0_i32_0 = arith.constant 0 : i32
    %c0_i32_1 = arith.constant 0 : i32
    return %arg0, %c0_i32, %c0_i32_0 : i32, i32, i32
  }
  func.func @transform_2(%arg0: i32) -> (i32, i32, i32) {
    %c0_i32 = arith.constant 0 : i32
    %c0_i32_0 = arith.constant 0 : i32
    %c0_i32_1 = arith.constant 0 : i32
    %c0_i32_2 = arith.constant 0 : i32
    return %c0_i32, %c0_i32_0, %c0_i32_1 : i32, i32, i32
  }
  func.func @transform_3(%arg0: i32) -> (i32, i32, i32) {
    %c0_i32 = arith.constant 0 : i32
    %c0_i32_0 = arith.constant 0 : i32
    %c0_i32_1 = arith.constant 0 : i32
    return %arg0, %c0_i32, %c0_i32_0 : i32, i32, i32
  }
}

module attributes {stable_mosaic.version = 14 : i64} {
  func.func @_msg_body(%arg0: i32, %arg1: memref<2x6400xf32, #tpu.memory_space<vmem>>, %arg2: memref<160x40x128xf32, #tpu.memory_space<vmem>>, %arg3: memref<9x128x128xbf16, #tpu.memory_space<vmem>>, %arg4: memref<160x40x128xf32, #tpu.memory_space<vmem>>) attributes {dimension_semantics = [#tpu.dimension_semantics<arbitrary>], iteration_bounds = array<i64: 25>, scalar_prefetch = 0 : i64, scratch_operands = 0 : i64, tpu.core_type = #tpu.core_type<tc>, window_params = [{transform_indices = @transform_0, window_bounds = array<i64: 2, 6400>}, {transform_indices = @transform_1, window_bounds = array<i64: 160, 40, 128>}, {pipeline_mode = #tpu.pipeline_mode<synchronous>, transform_indices = @transform_2, window_bounds = array<i64: 9, 128, 128>}, {transform_indices = @transform_3, window_bounds = array<i64: 160, 40, 128>}]} {
    %get3A = arith.constant 0 : index
    %get3A_0 = arith.constant 0 : index
    %get3A_1 = vector.load %arg1[%get3A, %get3A_0] : memref<2x6400xf32, #tpu.memory_space<vmem>>, vector<2x6400xf32>
    %transpose3A = tpu.transpose %get3A_1, [1, 0] : vector<2x6400xf32> -> vector<6400x2xf32>
    %slice3A = vector.extract_strided_slice %transpose3A {offsets = [0, 0], sizes = [6400, 1], strides = [1, 1]} : vector<6400x2xf32> to vector<6400x1xf32>
    %jit3A = arith.constant -1.000000e+00 : f32
    %jit3A_2 = arith.constant 1.000000e+00 : f32
    %max3A = vector.broadcast %jit3A : f32 to vector<6400x1xf32>
    %max3A_3 = arith.maximumf %max3A, %slice3A : vector<6400x1xf32>
    %min3A = vector.broadcast %jit3A_2 : f32 to vector<6400x1xf32>
    %min3A_4 = arith.minimumf %min3A, %max3A_3 : vector<6400x1xf32>
    %broadcast_in_dim3A = vector.shape_cast %min3A_4 : vector<6400x1xf32> to vector<6400x1xf32>
    %broadcast_in_dim3A_5 = vector.broadcast %broadcast_in_dim3A : vector<6400x1xf32> to vector<6400x128xf32>
    %convert_element_type3A = arith.truncf %broadcast_in_dim3A_5 : vector<6400x128xf32> to vector<6400x128xbf16>
    %slice3A_6 = vector.extract_strided_slice %transpose3A {offsets = [0, 1], sizes = [6400, 1], strides = [1, 1]} : vector<6400x2xf32> to vector<6400x1xf32>
    %jit3A_7 = arith.constant -1.000000e+00 : f32
    %jit3A_8 = arith.constant 1.000000e+00 : f32
    %max3A_9 = vector.broadcast %jit3A_7 : f32 to vector<6400x1xf32>
    %max3A_10 = arith.maximumf %max3A_9, %slice3A_6 : vector<6400x1xf32>
    %min3A_11 = vector.broadcast %jit3A_8 : f32 to vector<6400x1xf32>
    %min3A_12 = arith.minimumf %min3A_11, %max3A_10 : vector<6400x1xf32>
    %broadcast_in_dim3A_13 = vector.shape_cast %min3A_12 : vector<6400x1xf32> to vector<6400x1xf32>
    %broadcast_in_dim3A_14 = vector.broadcast %broadcast_in_dim3A_13 : vector<6400x1xf32> to vector<6400x128xf32>
    %convert_element_type3A_15 = arith.truncf %broadcast_in_dim3A_14 : vector<6400x128xf32> to vector<6400x128xbf16>
    %get3A_16 = arith.constant 0 : index
    %get3A_17 = arith.constant 0 : index
    %get3A_18 = arith.constant 0 : index
    %get3A_19 = vector.load %arg2[%get3A_16, %get3A_17, %get3A_18] : memref<160x40x128xf32, #tpu.memory_space<vmem>>, vector<160x40x128xf32>
    %reshape3A = vector.shape_cast %get3A_19 : vector<160x40x128xf32> to vector<6400x128xf32>
    %convert_element_type3A_20 = arith.truncf %reshape3A : vector<6400x128xf32> to vector<6400x128xbf16>
    %mul3A = arith.constant 2.000000e+00 : bf16
    %mul3A_21 = vector.broadcast %mul3A : bf16 to vector<6400x128xbf16>
    %mul3A_22 = arith.mulf %mul3A_21, %convert_element_type3A : vector<6400x128xbf16>
    %mul3A_23 = arith.mulf %mul3A_22, %convert_element_type3A : vector<6400x128xbf16>
    %sub3A = arith.constant 1.000000e+00 : bf16
    %sub3A_24 = vector.broadcast %sub3A : bf16 to vector<6400x128xbf16>
    %sub3A_25 = arith.subf %mul3A_23, %sub3A_24 : vector<6400x128xbf16>
    %mul3A_26 = arith.constant 2.000000e+00 : bf16
    %mul3A_27 = vector.broadcast %mul3A_26 : bf16 to vector<6400x128xbf16>
    %mul3A_28 = arith.mulf %mul3A_27, %convert_element_type3A_15 : vector<6400x128xbf16>
    %mul3A_29 = arith.mulf %mul3A_28, %convert_element_type3A_15 : vector<6400x128xbf16>
    %sub3A_30 = arith.constant 1.000000e+00 : bf16
    %sub3A_31 = vector.broadcast %sub3A_30 : bf16 to vector<6400x128xbf16>
    %sub3A_32 = arith.subf %mul3A_29, %sub3A_31 : vector<6400x128xbf16>
    %get3A_33 = arith.constant 0 : index
    %get3A_34 = arith.constant 0 : index
    %get3A_35 = arith.constant 0 : index
    %get3A_36 = vector.load %arg3[%get3A_33, %get3A_34, %get3A_35] : memref<9x128x128xbf16, #tpu.memory_space<vmem>>, vector<1x128x128xbf16>
    %get3A_37 = vector.shape_cast %get3A_36 : vector<1x128x128xbf16> to vector<128x128xbf16>
    %dot_general3A = arith.constant dense<0.000000e+00> : vector<6400x128xf32>
    %dot_general3A_38 = tpu.matmul %convert_element_type3A_20, %get3A_37, %dot_general3A {dimension_numbers = #tpu.dot_dimension_numbers<[1], [0], [0], [1], [0, 0, 1, 1], [], []>, transpose_lhs_hint = false} : vector<6400x128xbf16>, vector<128x128xbf16>, vector<6400x128xf32> -> vector<6400x128xf32>
    %mul3A_39 = arith.mulf %convert_element_type3A_20, %convert_element_type3A_15 : vector<6400x128xbf16>
    %get3A_40 = arith.constant 1 : index
    %get3A_41 = arith.constant 0 : index
    %get3A_42 = arith.constant 0 : index
    %get3A_43 = vector.load %arg3[%get3A_40, %get3A_41, %get3A_42] : memref<9x128x128xbf16, #tpu.memory_space<vmem>>, vector<1x128x128xbf16>
    %get3A_44 = vector.shape_cast %get3A_43 : vector<1x128x128xbf16> to vector<128x128xbf16>
    %dot_general3A_45 = arith.constant dense<0.000000e+00> : vector<6400x128xf32>
    %dot_general3A_46 = tpu.matmul %mul3A_39, %get3A_44, %dot_general3A_45 {dimension_numbers = #tpu.dot_dimension_numbers<[1], [0], [0], [1], [0, 0, 1, 1], [], []>, transpose_lhs_hint = false} : vector<6400x128xbf16>, vector<128x128xbf16>, vector<6400x128xf32> -> vector<6400x128xf32>
    %add3A = arith.addf %dot_general3A_38, %dot_general3A_46 : vector<6400x128xf32>
    %mul3A_47 = arith.mulf %convert_element_type3A_20, %sub3A_32 : vector<6400x128xbf16>
    %get3A_48 = arith.constant 2 : index
    %get3A_49 = arith.constant 0 : index
    %get3A_50 = arith.constant 0 : index
    %get3A_51 = vector.load %arg3[%get3A_48, %get3A_49, %get3A_50] : memref<9x128x128xbf16, #tpu.memory_space<vmem>>, vector<1x128x128xbf16>
    %get3A_52 = vector.shape_cast %get3A_51 : vector<1x128x128xbf16> to vector<128x128xbf16>
    %dot_general3A_53 = arith.constant dense<0.000000e+00> : vector<6400x128xf32>
    %dot_general3A_54 = tpu.matmul %mul3A_47, %get3A_52, %dot_general3A_53 {dimension_numbers = #tpu.dot_dimension_numbers<[1], [0], [0], [1], [0, 0, 1, 1], [], []>, transpose_lhs_hint = false} : vector<6400x128xbf16>, vector<128x128xbf16>, vector<6400x128xf32> -> vector<6400x128xf32>
    %add3A_55 = arith.addf %add3A, %dot_general3A_54 : vector<6400x128xf32>
    %mul3A_56 = arith.mulf %convert_element_type3A_20, %convert_element_type3A : vector<6400x128xbf16>
    %get3A_57 = arith.constant 3 : index
    %get3A_58 = arith.constant 0 : index
    %get3A_59 = arith.constant 0 : index
    %get3A_60 = vector.load %arg3[%get3A_57, %get3A_58, %get3A_59] : memref<9x128x128xbf16, #tpu.memory_space<vmem>>, vector<1x128x128xbf16>
    %get3A_61 = vector.shape_cast %get3A_60 : vector<1x128x128xbf16> to vector<128x128xbf16>
    %dot_general3A_62 = arith.constant dense<0.000000e+00> : vector<6400x128xf32>
    %dot_general3A_63 = tpu.matmul %mul3A_56, %get3A_61, %dot_general3A_62 {dimension_numbers = #tpu.dot_dimension_numbers<[1], [0], [0], [1], [0, 0, 1, 1], [], []>, transpose_lhs_hint = false} : vector<6400x128xbf16>, vector<128x128xbf16>, vector<6400x128xf32> -> vector<6400x128xf32>
    %add3A_64 = arith.addf %add3A_55, %dot_general3A_63 : vector<6400x128xf32>
    %mul3A_65 = arith.mulf %mul3A_56, %convert_element_type3A_15 : vector<6400x128xbf16>
    %get3A_66 = arith.constant 4 : index
    %get3A_67 = arith.constant 0 : index
    %get3A_68 = arith.constant 0 : index
    %get3A_69 = vector.load %arg3[%get3A_66, %get3A_67, %get3A_68] : memref<9x128x128xbf16, #tpu.memory_space<vmem>>, vector<1x128x128xbf16>
    %get3A_70 = vector.shape_cast %get3A_69 : vector<1x128x128xbf16> to vector<128x128xbf16>
    %dot_general3A_71 = arith.constant dense<0.000000e+00> : vector<6400x128xf32>
    %dot_general3A_72 = tpu.matmul %mul3A_65, %get3A_70, %dot_general3A_71 {dimension_numbers = #tpu.dot_dimension_numbers<[1], [0], [0], [1], [0, 0, 1, 1], [], []>, transpose_lhs_hint = false} : vector<6400x128xbf16>, vector<128x128xbf16>, vector<6400x128xf32> -> vector<6400x128xf32>
    %add3A_73 = arith.addf %add3A_64, %dot_general3A_72 : vector<6400x128xf32>
    %mul3A_74 = arith.mulf %mul3A_56, %sub3A_32 : vector<6400x128xbf16>
    %get3A_75 = arith.constant 5 : index
    %get3A_76 = arith.constant 0 : index
    %get3A_77 = arith.constant 0 : index
    %get3A_78 = vector.load %arg3[%get3A_75, %get3A_76, %get3A_77] : memref<9x128x128xbf16, #tpu.memory_space<vmem>>, vector<1x128x128xbf16>
    %get3A_79 = vector.shape_cast %get3A_78 : vector<1x128x128xbf16> to vector<128x128xbf16>
    %dot_general3A_80 = arith.constant dense<0.000000e+00> : vector<6400x128xf32>
    %dot_general3A_81 = tpu.matmul %mul3A_74, %get3A_79, %dot_general3A_80 {dimension_numbers = #tpu.dot_dimension_numbers<[1], [0], [0], [1], [0, 0, 1, 1], [], []>, transpose_lhs_hint = false} : vector<6400x128xbf16>, vector<128x128xbf16>, vector<6400x128xf32> -> vector<6400x128xf32>
    %add3A_82 = arith.addf %add3A_73, %dot_general3A_81 : vector<6400x128xf32>
    %mul3A_83 = arith.mulf %convert_element_type3A_20, %sub3A_25 : vector<6400x128xbf16>
    %get3A_84 = arith.constant 6 : index
    %get3A_85 = arith.constant 0 : index
    %get3A_86 = arith.constant 0 : index
    %get3A_87 = vector.load %arg3[%get3A_84, %get3A_85, %get3A_86] : memref<9x128x128xbf16, #tpu.memory_space<vmem>>, vector<1x128x128xbf16>
    %get3A_88 = vector.shape_cast %get3A_87 : vector<1x128x128xbf16> to vector<128x128xbf16>
    %dot_general3A_89 = arith.constant dense<0.000000e+00> : vector<6400x128xf32>
    %dot_general3A_90 = tpu.matmul %mul3A_83, %get3A_88, %dot_general3A_89 {dimension_numbers = #tpu.dot_dimension_numbers<[1], [0], [0], [1], [0, 0, 1, 1], [], []>, transpose_lhs_hint = false} : vector<6400x128xbf16>, vector<128x128xbf16>, vector<6400x128xf32> -> vector<6400x128xf32>
    %add3A_91 = arith.addf %add3A_82, %dot_general3A_90 : vector<6400x128xf32>
    %mul3A_92 = arith.mulf %mul3A_83, %convert_element_type3A_15 : vector<6400x128xbf16>
    %get3A_93 = arith.constant 7 : index
    %get3A_94 = arith.constant 0 : index
    %get3A_95 = arith.constant 0 : index
    %get3A_96 = vector.load %arg3[%get3A_93, %get3A_94, %get3A_95] : memref<9x128x128xbf16, #tpu.memory_space<vmem>>, vector<1x128x128xbf16>
    %get3A_97 = vector.shape_cast %get3A_96 : vector<1x128x128xbf16> to vector<128x128xbf16>
    %dot_general3A_98 = arith.constant dense<0.000000e+00> : vector<6400x128xf32>
    %dot_general3A_99 = tpu.matmul %mul3A_92, %get3A_97, %dot_general3A_98 {dimension_numbers = #tpu.dot_dimension_numbers<[1], [0], [0], [1], [0, 0, 1, 1], [], []>, transpose_lhs_hint = false} : vector<6400x128xbf16>, vector<128x128xbf16>, vector<6400x128xf32> -> vector<6400x128xf32>
    %add3A_100 = arith.addf %add3A_91, %dot_general3A_99 : vector<6400x128xf32>
    %mul3A_101 = arith.mulf %mul3A_83, %sub3A_32 : vector<6400x128xbf16>
    %get3A_102 = arith.constant 8 : index
    %get3A_103 = arith.constant 0 : index
    %get3A_104 = arith.constant 0 : index
    %get3A_105 = vector.load %arg3[%get3A_102, %get3A_103, %get3A_104] : memref<9x128x128xbf16, #tpu.memory_space<vmem>>, vector<1x128x128xbf16>
    %get3A_106 = vector.shape_cast %get3A_105 : vector<1x128x128xbf16> to vector<128x128xbf16>
    %dot_general3A_107 = arith.constant dense<0.000000e+00> : vector<6400x128xf32>
    %dot_general3A_108 = tpu.matmul %mul3A_101, %get3A_106, %dot_general3A_107 {dimension_numbers = #tpu.dot_dimension_numbers<[1], [0], [0], [1], [0, 0, 1, 1], [], []>, transpose_lhs_hint = false} : vector<6400x128xbf16>, vector<128x128xbf16>, vector<6400x128xf32> -> vector<6400x128xf32>
    %add3A_109 = arith.addf %add3A_100, %dot_general3A_108 : vector<6400x128xf32>
    %reshape3A_110 = vector.shape_cast %add3A_109 : vector<6400x128xf32> to vector<160x40x128xf32>
    %swap3A = arith.constant 0 : index
    %swap3A_111 = arith.constant 0 : index
    %swap3A_112 = arith.constant 0 : index
    %swap3A_113 = vector.load %arg4[%swap3A, %swap3A_111, %swap3A_112] : memref<160x40x128xf32, #tpu.memory_space<vmem>>, vector<160x40x128xf32>
    tpu.vector_store %arg4[%swap3A, %swap3A_111, %swap3A_112], %reshape3A_110 {strides = array<i32>} : memref<160x40x128xf32, #tpu.memory_space<vmem>>, vector<160x40x128xf32>,
    return
  }
  func.func @transform_0(%arg0: i32) -> (i32, i32) {
    %add3A = arith.constant 0 : i32
    %add3A_0 = arith.addi %arg0, %add3A : i32
    %c0_i32 = arith.constant 0 : i32
    %c0_i32_1 = arith.constant 0 : i32
    return %c0_i32, %add3A_0 : i32, i32
  }
  func.func @transform_1(%arg0: i32) -> (i32, i32, i32) {
    %c0_i32 = arith.constant 0 : i32
    %c0_i32_0 = arith.constant 0 : i32
    %c0_i32_1 = arith.constant 0 : i32
    return %arg0, %c0_i32, %c0_i32_0 : i32, i32, i32
  }
  func.func @transform_2(%arg0: i32) -> (i32, i32, i32) {
    %c0_i32 = arith.constant 0 : i32
    %c0_i32_0 = arith.constant 0 : i32
    %c0_i32_1 = arith.constant 0 : i32
    %c0_i32_2 = arith.constant 0 : i32
    return %c0_i32, %c0_i32_0, %c0_i32_1 : i32, i32, i32
  }
  func.func @transform_3(%arg0: i32) -> (i32, i32, i32) {
    %c0_i32 = arith.constant 0 : i32
    %c0_i32_0 = arith.constant 0 : i32
    %c0_i32_1 = arith.constant 0 : i32
    return %arg0, %c0_i32, %c0_i32_0 : i32, i32, i32
  }
}

module attributes {stable_mosaic.version = 14 : i64} {
  func.func @_add_body(%arg0: i32, %arg1: memref<2x1000x128xf32, #tpu.memory_space<vmem>>, %arg2: memref<2x1000x128xf32, #tpu.memory_space<vmem>>, %arg3: memref<1000x128xf32, #tpu.memory_space<vmem>>) attributes {dimension_semantics = [#tpu.dimension_semantics<arbitrary>], iteration_bounds = array<i64: 10>, scalar_prefetch = 0 : i64, scratch_operands = 0 : i64, tpu.core_type = #tpu.core_type<tc>, window_params = [{transform_indices = @transform_0, window_bounds = array<i64: 2, 1000, 128>}, {transform_indices = @transform_1, window_bounds = array<i64: 2, 1000, 128>}, {transform_indices = @transform_2, window_bounds = array<i64: 1000, 128>}]} {
    %get3A = arith.constant 0 : index
    %get3A_0 = arith.constant 0 : index
    %get3A_1 = arith.constant 0 : index
    %get3A_2 = vector.load %arg1[%get3A, %get3A_0, %get3A_1] : memref<2x1000x128xf32, #tpu.memory_space<vmem>>, vector<1x1000x128xf32>
    %get3A_3 = vector.shape_cast %get3A_2 : vector<1x1000x128xf32> to vector<1000x128xf32>
    %get3A_4 = arith.constant 1 : index
    %get3A_5 = arith.constant 0 : index
    %get3A_6 = arith.constant 0 : index
    %get3A_7 = vector.load %arg1[%get3A_4, %get3A_5, %get3A_6] : memref<2x1000x128xf32, #tpu.memory_space<vmem>>, vector<1x1000x128xf32>
    %get3A_8 = vector.shape_cast %get3A_7 : vector<1x1000x128xf32> to vector<1000x128xf32>
    %add3A = arith.addf %get3A_3, %get3A_8 : vector<1000x128xf32>
    %get3A_9 = arith.constant 0 : index
    %get3A_10 = arith.constant 0 : index
    %get3A_11 = arith.constant 0 : index
    %get3A_12 = vector.load %arg2[%get3A_9, %get3A_10, %get3A_11] : memref<2x1000x128xf32, #tpu.memory_space<vmem>>, vector<1x1000x128xf32>
    %get3A_13 = vector.shape_cast %get3A_12 : vector<1x1000x128xf32> to vector<1000x128xf32>
    %get3A_14 = arith.constant 1 : index
    %get3A_15 = arith.constant 0 : index
    %get3A_16 = arith.constant 0 : index
    %get3A_17 = vector.load %arg2[%get3A_14, %get3A_15, %get3A_16] : memref<2x1000x128xf32, #tpu.memory_space<vmem>>, vector<1x1000x128xf32>
    %get3A_18 = vector.shape_cast %get3A_17 : vector<1x1000x128xf32> to vector<1000x128xf32>
    %add3A_19 = arith.addf %get3A_13, %get3A_18 : vector<1000x128xf32>
    %add3A_20 = arith.addf %add3A, %add3A_19 : vector<1000x128xf32>
    %swap3A = arith.constant 0 : index
    %swap3A_21 = arith.constant 0 : index
    %swap3A_22 = vector.load %arg3[%swap3A, %swap3A_21] : memref<1000x128xf32, #tpu.memory_space<vmem>>, vector<1000x128xf32>
    tpu.vector_store %arg3[%swap3A, %swap3A_21], %add3A_20 {strides = array<i32>} : memref<1000x128xf32, #tpu.memory_space<vmem>>, vector<1000x128xf32>,
    return
  }
  func.func @transform_0(%arg0: i32) -> (i32, i32, i32) {
    %c0_i32 = arith.constant 0 : i32
    %c0_i32_0 = arith.constant 0 : i32
    %c0_i32_1 = arith.constant 0 : i32
    return %c0_i32, %arg0, %c0_i32_0 : i32, i32, i32
  }
  func.func @transform_1(%arg0: i32) -> (i32, i32, i32) {
    %c0_i32 = arith.constant 0 : i32
    %c0_i32_0 = arith.constant 0 : i32
    %c0_i32_1 = arith.constant 0 : i32
    return %c0_i32, %arg0, %c0_i32_0 : i32, i32, i32
  }
  func.func @transform_2(%arg0: i32) -> (i32, i32) {
    %c0_i32 = arith.constant 0 : i32
    %c0_i32_0 = arith.constant 0 : i32
    return %arg0, %c0_i32 : i32, i32
  }
}

</mosaic_0001>

<sc_bundles>
// kernel: kernel.12.cloned.1.call-start
scs
__scs_entry_jumppad:
0x0: {  	(pc) =	sbr.rel $0x88, $3  }
0x1: {  	(tag) =	ssettag $0x0;
	lr =	simm.s32 $0x1  }
0x2: {  	[smem:$0x3F9D] =	sst lr;
	_ =	strace $0xD0000000  }
0x3: {  	_ = 	snop  }
0x4: {  	_ = 	snop  }
0x5: {  	_ = 	snop  }
0x6: {  	_ = 	snop  }
0x7: {  	_ = 	snop  }
__scs_overlays_trampoline_lowered:
0x8: {  	[smem:$0x3FAC] =	sst s0  }
0x9: {  	[smem:$0x3FAD] =	sst s1  }
0xa: {  	[smem:$0x3FAE] =	sst s2  }
0xb: {  	[smem:$0x3FAF] =	sst s3  }
0xc: {  	[smem:$0x3FB0] =	sst s4  }
0xd: {  	[smem:$0x3FB1] =	sst s5  }
0xe: {  	[smem:$0x3FB2] =	sst s6  }
0xf: {  	[smem:$0x3FB3] =	sst s7  }
0x10: {  	[smem:$0x3FB4] =	sst s8  }
0x11: {  	[smem:$0x3FB5] =	sst s9;
	s0 =	simm.s32 @!p0 $0x0  }
0x12: {  	s1 =	sld [smem:$0x3F9B];
	s0 =	simm.s32 @p0 $0x1  }
0x13: {  	[smem:$0x3FB6] =	sst s0;
	s0 =	simm.s32 @!p1 $0x0  }
0x14: {  	s2 =	sld [smem:$0x3F9A];
	s0 =	simm.s32 @p1 $0x1  }
0x15: {  	[smem:$0x3FB7] =	sst s0;
	s0 =	simm.s32 @!p2 $0x0  }
0x16: {  	s3 =	sld [smem:$0x3FDB];
	s0 =	simm.s32 @p2 $0x1  }
0x17: {  	s4 =	simm.s32 $0x1BF5;
	[smem:$0x3FB9] =	sst s0  }
0x18: {  	s0 =	sld [smem:$0x3F9C];
	_ =	swait.ge [sflag:s4], $0x0  }
0x19: {  	s7 =	sld [smem:$0x3F9D]  }
0x1a: {  	s8 =	sadd.s32 $0xFFFFE003, lr  }
0x1b: {  	s9 =	sadd.s32 $0xFFFFFEF7, lr;
	s5 =	simm.s32 $0xFFFFFFFF;
	p2 =	slt.u32 s8, $0xFFFFF086  }
0x1c: {  	p1 =	slt.u32 s9, $0xF7A;
	s5 =	simm.s32 @!p2 $0x0  }
0x1d: {  	s5 =	simm.s32 @p1 $0x1;
	p0 =	seq.s32 s7, s2  }
0x1e: {  	s7 =	smul.u32 @!p0 $0xF7A, s2;
	p2 =	seq.s32 @!p0 s5, $0x0  }
0x1f: {  	s9 =	smul.u32 $0xF7A, s1;
	s8 =	simm.s32 @!p0 $0x1BF5;
	p2 =	por !p2, p0  }
0x20: {  	[sflag:s8] =	ssyncset.s32 @!p0 $0xFFFFF086;
	s6 =	sadd.s32 @!p0 s3, s7;
	s7 =	simm.s32 @!p0 $0x108  }
0x21: {  	s3 =	sadd.s32 s3, s9;
	s6 =	sadd.s32 @!p0 $0x88, s6;
	s7 =	simm.s32 @p2 $0x1082  }
0x22: {  	[simem:s7], [sflag:s8] =	dma.local @!p0 [hbm:s6], $0xF7A  }
0x23: {  	s9 =	sor.u32 $0xD0000000, s2;
	s6 =	simm.s32 $0x108;
	_ =	swait.ge @!p0 [sflag:s8], $0x0  }
0x24: {  	s3 =	sadd.s32 $0x88, s3;
	s6 =	simm.s32 @!p1 $0x1082;
	[sflag:s4] =	ssyncset.s32 $0xFFFFF086  }
0x25: {  	[simem:s6], [sflag:s4] =	dma.local [hbm:s3], $0xF7A  }
0x26: {  	[smem:$0x3F9D] =	sst s1;
	(tag) =	ssettag s2;
	_ =	strace s9  }
0x27: {  	s1 =	sld [smem:$0x3FAD]  }
0x28: {  	s2 =	sld [smem:$0x3FAE]  }
0x29: {  	s4 =	sld [smem:$0x3FB0]  }
0x2a: {  	p0 =	seq.s32 s5, $0x0;
	s5 =	sld [smem:$0x3FB1]  }
0x2b: {  	s6 =	sld [smem:$0x3FB2]  }
0x2c: {  	s7 =	sld [smem:$0x3FB3]  }
0x2d: {  	s3 =	simm.s32 $0x108;
	s8 =	sld [smem:$0x3FB4]  }
0x2e: {  	s3 =	simm.s32 @!p0 $0x1082;
	s9 =	sld [smem:$0x3FB5]  }
0x2f: {  	lr =	sadd.s32 s0, s3;
	s0 =	sld [smem:$0x3FAC]  }
0x30: {  	s3 =	sld [smem:$0x3FAF]  }
0x31: {  	[smem:$0x3FB8] =	sst s10  }
0x32: {  	s10 =	sld [smem:$0x3FB6];
	_ =	sdelay $0x3  }
0x33: {  	p0 =	seq.s32 s10, $0x1;
	s10 =	sld [smem:$0x3FB8];
	_ =	sdelay $0x3  }
0x34: {  	[smem:$0x3FB8] =	sst s10  }
0x35: {  	s10 =	sld [smem:$0x3FB7];
	_ =	sdelay $0x3  }
0x36: {  	p1 =	seq.s32 s10, $0x1;
	s10 =	sld [smem:$0x3FB8];
	_ =	sdelay $0x3  }
0x37: {  	[smem:$0x3FB8] =	sst s10  }
0x38: {  	s10 =	sld [smem:$0x3FB9]  }
0x39: {  	_ = 	snop;
	(pc) =	sbr.ind lr, $3  }
0x3a: {  	_ = 	snop  }
0x3b: {  	_ = 	snop  }
0x3c: {  	p2 =	seq.s32 s10, $0x1;
	s10 =	sld [smem:$0x3FB8]  }
0x3d: {  	_ =	shalt  }
0x3e: {  	_ =	shalt  }
0x3f: {  	_ =	shalt  }
0x40: {  	_ =	shalt  }
0x41: {  	_ =	shalt  }
0x42: {  	_ =	shalt  }
0x43: {  	_ =	shalt  }
0x44: {  	_ =	shalt  }
0x45: {  	_ =	shalt  }
0x46: {  	_ =	shalt  }
0x47: {  	_ =	shalt  }
0x48: {  	_ =	shalt  }
0x49: {  	_ =	shalt  }
0x4a: {  	_ =	shalt  }
0x4b: {  	_ =	shalt  }
0x4c: {  	_ =	shalt  }
0x4d: {  	_ =	shalt  }
0x4e: {  	_ =	shalt  }
0x4f: {  	_ =	shalt  }
0x50: {  	_ =	shalt  }
0x51: {  	_ =	shalt  }
0x52: {  	_ =	shalt  }
0x53: {  	_ =	shalt  }
0x54: {  	_ =	shalt  }
0x55: {  	_ =	shalt  }
0x56: {  	_ =	shalt  }
0x57: {  	_ =	shalt  }
0x58: {  	_ =	shalt  }
0x59: {  	_ =	shalt  }
0x5a: {  	_ =	shalt  }
0x5b: {  	_ =	shalt  }
0x5c: {  	_ =	shalt  }
0x5d: {  	_ =	shalt  }
0x5e: {  	_ =	shalt  }
0x5f: {  	_ =	shalt  }
0x60: {  	_ =	shalt  }
0x61: {  	_ =	shalt  }
0x62: {  	_ =	shalt  }
0x63: {  	_ =	shalt  }
0x64: {  	_ =	shalt  }
0x65: {  	_ =	shalt  }
0x66: {  	_ =	shalt  }
0x67: {  	_ =	shalt  }
0x68: {  	_ =	shalt  }
0x69: {  	_ =	shalt  }
0x6a: {  	_ =	shalt  }
0x6b: {  	_ =	shalt  }
0x6c: {  	_ =	shalt  }
0x6d: {  	_ =	shalt  }
0x6e: {  	_ =	shalt  }
0x6f: {  	_ =	shalt  }
0x70: {  	_ =	shalt  }
0x71: {  	_ =	shalt  }
0x72: {  	_ =	shalt  }
0x73: {  	_ =	shalt  }
0x74: {  	_ =	shalt  }
0x75: {  	_ =	shalt  }
0x76: {  	_ =	shalt  }
0x77: {  	_ =	shalt  }
0x78: {  	_ =	shalt  }
0x79: {  	_ =	shalt  }
0x7a: {  	_ =	shalt  }
0x7b: {  	_ =	shalt  }
0x7c: {  	_ =	shalt  }
0x7d: {  	_ =	shalt  }
0x7e: {  	_ =	shalt  }
0x7f: {  	_ =	shalt  }
0x80: {  	_ =	shalt  }
0x81: {  	_ =	shalt  }
0x82: {  	_ =	shalt  }
0x83: {  	_ =	shalt  }
0x84: {  	_ =	shalt  }
0x85: {  	_ =	shalt  }
0x86: {  	_ =	shalt  }
0x87: {  	_ =	shalt  }
.Lfunc_end0:
.L_simem_size_0:
called_computation.1_lowered:
.L_overlay_start_0:
0x88: {  	s2 =	sld [smem:$0x3FD9]  }
0x89: {  	s3 =	sld [smem:$0x3FFE];
	_ =	sdelay $0x1  }
0x8a: {  	s1 =	srdreg.scid  }
0x8b: {  	s0 =	sand.u32 $0x1, s1  }
0x8c: {  	s17 =	sshll.u32 s0, $0xA;
	s2 =	sadd.s32 s3, s2  }
0x8d: {  	s2 =	sadd.s32 s2, s17  }
0x8e: {  	[smem:$0x3FC4] =	sst s2  }
0x8f: {  	_ = 	snop  }
0x90: {  	s18 =	sld [smem:$0x3FD0];
	(tm) =	ssettm $0x1  }
0x91: {  	s19 =	sld [smem:$0x3FFB];
	_ =	sdelay $0x3  }
0x92: {  	_ =	strace s19  }
0x93: {  	s2 =	sld [smem:$0x3FFC];
	_ =	sdelay $0x3  }
0x94: {  	_ =	strace s2  }
0x95: {  	s2 =	sld [smem:$0x3FFD];
	_ =	sdelay $0x3  }
0x96: {  	_ =	strace s2  }
0x97: {  	_ =	strace $0x8FFFFFFF  }
0x98: {  	s20 =	sld [smem:$0x3FDB];
	_ =	sdelay $0x1  }
0x99: {  	s4 =	simm.s32 $_scs_section_size  }
0x9a: {  	s5 =	simm.s32 $_size__tile_overlayer_lowered;
	s6 =	simm.s32 $_tile_overlayer_lowered  }
0x9b: {  	s7 =	simm.s32 $0x1BFF;
	s21 =	sshll.u32 s6, $0x1;
	s4 =	sadd.s32 s4, s20  }
0x9c: {  	s22 =	simm.s32 $0x0;
	s5 =	sshll.u32 s5, $0x1;
	s6 =	sadd.s32 s21, s4  }
0x9d: {  	[timem:s22], [sflag:s7] =	dma.local [hbm:s6], s5  }
0x9e: {  	_ =	swait.ge [sflag:s7], s5  }
0x9f: {  	s5 =	ssub.s32 $0x0, s5;
	[sflag:s7] =	ssyncset.done $0x0  }
0xa0: {  	[sflag:s7] =	ssyncadd.s32 s5;
	_ =	sdelay $0x1  }
0xa1: {  	s23 =	simm.s32 $0x1B8B  }
0xa2: {  	_ =	swait.ge [sflag:s23], $0x1  }
0xa3: {  	[sflag:s23] =	ssyncset.done $0x0  }
0xa4: {  	[sflag:s23] =	ssyncadd.s32 $0xFFFFFFFF  }
0xa5: {  	s5 =	sld [smem:$0x0]  }
0xa6: {  	s6 =	sand.u32 $0xFFFFFFFE, s1  }
0xa7: {  	p0 =	sne.s32 s1, s6  }
0xa8: {  	s6 =	sshll.u32 @p0 s6, $0xE  }
0xa9: {  	s6 =	sadd.s32 @p0 $0x11B8D, s6;
	s7 =	sshll.u32 @p0 s5, $0x11  }
0xaa: {  	s6 =	sor.u32 @p0 s7, s6  }
0xab: {  	[sflag:s6] =	ssyncadd.remote.s32 @p0 $0x1;
	_ =	sdelay $0x1  }
0xac: {  	s6 =	simm.s32 @p0 $0x1B8D  }
0xad: {  	_ =	swait.eq @p0 [sflag:s6], $0x1  }
0xae: {  	[sflag:s6] =	ssyncadd.s32 @p0 $0xFFFFFFFF  }
0xaf: {  	s7 =	sshll.u32 @!p0 s1, $0xE  }
0xb0: {  	s7 =	sor.u32 @!p0 $0x4000, s7;
	s6 =	simm.s32 @!p0 $0x1B8D  }
0xb1: {  	s5 =	sshll.u32 @!p0 s5, $0x11;
	s7 =	sadd.s32 @!p0 $0x11B8D, s7;
	_ =	swait.eq @!p0 [sflag:s6], $0x1  }
0xb2: {  	s5 =	sor.u32 @!p0 s5, s7;
	[sflag:s6] =	ssyncadd.s32 @!p0 $0xFFFFFFFF  }
0xb3: {  	s25 =	simm.s32 $0x1B8E;
	s24 =	sld [smem:$0x3FFE];
	[sflag:s5] =	ssyncadd.remote.s32 @!p0 $0x1  }
0xb4: {  	s26 =	simm.s32 $execute0_lowered;
	[smem:$0x3FD2] =	sst s25  }
0xb5: {  	s6 =	sshll.u32 s26, $0x1;
	_ =	strace $0x8000004F;
	[dreg:$0x1] =	wrdreg $0xFFFFFFFF  }
0xb6: {  	s28 =	simm.s32 $_size_execute0_lowered;
	s4 =	sadd.s32 s4, s6;
	[dreg:$0x0] =	wrdreg $0x0  }
0xb7: {  	s6 =	sshll.u32 s28, $0x1;
	[dreg:$0x2] =	wrdreg s4  }
0xb8: {  	[dreg:$0x3] =	wrdreg s6  }
0xb9: {  	[dreg:$0x4] =	wrdreg $0xC0  }
0xba: {  	_ =	task [dreg:s22], $0x5FFFF  }
0xbb: {  	[dreg:$0x1] =	wrdreg $0xFFFFFFFF  }
0xbc: {  	[dreg:$0x0] =	wrdreg $0x60  }
0xbd: {  	[dreg:$0x2] =	wrdreg s24  }
0xbe: {  	[dreg:$0x3] =	wrdreg s18  }
0xbf: {  	[dreg:$0x4] =	wrdreg $0xA4000  }
0xc0: {  	[dreg:$0x5] =	wrdreg $0x9  }
0xc1: {  	_ =	task.clear_ibuf [dreg:s22], $0x6FFFF;
	_ =	strace $0x9000004F  }
0xc2: {  	s29 =	simm.s32 $0x9;
	_ =	strace $0x80000051  }
0xc3: {  	_ =	swait.ge [sflag:s29], $0x1  }
0xc4: {  	[sflag:s29] =	ssyncadd.s32 $0xFFFFFFFF  }
0xc5: {  	_ =	strace $0x90000051  }
0xc6: {  	_ =	sfence  }
0xc7: {  	s30 =	sld [smem:$0x0];
	_ =	sdelay $0x2  }
0xc8: {  	s31 =	sshll.u32 s1, $0xD;
	s1 =	sshrl.u32 s1, $0x2  }
0xc9: {  	s4 =	sand.u32 $0x4000, s31;
	s1 =	sadd.s32 s1, s30  }
0xca: {  	s0 =	sor.u32 s4, s0;
	s1 =	sshll.u32 s1, $0x11  }
0xcb: {  	s0 =	sor.u32 s1, s0  }
0xcc: {  	s0 =	sadd.s32 $0x8F2B, s0  }
0xcd: {  	[sflag:s0] =	ssyncadd.remote.s32 $0x1  }
0xce: {  	_ =	sfence.sel $0xFFFF  }
0xcf: {  	[dreg:$0x0] =	wrdreg $0xFFFFFFFF;
	(pc) =	sbr.abs _section_cstart, $3  }
0xd0: {  	[dreg:$0x1] =	wrdreg $0xFFFFFFFF  }
0xd1: {  	_ =	task.clear_ibuf [dreg:s22], $0x2FFFF;
	_ =	strace $0x9FFFFFFF  }
0xd2: {  	(tm) =	ssettm $0x7FFFFFFF  }
0xd3: {  	_ =	shalt  }
tec
execute0_lowered:
.L_overlay_start_1:
0x0: {  	(tag) =	ssettag $0x1  }
0x1: {  	s0 =	rddreg [dreg:$0x0]  }
0x2: {  	s2 =	rddreg [dreg:$0x2];
	s3 =	simm.s32 $0x0  }
0x3: {  	s1 =	srdreg.scid;
	s11 =	stileid.u32;
	s14 =	simm.s32 $0x6  }
0x4: {  	s15 =	simm.s32 $0x4000;
	s16 =	simm.s32 $0x5400;
	s17 =	simm.s32 $0x6800  }
0x5: {  	s18 =	simm.s32 $0x7C00;
	s19 =	simm.s32 $0x9000;
	s20 =	simm.s32 $0x1  }
0x6: {  	s21 =	simm.s32 $0x28;
	s22 =	simm.s32 $0x2;
	s23 =	simm.s32 $0x3  }
0x7: {  	s24 =	simm.s32 $0x4;
	s31 =	simm.s32 $0x3E00;
	[smem:$0x7FF] =	sst s3  }
0x8: {  	s1 =	sand.u32 $0x1, s1;
	s4 =	sshll.u32 s11, $0x1;
	s13 =	smul.u32 $0x27100, s11  }
0x9: {  	s10 =	sadd.s32 $0x77E000, s0;
	p0 =	sne.s32 s11, $0x0;
	s6 =	smul.u32 $0x27100, s1  }
0xa: {  	s4 =	sor.u32 s1, s4;
	s7 =	ssub.s32 $0x2, s1;
	s1 =	smul.u32 $0x13880, s1  }
0xb: {  	_ =	strace $0x80000050;
	s5 =	sshll.u32 s4, $0xB;
	s8 =	smul.u32 $0x9C400, s4  }
0xc: {  	s25 =	sshrl.u32 s7, $0x1;
	s9 =	smul.u32 $0x13880, s4;
	s13 =	sadd.s32 s13, s10  }
0xd: {  	s5 =	sadd.s32 s5, s0;
	s0 =	sadd.s32 s6, s0;
	s12 =	ssub.s32 s7, s25  }
0xe: {  	s30 =	sadd.s32 s1, s13;
	s13 =	sshrl.u32 @!p0 s2, $0x3;
	s25 =	simm.s32 $0x5  }
0xf: {  	s4 =	sadd.s32 $0x4ED000, s5;
	s26 =	sshrl.u32 s8, $0x3;
	s5 =	sadd.s32 s10, s9  }
0x10: {  	s11 =	smax.u32 s12, $0x1;
	s28 =	sadd.s32 $0x1680, s30;
	s29 =	sadd.s32 s10, s26  }
0x11: {  	s10 =	sadd.s32 $0x59200, s0;
	s0 =	simm.s32 $0x0;
	s6 =	sadd.s32 $0x280, s29  }
0x12: {  	s7 =	sadd.s32 $0x500, s29;
	s8 =	sadd.s32 $0x780, s29;
	s9 =	sadd.s32 $0xA00, s29  }
.LBB2_1:
0x13: {  	s1 =	simm.s32 @!p0 $0x1C06;
	s12 =	rddreg [dreg:$0x1]  }
0x14: {  	[spmem:s13], [sflag:s1] =	dma.local @!p0 [hbm:s12], $0x27100  }
0x15: {  	s1 =	simm.s32 @!p0 $0x6  }
0x16: {  	_ =	swait.ge @!p0 [sflag:s1], $0x27100  }
0x17: {  	[sflag:s1] =	ssyncset.done @!p0 $0x0  }
0x18: {  	[sflag:s1] =	ssyncadd.s32 @!p0 $0xFFFD8F00  }
0x19: {  	[tilespmem:s3], [sflag:$0x6] =	stream.linear.gather [hbm4b:s4+s3], $0x3E80, $0x38;
	[tilespmem:$0x1DC80] =	vst v63  }
0x1a: {  	_ =	swait.ge [sflag:s14], $0x3E80  }
0x1b: {  	[sflag:s14] =	ssyncset.done $0x0  }
0x1c: {  	[sflag:s14] =	ssyncadd.s32 $0xFFFFC180  }
0x1d: {  	[bflag:$0x0] =	sbarrier.arrive $0xFFFF  }
0x1e: {  	[tilespmem:s15], [sflag:$0x1] =	stream.linear.gather [hbm4b:s5+s3], $0x1400, $0x38;
	[tilespmem:$0x1DC80] =	vst v63  }
0x1f: {  	_ = 	snop  }
0x20: {  	[tilespmem:s16], [sflag:$0x2] =	stream.linear.gather [hbm4b:s6+s3], $0x1400, $0x38;
	[tilespmem:$0x1DC80] =	vst v63  }
0x21: {  	_ = 	snop  }
0x22: {  	[tilespmem:s17], [sflag:$0x3] =	stream.linear.gather [hbm4b:s7+s3], $0x1400, $0x38;
	[tilespmem:$0x1DC80] =	vst v63  }
0x23: {  	_ = 	snop  }
0x24: {  	[tilespmem:s18], [sflag:$0x4] =	stream.linear.gather [hbm4b:s8+s3], $0x1400, $0x38;
	[tilespmem:$0x1DC80] =	vst v63  }
0x25: {  	_ = 	snop  }
0x26: {  	[tilespmem:s19], [sflag:$0x5] =	stream.linear.gather [hbm4b:s9+s3], $0x1400, $0x38;
	[tilespmem:$0x1DC80] =	vst v63  }
0x27: {  	_ =	swait.ge [sflag:s20], $0x1400  }
0x28: {  	[sflag:s20] =	ssyncset.done $0x0  }
0x29: {  	s30 =	simm.s32 $0x0;
	[sflag:s20] =	ssyncadd.s32 $0xFFFFEC00  }
0x2a: {  	[spmem:s2] =	stream.indirect.scatter.add.f32 [tilespmem:s15], [sflag:$0x6], $0x80, s30, s21, $0xb8;
	[tilespmem:$0x1DC80] =	vst v63  }
0x2b: {  	_ =	swait.ge [sflag:s14], $0x1400  }
0x2c: {  	[sflag:s14] =	ssyncset.done $0x0  }
0x2d: {  	s12 =	sadd.s32 $0xFFFFF600, s28;
	[sflag:s14] =	ssyncadd.s32 $0xFFFFEC00  }
0x2e: {  	[tilespmem:s15], [sflag:$0x1] =	stream.linear.gather [hbm4b:s12+s3], $0x1400, $0x38;
	[tilespmem:$0x1DC80] =	vst v63  }
0x2f: {  	_ =	swait.ge [sflag:s22], $0x1400  }
0x30: {  	[sflag:s22] =	ssyncset.done $0x0  }
0x31: {  	s26 =	simm.s32 $0x80;
	[sflag:s22] =	ssyncadd.s32 $0xFFFFEC00  }
0x32: {  	[spmem:s2] =	stream.indirect.scatter.add.f32 [tilespmem:s16], [sflag:$0x6], $0x80, s26, s21, $0xb8;
	[tilespmem:$0x1DC80] =	vst v63  }
0x33: {  	_ =	swait.ge [sflag:s14], $0x1400  }
0x34: {  	[sflag:s14] =	ssyncset.done $0x0  }
0x35: {  	s29 =	sadd.s32 $0xFFFFF880, s28;
	[sflag:s14] =	ssyncadd.s32 $0xFFFFEC00  }
0x36: {  	[tilespmem:s16], [sflag:$0x2] =	stream.linear.gather [hbm4b:s29+s3], $0x1400, $0x38;
	[tilespmem:$0x1DC80] =	vst v63  }
0x37: {  	_ =	swait.ge [sflag:s23], $0x1400  }
0x38: {  	[sflag:s23] =	ssyncset.done $0x0  }
0x39: {  	s30 =	simm.s32 $0x100;
	[sflag:s23] =	ssyncadd.s32 $0xFFFFEC00  }
0x3a: {  	[spmem:s2] =	stream.indirect.scatter.add.f32 [tilespmem:s17], [sflag:$0x6], $0x80, s30, s21, $0xb8;
	[tilespmem:$0x1DC80] =	vst v63  }
0x3b: {  	_ =	swait.ge [sflag:s14], $0x1400  }
0x3c: {  	[sflag:s14] =	ssyncset.done $0x0  }
0x3d: {  	s12 =	sadd.s32 $0xFFFFFB00, s28;
	[sflag:s14] =	ssyncadd.s32 $0xFFFFEC00  }
0x3e: {  	[tilespmem:s17], [sflag:$0x3] =	stream.linear.gather [hbm4b:s12+s3], $0x1400, $0x38;
	[tilespmem:$0x1DC80] =	vst v63  }
0x3f: {  	_ =	swait.ge [sflag:s24], $0x1400  }
0x40: {  	[sflag:s24] =	ssyncset.done $0x0  }
0x41: {  	s26 =	simm.s32 $0x180;
	[sflag:s24] =	ssyncadd.s32 $0xFFFFEC00  }
0x42: {  	[spmem:s2] =	stream.indirect.scatter.add.f32 [tilespmem:s18], [sflag:$0x6], $0x80, s26, s21, $0xb8;
	[tilespmem:$0x1DC80] =	vst v63  }
0x43: {  	_ =	swait.ge [sflag:s14], $0x1400  }
0x44: {  	[sflag:s14] =	ssyncset.done $0x0  }
0x45: {  	s29 =	sadd.s32 $0xFFFFFD80, s28;
	[sflag:s14] =	ssyncadd.s32 $0xFFFFEC00  }
0x46: {  	[tilespmem:s18], [sflag:$0x4] =	stream.linear.gather [hbm4b:s29+s3], $0x1400, $0x38;
	[tilespmem:$0x1DC80] =	vst v63  }
0x47: {  	_ =	swait.ge [sflag:s25], $0x1400  }
0x48: {  	[sflag:s25] =	ssyncset.done $0x0  }
0x49: {  	s30 =	simm.s32 $0x200;
	[sflag:s25] =	ssyncadd.s32 $0xFFFFEC00  }
0x4a: {  	[spmem:s2] =	stream.indirect.scatter.add.f32 [tilespmem:s19], [sflag:$0x6], $0x80, s30, s21, $0xb8;
	[tilespmem:$0x1DC80] =	vst v63  }
0x4b: {  	_ =	swait.ge [sflag:s14], $0x1400  }
0x4c: {  	s1 =	simm.s32 $0xA00;
	[sflag:s14] =	ssyncset.done $0x0  }
0x4d: {  	s12 =	smov.u32 s28;
	s26 =	sadd.s32 $0xC80, s28;
	[sflag:s14] =	ssyncadd.s32 $0xFFFFEC00  }
.LBB2_2:
0x4e: {  	[tilespmem:s19], [sflag:$0x5] =	stream.linear.gather [hbm4b:s12+s3], $0x1400, $0x38;
	[tilespmem:$0x1DC80] =	vst v63  }
0x4f: {  	s29 =	smov.u32 s1;
	s12 =	smov.u32 s26  }
0x50: {  	p1 =	sne.s32 s1, $0xE600;
	s1 =	sadd.s32 $0xA00, s1;
	_ =	swait.ge [sflag:s20], $0x1400  }
0x51: {  	[sflag:s20] =	ssyncset.done $0x0  }
0x52: {  	s29 =	sshra.s32 s29, $0x2;
	[sflag:s20] =	ssyncadd.s32 $0xFFFFEC00  }
0x53: {  	[spmem:s2] =	stream.indirect.scatter.add.f32 [tilespmem:s15], [sflag:$0x6], $0x80, s29, s21, $0xb8;
	[tilespmem:$0x1DC80] =	vst v63  }
0x54: {  	_ =	swait.ge [sflag:s14], $0x1400  }
0x55: {  	[sflag:s14] =	ssyncset.done $0x0  }
0x56: {  	s30 =	sadd.s32 $0xFFFFF600, s26;
	[sflag:s14] =	ssyncadd.s32 $0xFFFFEC00  }
0x57: {  	[tilespmem:s15], [sflag:$0x1] =	stream.linear.gather [hbm4b:s30+s3], $0x1400, $0x38;
	[tilespmem:$0x1DC80] =	vst v63  }
0x58: {  	_ =	swait.ge [sflag:s22], $0x1400  }
0x59: {  	[sflag:s22] =	ssyncset.done $0x0  }
0x5a: {  	s30 =	sadd.s32 $0x80, s29;
	[sflag:s22] =	ssyncadd.s32 $0xFFFFEC00  }
0x5b: {  	[spmem:s2] =	stream.indirect.scatter.add.f32 [tilespmem:s16], [sflag:$0x6], $0x80, s30, s21, $0xb8;
	[tilespmem:$0x1DC80] =	vst v63  }
0x5c: {  	_ =	swait.ge [sflag:s14], $0x1400  }
0x5d: {  	[sflag:s14] =	ssyncset.done $0x0  }
0x5e: {  	s30 =	sadd.s32 $0xFFFFF880, s26;
	[sflag:s14] =	ssyncadd.s32 $0xFFFFEC00  }
0x5f: {  	[tilespmem:s16], [sflag:$0x2] =	stream.linear.gather [hbm4b:s30+s3], $0x1400, $0x38;
	[tilespmem:$0x1DC80] =	vst v63  }
0x60: {  	_ =	swait.ge [sflag:s23], $0x1400  }
0x61: {  	[sflag:s23] =	ssyncset.done $0x0  }
0x62: {  	s30 =	sadd.s32 $0x100, s29;
	[sflag:s23] =	ssyncadd.s32 $0xFFFFEC00  }
0x63: {  	[spmem:s2] =	stream.indirect.scatter.add.f32 [tilespmem:s17], [sflag:$0x6], $0x80, s30, s21, $0xb8;
	[tilespmem:$0x1DC80] =	vst v63  }
0x64: {  	_ =	swait.ge [sflag:s14], $0x1400  }
0x65: {  	[sflag:s14] =	ssyncset.done $0x0  }
0x66: {  	s30 =	sadd.s32 $0xFFFFFB00, s26;
	[sflag:s14] =	ssyncadd.s32 $0xFFFFEC00  }
0x67: {  	[tilespmem:s17], [sflag:$0x3] =	stream.linear.gather [hbm4b:s30+s3], $0x1400, $0x38;
	[tilespmem:$0x1DC80] =	vst v63  }
0x68: {  	_ =	swait.ge [sflag:s24], $0x1400  }
0x69: {  	[sflag:s24] =	ssyncset.done $0x0  }
0x6a: {  	s30 =	sadd.s32 $0x180, s29;
	[sflag:s24] =	ssyncadd.s32 $0xFFFFEC00  }
0x6b: {  	[spmem:s2] =	stream.indirect.scatter.add.f32 [tilespmem:s18], [sflag:$0x6], $0x80, s30, s21, $0xb8;
	[tilespmem:$0x1DC80] =	vst v63  }
0x6c: {  	_ =	swait.ge [sflag:s14], $0x1400  }
0x6d: {  	[sflag:s14] =	ssyncset.done $0x0  }
0x6e: {  	s30 =	sadd.s32 $0xFFFFFD80, s26;
	[sflag:s14] =	ssyncadd.s32 $0xFFFFEC00  }
0x6f: {  	[tilespmem:s18], [sflag:$0x4] =	stream.linear.gather [hbm4b:s30+s3], $0x1400, $0x38;
	[tilespmem:$0x1DC80] =	vst v63  }
0x70: {  	_ =	swait.ge [sflag:s25], $0x1400  }
0x71: {  	[sflag:s25] =	ssyncset.done $0x0  }
.Ltmp0:
0x72: {  	s29 =	sadd.s32 $0x200, s29;
	[sflag:s25] =	ssyncadd.s32 $0xFFFFEC00;
	(pc) =	sbr.rel @p1 .LBB2_2-.Ltmp0, $4  }
0x73: {  	[spmem:s2] =	stream.indirect.scatter.add.f32 [tilespmem:s19], [sflag:$0x6], $0x80, s29, s21, $0xb8;
	[tilespmem:$0x1DC80] =	vst v63  }
0x74: {  	_ =	swait.ge [sflag:s14], $0x1400  }
0x75: {  	[sflag:s14] =	ssyncset.done $0x0  }
0x76: {  	s26 =	sadd.s32 $0xC80, s26;
	[sflag:s14] =	ssyncadd.s32 $0xFFFFEC00  }
0x77: {  	[tilespmem:s19], [sflag:$0x5] =	stream.linear.gather [hbm4b:s12+s3], $0x1400, $0x38;
	[tilespmem:$0x1DC80] =	vst v63  }
0x78: {  	_ =	swait.ge [sflag:s20], $0x1400  }
0x79: {  	[sflag:s20] =	ssyncset.done $0x0  }
0x7a: {  	s1 =	simm.s32 $0x3C00;
	[sflag:s20] =	ssyncadd.s32 $0xFFFFEC00  }
0x7b: {  	[spmem:s2] =	stream.indirect.scatter.add.f32 [tilespmem:s15], [sflag:$0x6], $0x80, s1, s21, $0xb8;
	[tilespmem:$0x1DC80] =	vst v63  }
0x7c: {  	_ =	swait.ge [sflag:s14], $0x1400  }
0x7d: {  	[sflag:s14] =	ssyncset.done $0x0  }
0x7e: {  	[sflag:s14] =	ssyncadd.s32 $0xFFFFEC00  }
0x7f: {  	_ =	swait.ge [sflag:s22], $0x1400  }
0x80: {  	[sflag:s22] =	ssyncset.done $0x0  }
0x81: {  	s26 =	simm.s32 $0x3C80;
	[sflag:s22] =	ssyncadd.s32 $0xFFFFEC00  }
0x82: {  	[spmem:s2] =	stream.indirect.scatter.add.f32 [tilespmem:s16], [sflag:$0x6], $0x80, s26, s21, $0xb8;
	[tilespmem:$0x1DC80] =	vst v63  }
0x83: {  	_ =	swait.ge [sflag:s14], $0x1400  }
0x84: {  	[sflag:s14] =	ssyncset.done $0x0  }
0x85: {  	[sflag:s14] =	ssyncadd.s32 $0xFFFFEC00  }
0x86: {  	_ =	swait.ge [sflag:s23], $0x1400  }
0x87: {  	[sflag:s23] =	ssyncset.done $0x0  }
0x88: {  	s29 =	simm.s32 $0x3D00;
	[sflag:s23] =	ssyncadd.s32 $0xFFFFEC00  }
0x89: {  	[spmem:s2] =	stream.indirect.scatter.add.f32 [tilespmem:s17], [sflag:$0x6], $0x80, s29, s21, $0xb8;
	[tilespmem:$0x1DC80] =	vst v63  }
0x8a: {  	_ =	swait.ge [sflag:s14], $0x1400  }
0x8b: {  	[sflag:s14] =	ssyncset.done $0x0  }
0x8c: {  	[sflag:s14] =	ssyncadd.s32 $0xFFFFEC00  }
0x8d: {  	_ =	swait.ge [sflag:s24], $0x1400  }
0x8e: {  	[sflag:s24] =	ssyncset.done $0x0  }
0x8f: {  	s30 =	simm.s32 $0x3D80;
	[sflag:s24] =	ssyncadd.s32 $0xFFFFEC00  }
0x90: {  	[spmem:s2] =	stream.indirect.scatter.add.f32 [tilespmem:s18], [sflag:$0x6], $0x80, s30, s21, $0xb8;
	[tilespmem:$0x1DC80] =	vst v63  }
0x91: {  	_ =	swait.ge [sflag:s14], $0x1400  }
0x92: {  	[sflag:s14] =	ssyncset.done $0x0  }
0x93: {  	[sflag:s14] =	ssyncadd.s32 $0xFFFFEC00  }
0x94: {  	_ =	swait.ge [sflag:s25], $0x1400  }
0x95: {  	[sflag:s25] =	ssyncset.done $0x0  }
0x96: {  	[sflag:s25] =	ssyncadd.s32 $0xFFFFEC00  }
0x97: {  	[spmem:s2] =	stream.indirect.scatter.add.f32 [tilespmem:s19], [sflag:$0x6], $0x80, s31, s21, $0xb8;
	[tilespmem:$0x1DC80] =	vst v63  }
0x98: {  	_ =	swait.ge [sflag:s14], $0x1400  }
0x99: {  	[sflag:s14] =	ssyncset.done $0x0  }
0x9a: {  	s0 =	sadd.s32 $0x1, s0;
	[sflag:s14] =	ssyncadd.s32 $0xFFFFEC00  }
0x9b: {  	p1 =	sne.s32 s0, s11;
	s1 =	simm.s32 @!p0 $0x1C06;
	[bflag:$0x0] =	sbarrier.arrive $0xFFFF  }
0x9c: {  	[hbm:s10], [sflag:s1] =	dma.local @!p0 [spmem:s13], $0x27100  }
.Ltmp1:
0x9d: {  	_ = 	snop;
	(pc) =	sbr.rel @p1 .LBB2_1-.Ltmp1, $4  }
0x9e: {  	s1 =	simm.s32 @!p0 $0x6  }
0x9f: {  	_ =	swait.ge @!p0 [sflag:s1], $0x27100  }
0xa0: {  	[sflag:s1] =	ssyncset.done @!p0 $0x0  }
0xa1: {  	[sflag:s1] =	ssyncadd.s32 @!p0 $0xFFFD8F00  }
0xa2: {  	_ =	sfence.sel $0x180000  }
0xa3: {  	[bflag:$0x0] =	sbarrier.arrive $0xFFFF  }
0xa4: {  	_ =	strace $0x90000050  }
0xa5: {  	[bflag:$0x2] =	sbarrier.arrive $0xFFFF  }
0xa6: {  	s0 =	rddreg [dreg:$0x3]  }
0xa7: {  	s0 =	sadd.s32 @!p0 $0x100000, s0  }
0xa8: {  	[sflag:s0] =	ssyncadd.tile.s32 @!p0 $0x1;
	_ =	shalt  }
.Lfunc_end2:
_tile_overlayer_lowered:
.L_overlay_start_2:
0xa9: {  	(tag) =	ssettag $0x2  }
0xaa: {  	s0 =	rddreg [dreg:$0x0];
	s2 =	stileid.u32  }
0xab: {  	s1 =	rddreg [dreg:$0x1];
	p0 =	sne.s32 s2, $0x0  }
0xac: {  	s3 =	rddreg [dreg:$0x2];
	[bflag:$0x3] =	sbarrier.arrive $0xFFFF;
	s2 =	simm.s32 @!p0 $0x1C06  }
0xad: {  	[timem:s3], [sflag:s2] =	dma.local @!p0 [hbm:s0], s1  }
0xae: {  	s0 =	simm.s32 @!p0 $0x6  }
0xaf: {  	_ =	swait.ge @!p0 [sflag:s0], s1  }
0xb0: {  	s1 =	ssub.s32 @!p0 $0x0, s1;
	[sflag:s0] =	ssyncset.done @!p0 $0x0  }
0xb1: {  	[sflag:s0] =	ssyncadd.s32 @!p0 s1  }
0xb2: {  	[bflag:$0x3] =	sbarrier.arrive $0xFFFF  }
0xb3: {  	_ =	shalt  }

// kernel: kernel.15.cloned.1.call-start
scs
__scs_entry_jumppad:
0x0: {  	(pc) =	sbr.rel $0x88, $3  }
0x1: {  	(tag) =	ssettag $0x0;
	lr =	simm.s32 $0x1  }
0x2: {  	[smem:$0x3F9D] =	sst lr;
	_ =	strace $0xD0000000  }
0x3: {  	_ = 	snop  }
0x4: {  	_ = 	snop  }
0x5: {  	_ = 	snop  }
0x6: {  	_ = 	snop  }
0x7: {  	_ = 	snop  }
__scs_overlays_trampoline_lowered:
0x8: {  	[smem:$0x3FAC] =	sst s0  }
0x9: {  	[smem:$0x3FAD] =	sst s1  }
0xa: {  	[smem:$0x3FAE] =	sst s2  }
0xb: {  	[smem:$0x3FAF] =	sst s3  }
0xc: {  	[smem:$0x3FB0] =	sst s4  }
0xd: {  	[smem:$0x3FB1] =	sst s5  }
0xe: {  	[smem:$0x3FB2] =	sst s6  }
0xf: {  	[smem:$0x3FB3] =	sst s7  }
0x10: {  	[smem:$0x3FB4] =	sst s8  }
0x11: {  	[smem:$0x3FB5] =	sst s9;
	s0 =	simm.s32 @!p0 $0x0  }
0x12: {  	s1 =	sld [smem:$0x3F9B];
	s0 =	simm.s32 @p0 $0x1  }
0x13: {  	[smem:$0x3FB6] =	sst s0;
	s0 =	simm.s32 @!p1 $0x0  }
0x14: {  	s2 =	sld [smem:$0x3F9A];
	s0 =	simm.s32 @p1 $0x1  }
0x15: {  	[smem:$0x3FB7] =	sst s0;
	s0 =	simm.s32 @!p2 $0x0  }
0x16: {  	s3 =	sld [smem:$0x3FDB];
	s0 =	simm.s32 @p2 $0x1  }
0x17: {  	s4 =	simm.s32 $0x1BF5;
	[smem:$0x3FB9] =	sst s0  }
0x18: {  	s0 =	sld [smem:$0x3F9C];
	_ =	swait.ge [sflag:s4], $0x0  }
0x19: {  	s7 =	sld [smem:$0x3F9D]  }
0x1a: {  	s8 =	sadd.s32 $0xFFFFE003, lr  }
0x1b: {  	s9 =	sadd.s32 $0xFFFFFEF7, lr;
	s5 =	simm.s32 $0xFFFFFFFF;
	p2 =	slt.u32 s8, $0xFFFFF086  }
0x1c: {  	p1 =	slt.u32 s9, $0xF7A;
	s5 =	simm.s32 @!p2 $0x0  }
0x1d: {  	s5 =	simm.s32 @p1 $0x1;
	p0 =	seq.s32 s7, s2  }
0x1e: {  	s7 =	smul.u32 @!p0 $0xF7A, s2;
	p2 =	seq.s32 @!p0 s5, $0x0  }
0x1f: {  	s9 =	smul.u32 $0xF7A, s1;
	s8 =	simm.s32 @!p0 $0x1BF5;
	p2 =	por !p2, p0  }
0x20: {  	[sflag:s8] =	ssyncset.s32 @!p0 $0xFFFFF086;
	s6 =	sadd.s32 @!p0 s3, s7;
	s7 =	simm.s32 @!p0 $0x108  }
0x21: {  	s3 =	sadd.s32 s3, s9;
	s6 =	sadd.s32 @!p0 $0x88, s6;
	s7 =	simm.s32 @p2 $0x1082  }
0x22: {  	[simem:s7], [sflag:s8] =	dma.local @!p0 [hbm:s6], $0xF7A  }
0x23: {  	s9 =	sor.u32 $0xD0000000, s2;
	s6 =	simm.s32 $0x108;
	_ =	swait.ge @!p0 [sflag:s8], $0x0  }
0x24: {  	s3 =	sadd.s32 $0x88, s3;
	s6 =	simm.s32 @!p1 $0x1082;
	[sflag:s4] =	ssyncset.s32 $0xFFFFF086  }
0x25: {  	[simem:s6], [sflag:s4] =	dma.local [hbm:s3], $0xF7A  }
0x26: {  	[smem:$0x3F9D] =	sst s1;
	(tag) =	ssettag s2;
	_ =	strace s9  }
0x27: {  	s1 =	sld [smem:$0x3FAD]  }
0x28: {  	s2 =	sld [smem:$0x3FAE]  }
0x29: {  	s4 =	sld [smem:$0x3FB0]  }
0x2a: {  	p0 =	seq.s32 s5, $0x0;
	s5 =	sld [smem:$0x3FB1]  }
0x2b: {  	s6 =	sld [smem:$0x3FB2]  }
0x2c: {  	s7 =	sld [smem:$0x3FB3]  }
0x2d: {  	s3 =	simm.s32 $0x108;
	s8 =	sld [smem:$0x3FB4]  }
0x2e: {  	s3 =	simm.s32 @!p0 $0x1082;
	s9 =	sld [smem:$0x3FB5]  }
0x2f: {  	lr =	sadd.s32 s0, s3;
	s0 =	sld [smem:$0x3FAC]  }
0x30: {  	s3 =	sld [smem:$0x3FAF]  }
0x31: {  	[smem:$0x3FB8] =	sst s10  }
0x32: {  	s10 =	sld [smem:$0x3FB6];
	_ =	sdelay $0x3  }
0x33: {  	p0 =	seq.s32 s10, $0x1;
	s10 =	sld [smem:$0x3FB8];
	_ =	sdelay $0x3  }
0x34: {  	[smem:$0x3FB8] =	sst s10  }
0x35: {  	s10 =	sld [smem:$0x3FB7];
	_ =	sdelay $0x3  }
0x36: {  	p1 =	seq.s32 s10, $0x1;
	s10 =	sld [smem:$0x3FB8];
	_ =	sdelay $0x3  }
0x37: {  	[smem:$0x3FB8] =	sst s10  }
0x38: {  	s10 =	sld [smem:$0x3FB9]  }
0x39: {  	_ = 	snop;
	(pc) =	sbr.ind lr, $3  }
0x3a: {  	_ = 	snop  }
0x3b: {  	_ = 	snop  }
0x3c: {  	p2 =	seq.s32 s10, $0x1;
	s10 =	sld [smem:$0x3FB8]  }
0x3d: {  	_ =	shalt  }
0x3e: {  	_ =	shalt  }
0x3f: {  	_ =	shalt  }
0x40: {  	_ =	shalt  }
0x41: {  	_ =	shalt  }
0x42: {  	_ =	shalt  }
0x43: {  	_ =	shalt  }
0x44: {  	_ =	shalt  }
0x45: {  	_ =	shalt  }
0x46: {  	_ =	shalt  }
0x47: {  	_ =	shalt  }
0x48: {  	_ =	shalt  }
0x49: {  	_ =	shalt  }
0x4a: {  	_ =	shalt  }
0x4b: {  	_ =	shalt  }
0x4c: {  	_ =	shalt  }
0x4d: {  	_ =	shalt  }
0x4e: {  	_ =	shalt  }
0x4f: {  	_ =	shalt  }
0x50: {  	_ =	shalt  }
0x51: {  	_ =	shalt  }
0x52: {  	_ =	shalt  }
0x53: {  	_ =	shalt  }
0x54: {  	_ =	shalt  }
0x55: {  	_ =	shalt  }
0x56: {  	_ =	shalt  }
0x57: {  	_ =	shalt  }
0x58: {  	_ =	shalt  }
0x59: {  	_ =	shalt  }
0x5a: {  	_ =	shalt  }
0x5b: {  	_ =	shalt  }
0x5c: {  	_ =	shalt  }
0x5d: {  	_ =	shalt  }
0x5e: {  	_ =	shalt  }
0x5f: {  	_ =	shalt  }
0x60: {  	_ =	shalt  }
0x61: {  	_ =	shalt  }
0x62: {  	_ =	shalt  }
0x63: {  	_ =	shalt  }
0x64: {  	_ =	shalt  }
0x65: {  	_ =	shalt  }
0x66: {  	_ =	shalt  }
0x67: {  	_ =	shalt  }
0x68: {  	_ =	shalt  }
0x69: {  	_ =	shalt  }
0x6a: {  	_ =	shalt  }
0x6b: {  	_ =	shalt  }
0x6c: {  	_ =	shalt  }
0x6d: {  	_ =	shalt  }
0x6e: {  	_ =	shalt  }
0x6f: {  	_ =	shalt  }
0x70: {  	_ =	shalt  }
0x71: {  	_ =	shalt  }
0x72: {  	_ =	shalt  }
0x73: {  	_ =	shalt  }
0x74: {  	_ =	shalt  }
0x75: {  	_ =	shalt  }
0x76: {  	_ =	shalt  }
0x77: {  	_ =	shalt  }
0x78: {  	_ =	shalt  }
0x79: {  	_ =	shalt  }
0x7a: {  	_ =	shalt  }
0x7b: {  	_ =	shalt  }
0x7c: {  	_ =	shalt  }
0x7d: {  	_ =	shalt  }
0x7e: {  	_ =	shalt  }
0x7f: {  	_ =	shalt  }
0x80: {  	_ =	shalt  }
0x81: {  	_ =	shalt  }
0x82: {  	_ =	shalt  }
0x83: {  	_ =	shalt  }
0x84: {  	_ =	shalt  }
0x85: {  	_ =	shalt  }
0x86: {  	_ =	shalt  }
0x87: {  	_ =	shalt  }
.Lfunc_end0:
.L_simem_size_0:
called_computation.2_lowered:
.L_overlay_start_0:
0x88: {  	s2 =	sld [smem:$0x3FD9]  }
0x89: {  	s3 =	sld [smem:$0x3FFE];
	_ =	sdelay $0x1  }
0x8a: {  	s1 =	srdreg.scid  }
0x8b: {  	s0 =	sand.u32 $0x1, s1  }
0x8c: {  	s17 =	sshll.u32 s0, $0xA;
	s2 =	sadd.s32 s3, s2  }
0x8d: {  	s2 =	sadd.s32 s2, s17  }
0x8e: {  	[smem:$0x3FC4] =	sst s2  }
0x8f: {  	_ = 	snop  }
0x90: {  	s2 =	sld [smem:$0x3FC9];
	(tm) =	ssettm $0x1  }
0x91: {  	s18 =	sld [smem:$0x3FFB];
	_ =	sdelay $0x3  }
0x92: {  	_ =	strace s18  }
0x93: {  	s3 =	sld [smem:$0x3FFC];
	_ =	sdelay $0x3  }
0x94: {  	_ =	strace s3  }
0x95: {  	s3 =	sld [smem:$0x3FFD];
	_ =	sdelay $0x3  }
0x96: {  	_ =	strace s3  }
0x97: {  	_ =	strace $0x8FFFFFFF  }
0x98: {  	s19 =	sld [smem:$0x3FDB];
	_ =	sdelay $0x1  }
0x99: {  	s4 =	simm.s32 $_scs_section_size  }
0x9a: {  	s5 =	simm.s32 $_size__tile_overlayer_lowered;
	s6 =	simm.s32 $_tile_overlayer_lowered  }
0x9b: {  	s22 =	simm.s32 $0x1BFF;
	s21 =	sshll.u32 s6, $0x1;
	s3 =	sadd.s32 s4, s19  }
0x9c: {  	s7 =	simm.s32 $0x0;
	s20 =	sshll.u32 s5, $0x1;
	s5 =	sadd.s32 s21, s3  }
0x9d: {  	[timem:s7], [sflag:s22] =	dma.local [hbm:s5], s20  }
0x9e: {  	_ =	swait.ge [sflag:s22], s20  }
0x9f: {  	s4 =	ssub.s32 $0x0, s20;
	[sflag:s22] =	ssyncset.done $0x0  }
0xa0: {  	[sflag:s22] =	ssyncadd.s32 s4;
	_ =	sdelay $0x1  }
0xa1: {  	s23 =	simm.s32 $0x1B8B  }
0xa2: {  	_ =	swait.ge [sflag:s23], $0x1  }
0xa3: {  	[sflag:s23] =	ssyncset.done $0x0  }
0xa4: {  	s25 =	simm.s32 $0x1B8E;
	s24 =	sld [smem:$0x3FFE];
	[sflag:s23] =	ssyncadd.s32 $0xFFFFFFFF  }
0xa5: {  	s26 =	simm.s32 $execute0_lowered;
	[smem:$0x3FD2] =	sst s25  }
0xa6: {  	s5 =	sshll.u32 s26, $0x1;
	_ =	strace $0x80000046;
	[dreg:$0x1] =	wrdreg $0xFFFFFFFF  }
0xa7: {  	s28 =	simm.s32 $_size_execute0_lowered;
	s3 =	sadd.s32 s3, s5;
	[dreg:$0x0] =	wrdreg $0x0  }
0xa8: {  	s5 =	sshll.u32 s28, $0x1;
	[dreg:$0x2] =	wrdreg s3  }
0xa9: {  	[dreg:$0x3] =	wrdreg s5  }
0xaa: {  	[dreg:$0x4] =	wrdreg $0xC0  }
0xab: {  	_ =	task [dreg:s7], $0x5FFFF  }
0xac: {  	[dreg:$0x1] =	wrdreg $0xFFFFFFFF  }
0xad: {  	[dreg:$0x0] =	wrdreg $0x60  }
0xae: {  	[dreg:$0x2] =	wrdreg s2  }
0xaf: {  	[dreg:$0x3] =	wrdreg s24  }
0xb0: {  	[dreg:$0x4] =	wrdreg $0x78000  }
0xb1: {  	[dreg:$0x5] =	wrdreg $0xA  }
0xb2: {  	_ =	task.clear_ibuf [dreg:s7], $0x6FFFF;
	_ =	strace $0x90000046  }
0xb3: {  	s29 =	simm.s32 $0xA;
	_ =	strace $0x80000048  }
0xb4: {  	_ =	swait.ge [sflag:s29], $0x1  }
0xb5: {  	[sflag:s29] =	ssyncadd.s32 $0xFFFFFFFF  }
0xb6: {  	_ =	strace $0x90000048  }
0xb7: {  	_ =	sfence  }
0xb8: {  	s30 =	sld [smem:$0x0];
	_ =	sdelay $0x2  }
0xb9: {  	s31 =	sshll.u32 s1, $0xD;
	s1 =	sshrl.u32 s1, $0x2  }
0xba: {  	s3 =	sand.u32 $0x4000, s31;
	s1 =	sadd.s32 s1, s30  }
0xbb: {  	s0 =	sor.u32 s3, s0;
	s1 =	sshll.u32 s1, $0x11  }
0xbc: {  	s0 =	sor.u32 s1, s0  }
0xbd: {  	s0 =	sadd.s32 $0x8F2B, s0  }
0xbe: {  	[sflag:s0] =	ssyncadd.remote.s32 $0x1  }
0xbf: {  	_ =	sfence.sel $0xFFFF  }
0xc0: {  	[dreg:$0x0] =	wrdreg $0xFFFFFFFF;
	(pc) =	sbr.abs _section_cstart, $3  }
0xc1: {  	[dreg:$0x1] =	wrdreg $0xFFFFFFFF  }
0xc2: {  	_ =	task.clear_ibuf [dreg:s7], $0x2FFFF;
	_ =	strace $0x9FFFFFFF  }
0xc3: {  	(tm) =	ssettm $0x7FFFFFFF  }
tec
execute0_lowered:
.L_overlay_start_1:
0x0: {  	(tag) =	ssettag $0x1  }
0x1: {  	s1 =	srdreg.scid;
	s4 =	rddreg [dreg:$0x1]  }
0x2: {  	s11 =	stileid.u32;
	s2 =	rddreg [dreg:$0x2];
	s14 =	simm.s32 $0x28  }
0x3: {  	s15 =	simm.s32 $0x1400;
	s16 =	simm.s32 $0x2800;
	s17 =	simm.s32 $0x50  }
0x4: {  	s18 =	simm.s32 $0x3C00;
	s19 =	simm.s32 $0x78;
	s20 =	simm.s32 $0x5000  }
0x5: {  	s21 =	simm.s32 $0xA0;
	s22 =	simm.s32 $0x6400;
	s23 =	simm.s32 $0x1  }
0x6: {  	s24 =	simm.s32 $0x2;
	s25 =	simm.s32 $0x3;
	s26 =	simm.s32 $0x4  }
0x7: {  	s28 =	simm.s32 $0x5;
	s29 =	simm.s32 $0x0;
	s1 =	sand.u32 $0x1, s1  }
0x8: {  	s3 =	sshll.u32 s11, $0x1;
	s10 =	sadd.s32 $0xB000, s4;
	s13 =	smul.u32 $0x27100, s11  }
0x9: {  	s5 =	sor.u32 s1, s3;
	s7 =	ssub.s32 $0x2, s1;
	s1 =	smul.u32 $0x13880, s1  }
0xa: {  	p0 =	sne.s32 s11, $0x0;
	s3 =	simm.s32 $0x0;
	s6 =	smul.u32 $0x1388, s5  }
0xb: {  	[smem:$0x7FF] =	sst s3;
	s5 =	smul.u32 $0x9C400, s5;
	s8 =	sshrl.u32 s7, $0x1  }
0xc: {  	s13 =	sadd.s32 s13, s10;
	_ =	strace $0x80000047;
	s12 =	ssub.s32 s7, s8  }
0xd: {  	s1 =	sadd.s32 s1, s13;
	s13 =	simm.s32 $0x6;
	s6 =	sshrl.u32 s6, $0x3  }
0xe: {  	s5 =	sshrl.u32 s5, $0x3;
	s11 =	sadd.s32 $0xA00, s1;
	s4 =	sadd.s32 s4, s6  }
0xf: {  	s9 =	sadd.s32 s10, s5;
	s10 =	smax.u32 s12, $0x1;
	s12 =	sshrl.u32 @!p0 s2, $0x3  }
0x10: {  	s4 =	sadd.s32 $0x6020, s4;
	s5 =	sadd.s32 $0x12C00, s9;
	s6 =	sadd.s32 $0x12E80, s9  }
0x11: {  	s7 =	sadd.s32 $0x13100, s9;
	s8 =	sadd.s32 $0x13380, s9;
	s9 =	sadd.s32 $0x13600, s9  }
.LBB2_1:
0x12: {  	s1 =	simm.s32 @!p0 $0x1C06;
	s0 =	rddreg [dreg:$0x0]  }
0x13: {  	[spmem:s12], [sflag:s1] =	dma.local @!p0 [hbm:s0], $0x27100  }
0x14: {  	s1 =	simm.s32 @!p0 $0x6  }
0x15: {  	_ =	swait.ge @!p0 [sflag:s1], $0x27100  }
0x16: {  	[sflag:s1] =	ssyncset.done @!p0 $0x0  }
0x17: {  	[sflag:s1] =	ssyncadd.s32 @!p0 $0xFFFD8F00  }
0x18: {  	[tilespmem:s3], [sflag:$0x6] =	stream.linear.gather [hbm4b:s4+s3], $0x1388, $0x38;
	[tilespmem:$0x1B080] =	vst v63  }
0x19: {  	_ =	swait.ge [sflag:s13], $0x1388  }
0x1a: {  	[sflag:s13] =	ssyncset.done $0x0  }
0x1b: {  	[sflag:s13] =	ssyncadd.s32 $0xFFFFEC78  }
0x1c: {  	[bflag:$0x0] =	sbarrier.arrive $0xFFFF  }
0x1d: {  	[tilespmem:s15], [sflag:$0x1] =	stream.indirect.gather [spmem:s2], $0x80, s3, s14, $0xb8;
	[tilespmem:$0x1B080] =	vst v63  }
0x1e: {  	_ = 	snop  }
0x1f: {  	[tilespmem:s16], [sflag:$0x2] =	stream.indirect.gather [spmem:s2], $0x80, s14, s14, $0xb8;
	[tilespmem:$0x1B080] =	vst v63  }
0x20: {  	_ = 	snop  }
0x21: {  	[tilespmem:s18], [sflag:$0x3] =	stream.indirect.gather [spmem:s2], $0x80, s17, s14, $0xb8;
	[tilespmem:$0x1B080] =	vst v63  }
0x22: {  	_ = 	snop  }
0x23: {  	[tilespmem:s20], [sflag:$0x4] =	stream.indirect.gather [spmem:s2], $0x80, s19, s14, $0xb8;
	[tilespmem:$0x1B080] =	vst v63  }
0x24: {  	_ = 	snop  }
0x25: {  	[tilespmem:s22], [sflag:$0x5] =	stream.indirect.gather [spmem:s2], $0x80, s21, s14, $0xb8;
	[tilespmem:$0x1B080] =	vst v63  }
0x26: {  	_ =	swait.ge [sflag:s23], $0x1400  }
0x27: {  	[sflag:s23] =	ssyncset.done $0x0  }
0x28: {  	s0 =	sadd.s32 $0xFFFFF600, s11;
	[sflag:s23] =	ssyncadd.s32 $0xFFFFEC00  }
0x29: {  	[hbm4b:s0+s3] =	stream.linear.scatter [tilespmem:s15], [sflag:$0x6], $0x1400, $0x38;
	[tilespmem:$0x1B080] =	vst v63  }
0x2a: {  	_ =	swait.ge [sflag:s13], $0x1400  }
0x2b: {  	[sflag:s13] =	ssyncset.done $0x0  }
0x2c: {  	s0 =	simm.s32 $0xC8;
	[sflag:s13] =	ssyncadd.s32 $0xFFFFEC00  }
0x2d: {  	[tilespmem:s15], [sflag:$0x1] =	stream.indirect.gather [spmem:s2], $0x80, s0, s14, $0xb8;
	[tilespmem:$0x1B080] =	vst v63  }
0x2e: {  	_ =	swait.ge [sflag:s24], $0x1400  }
0x2f: {  	[sflag:s24] =	ssyncset.done $0x0  }
0x30: {  	s0 =	sadd.s32 $0xFFFFF880, s11;
	[sflag:s24] =	ssyncadd.s32 $0xFFFFEC00  }
0x31: {  	[hbm4b:s0+s3] =	stream.linear.scatter [tilespmem:s16], [sflag:$0x6], $0x1400, $0x38;
	[tilespmem:$0x1B080] =	vst v63  }
0x32: {  	_ =	swait.ge [sflag:s13], $0x1400  }
0x33: {  	[sflag:s13] =	ssyncset.done $0x0  }
0x34: {  	s0 =	simm.s32 $0xF0;
	[sflag:s13] =	ssyncadd.s32 $0xFFFFEC00  }
0x35: {  	[tilespmem:s16], [sflag:$0x2] =	stream.indirect.gather [spmem:s2], $0x80, s0, s14, $0xb8;
	[tilespmem:$0x1B080] =	vst v63  }
0x36: {  	_ =	swait.ge [sflag:s25], $0x1400  }
0x37: {  	[sflag:s25] =	ssyncset.done $0x0  }
0x38: {  	s0 =	sadd.s32 $0xFFFFFB00, s11;
	[sflag:s25] =	ssyncadd.s32 $0xFFFFEC00  }
0x39: {  	[hbm4b:s0+s3] =	stream.linear.scatter [tilespmem:s18], [sflag:$0x6], $0x1400, $0x38;
	[tilespmem:$0x1B080] =	vst v63  }
0x3a: {  	_ =	swait.ge [sflag:s13], $0x1400  }
0x3b: {  	[sflag:s13] =	ssyncset.done $0x0  }
0x3c: {  	s0 =	simm.s32 $0x118;
	[sflag:s13] =	ssyncadd.s32 $0xFFFFEC00  }
0x3d: {  	[tilespmem:s18], [sflag:$0x3] =	stream.indirect.gather [spmem:s2], $0x80, s0, s14, $0xb8;
	[tilespmem:$0x1B080] =	vst v63  }
0x3e: {  	_ =	swait.ge [sflag:s26], $0x1400  }
0x3f: {  	[sflag:s26] =	ssyncset.done $0x0  }
0x40: {  	s0 =	sadd.s32 $0xFFFFFD80, s11;
	[sflag:s26] =	ssyncadd.s32 $0xFFFFEC00  }
0x41: {  	[hbm4b:s0+s3] =	stream.linear.scatter [tilespmem:s20], [sflag:$0x6], $0x1400, $0x38;
	[tilespmem:$0x1B080] =	vst v63  }
0x42: {  	_ =	swait.ge [sflag:s13], $0x1400  }
0x43: {  	[sflag:s13] =	ssyncset.done $0x0  }
0x44: {  	s0 =	simm.s32 $0x140;
	[sflag:s13] =	ssyncadd.s32 $0xFFFFEC00  }
0x45: {  	[tilespmem:s20], [sflag:$0x4] =	stream.indirect.gather [spmem:s2], $0x80, s0, s14, $0xb8;
	[tilespmem:$0x1B080] =	vst v63  }
0x46: {  	_ =	swait.ge [sflag:s28], $0x1400  }
0x47: {  	[sflag:s28] =	ssyncset.done $0x0  }
0x48: {  	[sflag:s28] =	ssyncadd.s32 $0xFFFFEC00  }
0x49: {  	[hbm4b:s11+s3] =	stream.linear.scatter [tilespmem:s22], [sflag:$0x6], $0x1400, $0x38;
	[tilespmem:$0x1B080] =	vst v63  }
0x4a: {  	_ =	swait.ge [sflag:s13], $0x1400  }
0x4b: {  	s30 =	simm.s32 $0x320;
	[sflag:s13] =	ssyncset.done $0x0  }
0x4c: {  	s31 =	sadd.s32 $0xC80, s11;
	s1 =	simm.s32 $0x168;
	[sflag:s13] =	ssyncadd.s32 $0xFFFFEC00  }
.LBB2_2:
0x4d: {  	[tilespmem:s22], [sflag:$0x5] =	stream.indirect.gather [spmem:s2], $0x80, s1, s14, $0xb8;
	[tilespmem:$0x1B080] =	vst v63  }
0x4e: {  	s1 =	smov.u32 s30  }
0x4f: {  	p1 =	sne.s32 s30, $0x47E0;
	s30 =	sadd.s32 $0x320, s30;
	_ =	swait.ge [sflag:s23], $0x1400  }
0x50: {  	[sflag:s23] =	ssyncset.done $0x0  }
0x51: {  	s0 =	sadd.s32 $0xFFFFF600, s31;
	[sflag:s23] =	ssyncadd.s32 $0xFFFFEC00  }
0x52: {  	[hbm4b:s0+s3] =	stream.linear.scatter [tilespmem:s15], [sflag:$0x6], $0x1400, $0x38;
	[tilespmem:$0x1B080] =	vst v63  }
0x53: {  	_ =	swait.ge [sflag:s13], $0x1400  }
0x54: {  	s1 =	sshra.s32 s1, $0x2;
	[sflag:s13] =	ssyncset.done $0x0  }
0x55: {  	s0 =	sadd.s32 $0xC8, s1;
	[sflag:s13] =	ssyncadd.s32 $0xFFFFEC00  }
0x56: {  	[tilespmem:s15], [sflag:$0x1] =	stream.indirect.gather [spmem:s2], $0x80, s0, s14, $0xb8;
	[tilespmem:$0x1B080] =	vst v63  }
0x57: {  	_ =	swait.ge [sflag:s24], $0x1400  }
0x58: {  	[sflag:s24] =	ssyncset.done $0x0  }
0x59: {  	s0 =	sadd.s32 $0xFFFFF880, s31;
	[sflag:s24] =	ssyncadd.s32 $0xFFFFEC00  }
0x5a: {  	[hbm4b:s0+s3] =	stream.linear.scatter [tilespmem:s16], [sflag:$0x6], $0x1400, $0x38;
	[tilespmem:$0x1B080] =	vst v63  }
0x5b: {  	_ =	swait.ge [sflag:s13], $0x1400  }
0x5c: {  	[sflag:s13] =	ssyncset.done $0x0  }
0x5d: {  	s0 =	sadd.s32 $0xF0, s1;
	[sflag:s13] =	ssyncadd.s32 $0xFFFFEC00  }
0x5e: {  	[tilespmem:s16], [sflag:$0x2] =	stream.indirect.gather [spmem:s2], $0x80, s0, s14, $0xb8;
	[tilespmem:$0x1B080] =	vst v63  }
0x5f: {  	_ =	swait.ge [sflag:s25], $0x1400  }
0x60: {  	[sflag:s25] =	ssyncset.done $0x0  }
0x61: {  	s0 =	sadd.s32 $0xFFFFFB00, s31;
	[sflag:s25] =	ssyncadd.s32 $0xFFFFEC00  }
0x62: {  	[hbm4b:s0+s3] =	stream.linear.scatter [tilespmem:s18], [sflag:$0x6], $0x1400, $0x38;
	[tilespmem:$0x1B080] =	vst v63  }
0x63: {  	_ =	swait.ge [sflag:s13], $0x1400  }
0x64: {  	[sflag:s13] =	ssyncset.done $0x0  }
0x65: {  	s0 =	sadd.s32 $0x118, s1;
	[sflag:s13] =	ssyncadd.s32 $0xFFFFEC00  }
0x66: {  	[tilespmem:s18], [sflag:$0x3] =	stream.indirect.gather [spmem:s2], $0x80, s0, s14, $0xb8;
	[tilespmem:$0x1B080] =	vst v63  }
0x67: {  	_ =	swait.ge [sflag:s26], $0x1400  }
0x68: {  	[sflag:s26] =	ssyncset.done $0x0  }
0x69: {  	s0 =	sadd.s32 $0xFFFFFD80, s31;
	[sflag:s26] =	ssyncadd.s32 $0xFFFFEC00  }
0x6a: {  	[hbm4b:s0+s3] =	stream.linear.scatter [tilespmem:s20], [sflag:$0x6], $0x1400, $0x38;
	[tilespmem:$0x1B080] =	vst v63  }
0x6b: {  	_ =	swait.ge [sflag:s13], $0x1400  }
0x6c: {  	[sflag:s13] =	ssyncset.done $0x0  }
0x6d: {  	s0 =	sadd.s32 $0x140, s1;
	[sflag:s13] =	ssyncadd.s32 $0xFFFFEC00  }
0x6e: {  	[tilespmem:s20], [sflag:$0x4] =	stream.indirect.gather [spmem:s2], $0x80, s0, s14, $0xb8;
	[tilespmem:$0x1B080] =	vst v63  }
0x6f: {  	_ =	swait.ge [sflag:s28], $0x1400  }
0x70: {  	[sflag:s28] =	ssyncset.done $0x0  }
.Ltmp0:
0x71: {  	[sflag:s28] =	ssyncadd.s32 $0xFFFFEC00;
	(pc) =	sbr.rel @p1 .LBB2_2-.Ltmp0, $4  }
0x72: {  	[hbm4b:s31+s3] =	stream.linear.scatter [tilespmem:s22], [sflag:$0x6], $0x1400, $0x38;
	[tilespmem:$0x1B080] =	vst v63  }
0x73: {  	_ =	swait.ge [sflag:s13], $0x1400  }
0x74: {  	[sflag:s13] =	ssyncset.done $0x0  }
0x75: {  	s1 =	sadd.s32 $0x168, s1;
	s31 =	sadd.s32 $0xC80, s31;
	[sflag:s13] =	ssyncadd.s32 $0xFFFFEC00  }
0x76: {  	[tilespmem:s22], [sflag:$0x5] =	stream.indirect.gather [spmem:s2], $0x80, s1, s14, $0xb8;
	[tilespmem:$0x1B080] =	vst v63  }
0x77: {  	_ =	swait.ge [sflag:s23], $0x1400  }
0x78: {  	[sflag:s23] =	ssyncset.done $0x0  }
0x79: {  	[sflag:s23] =	ssyncadd.s32 $0xFFFFEC00  }
0x7a: {  	[hbm4b:s5+s3] =	stream.linear.scatter [tilespmem:s15], [sflag:$0x6], $0x1400, $0x38;
	[tilespmem:$0x1B080] =	vst v63  }
0x7b: {  	_ =	swait.ge [sflag:s13], $0x1400  }
0x7c: {  	[sflag:s13] =	ssyncset.done $0x0  }
0x7d: {  	[sflag:s13] =	ssyncadd.s32 $0xFFFFEC00  }
0x7e: {  	_ =	swait.ge [sflag:s24], $0x1400  }
0x7f: {  	[sflag:s24] =	ssyncset.done $0x0  }
0x80: {  	[sflag:s24] =	ssyncadd.s32 $0xFFFFEC00  }
0x81: {  	[hbm4b:s6+s3] =	stream.linear.scatter [tilespmem:s16], [sflag:$0x6], $0x1400, $0x38;
	[tilespmem:$0x1B080] =	vst v63  }
0x82: {  	_ =	swait.ge [sflag:s13], $0x1400  }
0x83: {  	[sflag:s13] =	ssyncset.done $0x0  }
0x84: {  	[sflag:s13] =	ssyncadd.s32 $0xFFFFEC00  }
0x85: {  	_ =	swait.ge [sflag:s25], $0x1400  }
0x86: {  	[sflag:s25] =	ssyncset.done $0x0  }
0x87: {  	[sflag:s25] =	ssyncadd.s32 $0xFFFFEC00  }
0x88: {  	[hbm4b:s7+s3] =	stream.linear.scatter [tilespmem:s18], [sflag:$0x6], $0x1400, $0x38;
	[tilespmem:$0x1B080] =	vst v63  }
0x89: {  	_ =	swait.ge [sflag:s13], $0x1400  }
0x8a: {  	[sflag:s13] =	ssyncset.done $0x0  }
0x8b: {  	[sflag:s13] =	ssyncadd.s32 $0xFFFFEC00  }
0x8c: {  	_ =	swait.ge [sflag:s26], $0x1400  }
0x8d: {  	[sflag:s26] =	ssyncset.done $0x0  }
0x8e: {  	[sflag:s26] =	ssyncadd.s32 $0xFFFFEC00  }
0x8f: {  	[hbm4b:s8+s3] =	stream.linear.scatter [tilespmem:s20], [sflag:$0x6], $0x1400, $0x38;
	[tilespmem:$0x1B080] =	vst v63  }
0x90: {  	_ =	swait.ge [sflag:s13], $0x1400  }
0x91: {  	[sflag:s13] =	ssyncset.done $0x0  }
0x92: {  	[sflag:s13] =	ssyncadd.s32 $0xFFFFEC00  }
0x93: {  	s29 =	sadd.s32 $0x1, s29;
	_ =	swait.ge [sflag:s28], $0x1400  }
0x94: {  	p1 =	sne.s32 s29, s10;
	[sflag:s28] =	ssyncset.done $0x0  }
.Ltmp1:
0x95: {  	[sflag:s28] =	ssyncadd.s32 $0xFFFFEC00;
	(pc) =	sbr.rel @p1 .LBB2_1-.Ltmp1, $4  }
0x96: {  	[hbm4b:s9+s3] =	stream.linear.scatter [tilespmem:s22], [sflag:$0x6], $0x1400, $0x38;
	[tilespmem:$0x1B080] =	vst v63  }
0x97: {  	_ =	swait.ge [sflag:s13], $0x1400  }
0x98: {  	[sflag:s13] =	ssyncset.done $0x0  }
0x99: {  	[sflag:s13] =	ssyncadd.s32 $0xFFFFEC00  }
0x9a: {  	_ =	sfence.sel $0x180000  }
0x9b: {  	[bflag:$0x0] =	sbarrier.arrive $0xFFFF  }
0x9c: {  	_ =	strace $0x90000047  }
0x9d: {  	[bflag:$0x2] =	sbarrier.arrive $0xFFFF  }
0x9e: {  	s0 =	rddreg [dreg:$0x3]  }
0x9f: {  	s0 =	sadd.s32 @!p0 $0x100000, s0  }
0xa0: {  	[sflag:s0] =	ssyncadd.tile.s32 @!p0 $0x1;
	_ =	shalt  }
.Lfunc_end2:
_tile_overlayer_lowered:
.L_overlay_start_2:
0xa1: {  	(tag) =	ssettag $0x2  }
0xa2: {  	s0 =	rddreg [dreg:$0x0];
	s2 =	stileid.u32  }
0xa3: {  	s1 =	rddreg [dreg:$0x1];
	p0 =	sne.s32 s2, $0x0  }
0xa4: {  	s3 =	rddreg [dreg:$0x2];
	[bflag:$0x3] =	sbarrier.arrive $0xFFFF;
	s2 =	simm.s32 @!p0 $0x1C06  }
0xa5: {  	[timem:s3], [sflag:s2] =	dma.local @!p0 [hbm:s0], s1  }
0xa6: {  	s0 =	simm.s32 @!p0 $0x6  }
0xa7: {  	_ =	swait.ge @!p0 [sflag:s0], s1  }
0xa8: {  	s1 =	ssub.s32 @!p0 $0x0, s1;
	[sflag:s0] =	ssyncset.done @!p0 $0x0  }
0xa9: {  	[sflag:s0] =	ssyncadd.s32 @!p0 s1  }
0xaa: {  	[bflag:$0x3] =	sbarrier.arrive $0xFFFF  }
0xab: {  	_ =	shalt  }

// kernel: kernel.18.cloned.1.call-start
scs
__scs_entry_jumppad:
0x0: {  	(pc) =	sbr.rel $0x88, $3  }
0x1: {  	(tag) =	ssettag $0x0;
	lr =	simm.s32 $0x1  }
0x2: {  	[smem:$0x3F9D] =	sst lr;
	_ =	strace $0xD0000000  }
0x3: {  	_ = 	snop  }
0x4: {  	_ = 	snop  }
0x5: {  	_ = 	snop  }
0x6: {  	_ = 	snop  }
0x7: {  	_ = 	snop  }
__scs_overlays_trampoline_lowered:
0x8: {  	[smem:$0x3FAC] =	sst s0  }
0x9: {  	[smem:$0x3FAD] =	sst s1  }
0xa: {  	[smem:$0x3FAE] =	sst s2  }
0xb: {  	[smem:$0x3FAF] =	sst s3  }
0xc: {  	[smem:$0x3FB0] =	sst s4  }
0xd: {  	[smem:$0x3FB1] =	sst s5  }
0xe: {  	[smem:$0x3FB2] =	sst s6  }
0xf: {  	[smem:$0x3FB3] =	sst s7  }
0x10: {  	[smem:$0x3FB4] =	sst s8  }
0x11: {  	[smem:$0x3FB5] =	sst s9;
	s0 =	simm.s32 @!p0 $0x0  }
0x12: {  	s1 =	sld [smem:$0x3F9B];
	s0 =	simm.s32 @p0 $0x1  }
0x13: {  	[smem:$0x3FB6] =	sst s0;
	s0 =	simm.s32 @!p1 $0x0  }
0x14: {  	s2 =	sld [smem:$0x3F9A];
	s0 =	simm.s32 @p1 $0x1  }
0x15: {  	[smem:$0x3FB7] =	sst s0;
	s0 =	simm.s32 @!p2 $0x0  }
0x16: {  	s3 =	sld [smem:$0x3FDB];
	s0 =	simm.s32 @p2 $0x1  }
0x17: {  	s4 =	simm.s32 $0x1BF5;
	[smem:$0x3FB9] =	sst s0  }
0x18: {  	s0 =	sld [smem:$0x3F9C];
	_ =	swait.ge [sflag:s4], $0x0  }
0x19: {  	s7 =	sld [smem:$0x3F9D]  }
0x1a: {  	s8 =	sadd.s32 $0xFFFFE003, lr  }
0x1b: {  	s9 =	sadd.s32 $0xFFFFFEF7, lr;
	s5 =	simm.s32 $0xFFFFFFFF;
	p2 =	slt.u32 s8, $0xFFFFF086  }
0x1c: {  	p1 =	slt.u32 s9, $0xF7A;
	s5 =	simm.s32 @!p2 $0x0  }
0x1d: {  	s5 =	simm.s32 @p1 $0x1;
	p0 =	seq.s32 s7, s2  }
0x1e: {  	s7 =	smul.u32 @!p0 $0xF7A, s2;
	p2 =	seq.s32 @!p0 s5, $0x0  }
0x1f: {  	s9 =	smul.u32 $0xF7A, s1;
	s8 =	simm.s32 @!p0 $0x1BF5;
	p2 =	por !p2, p0  }
0x20: {  	[sflag:s8] =	ssyncset.s32 @!p0 $0xFFFFF086;
	s6 =	sadd.s32 @!p0 s3, s7;
	s7 =	simm.s32 @!p0 $0x108  }
0x21: {  	s3 =	sadd.s32 s3, s9;
	s6 =	sadd.s32 @!p0 $0x88, s6;
	s7 =	simm.s32 @p2 $0x1082  }
0x22: {  	[simem:s7], [sflag:s8] =	dma.local @!p0 [hbm:s6], $0xF7A  }
0x23: {  	s9 =	sor.u32 $0xD0000000, s2;
	s6 =	simm.s32 $0x108;
	_ =	swait.ge @!p0 [sflag:s8], $0x0  }
0x24: {  	s3 =	sadd.s32 $0x88, s3;
	s6 =	simm.s32 @!p1 $0x1082;
	[sflag:s4] =	ssyncset.s32 $0xFFFFF086  }
0x25: {  	[simem:s6], [sflag:s4] =	dma.local [hbm:s3], $0xF7A  }
0x26: {  	[smem:$0x3F9D] =	sst s1;
	(tag) =	ssettag s2;
	_ =	strace s9  }
0x27: {  	s1 =	sld [smem:$0x3FAD]  }
0x28: {  	s2 =	sld [smem:$0x3FAE]  }
0x29: {  	s4 =	sld [smem:$0x3FB0]  }
0x2a: {  	p0 =	seq.s32 s5, $0x0;
	s5 =	sld [smem:$0x3FB1]  }
0x2b: {  	s6 =	sld [smem:$0x3FB2]  }
0x2c: {  	s7 =	sld [smem:$0x3FB3]  }
0x2d: {  	s3 =	simm.s32 $0x108;
	s8 =	sld [smem:$0x3FB4]  }
0x2e: {  	s3 =	simm.s32 @!p0 $0x1082;
	s9 =	sld [smem:$0x3FB5]  }
0x2f: {  	lr =	sadd.s32 s0, s3;
	s0 =	sld [smem:$0x3FAC]  }
0x30: {  	s3 =	sld [smem:$0x3FAF]  }
0x31: {  	[smem:$0x3FB8] =	sst s10  }
0x32: {  	s10 =	sld [smem:$0x3FB6];
	_ =	sdelay $0x3  }
0x33: {  	p0 =	seq.s32 s10, $0x1;
	s10 =	sld [smem:$0x3FB8];
	_ =	sdelay $0x3  }
0x34: {  	[smem:$0x3FB8] =	sst s10  }
0x35: {  	s10 =	sld [smem:$0x3FB7];
	_ =	sdelay $0x3  }
0x36: {  	p1 =	seq.s32 s10, $0x1;
	s10 =	sld [smem:$0x3FB8];
	_ =	sdelay $0x3  }
0x37: {  	[smem:$0x3FB8] =	sst s10  }
0x38: {  	s10 =	sld [smem:$0x3FB9]  }
0x39: {  	_ = 	snop;
	(pc) =	sbr.ind lr, $3  }
0x3a: {  	_ = 	snop  }
0x3b: {  	_ = 	snop  }
0x3c: {  	p2 =	seq.s32 s10, $0x1;
	s10 =	sld [smem:$0x3FB8]  }
0x3d: {  	_ =	shalt  }
0x3e: {  	_ =	shalt  }
0x3f: {  	_ =	shalt  }
0x40: {  	_ =	shalt  }
0x41: {  	_ =	shalt  }
0x42: {  	_ =	shalt  }
0x43: {  	_ =	shalt  }
0x44: {  	_ =	shalt  }
0x45: {  	_ =	shalt  }
0x46: {  	_ =	shalt  }
0x47: {  	_ =	shalt  }
0x48: {  	_ =	shalt  }
0x49: {  	_ =	shalt  }
0x4a: {  	_ =	shalt  }
0x4b: {  	_ =	shalt  }
0x4c: {  	_ =	shalt  }
0x4d: {  	_ =	shalt  }
0x4e: {  	_ =	shalt  }
0x4f: {  	_ =	shalt  }
0x50: {  	_ =	shalt  }
0x51: {  	_ =	shalt  }
0x52: {  	_ =	shalt  }
0x53: {  	_ =	shalt  }
0x54: {  	_ =	shalt  }
0x55: {  	_ =	shalt  }
0x56: {  	_ =	shalt  }
0x57: {  	_ =	shalt  }
0x58: {  	_ =	shalt  }
0x59: {  	_ =	shalt  }
0x5a: {  	_ =	shalt  }
0x5b: {  	_ =	shalt  }
0x5c: {  	_ =	shalt  }
0x5d: {  	_ =	shalt  }
0x5e: {  	_ =	shalt  }
0x5f: {  	_ =	shalt  }
0x60: {  	_ =	shalt  }
0x61: {  	_ =	shalt  }
0x62: {  	_ =	shalt  }
0x63: {  	_ =	shalt  }
0x64: {  	_ =	shalt  }
0x65: {  	_ =	shalt  }
0x66: {  	_ =	shalt  }
0x67: {  	_ =	shalt  }
0x68: {  	_ =	shalt  }
0x69: {  	_ =	shalt  }
0x6a: {  	_ =	shalt  }
0x6b: {  	_ =	shalt  }
0x6c: {  	_ =	shalt  }
0x6d: {  	_ =	shalt  }
0x6e: {  	_ =	shalt  }
0x6f: {  	_ =	shalt  }
0x70: {  	_ =	shalt  }
0x71: {  	_ =	shalt  }
0x72: {  	_ =	shalt  }
0x73: {  	_ =	shalt  }
0x74: {  	_ =	shalt  }
0x75: {  	_ =	shalt  }
0x76: {  	_ =	shalt  }
0x77: {  	_ =	shalt  }
0x78: {  	_ =	shalt  }
0x79: {  	_ =	shalt  }
0x7a: {  	_ =	shalt  }
0x7b: {  	_ =	shalt  }
0x7c: {  	_ =	shalt  }
0x7d: {  	_ =	shalt  }
0x7e: {  	_ =	shalt  }
0x7f: {  	_ =	shalt  }
0x80: {  	_ =	shalt  }
0x81: {  	_ =	shalt  }
0x82: {  	_ =	shalt  }
0x83: {  	_ =	shalt  }
0x84: {  	_ =	shalt  }
0x85: {  	_ =	shalt  }
0x86: {  	_ =	shalt  }
0x87: {  	_ =	shalt  }
.Lfunc_end0:
.L_simem_size_0:
called_computation.3_lowered:
.L_overlay_start_0:
0x88: {  	s2 =	sld [smem:$0x3FD9]  }
0x89: {  	s3 =	sld [smem:$0x3FFE];
	_ =	sdelay $0x1  }
0x8a: {  	s1 =	srdreg.scid  }
0x8b: {  	s0 =	sand.u32 $0x1, s1  }
0x8c: {  	s17 =	sshll.u32 s0, $0xA;
	s2 =	sadd.s32 s3, s2  }
0x8d: {  	s2 =	sadd.s32 s2, s17  }
0x8e: {  	[smem:$0x3FC4] =	sst s2  }
0x8f: {  	_ = 	snop  }
0x90: {  	s18 =	sld [smem:$0x3FD0];
	(tm) =	ssettm $0x1  }
0x91: {  	s19 =	sld [smem:$0x3FFB];
	_ =	sdelay $0x3  }
0x92: {  	_ =	strace s19  }
0x93: {  	s2 =	sld [smem:$0x3FFC];
	_ =	sdelay $0x3  }
0x94: {  	_ =	strace s2  }
0x95: {  	s2 =	sld [smem:$0x3FFD];
	_ =	sdelay $0x3  }
0x96: {  	_ =	strace s2  }
0x97: {  	_ =	strace $0x8FFFFFFF  }
0x98: {  	s20 =	sld [smem:$0x3FDB];
	_ =	sdelay $0x1  }
0x99: {  	s4 =	simm.s32 $_scs_section_size  }
0x9a: {  	s5 =	simm.s32 $_size__tile_overlayer_lowered;
	s6 =	simm.s32 $_tile_overlayer_lowered  }
0x9b: {  	s7 =	simm.s32 $0x1BFF;
	s21 =	sshll.u32 s6, $0x1;
	s4 =	sadd.s32 s4, s20  }
0x9c: {  	s22 =	simm.s32 $0x0;
	s5 =	sshll.u32 s5, $0x1;
	s6 =	sadd.s32 s21, s4  }
0x9d: {  	[timem:s22], [sflag:s7] =	dma.local [hbm:s6], s5  }
0x9e: {  	_ =	swait.ge [sflag:s7], s5  }
0x9f: {  	s5 =	ssub.s32 $0x0, s5;
	[sflag:s7] =	ssyncset.done $0x0  }
0xa0: {  	[sflag:s7] =	ssyncadd.s32 s5;
	_ =	sdelay $0x1  }
0xa1: {  	s23 =	simm.s32 $0x1B8B  }
0xa2: {  	_ =	swait.ge [sflag:s23], $0x1  }
0xa3: {  	[sflag:s23] =	ssyncset.done $0x0  }
0xa4: {  	[sflag:s23] =	ssyncadd.s32 $0xFFFFFFFF  }
0xa5: {  	s5 =	sld [smem:$0x0]  }
0xa6: {  	s6 =	sand.u32 $0xFFFFFFFE, s1  }
0xa7: {  	p0 =	sne.s32 s1, s6  }
0xa8: {  	s6 =	sshll.u32 @p0 s6, $0xE  }
0xa9: {  	s6 =	sadd.s32 @p0 $0x11B8D, s6;
	s7 =	sshll.u32 @p0 s5, $0x11  }
0xaa: {  	s6 =	sor.u32 @p0 s7, s6  }
0xab: {  	[sflag:s6] =	ssyncadd.remote.s32 @p0 $0x1;
	_ =	sdelay $0x1  }
0xac: {  	s6 =	simm.s32 @p0 $0x1B8D  }
0xad: {  	_ =	swait.eq @p0 [sflag:s6], $0x1  }
0xae: {  	[sflag:s6] =	ssyncadd.s32 @p0 $0xFFFFFFFF  }
0xaf: {  	s7 =	sshll.u32 @!p0 s1, $0xE  }
0xb0: {  	s7 =	sor.u32 @!p0 $0x4000, s7;
	s6 =	simm.s32 @!p0 $0x1B8D  }
0xb1: {  	s5 =	sshll.u32 @!p0 s5, $0x11;
	s7 =	sadd.s32 @!p0 $0x11B8D, s7;
	_ =	swait.eq @!p0 [sflag:s6], $0x1  }
0xb2: {  	s5 =	sor.u32 @!p0 s5, s7;
	[sflag:s6] =	ssyncadd.s32 @!p0 $0xFFFFFFFF  }
0xb3: {  	s25 =	simm.s32 $0x1B8E;
	s24 =	sld [smem:$0x3FFE];
	[sflag:s5] =	ssyncadd.remote.s32 @!p0 $0x1  }
0xb4: {  	s26 =	simm.s32 $execute0_lowered;
	[smem:$0x3FD2] =	sst s25  }
0xb5: {  	s6 =	sshll.u32 s26, $0x1;
	_ =	strace $0x8000004C;
	[dreg:$0x1] =	wrdreg $0xFFFFFFFF  }
0xb6: {  	s28 =	simm.s32 $_size_execute0_lowered;
	s4 =	sadd.s32 s4, s6;
	[dreg:$0x0] =	wrdreg $0x0  }
0xb7: {  	s6 =	sshll.u32 s28, $0x1;
	[dreg:$0x2] =	wrdreg s4  }
0xb8: {  	[dreg:$0x3] =	wrdreg s6  }
0xb9: {  	[dreg:$0x4] =	wrdreg $0xC0  }
0xba: {  	_ =	task [dreg:s22], $0x5FFFF  }
0xbb: {  	[dreg:$0x1] =	wrdreg $0xFFFFFFFF  }
0xbc: {  	[dreg:$0x0] =	wrdreg $0x60  }
0xbd: {  	[dreg:$0x2] =	wrdreg s24  }
0xbe: {  	[dreg:$0x3] =	wrdreg s18  }
0xbf: {  	[dreg:$0x4] =	wrdreg $0xA4000  }
0xc0: {  	[dreg:$0x5] =	wrdreg $0xA  }
0xc1: {  	_ =	task.clear_ibuf [dreg:s22], $0x6FFFF;
	_ =	strace $0x9000004C  }
0xc2: {  	s29 =	simm.s32 $0xA;
	_ =	strace $0x8000004E  }
0xc3: {  	_ =	swait.ge [sflag:s29], $0x1  }
0xc4: {  	[sflag:s29] =	ssyncadd.s32 $0xFFFFFFFF  }
0xc5: {  	_ =	strace $0x9000004E  }
0xc6: {  	_ =	sfence  }
0xc7: {  	s30 =	sld [smem:$0x0];
	_ =	sdelay $0x2  }
0xc8: {  	s31 =	sshll.u32 s1, $0xD;
	s1 =	sshrl.u32 s1, $0x2  }
0xc9: {  	s4 =	sand.u32 $0x4000, s31;
	s1 =	sadd.s32 s1, s30  }
0xca: {  	s0 =	sor.u32 s4, s0;
	s1 =	sshll.u32 s1, $0x11  }
0xcb: {  	s0 =	sor.u32 s1, s0  }
0xcc: {  	s0 =	sadd.s32 $0x8F2B, s0  }
0xcd: {  	[sflag:s0] =	ssyncadd.remote.s32 $0x1  }
0xce: {  	_ =	sfence.sel $0xFFFF  }
0xcf: {  	[dreg:$0x0] =	wrdreg $0xFFFFFFFF;
	(pc) =	sbr.abs _section_cstart, $3  }
0xd0: {  	[dreg:$0x1] =	wrdreg $0xFFFFFFFF  }
0xd1: {  	_ =	task.clear_ibuf [dreg:s22], $0x2FFFF;
	_ =	strace $0x9FFFFFFF  }
0xd2: {  	(tm) =	ssettm $0x7FFFFFFF  }
0xd3: {  	_ =	shalt  }
tec
execute0_lowered:
.L_overlay_start_1:
0x0: {  	(tag) =	ssettag $0x1  }
0x1: {  	s0 =	rddreg [dreg:$0x0]  }
0x2: {  	s2 =	rddreg [dreg:$0x2];
	s3 =	simm.s32 $0x0  }
0x3: {  	s1 =	srdreg.scid;
	s11 =	stileid.u32;
	s14 =	simm.s32 $0x6  }
0x4: {  	s15 =	simm.s32 $0x4000;
	s16 =	simm.s32 $0x5400;
	s17 =	simm.s32 $0x6800  }
0x5: {  	s18 =	simm.s32 $0x7C00;
	s19 =	simm.s32 $0x9000;
	s20 =	simm.s32 $0x1  }
0x6: {  	s21 =	simm.s32 $0x28;
	s22 =	simm.s32 $0x2;
	s23 =	simm.s32 $0x3  }
0x7: {  	s24 =	simm.s32 $0x4;
	s31 =	simm.s32 $0x3E00;
	[smem:$0x7FF] =	sst s3  }
0x8: {  	s1 =	sand.u32 $0x1, s1;
	s4 =	sshll.u32 s11, $0x1;
	s13 =	smul.u32 $0x27100, s11  }
0x9: {  	s10 =	sadd.s32 $0x50D000, s0;
	p0 =	sne.s32 s11, $0x0;
	s6 =	smul.u32 $0x27100, s1  }
0xa: {  	s4 =	sor.u32 s1, s4;
	s7 =	ssub.s32 $0x2, s1;
	s1 =	smul.u32 $0x13880, s1  }
0xb: {  	_ =	strace $0x8000004D;
	s5 =	sshll.u32 s4, $0xB;
	s8 =	smul.u32 $0x9C400, s4  }
0xc: {  	s25 =	sshrl.u32 s7, $0x1;
	s9 =	smul.u32 $0x13880, s4;
	s13 =	sadd.s32 s13, s10  }
0xd: {  	s5 =	sadd.s32 s5, s0;
	s0 =	sadd.s32 s6, s0;
	s12 =	ssub.s32 s7, s25  }
0xe: {  	s30 =	sadd.s32 s1, s13;
	s13 =	sshrl.u32 @!p0 s2, $0x3;
	s25 =	simm.s32 $0x5  }
0xf: {  	s4 =	sadd.s32 $0x4FD000, s5;
	s26 =	sshrl.u32 s8, $0x3;
	s5 =	sadd.s32 s10, s9  }
0x10: {  	s11 =	smax.u32 s12, $0x1;
	s28 =	sadd.s32 $0x1680, s30;
	s29 =	sadd.s32 s10, s26  }
0x11: {  	s10 =	sadd.s32 $0xB000, s0;
	s0 =	simm.s32 $0x0;
	s6 =	sadd.s32 $0x280, s29  }
0x12: {  	s7 =	sadd.s32 $0x500, s29;
	s8 =	sadd.s32 $0x780, s29;
	s9 =	sadd.s32 $0xA00, s29  }
.LBB2_1:
0x13: {  	s1 =	simm.s32 @!p0 $0x1C06;
	s12 =	rddreg [dreg:$0x1]  }
0x14: {  	[spmem:s13], [sflag:s1] =	dma.local @!p0 [hbm:s12], $0x27100  }
0x15: {  	s1 =	simm.s32 @!p0 $0x6  }
0x16: {  	_ =	swait.ge @!p0 [sflag:s1], $0x27100  }
0x17: {  	[sflag:s1] =	ssyncset.done @!p0 $0x0  }
0x18: {  	[sflag:s1] =	ssyncadd.s32 @!p0 $0xFFFD8F00  }
0x19: {  	[tilespmem:s3], [sflag:$0x6] =	stream.linear.gather [hbm4b:s4+s3], $0x3E80, $0x38;
	[tilespmem:$0x1DC80] =	vst v63  }
0x1a: {  	_ =	swait.ge [sflag:s14], $0x3E80  }
0x1b: {  	[sflag:s14] =	ssyncset.done $0x0  }
0x1c: {  	[sflag:s14] =	ssyncadd.s32 $0xFFFFC180  }
0x1d: {  	[bflag:$0x0] =	sbarrier.arrive $0xFFFF  }
0x1e: {  	[tilespmem:s15], [sflag:$0x1] =	stream.linear.gather [hbm4b:s5+s3], $0x1400, $0x38;
	[tilespmem:$0x1DC80] =	vst v63  }
0x1f: {  	_ = 	snop  }
0x20: {  	[tilespmem:s16], [sflag:$0x2] =	stream.linear.gather [hbm4b:s6+s3], $0x1400, $0x38;
	[tilespmem:$0x1DC80] =	vst v63  }
0x21: {  	_ = 	snop  }
0x22: {  	[tilespmem:s17], [sflag:$0x3] =	stream.linear.gather [hbm4b:s7+s3], $0x1400, $0x38;
	[tilespmem:$0x1DC80] =	vst v63  }
0x23: {  	_ = 	snop  }
0x24: {  	[tilespmem:s18], [sflag:$0x4] =	stream.linear.gather [hbm4b:s8+s3], $0x1400, $0x38;
	[tilespmem:$0x1DC80] =	vst v63  }
0x25: {  	_ = 	snop  }
0x26: {  	[tilespmem:s19], [sflag:$0x5] =	stream.linear.gather [hbm4b:s9+s3], $0x1400, $0x38;
	[tilespmem:$0x1DC80] =	vst v63  }
0x27: {  	_ =	swait.ge [sflag:s20], $0x1400  }
0x28: {  	[sflag:s20] =	ssyncset.done $0x0  }
0x29: {  	s30 =	simm.s32 $0x0;
	[sflag:s20] =	ssyncadd.s32 $0xFFFFEC00  }
0x2a: {  	[spmem:s2] =	stream.indirect.scatter.add.f32 [tilespmem:s15], [sflag:$0x6], $0x80, s30, s21, $0xb8;
	[tilespmem:$0x1DC80] =	vst v63  }
0x2b: {  	_ =	swait.ge [sflag:s14], $0x1400  }
0x2c: {  	[sflag:s14] =	ssyncset.done $0x0  }
0x2d: {  	s12 =	sadd.s32 $0xFFFFF600, s28;
	[sflag:s14] =	ssyncadd.s32 $0xFFFFEC00  }
0x2e: {  	[tilespmem:s15], [sflag:$0x1] =	stream.linear.gather [hbm4b:s12+s3], $0x1400, $0x38;
	[tilespmem:$0x1DC80] =	vst v63  }
0x2f: {  	_ =	swait.ge [sflag:s22], $0x1400  }
0x30: {  	[sflag:s22] =	ssyncset.done $0x0  }
0x31: {  	s26 =	simm.s32 $0x80;
	[sflag:s22] =	ssyncadd.s32 $0xFFFFEC00  }
0x32: {  	[spmem:s2] =	stream.indirect.scatter.add.f32 [tilespmem:s16], [sflag:$0x6], $0x80, s26, s21, $0xb8;
	[tilespmem:$0x1DC80] =	vst v63  }
0x33: {  	_ =	swait.ge [sflag:s14], $0x1400  }
0x34: {  	[sflag:s14] =	ssyncset.done $0x0  }
0x35: {  	s29 =	sadd.s32 $0xFFFFF880, s28;
	[sflag:s14] =	ssyncadd.s32 $0xFFFFEC00  }
0x36: {  	[tilespmem:s16], [sflag:$0x2] =	stream.linear.gather [hbm4b:s29+s3], $0x1400, $0x38;
	[tilespmem:$0x1DC80] =	vst v63  }
0x37: {  	_ =	swait.ge [sflag:s23], $0x1400  }
0x38: {  	[sflag:s23] =	ssyncset.done $0x0  }
0x39: {  	s30 =	simm.s32 $0x100;
	[sflag:s23] =	ssyncadd.s32 $0xFFFFEC00  }
0x3a: {  	[spmem:s2] =	stream.indirect.scatter.add.f32 [tilespmem:s17], [sflag:$0x6], $0x80, s30, s21, $0xb8;
	[tilespmem:$0x1DC80] =	vst v63  }
0x3b: {  	_ =	swait.ge [sflag:s14], $0x1400  }
0x3c: {  	[sflag:s14] =	ssyncset.done $0x0  }
0x3d: {  	s12 =	sadd.s32 $0xFFFFFB00, s28;
	[sflag:s14] =	ssyncadd.s32 $0xFFFFEC00  }
0x3e: {  	[tilespmem:s17], [sflag:$0x3] =	stream.linear.gather [hbm4b:s12+s3], $0x1400, $0x38;
	[tilespmem:$0x1DC80] =	vst v63  }
0x3f: {  	_ =	swait.ge [sflag:s24], $0x1400  }
0x40: {  	[sflag:s24] =	ssyncset.done $0x0  }
0x41: {  	s26 =	simm.s32 $0x180;
	[sflag:s24] =	ssyncadd.s32 $0xFFFFEC00  }
0x42: {  	[spmem:s2] =	stream.indirect.scatter.add.f32 [tilespmem:s18], [sflag:$0x6], $0x80, s26, s21, $0xb8;
	[tilespmem:$0x1DC80] =	vst v63  }
0x43: {  	_ =	swait.ge [sflag:s14], $0x1400  }
0x44: {  	[sflag:s14] =	ssyncset.done $0x0  }
0x45: {  	s29 =	sadd.s32 $0xFFFFFD80, s28;
	[sflag:s14] =	ssyncadd.s32 $0xFFFFEC00  }
0x46: {  	[tilespmem:s18], [sflag:$0x4] =	stream.linear.gather [hbm4b:s29+s3], $0x1400, $0x38;
	[tilespmem:$0x1DC80] =	vst v63  }
0x47: {  	_ =	swait.ge [sflag:s25], $0x1400  }
0x48: {  	[sflag:s25] =	ssyncset.done $0x0  }
0x49: {  	s30 =	simm.s32 $0x200;
	[sflag:s25] =	ssyncadd.s32 $0xFFFFEC00  }
0x4a: {  	[spmem:s2] =	stream.indirect.scatter.add.f32 [tilespmem:s19], [sflag:$0x6], $0x80, s30, s21, $0xb8;
	[tilespmem:$0x1DC80] =	vst v63  }
0x4b: {  	_ =	swait.ge [sflag:s14], $0x1400  }
0x4c: {  	s1 =	simm.s32 $0xA00;
	[sflag:s14] =	ssyncset.done $0x0  }
0x4d: {  	s12 =	smov.u32 s28;
	s26 =	sadd.s32 $0xC80, s28;
	[sflag:s14] =	ssyncadd.s32 $0xFFFFEC00  }
.LBB2_2:
0x4e: {  	[tilespmem:s19], [sflag:$0x5] =	stream.linear.gather [hbm4b:s12+s3], $0x1400, $0x38;
	[tilespmem:$0x1DC80] =	vst v63  }
0x4f: {  	s29 =	smov.u32 s1;
	s12 =	smov.u32 s26  }
0x50: {  	p1 =	sne.s32 s1, $0xE600;
	s1 =	sadd.s32 $0xA00, s1;
	_ =	swait.ge [sflag:s20], $0x1400  }
0x51: {  	[sflag:s20] =	ssyncset.done $0x0  }
0x52: {  	s29 =	sshra.s32 s29, $0x2;
	[sflag:s20] =	ssyncadd.s32 $0xFFFFEC00  }
0x53: {  	[spmem:s2] =	stream.indirect.scatter.add.f32 [tilespmem:s15], [sflag:$0x6], $0x80, s29, s21, $0xb8;
	[tilespmem:$0x1DC80] =	vst v63  }
0x54: {  	_ =	swait.ge [sflag:s14], $0x1400  }
0x55: {  	[sflag:s14] =	ssyncset.done $0x0  }
0x56: {  	s30 =	sadd.s32 $0xFFFFF600, s26;
	[sflag:s14] =	ssyncadd.s32 $0xFFFFEC00  }
0x57: {  	[tilespmem:s15], [sflag:$0x1] =	stream.linear.gather [hbm4b:s30+s3], $0x1400, $0x38;
	[tilespmem:$0x1DC80] =	vst v63  }
0x58: {  	_ =	swait.ge [sflag:s22], $0x1400  }
0x59: {  	[sflag:s22] =	ssyncset.done $0x0  }
0x5a: {  	s30 =	sadd.s32 $0x80, s29;
	[sflag:s22] =	ssyncadd.s32 $0xFFFFEC00  }
0x5b: {  	[spmem:s2] =	stream.indirect.scatter.add.f32 [tilespmem:s16], [sflag:$0x6], $0x80, s30, s21, $0xb8;
	[tilespmem:$0x1DC80] =	vst v63  }
0x5c: {  	_ =	swait.ge [sflag:s14], $0x1400  }
0x5d: {  	[sflag:s14] =	ssyncset.done $0x0  }
0x5e: {  	s30 =	sadd.s32 $0xFFFFF880, s26;
	[sflag:s14] =	ssyncadd.s32 $0xFFFFEC00  }
0x5f: {  	[tilespmem:s16], [sflag:$0x2] =	stream.linear.gather [hbm4b:s30+s3], $0x1400, $0x38;
	[tilespmem:$0x1DC80] =	vst v63  }
0x60: {  	_ =	swait.ge [sflag:s23], $0x1400  }
0x61: {  	[sflag:s23] =	ssyncset.done $0x0  }
0x62: {  	s30 =	sadd.s32 $0x100, s29;
	[sflag:s23] =	ssyncadd.s32 $0xFFFFEC00  }
0x63: {  	[spmem:s2] =	stream.indirect.scatter.add.f32 [tilespmem:s17], [sflag:$0x6], $0x80, s30, s21, $0xb8;
	[tilespmem:$0x1DC80] =	vst v63  }
0x64: {  	_ =	swait.ge [sflag:s14], $0x1400  }
0x65: {  	[sflag:s14] =	ssyncset.done $0x0  }
0x66: {  	s30 =	sadd.s32 $0xFFFFFB00, s26;
	[sflag:s14] =	ssyncadd.s32 $0xFFFFEC00  }
0x67: {  	[tilespmem:s17], [sflag:$0x3] =	stream.linear.gather [hbm4b:s30+s3], $0x1400, $0x38;
	[tilespmem:$0x1DC80] =	vst v63  }
0x68: {  	_ =	swait.ge [sflag:s24], $0x1400  }
0x69: {  	[sflag:s24] =	ssyncset.done $0x0  }
0x6a: {  	s30 =	sadd.s32 $0x180, s29;
	[sflag:s24] =	ssyncadd.s32 $0xFFFFEC00  }
0x6b: {  	[spmem:s2] =	stream.indirect.scatter.add.f32 [tilespmem:s18], [sflag:$0x6], $0x80, s30, s21, $0xb8;
	[tilespmem:$0x1DC80] =	vst v63  }
0x6c: {  	_ =	swait.ge [sflag:s14], $0x1400  }
0x6d: {  	[sflag:s14] =	ssyncset.done $0x0  }
0x6e: {  	s30 =	sadd.s32 $0xFFFFFD80, s26;
	[sflag:s14] =	ssyncadd.s32 $0xFFFFEC00  }
0x6f: {  	[tilespmem:s18], [sflag:$0x4] =	stream.linear.gather [hbm4b:s30+s3], $0x1400, $0x38;
	[tilespmem:$0x1DC80] =	vst v63  }
0x70: {  	_ =	swait.ge [sflag:s25], $0x1400  }
0x71: {  	[sflag:s25] =	ssyncset.done $0x0  }
.Ltmp0:
0x72: {  	s29 =	sadd.s32 $0x200, s29;
	[sflag:s25] =	ssyncadd.s32 $0xFFFFEC00;
	(pc) =	sbr.rel @p1 .LBB2_2-.Ltmp0, $4  }
0x73: {  	[spmem:s2] =	stream.indirect.scatter.add.f32 [tilespmem:s19], [sflag:$0x6], $0x80, s29, s21, $0xb8;
	[tilespmem:$0x1DC80] =	vst v63  }
0x74: {  	_ =	swait.ge [sflag:s14], $0x1400  }
0x75: {  	[sflag:s14] =	ssyncset.done $0x0  }
0x76: {  	s26 =	sadd.s32 $0xC80, s26;
	[sflag:s14] =	ssyncadd.s32 $0xFFFFEC00  }
0x77: {  	[tilespmem:s19], [sflag:$0x5] =	stream.linear.gather [hbm4b:s12+s3], $0x1400, $0x38;
	[tilespmem:$0x1DC80] =	vst v63  }
0x78: {  	_ =	swait.ge [sflag:s20], $0x1400  }
0x79: {  	[sflag:s20] =	ssyncset.done $0x0  }
0x7a: {  	s1 =	simm.s32 $0x3C00;
	[sflag:s20] =	ssyncadd.s32 $0xFFFFEC00  }
0x7b: {  	[spmem:s2] =	stream.indirect.scatter.add.f32 [tilespmem:s15], [sflag:$0x6], $0x80, s1, s21, $0xb8;
	[tilespmem:$0x1DC80] =	vst v63  }
0x7c: {  	_ =	swait.ge [sflag:s14], $0x1400  }
0x7d: {  	[sflag:s14] =	ssyncset.done $0x0  }
0x7e: {  	[sflag:s14] =	ssyncadd.s32 $0xFFFFEC00  }
0x7f: {  	_ =	swait.ge [sflag:s22], $0x1400  }
0x80: {  	[sflag:s22] =	ssyncset.done $0x0  }
0x81: {  	s26 =	simm.s32 $0x3C80;
	[sflag:s22] =	ssyncadd.s32 $0xFFFFEC00  }
0x82: {  	[spmem:s2] =	stream.indirect.scatter.add.f32 [tilespmem:s16], [sflag:$0x6], $0x80, s26, s21, $0xb8;
	[tilespmem:$0x1DC80] =	vst v63  }
0x83: {  	_ =	swait.ge [sflag:s14], $0x1400  }
0x84: {  	[sflag:s14] =	ssyncset.done $0x0  }
0x85: {  	[sflag:s14] =	ssyncadd.s32 $0xFFFFEC00  }
0x86: {  	_ =	swait.ge [sflag:s23], $0x1400  }
0x87: {  	[sflag:s23] =	ssyncset.done $0x0  }
0x88: {  	s29 =	simm.s32 $0x3D00;
	[sflag:s23] =	ssyncadd.s32 $0xFFFFEC00  }
0x89: {  	[spmem:s2] =	stream.indirect.scatter.add.f32 [tilespmem:s17], [sflag:$0x6], $0x80, s29, s21, $0xb8;
	[tilespmem:$0x1DC80] =	vst v63  }
0x8a: {  	_ =	swait.ge [sflag:s14], $0x1400  }
0x8b: {  	[sflag:s14] =	ssyncset.done $0x0  }
0x8c: {  	[sflag:s14] =	ssyncadd.s32 $0xFFFFEC00  }
0x8d: {  	_ =	swait.ge [sflag:s24], $0x1400  }
0x8e: {  	[sflag:s24] =	ssyncset.done $0x0  }
0x8f: {  	s30 =	simm.s32 $0x3D80;
	[sflag:s24] =	ssyncadd.s32 $0xFFFFEC00  }
0x90: {  	[spmem:s2] =	stream.indirect.scatter.add.f32 [tilespmem:s18], [sflag:$0x6], $0x80, s30, s21, $0xb8;
	[tilespmem:$0x1DC80] =	vst v63  }
0x91: {  	_ =	swait.ge [sflag:s14], $0x1400  }
0x92: {  	[sflag:s14] =	ssyncset.done $0x0  }
0x93: {  	[sflag:s14] =	ssyncadd.s32 $0xFFFFEC00  }
0x94: {  	_ =	swait.ge [sflag:s25], $0x1400  }
0x95: {  	[sflag:s25] =	ssyncset.done $0x0  }
0x96: {  	[sflag:s25] =	ssyncadd.s32 $0xFFFFEC00  }
0x97: {  	[spmem:s2] =	stream.indirect.scatter.add.f32 [tilespmem:s19], [sflag:$0x6], $0x80, s31, s21, $0xb8;
	[tilespmem:$0x1DC80] =	vst v63  }
0x98: {  	_ =	swait.ge [sflag:s14], $0x1400  }
0x99: {  	[sflag:s14] =	ssyncset.done $0x0  }
0x9a: {  	s0 =	sadd.s32 $0x1, s0;
	[sflag:s14] =	ssyncadd.s32 $0xFFFFEC00  }
0x9b: {  	p1 =	sne.s32 s0, s11;
	s1 =	simm.s32 @!p0 $0x1C06;
	[bflag:$0x0] =	sbarrier.arrive $0xFFFF  }
0x9c: {  	[hbm:s10], [sflag:s1] =	dma.local @!p0 [spmem:s13], $0x27100  }
.Ltmp1:
0x9d: {  	_ = 	snop;
	(pc) =	sbr.rel @p1 .LBB2_1-.Ltmp1, $4  }
0x9e: {  	s1 =	simm.s32 @!p0 $0x6  }
0x9f: {  	_ =	swait.ge @!p0 [sflag:s1], $0x27100  }
0xa0: {  	[sflag:s1] =	ssyncset.done @!p0 $0x0  }
0xa1: {  	[sflag:s1] =	ssyncadd.s32 @!p0 $0xFFFD8F00  }
0xa2: {  	_ =	sfence.sel $0x180000  }
0xa3: {  	[bflag:$0x0] =	sbarrier.arrive $0xFFFF  }
0xa4: {  	_ =	strace $0x9000004D  }
0xa5: {  	[bflag:$0x2] =	sbarrier.arrive $0xFFFF  }
0xa6: {  	s0 =	rddreg [dreg:$0x3]  }
0xa7: {  	s0 =	sadd.s32 @!p0 $0x100000, s0  }
0xa8: {  	[sflag:s0] =	ssyncadd.tile.s32 @!p0 $0x1;
	_ =	shalt  }
.Lfunc_end2:
_tile_overlayer_lowered:
.L_overlay_start_2:
0xa9: {  	(tag) =	ssettag $0x2  }
0xaa: {  	s0 =	rddreg [dreg:$0x0];
	s2 =	stileid.u32  }
0xab: {  	s1 =	rddreg [dreg:$0x1];
	p0 =	sne.s32 s2, $0x0  }
0xac: {  	s3 =	rddreg [dreg:$0x2];
	[bflag:$0x3] =	sbarrier.arrive $0xFFFF;
	s2 =	simm.s32 @!p0 $0x1C06  }
0xad: {  	[timem:s3], [sflag:s2] =	dma.local @!p0 [hbm:s0], s1  }
0xae: {  	s0 =	simm.s32 @!p0 $0x6  }
0xaf: {  	_ =	swait.ge @!p0 [sflag:s0], s1  }
0xb0: {  	s1 =	ssub.s32 @!p0 $0x0, s1;
	[sflag:s0] =	ssyncset.done @!p0 $0x0  }
0xb1: {  	[sflag:s0] =	ssyncadd.s32 @!p0 s1  }
0xb2: {  	[bflag:$0x3] =	sbarrier.arrive $0xFFFF  }
0xb3: {  	_ =	shalt  }

// kernel: kernel.9.cloned.1.call-start
scs
__scs_entry_jumppad:
0x0: {  	(pc) =	sbr.rel $0x88, $3  }
0x1: {  	(tag) =	ssettag $0x0;
	lr =	simm.s32 $0x1  }
0x2: {  	[smem:$0x3F9D] =	sst lr;
	_ =	strace $0xD0000000  }
0x3: {  	_ = 	snop  }
0x4: {  	_ = 	snop  }
0x5: {  	_ = 	snop  }
0x6: {  	_ = 	snop  }
0x7: {  	_ = 	snop  }
__scs_overlays_trampoline_lowered:
0x8: {  	[smem:$0x3FAC] =	sst s0  }
0x9: {  	[smem:$0x3FAD] =	sst s1  }
0xa: {  	[smem:$0x3FAE] =	sst s2  }
0xb: {  	[smem:$0x3FAF] =	sst s3  }
0xc: {  	[smem:$0x3FB0] =	sst s4  }
0xd: {  	[smem:$0x3FB1] =	sst s5  }
0xe: {  	[smem:$0x3FB2] =	sst s6  }
0xf: {  	[smem:$0x3FB3] =	sst s7  }
0x10: {  	[smem:$0x3FB4] =	sst s8  }
0x11: {  	[smem:$0x3FB5] =	sst s9;
	s0 =	simm.s32 @!p0 $0x0  }
0x12: {  	s1 =	sld [smem:$0x3F9B];
	s0 =	simm.s32 @p0 $0x1  }
0x13: {  	[smem:$0x3FB6] =	sst s0;
	s0 =	simm.s32 @!p1 $0x0  }
0x14: {  	s2 =	sld [smem:$0x3F9A];
	s0 =	simm.s32 @p1 $0x1  }
0x15: {  	[smem:$0x3FB7] =	sst s0;
	s0 =	simm.s32 @!p2 $0x0  }
0x16: {  	s3 =	sld [smem:$0x3FDB];
	s0 =	simm.s32 @p2 $0x1  }
0x17: {  	s4 =	simm.s32 $0x1BF5;
	[smem:$0x3FB9] =	sst s0  }
0x18: {  	s0 =	sld [smem:$0x3F9C];
	_ =	swait.ge [sflag:s4], $0x0  }
0x19: {  	s7 =	sld [smem:$0x3F9D]  }
0x1a: {  	s8 =	sadd.s32 $0xFFFFE003, lr  }
0x1b: {  	s9 =	sadd.s32 $0xFFFFFEF7, lr;
	s5 =	simm.s32 $0xFFFFFFFF;
	p2 =	slt.u32 s8, $0xFFFFF086  }
0x1c: {  	p1 =	slt.u32 s9, $0xF7A;
	s5 =	simm.s32 @!p2 $0x0  }
0x1d: {  	s5 =	simm.s32 @p1 $0x1;
	p0 =	seq.s32 s7, s2  }
0x1e: {  	s7 =	smul.u32 @!p0 $0xF7A, s2;
	p2 =	seq.s32 @!p0 s5, $0x0  }
0x1f: {  	s9 =	smul.u32 $0xF7A, s1;
	s8 =	simm.s32 @!p0 $0x1BF5;
	p2 =	por !p2, p0  }
0x20: {  	[sflag:s8] =	ssyncset.s32 @!p0 $0xFFFFF086;
	s6 =	sadd.s32 @!p0 s3, s7;
	s7 =	simm.s32 @!p0 $0x108  }
0x21: {  	s3 =	sadd.s32 s3, s9;
	s6 =	sadd.s32 @!p0 $0x88, s6;
	s7 =	simm.s32 @p2 $0x1082  }
0x22: {  	[simem:s7], [sflag:s8] =	dma.local @!p0 [hbm:s6], $0xF7A  }
0x23: {  	s9 =	sor.u32 $0xD0000000, s2;
	s6 =	simm.s32 $0x108;
	_ =	swait.ge @!p0 [sflag:s8], $0x0  }
0x24: {  	s3 =	sadd.s32 $0x88, s3;
	s6 =	simm.s32 @!p1 $0x1082;
	[sflag:s4] =	ssyncset.s32 $0xFFFFF086  }
0x25: {  	[simem:s6], [sflag:s4] =	dma.local [hbm:s3], $0xF7A  }
0x26: {  	[smem:$0x3F9D] =	sst s1;
	(tag) =	ssettag s2;
	_ =	strace s9  }
0x27: {  	s1 =	sld [smem:$0x3FAD]  }
0x28: {  	s2 =	sld [smem:$0x3FAE]  }
0x29: {  	s4 =	sld [smem:$0x3FB0]  }
0x2a: {  	p0 =	seq.s32 s5, $0x0;
	s5 =	sld [smem:$0x3FB1]  }
0x2b: {  	s6 =	sld [smem:$0x3FB2]  }
0x2c: {  	s7 =	sld [smem:$0x3FB3]  }
0x2d: {  	s3 =	simm.s32 $0x108;
	s8 =	sld [smem:$0x3FB4]  }
0x2e: {  	s3 =	simm.s32 @!p0 $0x1082;
	s9 =	sld [smem:$0x3FB5]  }
0x2f: {  	lr =	sadd.s32 s0, s3;
	s0 =	sld [smem:$0x3FAC]  }
0x30: {  	s3 =	sld [smem:$0x3FAF]  }
0x31: {  	[smem:$0x3FB8] =	sst s10  }
0x32: {  	s10 =	sld [smem:$0x3FB6];
	_ =	sdelay $0x3  }
0x33: {  	p0 =	seq.s32 s10, $0x1;
	s10 =	sld [smem:$0x3FB8];
	_ =	sdelay $0x3  }
0x34: {  	[smem:$0x3FB8] =	sst s10  }
0x35: {  	s10 =	sld [smem:$0x3FB7];
	_ =	sdelay $0x3  }
0x36: {  	p1 =	seq.s32 s10, $0x1;
	s10 =	sld [smem:$0x3FB8];
	_ =	sdelay $0x3  }
0x37: {  	[smem:$0x3FB8] =	sst s10  }
0x38: {  	s10 =	sld [smem:$0x3FB9]  }
0x39: {  	_ = 	snop;
	(pc) =	sbr.ind lr, $3  }
0x3a: {  	_ = 	snop  }
0x3b: {  	_ = 	snop  }
0x3c: {  	p2 =	seq.s32 s10, $0x1;
	s10 =	sld [smem:$0x3FB8]  }
0x3d: {  	_ =	shalt  }
0x3e: {  	_ =	shalt  }
0x3f: {  	_ =	shalt  }
0x40: {  	_ =	shalt  }
0x41: {  	_ =	shalt  }
0x42: {  	_ =	shalt  }
0x43: {  	_ =	shalt  }
0x44: {  	_ =	shalt  }
0x45: {  	_ =	shalt  }
0x46: {  	_ =	shalt  }
0x47: {  	_ =	shalt  }
0x48: {  	_ =	shalt  }
0x49: {  	_ =	shalt  }
0x4a: {  	_ =	shalt  }
0x4b: {  	_ =	shalt  }
0x4c: {  	_ =	shalt  }
0x4d: {  	_ =	shalt  }
0x4e: {  	_ =	shalt  }
0x4f: {  	_ =	shalt  }
0x50: {  	_ =	shalt  }
0x51: {  	_ =	shalt  }
0x52: {  	_ =	shalt  }
0x53: {  	_ =	shalt  }
0x54: {  	_ =	shalt  }
0x55: {  	_ =	shalt  }
0x56: {  	_ =	shalt  }
0x57: {  	_ =	shalt  }
0x58: {  	_ =	shalt  }
0x59: {  	_ =	shalt  }
0x5a: {  	_ =	shalt  }
0x5b: {  	_ =	shalt  }
0x5c: {  	_ =	shalt  }
0x5d: {  	_ =	shalt  }
0x5e: {  	_ =	shalt  }
0x5f: {  	_ =	shalt  }
0x60: {  	_ =	shalt  }
0x61: {  	_ =	shalt  }
0x62: {  	_ =	shalt  }
0x63: {  	_ =	shalt  }
0x64: {  	_ =	shalt  }
0x65: {  	_ =	shalt  }
0x66: {  	_ =	shalt  }
0x67: {  	_ =	shalt  }
0x68: {  	_ =	shalt  }
0x69: {  	_ =	shalt  }
0x6a: {  	_ =	shalt  }
0x6b: {  	_ =	shalt  }
0x6c: {  	_ =	shalt  }
0x6d: {  	_ =	shalt  }
0x6e: {  	_ =	shalt  }
0x6f: {  	_ =	shalt  }
0x70: {  	_ =	shalt  }
0x71: {  	_ =	shalt  }
0x72: {  	_ =	shalt  }
0x73: {  	_ =	shalt  }
0x74: {  	_ =	shalt  }
0x75: {  	_ =	shalt  }
0x76: {  	_ =	shalt  }
0x77: {  	_ =	shalt  }
0x78: {  	_ =	shalt  }
0x79: {  	_ =	shalt  }
0x7a: {  	_ =	shalt  }
0x7b: {  	_ =	shalt  }
0x7c: {  	_ =	shalt  }
0x7d: {  	_ =	shalt  }
0x7e: {  	_ =	shalt  }
0x7f: {  	_ =	shalt  }
0x80: {  	_ =	shalt  }
0x81: {  	_ =	shalt  }
0x82: {  	_ =	shalt  }
0x83: {  	_ =	shalt  }
0x84: {  	_ =	shalt  }
0x85: {  	_ =	shalt  }
0x86: {  	_ =	shalt  }
0x87: {  	_ =	shalt  }
.Lfunc_end0:
.L_simem_size_0:
called_computation_lowered:
.L_overlay_start_0:
0x88: {  	s2 =	sld [smem:$0x3FD9]  }
0x89: {  	s3 =	sld [smem:$0x3FFE];
	_ =	sdelay $0x1  }
0x8a: {  	s1 =	srdreg.scid  }
0x8b: {  	s0 =	sand.u32 $0x1, s1  }
0x8c: {  	s17 =	sshll.u32 s0, $0xA;
	s2 =	sadd.s32 s3, s2  }
0x8d: {  	s2 =	sadd.s32 s2, s17  }
0x8e: {  	[smem:$0x3FC4] =	sst s2  }
0x8f: {  	_ = 	snop  }
0x90: {  	s18 =	sld [smem:$0x3FC9];
	(tm) =	ssettm $0x1  }
0x91: {  	s19 =	sld [smem:$0x3FFB];
	_ =	sdelay $0x3  }
0x92: {  	_ =	strace s19  }
0x93: {  	s2 =	sld [smem:$0x3FFC];
	_ =	sdelay $0x3  }
0x94: {  	_ =	strace s2  }
0x95: {  	s2 =	sld [smem:$0x3FFD];
	_ =	sdelay $0x3  }
0x96: {  	_ =	strace s2  }
0x97: {  	_ =	strace $0x8FFFFFFF  }
0x98: {  	s20 =	sld [smem:$0x3FDB];
	_ =	sdelay $0x1  }
0x99: {  	s4 =	simm.s32 $_scs_section_size  }
0x9a: {  	s5 =	simm.s32 $_size__tile_overlayer_lowered;
	s6 =	simm.s32 $_tile_overlayer_lowered  }
0x9b: {  	s7 =	simm.s32 $0x1BFF;
	s21 =	sshll.u32 s6, $0x1;
	s4 =	sadd.s32 s4, s20  }
0x9c: {  	s22 =	simm.s32 $0x0;
	s5 =	sshll.u32 s5, $0x1;
	s6 =	sadd.s32 s21, s4  }
0x9d: {  	[timem:s22], [sflag:s7] =	dma.local [hbm:s6], s5  }
0x9e: {  	_ =	swait.ge [sflag:s7], s5  }
0x9f: {  	s5 =	ssub.s32 $0x0, s5;
	[sflag:s7] =	ssyncset.done $0x0  }
0xa0: {  	[sflag:s7] =	ssyncadd.s32 s5;
	_ =	sdelay $0x1  }
0xa1: {  	s23 =	simm.s32 $0x1B8B  }
0xa2: {  	_ =	swait.ge [sflag:s23], $0x1  }
0xa3: {  	[sflag:s23] =	ssyncset.done $0x0  }
0xa4: {  	[sflag:s23] =	ssyncadd.s32 $0xFFFFFFFF  }
0xa5: {  	s5 =	sld [smem:$0x0]  }
0xa6: {  	s6 =	sand.u32 $0xFFFFFFFE, s1  }
0xa7: {  	p0 =	sne.s32 s1, s6  }
0xa8: {  	s6 =	sshll.u32 @p0 s6, $0xE  }
0xa9: {  	s6 =	sadd.s32 @p0 $0x11B8D, s6;
	s7 =	sshll.u32 @p0 s5, $0x11  }
0xaa: {  	s6 =	sor.u32 @p0 s7, s6  }
0xab: {  	[sflag:s6] =	ssyncadd.remote.s32 @p0 $0x1;
	_ =	sdelay $0x1  }
0xac: {  	s6 =	simm.s32 @p0 $0x1B8D  }
0xad: {  	_ =	swait.eq @p0 [sflag:s6], $0x1  }
0xae: {  	[sflag:s6] =	ssyncadd.s32 @p0 $0xFFFFFFFF  }
0xaf: {  	s7 =	sshll.u32 @!p0 s1, $0xE  }
0xb0: {  	s7 =	sor.u32 @!p0 $0x4000, s7;
	s6 =	simm.s32 @!p0 $0x1B8D  }
0xb1: {  	s5 =	sshll.u32 @!p0 s5, $0x11;
	s7 =	sadd.s32 @!p0 $0x11B8D, s7;
	_ =	swait.eq @!p0 [sflag:s6], $0x1  }
0xb2: {  	s5 =	sor.u32 @!p0 s5, s7;
	[sflag:s6] =	ssyncadd.s32 @!p0 $0xFFFFFFFF  }
0xb3: {  	s25 =	simm.s32 $0x1B8E;
	s24 =	sld [smem:$0x3FFE];
	[sflag:s5] =	ssyncadd.remote.s32 @!p0 $0x1  }
0xb4: {  	s26 =	simm.s32 $execute0_lowered;
	[smem:$0x3FD2] =	sst s25  }
0xb5: {  	s6 =	sshll.u32 s26, $0x1;
	_ =	strace $0x80000049;
	[dreg:$0x1] =	wrdreg $0xFFFFFFFF  }
0xb6: {  	s28 =	simm.s32 $_size_execute0_lowered;
	s4 =	sadd.s32 s4, s6;
	[dreg:$0x0] =	wrdreg $0x0  }
0xb7: {  	s6 =	sshll.u32 s28, $0x1;
	[dreg:$0x2] =	wrdreg s4  }
0xb8: {  	[dreg:$0x3] =	wrdreg s6  }
0xb9: {  	[dreg:$0x4] =	wrdreg $0xC0  }
0xba: {  	_ =	task [dreg:s22], $0x5FFFF  }
0xbb: {  	[dreg:$0x1] =	wrdreg $0xFFFFFFFF  }
0xbc: {  	[dreg:$0x0] =	wrdreg $0x60  }
0xbd: {  	[dreg:$0x2] =	wrdreg s18  }
0xbe: {  	[dreg:$0x3] =	wrdreg s24  }
0xbf: {  	[dreg:$0x4] =	wrdreg $0x78000  }
0xc0: {  	[dreg:$0x5] =	wrdreg $0x9  }
0xc1: {  	_ =	task.clear_ibuf [dreg:s22], $0x6FFFF;
	_ =	strace $0x90000049  }
0xc2: {  	s29 =	simm.s32 $0x9;
	_ =	strace $0x8000004B  }
0xc3: {  	_ =	swait.ge [sflag:s29], $0x1  }
0xc4: {  	[sflag:s29] =	ssyncadd.s32 $0xFFFFFFFF  }
0xc5: {  	_ =	strace $0x9000004B  }
0xc6: {  	_ =	sfence  }
0xc7: {  	s30 =	sld [smem:$0x0];
	_ =	sdelay $0x2  }
0xc8: {  	s31 =	sshll.u32 s1, $0xD;
	s1 =	sshrl.u32 s1, $0x2  }
0xc9: {  	s4 =	sand.u32 $0x4000, s31;
	s1 =	sadd.s32 s1, s30  }
0xca: {  	s0 =	sor.u32 s4, s0;
	s1 =	sshll.u32 s1, $0x11  }
0xcb: {  	s0 =	sor.u32 s1, s0  }
0xcc: {  	s0 =	sadd.s32 $0x8F2B, s0  }
0xcd: {  	[sflag:s0] =	ssyncadd.remote.s32 $0x1  }
0xce: {  	_ =	sfence.sel $0xFFFF  }
0xcf: {  	[dreg:$0x0] =	wrdreg $0xFFFFFFFF;
	(pc) =	sbr.abs _section_cstart, $3  }
0xd0: {  	[dreg:$0x1] =	wrdreg $0xFFFFFFFF  }
0xd1: {  	_ =	task.clear_ibuf [dreg:s22], $0x2FFFF;
	_ =	strace $0x9FFFFFFF  }
0xd2: {  	(tm) =	ssettm $0x7FFFFFFF  }
0xd3: {  	_ =	shalt  }
tec
execute0_lowered:
.L_overlay_start_1:
0x0: {  	(tag) =	ssettag $0x1  }
0x1: {  	s1 =	rddreg [dreg:$0x1];
	s3 =	srdreg.scid  }
0x2: {  	s11 =	stileid.u32;
	s2 =	rddreg [dreg:$0x2]  }
0x3: {  	s14 =	simm.s32 $0x28;
	s15 =	simm.s32 $0x1400;
	s16 =	simm.s32 $0x2800  }
0x4: {  	s17 =	simm.s32 $0x50;
	s18 =	simm.s32 $0x3C00;
	s19 =	simm.s32 $0x78  }
0x5: {  	s20 =	simm.s32 $0x5000;
	s21 =	simm.s32 $0xA0;
	s22 =	simm.s32 $0x6400  }
0x6: {  	s23 =	simm.s32 $0x1;
	s24 =	simm.s32 $0x2;
	s25 =	simm.s32 $0x3  }
0x7: {  	s26 =	simm.s32 $0x4;
	s28 =	simm.s32 $0x5;
	s29 =	simm.s32 $0x0  }
0x8: {  	s8 =	sand.u32 $0x1, s3;
	s4 =	sshll.u32 s11, $0x1;
	s31 =	smul.u32 $0x27100, s11  }
0x9: {  	s3 =	simm.s32 $0x0;
	s4 =	sor.u32 s8, s4;
	s13 =	smul.u32 $0x13880, s8  }
0xa: {  	s10 =	sadd.s32 $0x27C000, s1;
	p0 =	sne.s32 s11, $0x0;
	s5 =	smul.u32 $0x9C400, s4  }
0xb: {  	[smem:$0x7FF] =	sst s3;
	s6 =	ssub.s32 $0x2, s8;
	s4 =	smul.u32 $0x271, s4  }
0xc: {  	_ =	strace $0x8000004A;
	s7 =	sshrl.u32 s6, $0x1;
	s5 =	sshrl.u32 s5, $0x3  }
0xd: {  	s12 =	ssub.s32 s6, s7;
	s1 =	sadd.s32 s4, s1;
	s9 =	sadd.s32 s10, s5  }
0xe: {  	s4 =	sadd.s32 $0x1200, s1;
	s1 =	sadd.s32 s31, s10;
	s10 =	smax.u32 s12, $0x1  }
0xf: {  	s12 =	sshrl.u32 @!p0 s2, $0x3;
	s5 =	sadd.s32 $0x12C00, s9;
	s6 =	sadd.s32 $0x12E80, s9  }
0x10: {  	s7 =	sadd.s32 $0x13100, s9;
	s8 =	sadd.s32 $0x13380, s9;
	s1 =	sadd.s32 s13, s1  }
0x11: {  	s9 =	sadd.s32 $0x13600, s9;
	s13 =	simm.s32 $0x6;
	s11 =	sadd.s32 $0xA00, s1  }
.LBB2_1:
0x12: {  	s1 =	simm.s32 @!p0 $0x1C06;
	s0 =	rddreg [dreg:$0x0]  }
0x13: {  	[spmem:s12], [sflag:s1] =	dma.local @!p0 [hbm:s0], $0x27100  }
0x14: {  	s1 =	simm.s32 @!p0 $0x6  }
0x15: {  	_ =	swait.ge @!p0 [sflag:s1], $0x27100  }
0x16: {  	[sflag:s1] =	ssyncset.done @!p0 $0x0  }
0x17: {  	[sflag:s1] =	ssyncadd.s32 @!p0 $0xFFFD8F00  }
0x18: {  	[tilespmem:s3], [sflag:$0x6] =	stream.linear.gather [hbm4b:s4+s3], $0x1388, $0x38;
	[tilespmem:$0x1B080] =	vst v63  }
0x19: {  	_ =	swait.ge [sflag:s13], $0x1388  }
0x1a: {  	[sflag:s13] =	ssyncset.done $0x0  }
0x1b: {  	[sflag:s13] =	ssyncadd.s32 $0xFFFFEC78  }
0x1c: {  	[bflag:$0x0] =	sbarrier.arrive $0xFFFF  }
0x1d: {  	[tilespmem:s15], [sflag:$0x1] =	stream.indirect.gather [spmem:s2], $0x80, s3, s14, $0xb8;
	[tilespmem:$0x1B080] =	vst v63  }
0x1e: {  	_ = 	snop  }
0x1f: {  	[tilespmem:s16], [sflag:$0x2] =	stream.indirect.gather [spmem:s2], $0x80, s14, s14, $0xb8;
	[tilespmem:$0x1B080] =	vst v63  }
0x20: {  	_ = 	snop  }
0x21: {  	[tilespmem:s18], [sflag:$0x3] =	stream.indirect.gather [spmem:s2], $0x80, s17, s14, $0xb8;
	[tilespmem:$0x1B080] =	vst v63  }
0x22: {  	_ = 	snop  }
0x23: {  	[tilespmem:s20], [sflag:$0x4] =	stream.indirect.gather [spmem:s2], $0x80, s19, s14, $0xb8;
	[tilespmem:$0x1B080] =	vst v63  }
0x24: {  	_ = 	snop  }
0x25: {  	[tilespmem:s22], [sflag:$0x5] =	stream.indirect.gather [spmem:s2], $0x80, s21, s14, $0xb8;
	[tilespmem:$0x1B080] =	vst v63  }
0x26: {  	_ =	swait.ge [sflag:s23], $0x1400  }
0x27: {  	[sflag:s23] =	ssyncset.done $0x0  }
0x28: {  	s0 =	sadd.s32 $0xFFFFF600, s11;
	[sflag:s23] =	ssyncadd.s32 $0xFFFFEC00  }
0x29: {  	[hbm4b:s0+s3] =	stream.linear.scatter [tilespmem:s15], [sflag:$0x6], $0x1400, $0x38;
	[tilespmem:$0x1B080] =	vst v63  }
0x2a: {  	_ =	swait.ge [sflag:s13], $0x1400  }
0x2b: {  	[sflag:s13] =	ssyncset.done $0x0  }
0x2c: {  	s0 =	simm.s32 $0xC8;
	[sflag:s13] =	ssyncadd.s32 $0xFFFFEC00  }
0x2d: {  	[tilespmem:s15], [sflag:$0x1] =	stream.indirect.gather [spmem:s2], $0x80, s0, s14, $0xb8;
	[tilespmem:$0x1B080] =	vst v63  }
0x2e: {  	_ =	swait.ge [sflag:s24], $0x1400  }
0x2f: {  	[sflag:s24] =	ssyncset.done $0x0  }
0x30: {  	s0 =	sadd.s32 $0xFFFFF880, s11;
	[sflag:s24] =	ssyncadd.s32 $0xFFFFEC00  }
0x31: {  	[hbm4b:s0+s3] =	stream.linear.scatter [tilespmem:s16], [sflag:$0x6], $0x1400, $0x38;
	[tilespmem:$0x1B080] =	vst v63  }
0x32: {  	_ =	swait.ge [sflag:s13], $0x1400  }
0x33: {  	[sflag:s13] =	ssyncset.done $0x0  }
0x34: {  	s0 =	simm.s32 $0xF0;
	[sflag:s13] =	ssyncadd.s32 $0xFFFFEC00  }
0x35: {  	[tilespmem:s16], [sflag:$0x2] =	stream.indirect.gather [spmem:s2], $0x80, s0, s14, $0xb8;
	[tilespmem:$0x1B080] =	vst v63  }
0x36: {  	_ =	swait.ge [sflag:s25], $0x1400  }
0x37: {  	[sflag:s25] =	ssyncset.done $0x0  }
0x38: {  	s0 =	sadd.s32 $0xFFFFFB00, s11;
	[sflag:s25] =	ssyncadd.s32 $0xFFFFEC00  }
0x39: {  	[hbm4b:s0+s3] =	stream.linear.scatter [tilespmem:s18], [sflag:$0x6], $0x1400, $0x38;
	[tilespmem:$0x1B080] =	vst v63  }
0x3a: {  	_ =	swait.ge [sflag:s13], $0x1400  }
0x3b: {  	[sflag:s13] =	ssyncset.done $0x0  }
0x3c: {  	s0 =	simm.s32 $0x118;
	[sflag:s13] =	ssyncadd.s32 $0xFFFFEC00  }
0x3d: {  	[tilespmem:s18], [sflag:$0x3] =	stream.indirect.gather [spmem:s2], $0x80, s0, s14, $0xb8;
	[tilespmem:$0x1B080] =	vst v63  }
0x3e: {  	_ =	swait.ge [sflag:s26], $0x1400  }
0x3f: {  	[sflag:s26] =	ssyncset.done $0x0  }
0x40: {  	s0 =	sadd.s32 $0xFFFFFD80, s11;
	[sflag:s26] =	ssyncadd.s32 $0xFFFFEC00  }
0x41: {  	[hbm4b:s0+s3] =	stream.linear.scatter [tilespmem:s20], [sflag:$0x6], $0x1400, $0x38;
	[tilespmem:$0x1B080] =	vst v63  }
0x42: {  	_ =	swait.ge [sflag:s13], $0x1400  }
0x43: {  	[sflag:s13] =	ssyncset.done $0x0  }
0x44: {  	s0 =	simm.s32 $0x140;
	[sflag:s13] =	ssyncadd.s32 $0xFFFFEC00  }
0x45: {  	[tilespmem:s20], [sflag:$0x4] =	stream.indirect.gather [spmem:s2], $0x80, s0, s14, $0xb8;
	[tilespmem:$0x1B080] =	vst v63  }
0x46: {  	_ =	swait.ge [sflag:s28], $0x1400  }
0x47: {  	[sflag:s28] =	ssyncset.done $0x0  }
0x48: {  	[sflag:s28] =	ssyncadd.s32 $0xFFFFEC00  }
0x49: {  	[hbm4b:s11+s3] =	stream.linear.scatter [tilespmem:s22], [sflag:$0x6], $0x1400, $0x38;
	[tilespmem:$0x1B080] =	vst v63  }
0x4a: {  	_ =	swait.ge [sflag:s13], $0x1400  }
0x4b: {  	s30 =	simm.s32 $0x320;
	[sflag:s13] =	ssyncset.done $0x0  }
0x4c: {  	s31 =	sadd.s32 $0xC80, s11;
	s1 =	simm.s32 $0x168;
	[sflag:s13] =	ssyncadd.s32 $0xFFFFEC00  }
.LBB2_2:
0x4d: {  	[tilespmem:s22], [sflag:$0x5] =	stream.indirect.gather [spmem:s2], $0x80, s1, s14, $0xb8;
	[tilespmem:$0x1B080] =	vst v63  }
0x4e: {  	s1 =	smov.u32 s30  }
0x4f: {  	p1 =	sne.s32 s30, $0x47E0;
	s30 =	sadd.s32 $0x320, s30;
	_ =	swait.ge [sflag:s23], $0x1400  }
0x50: {  	[sflag:s23] =	ssyncset.done $0x0  }
0x51: {  	s0 =	sadd.s32 $0xFFFFF600, s31;
	[sflag:s23] =	ssyncadd.s32 $0xFFFFEC00  }
0x52: {  	[hbm4b:s0+s3] =	stream.linear.scatter [tilespmem:s15], [sflag:$0x6], $0x1400, $0x38;
	[tilespmem:$0x1B080] =	vst v63  }
0x53: {  	_ =	swait.ge [sflag:s13], $0x1400  }
0x54: {  	s1 =	sshra.s32 s1, $0x2;
	[sflag:s13] =	ssyncset.done $0x0  }
0x55: {  	s0 =	sadd.s32 $0xC8, s1;
	[sflag:s13] =	ssyncadd.s32 $0xFFFFEC00  }
0x56: {  	[tilespmem:s15], [sflag:$0x1] =	stream.indirect.gather [spmem:s2], $0x80, s0, s14, $0xb8;
	[tilespmem:$0x1B080] =	vst v63  }
0x57: {  	_ =	swait.ge [sflag:s24], $0x1400  }
0x58: {  	[sflag:s24] =	ssyncset.done $0x0  }
0x59: {  	s0 =	sadd.s32 $0xFFFFF880, s31;
	[sflag:s24] =	ssyncadd.s32 $0xFFFFEC00  }
0x5a: {  	[hbm4b:s0+s3] =	stream.linear.scatter [tilespmem:s16], [sflag:$0x6], $0x1400, $0x38;
	[tilespmem:$0x1B080] =	vst v63  }
0x5b: {  	_ =	swait.ge [sflag:s13], $0x1400  }
0x5c: {  	[sflag:s13] =	ssyncset.done $0x0  }
0x5d: {  	s0 =	sadd.s32 $0xF0, s1;
	[sflag:s13] =	ssyncadd.s32 $0xFFFFEC00  }
0x5e: {  	[tilespmem:s16], [sflag:$0x2] =	stream.indirect.gather [spmem:s2], $0x80, s0, s14, $0xb8;
	[tilespmem:$0x1B080] =	vst v63  }
0x5f: {  	_ =	swait.ge [sflag:s25], $0x1400  }
0x60: {  	[sflag:s25] =	ssyncset.done $0x0  }
0x61: {  	s0 =	sadd.s32 $0xFFFFFB00, s31;
	[sflag:s25] =	ssyncadd.s32 $0xFFFFEC00  }
0x62: {  	[hbm4b:s0+s3] =	stream.linear.scatter [tilespmem:s18], [sflag:$0x6], $0x1400, $0x38;
	[tilespmem:$0x1B080] =	vst v63  }
0x63: {  	_ =	swait.ge [sflag:s13], $0x1400  }
0x64: {  	[sflag:s13] =	ssyncset.done $0x0  }
0x65: {  	s0 =	sadd.s32 $0x118, s1;
	[sflag:s13] =	ssyncadd.s32 $0xFFFFEC00  }
0x66: {  	[tilespmem:s18], [sflag:$0x3] =	stream.indirect.gather [spmem:s2], $0x80, s0, s14, $0xb8;
	[tilespmem:$0x1B080] =	vst v63  }
0x67: {  	_ =	swait.ge [sflag:s26], $0x1400  }
0x68: {  	[sflag:s26] =	ssyncset.done $0x0  }
0x69: {  	s0 =	sadd.s32 $0xFFFFFD80, s31;
	[sflag:s26] =	ssyncadd.s32 $0xFFFFEC00  }
0x6a: {  	[hbm4b:s0+s3] =	stream.linear.scatter [tilespmem:s20], [sflag:$0x6], $0x1400, $0x38;
	[tilespmem:$0x1B080] =	vst v63  }
0x6b: {  	_ =	swait.ge [sflag:s13], $0x1400  }
0x6c: {  	[sflag:s13] =	ssyncset.done $0x0  }
0x6d: {  	s0 =	sadd.s32 $0x140, s1;
	[sflag:s13] =	ssyncadd.s32 $0xFFFFEC00  }
0x6e: {  	[tilespmem:s20], [sflag:$0x4] =	stream.indirect.gather [spmem:s2], $0x80, s0, s14, $0xb8;
	[tilespmem:$0x1B080] =	vst v63  }
0x6f: {  	_ =	swait.ge [sflag:s28], $0x1400  }
0x70: {  	[sflag:s28] =	ssyncset.done $0x0  }
.Ltmp0:
0x71: {  	[sflag:s28] =	ssyncadd.s32 $0xFFFFEC00;
	(pc) =	sbr.rel @p1 .LBB2_2-.Ltmp0, $4  }
0x72: {  	[hbm4b:s31+s3] =	stream.linear.scatter [tilespmem:s22], [sflag:$0x6], $0x1400, $0x38;
	[tilespmem:$0x1B080] =	vst v63  }
0x73: {  	_ =	swait.ge [sflag:s13], $0x1400  }
0x74: {  	[sflag:s13] =	ssyncset.done $0x0  }
0x75: {  	s1 =	sadd.s32 $0x168, s1;
	s31 =	sadd.s32 $0xC80, s31;
	[sflag:s13] =	ssyncadd.s32 $0xFFFFEC00  }
0x76: {  	[tilespmem:s22], [sflag:$0x5] =	stream.indirect.gather [spmem:s2], $0x80, s1, s14, $0xb8;
	[tilespmem:$0x1B080] =	vst v63  }
0x77: {  	_ =	swait.ge [sflag:s23], $0x1400  }
0x78: {  	[sflag:s23] =	ssyncset.done $0x0  }
0x79: {  	[sflag:s23] =	ssyncadd.s32 $0xFFFFEC00  }
0x7a: {  	[hbm4b:s5+s3] =	stream.linear.scatter [tilespmem:s15], [sflag:$0x6], $0x1400, $0x38;
	[tilespmem:$0x1B080] =	vst v63  }
0x7b: {  	_ =	swait.ge [sflag:s13], $0x1400  }
0x7c: {  	[sflag:s13] =	ssyncset.done $0x0  }
0x7d: {  	[sflag:s13] =	ssyncadd.s32 $0xFFFFEC00  }
0x7e: {  	_ =	swait.ge [sflag:s24], $0x1400  }
0x7f: {  	[sflag:s24] =	ssyncset.done $0x0  }
0x80: {  	[sflag:s24] =	ssyncadd.s32 $0xFFFFEC00  }
0x81: {  	[hbm4b:s6+s3] =	stream.linear.scatter [tilespmem:s16], [sflag:$0x6], $0x1400, $0x38;
	[tilespmem:$0x1B080] =	vst v63  }
0x82: {  	_ =	swait.ge [sflag:s13], $0x1400  }
0x83: {  	[sflag:s13] =	ssyncset.done $0x0  }
0x84: {  	[sflag:s13] =	ssyncadd.s32 $0xFFFFEC00  }
0x85: {  	_ =	swait.ge [sflag:s25], $0x1400  }
0x86: {  	[sflag:s25] =	ssyncset.done $0x0  }
0x87: {  	[sflag:s25] =	ssyncadd.s32 $0xFFFFEC00  }
0x88: {  	[hbm4b:s7+s3] =	stream.linear.scatter [tilespmem:s18], [sflag:$0x6], $0x1400, $0x38;
	[tilespmem:$0x1B080] =	vst v63  }
0x89: {  	_ =	swait.ge [sflag:s13], $0x1400  }
0x8a: {  	[sflag:s13] =	ssyncset.done $0x0  }
0x8b: {  	[sflag:s13] =	ssyncadd.s32 $0xFFFFEC00  }
0x8c: {  	_ =	swait.ge [sflag:s26], $0x1400  }
0x8d: {  	[sflag:s26] =	ssyncset.done $0x0  }
0x8e: {  	[sflag:s26] =	ssyncadd.s32 $0xFFFFEC00  }
0x8f: {  	[hbm4b:s8+s3] =	stream.linear.scatter [tilespmem:s20], [sflag:$0x6], $0x1400, $0x38;
	[tilespmem:$0x1B080] =	vst v63  }
0x90: {  	_ =	swait.ge [sflag:s13], $0x1400  }
0x91: {  	[sflag:s13] =	ssyncset.done $0x0  }
0x92: {  	[sflag:s13] =	ssyncadd.s32 $0xFFFFEC00  }
0x93: {  	s29 =	sadd.s32 $0x1, s29;
	_ =	swait.ge [sflag:s28], $0x1400  }
0x94: {  	p1 =	sne.s32 s29, s10;
	[sflag:s28] =	ssyncset.done $0x0  }
.Ltmp1:
0x95: {  	[sflag:s28] =	ssyncadd.s32 $0xFFFFEC00;
	(pc) =	sbr.rel @p1 .LBB2_1-.Ltmp1, $4  }
0x96: {  	[hbm4b:s9+s3] =	stream.linear.scatter [tilespmem:s22], [sflag:$0x6], $0x1400, $0x38;
	[tilespmem:$0x1B080] =	vst v63  }
0x97: {  	_ =	swait.ge [sflag:s13], $0x1400  }
0x98: {  	[sflag:s13] =	ssyncset.done $0x0  }
0x99: {  	[sflag:s13] =	ssyncadd.s32 $0xFFFFEC00  }
0x9a: {  	_ =	sfence.sel $0x180000  }
0x9b: {  	[bflag:$0x0] =	sbarrier.arrive $0xFFFF  }
0x9c: {  	_ =	strace $0x9000004A  }
0x9d: {  	[bflag:$0x2] =	sbarrier.arrive $0xFFFF  }
0x9e: {  	s0 =	rddreg [dreg:$0x3]  }
0x9f: {  	s0 =	sadd.s32 @!p0 $0x100000, s0  }
0xa0: {  	[sflag:s0] =	ssyncadd.tile.s32 @!p0 $0x1;
	_ =	shalt  }
.Lfunc_end2:
_tile_overlayer_lowered:
.L_overlay_start_2:
0xa1: {  	(tag) =	ssettag $0x2  }
0xa2: {  	s0 =	rddreg [dreg:$0x0];
	s2 =	stileid.u32  }
0xa3: {  	s1 =	rddreg [dreg:$0x1];
	p0 =	sne.s32 s2, $0x0  }
0xa4: {  	s3 =	rddreg [dreg:$0x2];
	[bflag:$0x3] =	sbarrier.arrive $0xFFFF;
	s2 =	simm.s32 @!p0 $0x1C06  }
0xa5: {  	[timem:s3], [sflag:s2] =	dma.local @!p0 [hbm:s0], s1  }
0xa6: {  	s0 =	simm.s32 @!p0 $0x6  }
0xa7: {  	_ =	swait.ge @!p0 [sflag:s0], s1  }
0xa8: {  	s1 =	ssub.s32 @!p0 $0x0, s1;
	[sflag:s0] =	ssyncset.done @!p0 $0x0  }
0xa9: {  	[sflag:s0] =	ssyncadd.s32 @!p0 s1  }
0xaa: {  	[bflag:$0x3] =	sbarrier.arrive $0xFFFF  }
0xab: {  	_ =	shalt  }

</sc_bundles>
